<compile_context>
chip_gen: v7x
topology: tpu7x:2x2x1
jax: 0.10.2.dev20260603
libtpu: 0.0.44.dev20260713+nightly
codegen_flags: <defaults>
</compile_context>

<pallas_src>
import functools

import jax
import jax.numpy as jnp
from jax import lax
from jax.experimental import pallas as pl
from jax.experimental.pallas import tpu as pltpu
from jax.experimental.pallas import tpu_sc as plsc

B = 4
S = 2048
H = 128
TAB = 500000
NSLOT = 6

_CMOD = (1, 256, 65536, 277216, 467296, 127776, 210656, 427936)
_WRAP = 448384

_NC = 2
_NS = 16
_NW = _NC * _NS

_CHUNK = 128
_CPB = S // _CHUNK
_TPW = (B * _CPB) // _NW
_NTASK = NSLOT * _TPW
_NBUF = 6


def _sc_gather_body(x_hbm, t3, t4, t5, t6, t7, t8, out_hbm,
                    xv, idxv, rowsv0, rowsv1, rowsv2, rowsv3, rowsv4, rowsv5,
                    gsem0, gsem1, gsem2, gsem3, gsem4, gsem5,
                    wsem0, wsem1, wsem2, wsem3, wsem4, wsem5):
    wid = lax.axis_index("s") * _NC + lax.axis_index("c")
    pltpu.sync_copy(x_hbm, xv.at[pl.ds(0, B * S)])
    xv[pl.ds(B * S, 16)] = jnp.zeros((16,), jnp.int32)

    tables = (t3, t4, t5, t6, t7, t8)
    c500k = jnp.full((16,), 500000, jnp.int32)
    zeros16 = jnp.zeros((16,), jnp.int32)
    wrap16 = jnp.full((16,), _WRAP, jnp.int32)
    inv500k = jnp.full((16,), 1.0 / 500000.0, jnp.float32)

    def mod500k(v):
        v = jnp.maximum(v, zeros16)
        q = (v.astype(jnp.float32) * inv500k).astype(jnp.int32)
        r = v - q * 500000
        r = jnp.where(r < 0, r + c500k, r)
        r = jnp.where(r >= 500000, r - c500k, r)
        return r

    rowsv = (rowsv0, rowsv1, rowsv2, rowsv3, rowsv4, rowsv5)
    gsem = (gsem0, gsem1, gsem2, gsem3, gsem4, gsem5)
    wsem = (wsem0, wsem1, wsem2, wsem3, wsem4, wsem5)

    def compute_idx_all(c, base):
        for g in range(_CHUNK // 16):
            off = base + g * 16
            acc = xv[pl.ds(off, 16)]
            for ii in (1, 2):
                acc = acc + xv[pl.ds(off + ii, 16)] * _CMOD[ii]
            for slot in range(6):
                n = slot + 3
                if n > 3:
                    acc = acc + xv[pl.ds(off + n - 1, 16)] * _CMOD[n - 1]
                h = acc
                if n == 8:
                    x7 = xv[pl.ds(off + 7, 16)]
                    h = h + jnp.where(x7 >= 128, wrap16, zeros16)
                idxv[c * NSLOT + slot, pl.ds(g * 16, 16)] = mod500k(h)

    tasks = [(c, slot) for c in range(_TPW) for slot in range(NSLOT)]
    pend_g = [None] * _NTASK
    pend_w = [None] * _NBUF
    out_base_of = [None] * _NTASK
    for i, (c, slot) in enumerate(tasks):
        p = i % _NBUF
        if pend_w[p] is not None:
            pend_w[p].wait()
            pend_w[p] = None
        chunk = wid * _TPW + c
        b = chunk // _CPB
        t0 = (chunk - b * _CPB) * _CHUNK
        if slot == 0:
            compute_idx_all(c, b * S + t0)
        out_base_of[i] = (slot * B + b) * S + t0
        pend_g[i] = pltpu.async_copy(
            tables[slot].at[idxv.at[jnp.int32(c * NSLOT + slot)]], rowsv[p],
            gsem[p])
        m = i - (_NBUF - 1)
        if m >= 0:
            q = m % _NBUF
            pend_g[m].wait()
            pend_w[q] = pltpu.async_copy(
                rowsv[q], out_hbm.at[pl.ds(out_base_of[m], _CHUNK)], wsem[q])
    for m in range(max(0, _NTASK - _NBUF + 1), _NTASK):
        q = m % _NBUF
        pend_g[m].wait()
        pend_w[q] = pltpu.async_copy(
            rowsv[q], out_hbm.at[pl.ds(out_base_of[m], _CHUNK)], wsem[q])
    for q in range(_NBUF):
        if pend_w[q] is not None:
            pend_w[q].wait()


@functools.cache
def _build_sc_gather():
    mesh = plsc.VectorSubcoreMesh(core_axis_name="c", subcore_axis_name="s")
    return pl.kernel(
        _sc_gather_body,
        out_type=jax.ShapeDtypeStruct((NSLOT * B * S, H), jnp.float32),
        mesh=mesh,
        scratch_types=(
            [pltpu.VMEM((B * S + 16,), jnp.int32),
             pltpu.VMEM((_NTASK, _CHUNK), jnp.int32)]
            + [pltpu.VMEM((_CHUNK, H), jnp.float32) for _ in range(_NBUF)]
            + [pltpu.SemaphoreType.DMA for _ in range(2 * _NBUF)]
        ),
    )


_TBLK = 2048


def _tc_body(f_ref, x_ref, bt_ref, w_ref, b_ref, o_ref):
    tb = pl.program_id(1)
    xb = x_ref[0, 0]
    onehot = (jnp.reshape(xb, (_TBLK, 1))
              == lax.broadcasted_iota(jnp.int32, (_TBLK, 256), 1)
              ).astype(jnp.float32)
    acc = lax.dot_general(
        onehot, bt_ref[...], (((1,), (0,)), ((), ())),
        preferred_element_type=jnp.float32) + b_ref[0][None, :]
    row = lax.broadcasted_iota(jnp.int32, (_TBLK, H), 0) + tb * _TBLK
    for k in range(6):
        n = k + 3
        f = f_ref[k, 0]
        f = jnp.where(row <= S - n, f, 0.0)
        wk = w_ref[:, k * H:(k + 1) * H]
        acc = acc + lax.dot_general(
            f, wk, (((1,), (1,)), ((), ())),
            preferred_element_type=jnp.float32)
    o_ref[0] = acc


_tc_project = pl.pallas_call(
    _tc_body,
    grid=(B, S // _TBLK),
    in_specs=[
        pl.BlockSpec((NSLOT, 1, _TBLK, H),
                     lambda b, t: (jnp.int32(0), b, t, jnp.int32(0))),
        pl.BlockSpec((1, 1, _TBLK),
                     lambda b, t: (b, jnp.int32(0), t)),
        pl.BlockSpec((256, H), lambda b, t: (jnp.int32(0), jnp.int32(0))),
        pl.BlockSpec((H, 6 * H), lambda b, t: (jnp.int32(0), jnp.int32(0))),
        pl.BlockSpec((1, H), lambda b, t: (jnp.int32(0), jnp.int32(0))),
    ],
    out_specs=pl.BlockSpec((1, _TBLK, H), lambda b, t: (b, t, jnp.int32(0))),
    out_shape=jax.ShapeDtypeStruct((B, S, H), jnp.float32),
)


def kernel(x, byte_table, ngram_3, ngram_4, ngram_5, ngram_6, ngram_7,
           ngram_8, W, b):
    x32 = x.astype(jnp.int32)
    feats = _build_sc_gather()(x32.reshape(B * S), ngram_3, ngram_4, ngram_5,
                               ngram_6, ngram_7, ngram_8)
    feats = feats.reshape(NSLOT, B, S, H)
    return _tc_project(feats, x32.reshape(B, 1, S), byte_table, W,
                       b.reshape(1, H))

# --- scband reference (transcript-rebuilt; emitter-appended) ---
"""Pipeline reference for scband-local-encoder-with-ngrams-84293028151602 (READ-ONLY COPY).

The authoritative reference and input builder live on the scoring server;
editing this copy changes nothing except your own understanding.
"""

import jax, jax.numpy as jnp
import numpy as np
jax.config.update("jax_enable_x64", True)

B = 4
S = 2048
H = 128
TAB = 500000

def setup_inputs(seed: int = 0) -> dict:
    key = jax.random.key(seed)
    ks = jax.random.split(key, 10)
    x = jax.random.randint(ks[0], (B, S), 0, 256, dtype=jnp.int64)
    inp = {"x": x}
    inp["byte_table"] = (jax.random.normal(ks[1], (256, H), dtype=jnp.float32) * 0.02)
    for i, n in enumerate(range(3, 9)):
        inp[f"ngram_{n}"] = (jax.random.normal(ks[2 + i], (TAB, H), dtype=jnp.float32) * 0.02)
    inp["W"] = (jax.random.normal(ks[8], (H, 6 * H), dtype=jnp.float32) * 0.02)
    inp["b"] = jnp.zeros((H,), dtype=jnp.float32)
    return inp

def reference(x, byte_table, ngram_3, ngram_4, ngram_5, ngram_6, ngram_7, ngram_8, W, b):
    tables = [ngram_3, ngram_4, ngram_5, ngram_6, ngram_7, ngram_8]
    byte_emb = jnp.take(byte_table, x, axis=0)
    Bx, Sx = x.shape
    feats = []
    for n, tab in zip(range(3, 9), tables):
        # unfold: sliding windows of length n along seq dim
        idx = jnp.arange(Sx - n + 1)[:, None] + jnp.arange(n)[None, :]
        ngrams = x[:, idx]  # [B, S-n+1, n], int64
        mult = jnp.array([256 ** i for i in range(n)], dtype=jnp.int64)
        hashed = jnp.mod((ngrams * mult).sum(-1), 500000)  # wraps like torch int64; mod is nonnegative
        emb = jnp.take(tab, hashed, axis=0)  # [B, S-n+1, H]
        emb = jnp.pad(emb, ((0, 0), (0, n - 1), (0, 0)))
        feats.append(emb)
    concat = jnp.concatenate(feats, axis=-1)  # [B, S, 6H]
    projected = concat @ W.T + b
    return byte_emb + projected

if __name__ == "__main__":
    import jax
    _d = setup_inputs()
    print(jax.jit(kernel)(*tuple(_d.values())))

</pallas_src>

<mosaic_0001>
#map = affine_map<(d0, d1) -> (0)>
#map1 = affine_map<(d0, d1) -> (0, 0)>
module attributes {stable_mosaic.version = 14 : i64} {
  func.func @_sc_gather_body(%arg0: i32, %arg1: i32, %arg2: memref<8192xi32, #tpu.memory_space<hbm>>, %arg3: memref<500000x128xf32, #tpu.memory_space<hbm>>, %arg4: memref<500000x128xf32, #tpu.memory_space<hbm>>, %arg5: memref<500000x128xf32, #tpu.memory_space<hbm>>, %arg6: memref<500000x128xf32, #tpu.memory_space<hbm>>, %arg7: memref<500000x128xf32, #tpu.memory_space<hbm>>, %arg8: memref<500000x128xf32, #tpu.memory_space<hbm>>, %arg9: memref<49152x128xf32, #tpu.memory_space<hbm>>, %arg10: memref<8208xi32, #tpu.memory_space<vmem>>, %arg11: memref<12x128xi32, #tpu.memory_space<vmem>>, %arg12: memref<128x128xf32, #tpu.memory_space<vmem>>, %arg13: memref<128x128xf32, #tpu.memory_space<vmem>>, %arg14: memref<128x128xf32, #tpu.memory_space<vmem>>, %arg15: memref<128x128xf32, #tpu.memory_space<vmem>>, %arg16: memref<128x128xf32, #tpu.memory_space<vmem>>, %arg17: memref<128x128xf32, #tpu.memory_space<vmem>>, %arg18: memref<!tpu.dma_semaphore, #tpu.memory_space<semaphore_mem>>, %arg19: memref<!tpu.dma_semaphore, #tpu.memory_space<semaphore_mem>>, %arg20: memref<!tpu.dma_semaphore, #tpu.memory_space<semaphore_mem>>, %arg21: memref<!tpu.dma_semaphore, #tpu.memory_space<semaphore_mem>>, %arg22: memref<!tpu.dma_semaphore, #tpu.memory_space<semaphore_mem>>, %arg23: memref<!tpu.dma_semaphore, #tpu.memory_space<semaphore_mem>>, %arg24: memref<!tpu.dma_semaphore, #tpu.memory_space<semaphore_mem>>, %arg25: memref<!tpu.dma_semaphore, #tpu.memory_space<semaphore_mem>>, %arg26: memref<!tpu.dma_semaphore, #tpu.memory_space<semaphore_mem>>, %arg27: memref<!tpu.dma_semaphore, #tpu.memory_space<semaphore_mem>>, %arg28: memref<!tpu.dma_semaphore, #tpu.memory_space<semaphore_mem>>, %arg29: memref<!tpu.dma_semaphore, #tpu.memory_space<semaphore_mem>>) attributes {dimension_semantics = [#tpu.dimension_semantics<core_parallel>, #tpu.dimension_semantics<subcore_parallel>], iteration_bounds = array<i64: 2, 16>, scalar_prefetch = 0 : i64, scratch_operands = 20 : i64, tpu.core_type = #tpu.core_type<sc_vector_subcore>, window_params = [{transform_indices = #map}, {transform_indices = #map1}, {transform_indices = #map1}, {transform_indices = #map1}, {transform_indices = #map1}, {transform_indices = #map1}, {transform_indices = #map1}, {transform_indices = #map1}]} {
    %mul3A = arith.constant 2 : i32
    %mul3A_0 = arith.muli %arg1, %mul3A : i32
    %add3A = arith.addi %mul3A_0, %arg0 : i32
    "tpu.region"() ({
      %run_scoped3A = tpu.sem_alloc : memref<!tpu.dma_semaphore, #tpu.memory_space<semaphore_mem>>
      %dma_start3A_4448 = arith.constant 0 : i32
      %dma_start3A_4449 = tpu.memref_slice %arg10[%dma_start3A_4448] : memref<8208xi32, #tpu.memory_space<vmem>> -> memref<8192xi32, #tpu.memory_space<vmem>>
      %dma_start3A_4450 = arith.constant 0 : i32
      %dma_start3A_4451 = tpu.memref_slice %arg10[%dma_start3A_4450] : memref<8208xi32, #tpu.memory_space<vmem>> -> memref<8192xi32, #tpu.memory_space<vmem>>
      tpu.enqueue_dma source(%arg2 : memref<8192xi32, #tpu.memory_space<hbm>>) target(%dma_start3A_4451 : memref<8192xi32, #tpu.memory_space<vmem>>) target_semaphore(%run_scoped3A : memref<!tpu.dma_semaphore, #tpu.memory_space<semaphore_mem>>)
      %dma_wait3A_4452 = arith.constant 0 : i32
      %dma_wait3A_4453 = tpu.memref_slice %arg10[%dma_wait3A_4452] : memref<8208xi32, #tpu.memory_space<vmem>> -> memref<8192xi32, #tpu.memory_space<vmem>>
      %dma_wait3A_4454 = arith.constant 0 : i32
      %dma_wait3A_4455 = tpu.memref_slice %arg10[%dma_wait3A_4454] : memref<8208xi32, #tpu.memory_space<vmem>> -> memref<8192xi32, #tpu.memory_space<vmem>>
      tpu.wait_dma2 semaphore(%run_scoped3A : memref<!tpu.dma_semaphore, #tpu.memory_space<semaphore_mem>>) src(%arg2 : memref<8192xi32, #tpu.memory_space<hbm>>) dst(%dma_wait3A_4455 : memref<8192xi32, #tpu.memory_space<vmem>>)
      tpu.yield
    }) : () -> ()
    %broadcast_in_dim3A = arith.constant 0 : i32
    %broadcast_in_dim3A_1 = vector.broadcast %broadcast_in_dim3A : i32 to vector<16xi32>
    %swap3A = arith.constant 8192 : index
    %swap3A_2 = tpu.vector_load %arg10[%swap3A] {strides = array<i32>} : memref<8208xi32, #tpu.memory_space<vmem>>, vector<16xi32>,
    %swap3A_3 = vector.shape_cast %swap3A_2 : vector<16xi32> to vector<16xi32>
    %swap3A_4 = vector.shape_cast %broadcast_in_dim3A_1 : vector<16xi32> to vector<16xi32>
    tpu.vector_store %arg10[%swap3A], %swap3A_4 {strides = array<i32>} : memref<8208xi32, #tpu.memory_space<vmem>>, vector<16xi32>,
    %broadcast_in_dim3A_5 = arith.constant 500000 : i32
    %broadcast_in_dim3A_6 = vector.broadcast %broadcast_in_dim3A_5 : i32 to vector<16xi32>
    %broadcast_in_dim3A_7 = arith.constant 0 : i32
    %broadcast_in_dim3A_8 = vector.broadcast %broadcast_in_dim3A_7 : i32 to vector<16xi32>
    %broadcast_in_dim3A_9 = arith.constant 448384 : i32
    %broadcast_in_dim3A_10 = vector.broadcast %broadcast_in_dim3A_9 : i32 to vector<16xi32>
    %broadcast_in_dim3A_11 = arith.constant 2.000000e-06 : f32
    %broadcast_in_dim3A_12 = vector.broadcast %broadcast_in_dim3A_11 : f32 to vector<16xf32>
    %mul3A_13 = arith.constant 2 : i32
    %mul3A_14 = arith.muli %add3A, %mul3A_13 : i32
    %add3A_15 = arith.constant 0 : i32
    %add3A_16 = arith.addi %mul3A_14, %add3A_15 : i32
    %jit3A = arith.constant 16 : i64
    %convert_element_type3A = arith.trunci %jit3A : i64 to i32
    %div3A = arith.divsi %add3A_16, %convert_element_type3A : i32
    %sign3A = arith.constant 0 : i32
    %sign3A_17 = arith.cmpi sgt, %add3A_16, %sign3A : i32
    %sign3A_18 = arith.extui %sign3A_17 : i1 to i32
    %sign3A_19 = arith.constant 0 : i32
    %sign3A_20 = arith.cmpi slt, %add3A_16, %sign3A_19 : i32
    %sign3A_21 = arith.extui %sign3A_20 : i1 to i32
    %sign3A_22 = arith.subi %sign3A_18, %sign3A_21 : i32
    %sign3A_23 = arith.constant 0 : i32
    %sign3A_24 = arith.cmpi sgt, %convert_element_type3A, %sign3A_23 : i32
    %sign3A_25 = arith.extui %sign3A_24 : i1 to i32
    %sign3A_26 = arith.constant 0 : i32
    %sign3A_27 = arith.cmpi slt, %convert_element_type3A, %sign3A_26 : i32
    %sign3A_28 = arith.extui %sign3A_27 : i1 to i32
    %sign3A_29 = arith.subi %sign3A_25, %sign3A_28 : i32
    %ne3A = arith.cmpi ne, %sign3A_22, %sign3A_29 : i32
    %rem3A = arith.remsi %add3A_16, %convert_element_type3A : i32
    %ne3A_30 = arith.constant 0 : i32
    %ne3A_31 = arith.cmpi ne, %rem3A, %ne3A_30 : i32
    %and3A = arith.andi %ne3A, %ne3A_31 : i1
    %sub3A = arith.constant 1 : i32
    %sub3A_32 = arith.subi %div3A, %sub3A : i32
    %select_n3A = arith.select %and3A, %sub3A_32, %div3A : i32
    %mul3A_33 = arith.constant 16 : i32
    %mul3A_34 = arith.muli %select_n3A, %mul3A_33 : i32
    %sub3A_35 = arith.subi %add3A_16, %mul3A_34 : i32
    %mul3A_36 = arith.constant 128 : i32
    %mul3A_37 = arith.muli %sub3A_35, %mul3A_36 : i32
    %mul3A_38 = arith.constant 2048 : i32
    %mul3A_39 = arith.muli %select_n3A, %mul3A_38 : i32
    %add3A_40 = arith.addi %mul3A_39, %mul3A_37 : i32
    %add3A_41 = arith.constant 0 : i32
    %add3A_42 = arith.addi %add3A_40, %add3A_41 : i32
    %get3A = arith.index_cast %add3A_42 : i32 to index
    %get3A_43 = tpu.vector_load %arg10[%get3A] {strides = array<i32>} : memref<8208xi32, #tpu.memory_space<vmem>>, vector<16xi32>,
    %get3A_44 = vector.shape_cast %get3A_43 : vector<16xi32> to vector<16xi32>
    %add3A_45 = arith.constant 1 : i32
    %add3A_46 = arith.addi %add3A_42, %add3A_45 : i32
    %get3A_47 = arith.index_cast %add3A_46 : i32 to index
    %get3A_48 = tpu.vector_load %arg10[%get3A_47] {strides = array<i32>} : memref<8208xi32, #tpu.memory_space<vmem>>, vector<16xi32>,
    %get3A_49 = vector.shape_cast %get3A_48 : vector<16xi32> to vector<16xi32>
    %mul3A_50 = arith.constant 256 : i32
    %mul3A_51 = vector.broadcast %mul3A_50 : i32 to vector<16xi32>
    %mul3A_52 = arith.muli %get3A_49, %mul3A_51 : vector<16xi32>
    %add3A_53 = arith.addi %get3A_44, %mul3A_52 : vector<16xi32>
    %add3A_54 = arith.constant 2 : i32
    %add3A_55 = arith.addi %add3A_42, %add3A_54 : i32
    %get3A_56 = arith.index_cast %add3A_55 : i32 to index
    %get3A_57 = tpu.vector_load %arg10[%get3A_56] {strides = array<i32>} : memref<8208xi32, #tpu.memory_space<vmem>>, vector<16xi32>,
    %get3A_58 = vector.shape_cast %get3A_57 : vector<16xi32> to vector<16xi32>
    %mul3A_59 = arith.constant 65536 : i32
    %mul3A_60 = vector.broadcast %mul3A_59 : i32 to vector<16xi32>
    %mul3A_61 = arith.muli %get3A_58, %mul3A_60 : vector<16xi32>
    %add3A_62 = arith.addi %add3A_53, %mul3A_61 : vector<16xi32>
    %max3A = arith.maxsi %add3A_62, %broadcast_in_dim3A_8 : vector<16xi32>
    %convert_element_type3A_63 = arith.sitofp %max3A : vector<16xi32> to vector<16xf32>
    %mul3A_64 = arith.mulf %convert_element_type3A_63, %broadcast_in_dim3A_12 : vector<16xf32>
    %convert_element_type3A_65 = arith.fptosi %mul3A_64 : vector<16xf32> to vector<16xi32>
    %mul3A_66 = arith.constant 500000 : i32
    %mul3A_67 = vector.broadcast %mul3A_66 : i32 to vector<16xi32>
    %mul3A_68 = arith.muli %convert_element_type3A_65, %mul3A_67 : vector<16xi32>
    %sub3A_69 = arith.subi %max3A, %mul3A_68 : vector<16xi32>
    %lt3A = arith.constant 0 : i32
    %lt3A_70 = vector.broadcast %lt3A : i32 to vector<16xi32>
    %lt3A_71 = arith.cmpi slt, %sub3A_69, %lt3A_70 : vector<16xi32>
    %add3A_72 = arith.addi %sub3A_69, %broadcast_in_dim3A_6 : vector<16xi32>
    %select_n3A_73 = arith.select %lt3A_71, %add3A_72, %sub3A_69 : vector<16xi1>, vector<16xi32>
    %ge3A = arith.constant 500000 : i32
    %ge3A_74 = vector.broadcast %ge3A : i32 to vector<16xi32>
    %ge3A_75 = arith.cmpi sge, %select_n3A_73, %ge3A_74 : vector<16xi32>
    %sub3A_76 = arith.subi %select_n3A_73, %broadcast_in_dim3A_6 : vector<16xi32>
    %select_n3A_77 = arith.select %ge3A_75, %sub3A_76, %select_n3A_73 : vector<16xi1>, vector<16xi32>
    %swap3A_78 = arith.constant 0 : i64
    %swap3A_79 = arith.index_cast %swap3A_78 : i64 to index
    %swap3A_80 = arith.constant 0 : index
    %swap3A_81 = tpu.vector_load %arg11[%swap3A_79, %swap3A_80] {strides = array<i32>} : memref<12x128xi32, #tpu.memory_space<vmem>>, vector<1x16xi32>,
    %swap3A_82 = vector.shape_cast %swap3A_81 : vector<1x16xi32> to vector<16xi32>
    %swap3A_83 = vector.shape_cast %select_n3A_77 : vector<16xi32> to vector<1x16xi32>
    tpu.vector_store %arg11[%swap3A_79, %swap3A_80], %swap3A_83 {strides = array<i32>} : memref<12x128xi32, #tpu.memory_space<vmem>>, vector<1x16xi32>,
    %add3A_84 = arith.constant 4 : i32
    %add3A_85 = arith.addi %add3A_42, %add3A_84 : i32
    %sub3A_86 = arith.constant 1 : i32
    %sub3A_87 = arith.subi %add3A_85, %sub3A_86 : i32
    %get3A_88 = arith.index_cast %sub3A_87 : i32 to index
    %get3A_89 = tpu.vector_load %arg10[%get3A_88] {strides = array<i32>} : memref<8208xi32, #tpu.memory_space<vmem>>, vector<16xi32>,
    %get3A_90 = vector.shape_cast %get3A_89 : vector<16xi32> to vector<16xi32>
    %mul3A_91 = arith.constant 277216 : i32
    %mul3A_92 = vector.broadcast %mul3A_91 : i32 to vector<16xi32>
    %mul3A_93 = arith.muli %get3A_90, %mul3A_92 : vector<16xi32>
    %add3A_94 = arith.addi %add3A_62, %mul3A_93 : vector<16xi32>
    %max3A_95 = arith.maxsi %add3A_94, %broadcast_in_dim3A_8 : vector<16xi32>
    %convert_element_type3A_96 = arith.sitofp %max3A_95 : vector<16xi32> to vector<16xf32>
    %mul3A_97 = arith.mulf %convert_element_type3A_96, %broadcast_in_dim3A_12 : vector<16xf32>
    %convert_element_type3A_98 = arith.fptosi %mul3A_97 : vector<16xf32> to vector<16xi32>
    %mul3A_99 = arith.constant 500000 : i32
    %mul3A_100 = vector.broadcast %mul3A_99 : i32 to vector<16xi32>
    %mul3A_101 = arith.muli %convert_element_type3A_98, %mul3A_100 : vector<16xi32>
    %sub3A_102 = arith.subi %max3A_95, %mul3A_101 : vector<16xi32>
    %lt3A_103 = arith.constant 0 : i32
    %lt3A_104 = vector.broadcast %lt3A_103 : i32 to vector<16xi32>
    %lt3A_105 = arith.cmpi slt, %sub3A_102, %lt3A_104 : vector<16xi32>
    %add3A_106 = arith.addi %sub3A_102, %broadcast_in_dim3A_6 : vector<16xi32>
    %select_n3A_107 = arith.select %lt3A_105, %add3A_106, %sub3A_102 : vector<16xi1>, vector<16xi32>
    %ge3A_108 = arith.constant 500000 : i32
    %ge3A_109 = vector.broadcast %ge3A_108 : i32 to vector<16xi32>
    %ge3A_110 = arith.cmpi sge, %select_n3A_107, %ge3A_109 : vector<16xi32>
    %sub3A_111 = arith.subi %select_n3A_107, %broadcast_in_dim3A_6 : vector<16xi32>
    %select_n3A_112 = arith.select %ge3A_110, %sub3A_111, %select_n3A_107 : vector<16xi1>, vector<16xi32>
    %swap3A_113 = arith.constant 1 : i64
    %swap3A_114 = arith.index_cast %swap3A_113 : i64 to index
    %swap3A_115 = arith.constant 0 : index
    %swap3A_116 = tpu.vector_load %arg11[%swap3A_114, %swap3A_115] {strides = array<i32>} : memref<12x128xi32, #tpu.memory_space<vmem>>, vector<1x16xi32>,
    %swap3A_117 = vector.shape_cast %swap3A_116 : vector<1x16xi32> to vector<16xi32>
    %swap3A_118 = vector.shape_cast %select_n3A_112 : vector<16xi32> to vector<1x16xi32>
    tpu.vector_store %arg11[%swap3A_114, %swap3A_115], %swap3A_118 {strides = array<i32>} : memref<12x128xi32, #tpu.memory_space<vmem>>, vector<1x16xi32>,
    %add3A_119 = arith.constant 5 : i32
    %add3A_120 = arith.addi %add3A_42, %add3A_119 : i32
    %sub3A_121 = arith.constant 1 : i32
    %sub3A_122 = arith.subi %add3A_120, %sub3A_121 : i32
    %get3A_123 = arith.index_cast %sub3A_122 : i32 to index
    %get3A_124 = tpu.vector_load %arg10[%get3A_123] {strides = array<i32>} : memref<8208xi32, #tpu.memory_space<vmem>>, vector<16xi32>,
    %get3A_125 = vector.shape_cast %get3A_124 : vector<16xi32> to vector<16xi32>
    %mul3A_126 = arith.constant 467296 : i32
    %mul3A_127 = vector.broadcast %mul3A_126 : i32 to vector<16xi32>
    %mul3A_128 = arith.muli %get3A_125, %mul3A_127 : vector<16xi32>
    %add3A_129 = arith.addi %add3A_94, %mul3A_128 : vector<16xi32>
    %max3A_130 = arith.maxsi %add3A_129, %broadcast_in_dim3A_8 : vector<16xi32>
    %convert_element_type3A_131 = arith.sitofp %max3A_130 : vector<16xi32> to vector<16xf32>
    %mul3A_132 = arith.mulf %convert_element_type3A_131, %broadcast_in_dim3A_12 : vector<16xf32>
    %convert_element_type3A_133 = arith.fptosi %mul3A_132 : vector<16xf32> to vector<16xi32>
    %mul3A_134 = arith.constant 500000 : i32
    %mul3A_135 = vector.broadcast %mul3A_134 : i32 to vector<16xi32>
    %mul3A_136 = arith.muli %convert_element_type3A_133, %mul3A_135 : vector<16xi32>
    %sub3A_137 = arith.subi %max3A_130, %mul3A_136 : vector<16xi32>
    %lt3A_138 = arith.constant 0 : i32
    %lt3A_139 = vector.broadcast %lt3A_138 : i32 to vector<16xi32>
    %lt3A_140 = arith.cmpi slt, %sub3A_137, %lt3A_139 : vector<16xi32>
    %add3A_141 = arith.addi %sub3A_137, %broadcast_in_dim3A_6 : vector<16xi32>
    %select_n3A_142 = arith.select %lt3A_140, %add3A_141, %sub3A_137 : vector<16xi1>, vector<16xi32>
    %ge3A_143 = arith.constant 500000 : i32
    %ge3A_144 = vector.broadcast %ge3A_143 : i32 to vector<16xi32>
    %ge3A_145 = arith.cmpi sge, %select_n3A_142, %ge3A_144 : vector<16xi32>
    %sub3A_146 = arith.subi %select_n3A_142, %broadcast_in_dim3A_6 : vector<16xi32>
    %select_n3A_147 = arith.select %ge3A_145, %sub3A_146, %select_n3A_142 : vector<16xi1>, vector<16xi32>
    %swap3A_148 = arith.constant 2 : i64
    %swap3A_149 = arith.index_cast %swap3A_148 : i64 to index
    %swap3A_150 = arith.constant 0 : index
    %swap3A_151 = tpu.vector_load %arg11[%swap3A_149, %swap3A_150] {strides = array<i32>} : memref<12x128xi32, #tpu.memory_space<vmem>>, vector<1x16xi32>,
    %swap3A_152 = vector.shape_cast %swap3A_151 : vector<1x16xi32> to vector<16xi32>
    %swap3A_153 = vector.shape_cast %select_n3A_147 : vector<16xi32> to vector<1x16xi32>
    tpu.vector_store %arg11[%swap3A_149, %swap3A_150], %swap3A_153 {strides = array<i32>} : memref<12x128xi32, #tpu.memory_space<vmem>>, vector<1x16xi32>,
    %add3A_154 = arith.constant 6 : i32
    %add3A_155 = arith.addi %add3A_42, %add3A_154 : i32
    %sub3A_156 = arith.constant 1 : i32
    %sub3A_157 = arith.subi %add3A_155, %sub3A_156 : i32
    %get3A_158 = arith.index_cast %sub3A_157 : i32 to index
    %get3A_159 = tpu.vector_load %arg10[%get3A_158] {strides = array<i32>} : memref<8208xi32, #tpu.memory_space<vmem>>, vector<16xi32>,
    %get3A_160 = vector.shape_cast %get3A_159 : vector<16xi32> to vector<16xi32>
    %mul3A_161 = arith.constant 127776 : i32
    %mul3A_162 = vector.broadcast %mul3A_161 : i32 to vector<16xi32>
    %mul3A_163 = arith.muli %get3A_160, %mul3A_162 : vector<16xi32>
    %add3A_164 = arith.addi %add3A_129, %mul3A_163 : vector<16xi32>
    %max3A_165 = arith.maxsi %add3A_164, %broadcast_in_dim3A_8 : vector<16xi32>
    %convert_element_type3A_166 = arith.sitofp %max3A_165 : vector<16xi32> to vector<16xf32>
    %mul3A_167 = arith.mulf %convert_element_type3A_166, %broadcast_in_dim3A_12 : vector<16xf32>
    %convert_element_type3A_168 = arith.fptosi %mul3A_167 : vector<16xf32> to vector<16xi32>
    %mul3A_169 = arith.constant 500000 : i32
    %mul3A_170 = vector.broadcast %mul3A_169 : i32 to vector<16xi32>
    %mul3A_171 = arith.muli %convert_element_type3A_168, %mul3A_170 : vector<16xi32>
    %sub3A_172 = arith.subi %max3A_165, %mul3A_171 : vector<16xi32>
    %lt3A_173 = arith.constant 0 : i32
    %lt3A_174 = vector.broadcast %lt3A_173 : i32 to vector<16xi32>
    %lt3A_175 = arith.cmpi slt, %sub3A_172, %lt3A_174 : vector<16xi32>
    %add3A_176 = arith.addi %sub3A_172, %broadcast_in_dim3A_6 : vector<16xi32>
    %select_n3A_177 = arith.select %lt3A_175, %add3A_176, %sub3A_172 : vector<16xi1>, vector<16xi32>
    %ge3A_178 = arith.constant 500000 : i32
    %ge3A_179 = vector.broadcast %ge3A_178 : i32 to vector<16xi32>
    %ge3A_180 = arith.cmpi sge, %select_n3A_177, %ge3A_179 : vector<16xi32>
    %sub3A_181 = arith.subi %select_n3A_177, %broadcast_in_dim3A_6 : vector<16xi32>
    %select_n3A_182 = arith.select %ge3A_180, %sub3A_181, %select_n3A_177 : vector<16xi1>, vector<16xi32>
    %swap3A_183 = arith.constant 3 : i64
    %swap3A_184 = arith.index_cast %swap3A_183 : i64 to index
    %swap3A_185 = arith.constant 0 : index
    %swap3A_186 = tpu.vector_load %arg11[%swap3A_184, %swap3A_185] {strides = array<i32>} : memref<12x128xi32, #tpu.memory_space<vmem>>, vector<1x16xi32>,
    %swap3A_187 = vector.shape_cast %swap3A_186 : vector<1x16xi32> to vector<16xi32>
    %swap3A_188 = vector.shape_cast %select_n3A_182 : vector<16xi32> to vector<1x16xi32>
    tpu.vector_store %arg11[%swap3A_184, %swap3A_185], %swap3A_188 {strides = array<i32>} : memref<12x128xi32, #tpu.memory_space<vmem>>, vector<1x16xi32>,
    %add3A_189 = arith.constant 7 : i32
    %add3A_190 = arith.addi %add3A_42, %add3A_189 : i32
    %sub3A_191 = arith.constant 1 : i32
    %sub3A_192 = arith.subi %add3A_190, %sub3A_191 : i32
    %get3A_193 = arith.index_cast %sub3A_192 : i32 to index
    %get3A_194 = tpu.vector_load %arg10[%get3A_193] {strides = array<i32>} : memref<8208xi32, #tpu.memory_space<vmem>>, vector<16xi32>,
    %get3A_195 = vector.shape_cast %get3A_194 : vector<16xi32> to vector<16xi32>
    %mul3A_196 = arith.constant 210656 : i32
    %mul3A_197 = vector.broadcast %mul3A_196 : i32 to vector<16xi32>
    %mul3A_198 = arith.muli %get3A_195, %mul3A_197 : vector<16xi32>
    %add3A_199 = arith.addi %add3A_164, %mul3A_198 : vector<16xi32>
    %max3A_200 = arith.maxsi %add3A_199, %broadcast_in_dim3A_8 : vector<16xi32>
    %convert_element_type3A_201 = arith.sitofp %max3A_200 : vector<16xi32> to vector<16xf32>
    %mul3A_202 = arith.mulf %convert_element_type3A_201, %broadcast_in_dim3A_12 : vector<16xf32>
    %convert_element_type3A_203 = arith.fptosi %mul3A_202 : vector<16xf32> to vector<16xi32>
    %mul3A_204 = arith.constant 500000 : i32
    %mul3A_205 = vector.broadcast %mul3A_204 : i32 to vector<16xi32>
    %mul3A_206 = arith.muli %convert_element_type3A_203, %mul3A_205 : vector<16xi32>
    %sub3A_207 = arith.subi %max3A_200, %mul3A_206 : vector<16xi32>
    %lt3A_208 = arith.constant 0 : i32
    %lt3A_209 = vector.broadcast %lt3A_208 : i32 to vector<16xi32>
    %lt3A_210 = arith.cmpi slt, %sub3A_207, %lt3A_209 : vector<16xi32>
    %add3A_211 = arith.addi %sub3A_207, %broadcast_in_dim3A_6 : vector<16xi32>
    %select_n3A_212 = arith.select %lt3A_210, %add3A_211, %sub3A_207 : vector<16xi1>, vector<16xi32>
    %ge3A_213 = arith.constant 500000 : i32
    %ge3A_214 = vector.broadcast %ge3A_213 : i32 to vector<16xi32>
    %ge3A_215 = arith.cmpi sge, %select_n3A_212, %ge3A_214 : vector<16xi32>
    %sub3A_216 = arith.subi %select_n3A_212, %broadcast_in_dim3A_6 : vector<16xi32>
    %select_n3A_217 = arith.select %ge3A_215, %sub3A_216, %select_n3A_212 : vector<16xi1>, vector<16xi32>
    %swap3A_218 = arith.constant 4 : i64
    %swap3A_219 = arith.index_cast %swap3A_218 : i64 to index
    %swap3A_220 = arith.constant 0 : index
    %swap3A_221 = tpu.vector_load %arg11[%swap3A_219, %swap3A_220] {strides = array<i32>} : memref<12x128xi32, #tpu.memory_space<vmem>>, vector<1x16xi32>,
    %swap3A_222 = vector.shape_cast %swap3A_221 : vector<1x16xi32> to vector<16xi32>
    %swap3A_223 = vector.shape_cast %select_n3A_217 : vector<16xi32> to vector<1x16xi32>
    tpu.vector_store %arg11[%swap3A_219, %swap3A_220], %swap3A_223 {strides = array<i32>} : memref<12x128xi32, #tpu.memory_space<vmem>>, vector<1x16xi32>,
    %add3A_224 = arith.constant 8 : i32
    %add3A_225 = arith.addi %add3A_42, %add3A_224 : i32
    %sub3A_226 = arith.constant 1 : i32
    %sub3A_227 = arith.subi %add3A_225, %sub3A_226 : i32
    %get3A_228 = arith.index_cast %sub3A_227 : i32 to index
    %get3A_229 = tpu.vector_load %arg10[%get3A_228] {strides = array<i32>} : memref<8208xi32, #tpu.memory_space<vmem>>, vector<16xi32>,
    %get3A_230 = vector.shape_cast %get3A_229 : vector<16xi32> to vector<16xi32>
    %mul3A_231 = arith.constant 427936 : i32
    %mul3A_232 = vector.broadcast %mul3A_231 : i32 to vector<16xi32>
    %mul3A_233 = arith.muli %get3A_230, %mul3A_232 : vector<16xi32>
    %add3A_234 = arith.addi %add3A_199, %mul3A_233 : vector<16xi32>
    %add3A_235 = arith.constant 7 : i32
    %add3A_236 = arith.addi %add3A_42, %add3A_235 : i32
    %get3A_237 = arith.index_cast %add3A_236 : i32 to index
    %get3A_238 = tpu.vector_load %arg10[%get3A_237] {strides = array<i32>} : memref<8208xi32, #tpu.memory_space<vmem>>, vector<16xi32>,
    %get3A_239 = vector.shape_cast %get3A_238 : vector<16xi32> to vector<16xi32>
    %ge3A_240 = arith.constant 128 : i32
    %ge3A_241 = vector.broadcast %ge3A_240 : i32 to vector<16xi32>
    %ge3A_242 = arith.cmpi sge, %get3A_239, %ge3A_241 : vector<16xi32>
    %select_n3A_243 = arith.select %ge3A_242, %broadcast_in_dim3A_10, %broadcast_in_dim3A_8 : vector<16xi1>, vector<16xi32>
    %add3A_244 = arith.addi %add3A_234, %select_n3A_243 : vector<16xi32>
    %max3A_245 = arith.maxsi %add3A_244, %broadcast_in_dim3A_8 : vector<16xi32>
    %convert_element_type3A_246 = arith.sitofp %max3A_245 : vector<16xi32> to vector<16xf32>
    %mul3A_247 = arith.mulf %convert_element_type3A_246, %broadcast_in_dim3A_12 : vector<16xf32>
    %convert_element_type3A_248 = arith.fptosi %mul3A_247 : vector<16xf32> to vector<16xi32>
    %mul3A_249 = arith.constant 500000 : i32
    %mul3A_250 = vector.broadcast %mul3A_249 : i32 to vector<16xi32>
    %mul3A_251 = arith.muli %convert_element_type3A_248, %mul3A_250 : vector<16xi32>
    %sub3A_252 = arith.subi %max3A_245, %mul3A_251 : vector<16xi32>
    %lt3A_253 = arith.constant 0 : i32
    %lt3A_254 = vector.broadcast %lt3A_253 : i32 to vector<16xi32>
    %lt3A_255 = arith.cmpi slt, %sub3A_252, %lt3A_254 : vector<16xi32>
    %add3A_256 = arith.addi %sub3A_252, %broadcast_in_dim3A_6 : vector<16xi32>
    %select_n3A_257 = arith.select %lt3A_255, %add3A_256, %sub3A_252 : vector<16xi1>, vector<16xi32>
    %ge3A_258 = arith.constant 500000 : i32
    %ge3A_259 = vector.broadcast %ge3A_258 : i32 to vector<16xi32>
    %ge3A_260 = arith.cmpi sge, %select_n3A_257, %ge3A_259 : vector<16xi32>
    %sub3A_261 = arith.subi %select_n3A_257, %broadcast_in_dim3A_6 : vector<16xi32>
    %select_n3A_262 = arith.select %ge3A_260, %sub3A_261, %select_n3A_257 : vector<16xi1>, vector<16xi32>
    %swap3A_263 = arith.constant 5 : i64
    %swap3A_264 = arith.index_cast %swap3A_263 : i64 to index
    %swap3A_265 = arith.constant 0 : index
    %swap3A_266 = tpu.vector_load %arg11[%swap3A_264, %swap3A_265] {strides = array<i32>} : memref<12x128xi32, #tpu.memory_space<vmem>>, vector<1x16xi32>,
    %swap3A_267 = vector.shape_cast %swap3A_266 : vector<1x16xi32> to vector<16xi32>
    %swap3A_268 = vector.shape_cast %select_n3A_262 : vector<16xi32> to vector<1x16xi32>
    tpu.vector_store %arg11[%swap3A_264, %swap3A_265], %swap3A_268 {strides = array<i32>} : memref<12x128xi32, #tpu.memory_space<vmem>>, vector<1x16xi32>,
    %add3A_269 = arith.constant 16 : i32
    %add3A_270 = arith.addi %add3A_40, %add3A_269 : i32
    %get3A_271 = arith.index_cast %add3A_270 : i32 to index
    %get3A_272 = tpu.vector_load %arg10[%get3A_271] {strides = array<i32>} : memref<8208xi32, #tpu.memory_space<vmem>>, vector<16xi32>,
    %get3A_273 = vector.shape_cast %get3A_272 : vector<16xi32> to vector<16xi32>
    %add3A_274 = arith.constant 1 : i32
    %add3A_275 = arith.addi %add3A_270, %add3A_274 : i32
    %get3A_276 = arith.index_cast %add3A_275 : i32 to index
    %get3A_277 = tpu.vector_load %arg10[%get3A_276] {strides = array<i32>} : memref<8208xi32, #tpu.memory_space<vmem>>, vector<16xi32>,
    %get3A_278 = vector.shape_cast %get3A_277 : vector<16xi32> to vector<16xi32>
    %mul3A_279 = arith.constant 256 : i32
    %mul3A_280 = vector.broadcast %mul3A_279 : i32 to vector<16xi32>
    %mul3A_281 = arith.muli %get3A_278, %mul3A_280 : vector<16xi32>
    %add3A_282 = arith.addi %get3A_273, %mul3A_281 : vector<16xi32>
    %add3A_283 = arith.constant 2 : i32
    %add3A_284 = arith.addi %add3A_270, %add3A_283 : i32
    %get3A_285 = arith.index_cast %add3A_284 : i32 to index
    %get3A_286 = tpu.vector_load %arg10[%get3A_285] {strides = array<i32>} : memref<8208xi32, #tpu.memory_space<vmem>>, vector<16xi32>,
    %get3A_287 = vector.shape_cast %get3A_286 : vector<16xi32> to vector<16xi32>
    %mul3A_288 = arith.constant 65536 : i32
    %mul3A_289 = vector.broadcast %mul3A_288 : i32 to vector<16xi32>
    %mul3A_290 = arith.muli %get3A_287, %mul3A_289 : vector<16xi32>
    %add3A_291 = arith.addi %add3A_282, %mul3A_290 : vector<16xi32>
    %max3A_292 = arith.maxsi %add3A_291, %broadcast_in_dim3A_8 : vector<16xi32>
    %convert_element_type3A_293 = arith.sitofp %max3A_292 : vector<16xi32> to vector<16xf32>
    %mul3A_294 = arith.mulf %convert_element_type3A_293, %broadcast_in_dim3A_12 : vector<16xf32>
    %convert_element_type3A_295 = arith.fptosi %mul3A_294 : vector<16xf32> to vector<16xi32>
    %mul3A_296 = arith.constant 500000 : i32
    %mul3A_297 = vector.broadcast %mul3A_296 : i32 to vector<16xi32>
    %mul3A_298 = arith.muli %convert_element_type3A_295, %mul3A_297 : vector<16xi32>
    %sub3A_299 = arith.subi %max3A_292, %mul3A_298 : vector<16xi32>
    %lt3A_300 = arith.constant 0 : i32
    %lt3A_301 = vector.broadcast %lt3A_300 : i32 to vector<16xi32>
    %lt3A_302 = arith.cmpi slt, %sub3A_299, %lt3A_301 : vector<16xi32>
    %add3A_303 = arith.addi %sub3A_299, %broadcast_in_dim3A_6 : vector<16xi32>
    %select_n3A_304 = arith.select %lt3A_302, %add3A_303, %sub3A_299 : vector<16xi1>, vector<16xi32>
    %ge3A_305 = arith.constant 500000 : i32
    %ge3A_306 = vector.broadcast %ge3A_305 : i32 to vector<16xi32>
    %ge3A_307 = arith.cmpi sge, %select_n3A_304, %ge3A_306 : vector<16xi32>
    %sub3A_308 = arith.subi %select_n3A_304, %broadcast_in_dim3A_6 : vector<16xi32>
    %select_n3A_309 = arith.select %ge3A_307, %sub3A_308, %select_n3A_304 : vector<16xi1>, vector<16xi32>
    %swap3A_310 = arith.constant 0 : i64
    %swap3A_311 = arith.index_cast %swap3A_310 : i64 to index
    %swap3A_312 = arith.constant 16 : index
    %swap3A_313 = tpu.vector_load %arg11[%swap3A_311, %swap3A_312] {strides = array<i32>} : memref<12x128xi32, #tpu.memory_space<vmem>>, vector<1x16xi32>,
    %swap3A_314 = vector.shape_cast %swap3A_313 : vector<1x16xi32> to vector<16xi32>
    %swap3A_315 = vector.shape_cast %select_n3A_309 : vector<16xi32> to vector<1x16xi32>
    tpu.vector_store %arg11[%swap3A_311, %swap3A_312], %swap3A_315 {strides = array<i32>} : memref<12x128xi32, #tpu.memory_space<vmem>>, vector<1x16xi32>,
    %add3A_316 = arith.constant 4 : i32
    %add3A_317 = arith.addi %add3A_270, %add3A_316 : i32
    %sub3A_318 = arith.constant 1 : i32
    %sub3A_319 = arith.subi %add3A_317, %sub3A_318 : i32
    %get3A_320 = arith.index_cast %sub3A_319 : i32 to index
    %get3A_321 = tpu.vector_load %arg10[%get3A_320] {strides = array<i32>} : memref<8208xi32, #tpu.memory_space<vmem>>, vector<16xi32>,
    %get3A_322 = vector.shape_cast %get3A_321 : vector<16xi32> to vector<16xi32>
    %mul3A_323 = arith.constant 277216 : i32
    %mul3A_324 = vector.broadcast %mul3A_323 : i32 to vector<16xi32>
    %mul3A_325 = arith.muli %get3A_322, %mul3A_324 : vector<16xi32>
    %add3A_326 = arith.addi %add3A_291, %mul3A_325 : vector<16xi32>
    %max3A_327 = arith.maxsi %add3A_326, %broadcast_in_dim3A_8 : vector<16xi32>
    %convert_element_type3A_328 = arith.sitofp %max3A_327 : vector<16xi32> to vector<16xf32>
    %mul3A_329 = arith.mulf %convert_element_type3A_328, %broadcast_in_dim3A_12 : vector<16xf32>
    %convert_element_type3A_330 = arith.fptosi %mul3A_329 : vector<16xf32> to vector<16xi32>
    %mul3A_331 = arith.constant 500000 : i32
    %mul3A_332 = vector.broadcast %mul3A_331 : i32 to vector<16xi32>
    %mul3A_333 = arith.muli %convert_element_type3A_330, %mul3A_332 : vector<16xi32>
    %sub3A_334 = arith.subi %max3A_327, %mul3A_333 : vector<16xi32>
    %lt3A_335 = arith.constant 0 : i32
    %lt3A_336 = vector.broadcast %lt3A_335 : i32 to vector<16xi32>
    %lt3A_337 = arith.cmpi slt, %sub3A_334, %lt3A_336 : vector<16xi32>
    %add3A_338 = arith.addi %sub3A_334, %broadcast_in_dim3A_6 : vector<16xi32>
    %select_n3A_339 = arith.select %lt3A_337, %add3A_338, %sub3A_334 : vector<16xi1>, vector<16xi32>
    %ge3A_340 = arith.constant 500000 : i32
    %ge3A_341 = vector.broadcast %ge3A_340 : i32 to vector<16xi32>
    %ge3A_342 = arith.cmpi sge, %select_n3A_339, %ge3A_341 : vector<16xi32>
    %sub3A_343 = arith.subi %select_n3A_339, %broadcast_in_dim3A_6 : vector<16xi32>
    %select_n3A_344 = arith.select %ge3A_342, %sub3A_343, %select_n3A_339 : vector<16xi1>, vector<16xi32>
    %swap3A_345 = arith.constant 1 : i64
    %swap3A_346 = arith.index_cast %swap3A_345 : i64 to index
    %swap3A_347 = arith.constant 16 : index
    %swap3A_348 = tpu.vector_load %arg11[%swap3A_346, %swap3A_347] {strides = array<i32>} : memref<12x128xi32, #tpu.memory_space<vmem>>, vector<1x16xi32>,
    %swap3A_349 = vector.shape_cast %swap3A_348 : vector<1x16xi32> to vector<16xi32>
    %swap3A_350 = vector.shape_cast %select_n3A_344 : vector<16xi32> to vector<1x16xi32>
    tpu.vector_store %arg11[%swap3A_346, %swap3A_347], %swap3A_350 {strides = array<i32>} : memref<12x128xi32, #tpu.memory_space<vmem>>, vector<1x16xi32>,
    %add3A_351 = arith.constant 5 : i32
    %add3A_352 = arith.addi %add3A_270, %add3A_351 : i32
    %sub3A_353 = arith.constant 1 : i32
    %sub3A_354 = arith.subi %add3A_352, %sub3A_353 : i32
    %get3A_355 = arith.index_cast %sub3A_354 : i32 to index
    %get3A_356 = tpu.vector_load %arg10[%get3A_355] {strides = array<i32>} : memref<8208xi32, #tpu.memory_space<vmem>>, vector<16xi32>,
    %get3A_357 = vector.shape_cast %get3A_356 : vector<16xi32> to vector<16xi32>
    %mul3A_358 = arith.constant 467296 : i32
    %mul3A_359 = vector.broadcast %mul3A_358 : i32 to vector<16xi32>
    %mul3A_360 = arith.muli %get3A_357, %mul3A_359 : vector<16xi32>
    %add3A_361 = arith.addi %add3A_326, %mul3A_360 : vector<16xi32>
    %max3A_362 = arith.maxsi %add3A_361, %broadcast_in_dim3A_8 : vector<16xi32>
    %convert_element_type3A_363 = arith.sitofp %max3A_362 : vector<16xi32> to vector<16xf32>
    %mul3A_364 = arith.mulf %convert_element_type3A_363, %broadcast_in_dim3A_12 : vector<16xf32>
    %convert_element_type3A_365 = arith.fptosi %mul3A_364 : vector<16xf32> to vector<16xi32>
    %mul3A_366 = arith.constant 500000 : i32
    %mul3A_367 = vector.broadcast %mul3A_366 : i32 to vector<16xi32>
    %mul3A_368 = arith.muli %convert_element_type3A_365, %mul3A_367 : vector<16xi32>
    %sub3A_369 = arith.subi %max3A_362, %mul3A_368 : vector<16xi32>
    %lt3A_370 = arith.constant 0 : i32
    %lt3A_371 = vector.broadcast %lt3A_370 : i32 to vector<16xi32>
    %lt3A_372 = arith.cmpi slt, %sub3A_369, %lt3A_371 : vector<16xi32>
    %add3A_373 = arith.addi %sub3A_369, %broadcast_in_dim3A_6 : vector<16xi32>
    %select_n3A_374 = arith.select %lt3A_372, %add3A_373, %sub3A_369 : vector<16xi1>, vector<16xi32>
    %ge3A_375 = arith.constant 500000 : i32
    %ge3A_376 = vector.broadcast %ge3A_375 : i32 to vector<16xi32>
    %ge3A_377 = arith.cmpi sge, %select_n3A_374, %ge3A_376 : vector<16xi32>
    %sub3A_378 = arith.subi %select_n3A_374, %broadcast_in_dim3A_6 : vector<16xi32>
    %select_n3A_379 = arith.select %ge3A_377, %sub3A_378, %select_n3A_374 : vector<16xi1>, vector<16xi32>
    %swap3A_380 = arith.constant 2 : i64
    %swap3A_381 = arith.index_cast %swap3A_380 : i64 to index
    %swap3A_382 = arith.constant 16 : index
    %swap3A_383 = tpu.vector_load %arg11[%swap3A_381, %swap3A_382] {strides = array<i32>} : memref<12x128xi32, #tpu.memory_space<vmem>>, vector<1x16xi32>,
    %swap3A_384 = vector.shape_cast %swap3A_383 : vector<1x16xi32> to vector<16xi32>
    %swap3A_385 = vector.shape_cast %select_n3A_379 : vector<16xi32> to vector<1x16xi32>
    tpu.vector_store %arg11[%swap3A_381, %swap3A_382], %swap3A_385 {strides = array<i32>} : memref<12x128xi32, #tpu.memory_space<vmem>>, vector<1x16xi32>,
    %add3A_386 = arith.constant 6 : i32
    %add3A_387 = arith.addi %add3A_270, %add3A_386 : i32
    %sub3A_388 = arith.constant 1 : i32
    %sub3A_389 = arith.subi %add3A_387, %sub3A_388 : i32
    %get3A_390 = arith.index_cast %sub3A_389 : i32 to index
    %get3A_391 = tpu.vector_load %arg10[%get3A_390] {strides = array<i32>} : memref<8208xi32, #tpu.memory_space<vmem>>, vector<16xi32>,
    %get3A_392 = vector.shape_cast %get3A_391 : vector<16xi32> to vector<16xi32>
    %mul3A_393 = arith.constant 127776 : i32
    %mul3A_394 = vector.broadcast %mul3A_393 : i32 to vector<16xi32>
    %mul3A_395 = arith.muli %get3A_392, %mul3A_394 : vector<16xi32>
    %add3A_396 = arith.addi %add3A_361, %mul3A_395 : vector<16xi32>
    %max3A_397 = arith.maxsi %add3A_396, %broadcast_in_dim3A_8 : vector<16xi32>
    %convert_element_type3A_398 = arith.sitofp %max3A_397 : vector<16xi32> to vector<16xf32>
    %mul3A_399 = arith.mulf %convert_element_type3A_398, %broadcast_in_dim3A_12 : vector<16xf32>
    %convert_element_type3A_400 = arith.fptosi %mul3A_399 : vector<16xf32> to vector<16xi32>
    %mul3A_401 = arith.constant 500000 : i32
    %mul3A_402 = vector.broadcast %mul3A_401 : i32 to vector<16xi32>
    %mul3A_403 = arith.muli %convert_element_type3A_400, %mul3A_402 : vector<16xi32>
    %sub3A_404 = arith.subi %max3A_397, %mul3A_403 : vector<16xi32>
    %lt3A_405 = arith.constant 0 : i32
    %lt3A_406 = vector.broadcast %lt3A_405 : i32 to vector<16xi32>
    %lt3A_407 = arith.cmpi slt, %sub3A_404, %lt3A_406 : vector<16xi32>
    %add3A_408 = arith.addi %sub3A_404, %broadcast_in_dim3A_6 : vector<16xi32>
    %select_n3A_409 = arith.select %lt3A_407, %add3A_408, %sub3A_404 : vector<16xi1>, vector<16xi32>
    %ge3A_410 = arith.constant 500000 : i32
    %ge3A_411 = vector.broadcast %ge3A_410 : i32 to vector<16xi32>
    %ge3A_412 = arith.cmpi sge, %select_n3A_409, %ge3A_411 : vector<16xi32>
    %sub3A_413 = arith.subi %select_n3A_409, %broadcast_in_dim3A_6 : vector<16xi32>
    %select_n3A_414 = arith.select %ge3A_412, %sub3A_413, %select_n3A_409 : vector<16xi1>, vector<16xi32>
    %swap3A_415 = arith.constant 3 : i64
    %swap3A_416 = arith.index_cast %swap3A_415 : i64 to index
    %swap3A_417 = arith.constant 16 : index
    %swap3A_418 = tpu.vector_load %arg11[%swap3A_416, %swap3A_417] {strides = array<i32>} : memref<12x128xi32, #tpu.memory_space<vmem>>, vector<1x16xi32>,
    %swap3A_419 = vector.shape_cast %swap3A_418 : vector<1x16xi32> to vector<16xi32>
    %swap3A_420 = vector.shape_cast %select_n3A_414 : vector<16xi32> to vector<1x16xi32>
    tpu.vector_store %arg11[%swap3A_416, %swap3A_417], %swap3A_420 {strides = array<i32>} : memref<12x128xi32, #tpu.memory_space<vmem>>, vector<1x16xi32>,
    %add3A_421 = arith.constant 7 : i32
    %add3A_422 = arith.addi %add3A_270, %add3A_421 : i32
    %sub3A_423 = arith.constant 1 : i32
    %sub3A_424 = arith.subi %add3A_422, %sub3A_423 : i32
    %get3A_425 = arith.index_cast %sub3A_424 : i32 to index
    %get3A_426 = tpu.vector_load %arg10[%get3A_425] {strides = array<i32>} : memref<8208xi32, #tpu.memory_space<vmem>>, vector<16xi32>,
    %get3A_427 = vector.shape_cast %get3A_426 : vector<16xi32> to vector<16xi32>
    %mul3A_428 = arith.constant 210656 : i32
    %mul3A_429 = vector.broadcast %mul3A_428 : i32 to vector<16xi32>
    %mul3A_430 = arith.muli %get3A_427, %mul3A_429 : vector<16xi32>
    %add3A_431 = arith.addi %add3A_396, %mul3A_430 : vector<16xi32>
    %max3A_432 = arith.maxsi %add3A_431, %broadcast_in_dim3A_8 : vector<16xi32>
    %convert_element_type3A_433 = arith.sitofp %max3A_432 : vector<16xi32> to vector<16xf32>
    %mul3A_434 = arith.mulf %convert_element_type3A_433, %broadcast_in_dim3A_12 : vector<16xf32>
    %convert_element_type3A_435 = arith.fptosi %mul3A_434 : vector<16xf32> to vector<16xi32>
    %mul3A_436 = arith.constant 500000 : i32
    %mul3A_437 = vector.broadcast %mul3A_436 : i32 to vector<16xi32>
    %mul3A_438 = arith.muli %convert_element_type3A_435, %mul3A_437 : vector<16xi32>
    %sub3A_439 = arith.subi %max3A_432, %mul3A_438 : vector<16xi32>
    %lt3A_440 = arith.constant 0 : i32
    %lt3A_441 = vector.broadcast %lt3A_440 : i32 to vector<16xi32>
    %lt3A_442 = arith.cmpi slt, %sub3A_439, %lt3A_441 : vector<16xi32>
    %add3A_443 = arith.addi %sub3A_439, %broadcast_in_dim3A_6 : vector<16xi32>
    %select_n3A_444 = arith.select %lt3A_442, %add3A_443, %sub3A_439 : vector<16xi1>, vector<16xi32>
    %ge3A_445 = arith.constant 500000 : i32
    %ge3A_446 = vector.broadcast %ge3A_445 : i32 to vector<16xi32>
    %ge3A_447 = arith.cmpi sge, %select_n3A_444, %ge3A_446 : vector<16xi32>
    %sub3A_448 = arith.subi %select_n3A_444, %broadcast_in_dim3A_6 : vector<16xi32>
    %select_n3A_449 = arith.select %ge3A_447, %sub3A_448, %select_n3A_444 : vector<16xi1>, vector<16xi32>
    %swap3A_450 = arith.constant 4 : i64
    %swap3A_451 = arith.index_cast %swap3A_450 : i64 to index
    %swap3A_452 = arith.constant 16 : index
    %swap3A_453 = tpu.vector_load %arg11[%swap3A_451, %swap3A_452] {strides = array<i32>} : memref<12x128xi32, #tpu.memory_space<vmem>>, vector<1x16xi32>,
    %swap3A_454 = vector.shape_cast %swap3A_453 : vector<1x16xi32> to vector<16xi32>
    %swap3A_455 = vector.shape_cast %select_n3A_449 : vector<16xi32> to vector<1x16xi32>
    tpu.vector_store %arg11[%swap3A_451, %swap3A_452], %swap3A_455 {strides = array<i32>} : memref<12x128xi32, #tpu.memory_space<vmem>>, vector<1x16xi32>,
    %add3A_456 = arith.constant 8 : i32
    %add3A_457 = arith.addi %add3A_270, %add3A_456 : i32
    %sub3A_458 = arith.constant 1 : i32
    %sub3A_459 = arith.subi %add3A_457, %sub3A_458 : i32
    %get3A_460 = arith.index_cast %sub3A_459 : i32 to index
    %get3A_461 = tpu.vector_load %arg10[%get3A_460] {strides = array<i32>} : memref<8208xi32, #tpu.memory_space<vmem>>, vector<16xi32>,
    %get3A_462 = vector.shape_cast %get3A_461 : vector<16xi32> to vector<16xi32>
    %mul3A_463 = arith.constant 427936 : i32
    %mul3A_464 = vector.broadcast %mul3A_463 : i32 to vector<16xi32>
    %mul3A_465 = arith.muli %get3A_462, %mul3A_464 : vector<16xi32>
    %add3A_466 = arith.addi %add3A_431, %mul3A_465 : vector<16xi32>
    %add3A_467 = arith.constant 7 : i32
    %add3A_468 = arith.addi %add3A_270, %add3A_467 : i32
    %get3A_469 = arith.index_cast %add3A_468 : i32 to index
    %get3A_470 = tpu.vector_load %arg10[%get3A_469] {strides = array<i32>} : memref<8208xi32, #tpu.memory_space<vmem>>, vector<16xi32>,
    %get3A_471 = vector.shape_cast %get3A_470 : vector<16xi32> to vector<16xi32>
    %ge3A_472 = arith.constant 128 : i32
    %ge3A_473 = vector.broadcast %ge3A_472 : i32 to vector<16xi32>
    %ge3A_474 = arith.cmpi sge, %get3A_471, %ge3A_473 : vector<16xi32>
    %select_n3A_475 = arith.select %ge3A_474, %broadcast_in_dim3A_10, %broadcast_in_dim3A_8 : vector<16xi1>, vector<16xi32>
    %add3A_476 = arith.addi %add3A_466, %select_n3A_475 : vector<16xi32>
    %max3A_477 = arith.maxsi %add3A_476, %broadcast_in_dim3A_8 : vector<16xi32>
    %convert_element_type3A_478 = arith.sitofp %max3A_477 : vector<16xi32> to vector<16xf32>
    %mul3A_479 = arith.mulf %convert_element_type3A_478, %broadcast_in_dim3A_12 : vector<16xf32>
    %convert_element_type3A_480 = arith.fptosi %mul3A_479 : vector<16xf32> to vector<16xi32>
    %mul3A_481 = arith.constant 500000 : i32
    %mul3A_482 = vector.broadcast %mul3A_481 : i32 to vector<16xi32>
    %mul3A_483 = arith.muli %convert_element_type3A_480, %mul3A_482 : vector<16xi32>
    %sub3A_484 = arith.subi %max3A_477, %mul3A_483 : vector<16xi32>
    %lt3A_485 = arith.constant 0 : i32
    %lt3A_486 = vector.broadcast %lt3A_485 : i32 to vector<16xi32>
    %lt3A_487 = arith.cmpi slt, %sub3A_484, %lt3A_486 : vector<16xi32>
    %add3A_488 = arith.addi %sub3A_484, %broadcast_in_dim3A_6 : vector<16xi32>
    %select_n3A_489 = arith.select %lt3A_487, %add3A_488, %sub3A_484 : vector<16xi1>, vector<16xi32>
    %ge3A_490 = arith.constant 500000 : i32
    %ge3A_491 = vector.broadcast %ge3A_490 : i32 to vector<16xi32>
    %ge3A_492 = arith.cmpi sge, %select_n3A_489, %ge3A_491 : vector<16xi32>
    %sub3A_493 = arith.subi %select_n3A_489, %broadcast_in_dim3A_6 : vector<16xi32>
    %select_n3A_494 = arith.select %ge3A_492, %sub3A_493, %select_n3A_489 : vector<16xi1>, vector<16xi32>
    %swap3A_495 = arith.constant 5 : i64
    %swap3A_496 = arith.index_cast %swap3A_495 : i64 to index
    %swap3A_497 = arith.constant 16 : index
    %swap3A_498 = tpu.vector_load %arg11[%swap3A_496, %swap3A_497] {strides = array<i32>} : memref<12x128xi32, #tpu.memory_space<vmem>>, vector<1x16xi32>,
    %swap3A_499 = vector.shape_cast %swap3A_498 : vector<1x16xi32> to vector<16xi32>
    %swap3A_500 = vector.shape_cast %select_n3A_494 : vector<16xi32> to vector<1x16xi32>
    tpu.vector_store %arg11[%swap3A_496, %swap3A_497], %swap3A_500 {strides = array<i32>} : memref<12x128xi32, #tpu.memory_space<vmem>>, vector<1x16xi32>,
    %add3A_501 = arith.constant 32 : i32
    %add3A_502 = arith.addi %add3A_40, %add3A_501 : i32
    %get3A_503 = arith.index_cast %add3A_502 : i32 to index
    %get3A_504 = tpu.vector_load %arg10[%get3A_503] {strides = array<i32>} : memref<8208xi32, #tpu.memory_space<vmem>>, vector<16xi32>,
    %get3A_505 = vector.shape_cast %get3A_504 : vector<16xi32> to vector<16xi32>
    %add3A_506 = arith.constant 1 : i32
    %add3A_507 = arith.addi %add3A_502, %add3A_506 : i32
    %get3A_508 = arith.index_cast %add3A_507 : i32 to index
    %get3A_509 = tpu.vector_load %arg10[%get3A_508] {strides = array<i32>} : memref<8208xi32, #tpu.memory_space<vmem>>, vector<16xi32>,
    %get3A_510 = vector.shape_cast %get3A_509 : vector<16xi32> to vector<16xi32>
    %mul3A_511 = arith.constant 256 : i32
    %mul3A_512 = vector.broadcast %mul3A_511 : i32 to vector<16xi32>
    %mul3A_513 = arith.muli %get3A_510, %mul3A_512 : vector<16xi32>
    %add3A_514 = arith.addi %get3A_505, %mul3A_513 : vector<16xi32>
    %add3A_515 = arith.constant 2 : i32
    %add3A_516 = arith.addi %add3A_502, %add3A_515 : i32
    %get3A_517 = arith.index_cast %add3A_516 : i32 to index
    %get3A_518 = tpu.vector_load %arg10[%get3A_517] {strides = array<i32>} : memref<8208xi32, #tpu.memory_space<vmem>>, vector<16xi32>,
    %get3A_519 = vector.shape_cast %get3A_518 : vector<16xi32> to vector<16xi32>
    %mul3A_520 = arith.constant 65536 : i32
    %mul3A_521 = vector.broadcast %mul3A_520 : i32 to vector<16xi32>
    %mul3A_522 = arith.muli %get3A_519, %mul3A_521 : vector<16xi32>
    %add3A_523 = arith.addi %add3A_514, %mul3A_522 : vector<16xi32>
    %max3A_524 = arith.maxsi %add3A_523, %broadcast_in_dim3A_8 : vector<16xi32>
    %convert_element_type3A_525 = arith.sitofp %max3A_524 : vector<16xi32> to vector<16xf32>
    %mul3A_526 = arith.mulf %convert_element_type3A_525, %broadcast_in_dim3A_12 : vector<16xf32>
    %convert_element_type3A_527 = arith.fptosi %mul3A_526 : vector<16xf32> to vector<16xi32>
    %mul3A_528 = arith.constant 500000 : i32
    %mul3A_529 = vector.broadcast %mul3A_528 : i32 to vector<16xi32>
    %mul3A_530 = arith.muli %convert_element_type3A_527, %mul3A_529 : vector<16xi32>
    %sub3A_531 = arith.subi %max3A_524, %mul3A_530 : vector<16xi32>
    %lt3A_532 = arith.constant 0 : i32
    %lt3A_533 = vector.broadcast %lt3A_532 : i32 to vector<16xi32>
    %lt3A_534 = arith.cmpi slt, %sub3A_531, %lt3A_533 : vector<16xi32>
    %add3A_535 = arith.addi %sub3A_531, %broadcast_in_dim3A_6 : vector<16xi32>
    %select_n3A_536 = arith.select %lt3A_534, %add3A_535, %sub3A_531 : vector<16xi1>, vector<16xi32>
    %ge3A_537 = arith.constant 500000 : i32
    %ge3A_538 = vector.broadcast %ge3A_537 : i32 to vector<16xi32>
    %ge3A_539 = arith.cmpi sge, %select_n3A_536, %ge3A_538 : vector<16xi32>
    %sub3A_540 = arith.subi %select_n3A_536, %broadcast_in_dim3A_6 : vector<16xi32>
    %select_n3A_541 = arith.select %ge3A_539, %sub3A_540, %select_n3A_536 : vector<16xi1>, vector<16xi32>
    %swap3A_542 = arith.constant 0 : i64
    %swap3A_543 = arith.index_cast %swap3A_542 : i64 to index
    %swap3A_544 = arith.constant 32 : index
    %swap3A_545 = tpu.vector_load %arg11[%swap3A_543, %swap3A_544] {strides = array<i32>} : memref<12x128xi32, #tpu.memory_space<vmem>>, vector<1x16xi32>,
    %swap3A_546 = vector.shape_cast %swap3A_545 : vector<1x16xi32> to vector<16xi32>
    %swap3A_547 = vector.shape_cast %select_n3A_541 : vector<16xi32> to vector<1x16xi32>
    tpu.vector_store %arg11[%swap3A_543, %swap3A_544], %swap3A_547 {strides = array<i32>} : memref<12x128xi32, #tpu.memory_space<vmem>>, vector<1x16xi32>,
    %add3A_548 = arith.constant 4 : i32
    %add3A_549 = arith.addi %add3A_502, %add3A_548 : i32
    %sub3A_550 = arith.constant 1 : i32
    %sub3A_551 = arith.subi %add3A_549, %sub3A_550 : i32
    %get3A_552 = arith.index_cast %sub3A_551 : i32 to index
    %get3A_553 = tpu.vector_load %arg10[%get3A_552] {strides = array<i32>} : memref<8208xi32, #tpu.memory_space<vmem>>, vector<16xi32>,
    %get3A_554 = vector.shape_cast %get3A_553 : vector<16xi32> to vector<16xi32>
    %mul3A_555 = arith.constant 277216 : i32
    %mul3A_556 = vector.broadcast %mul3A_555 : i32 to vector<16xi32>
    %mul3A_557 = arith.muli %get3A_554, %mul3A_556 : vector<16xi32>
    %add3A_558 = arith.addi %add3A_523, %mul3A_557 : vector<16xi32>
    %max3A_559 = arith.maxsi %add3A_558, %broadcast_in_dim3A_8 : vector<16xi32>
    %convert_element_type3A_560 = arith.sitofp %max3A_559 : vector<16xi32> to vector<16xf32>
    %mul3A_561 = arith.mulf %convert_element_type3A_560, %broadcast_in_dim3A_12 : vector<16xf32>
    %convert_element_type3A_562 = arith.fptosi %mul3A_561 : vector<16xf32> to vector<16xi32>
    %mul3A_563 = arith.constant 500000 : i32
    %mul3A_564 = vector.broadcast %mul3A_563 : i32 to vector<16xi32>
    %mul3A_565 = arith.muli %convert_element_type3A_562, %mul3A_564 : vector<16xi32>
    %sub3A_566 = arith.subi %max3A_559, %mul3A_565 : vector<16xi32>
    %lt3A_567 = arith.constant 0 : i32
    %lt3A_568 = vector.broadcast %lt3A_567 : i32 to vector<16xi32>
    %lt3A_569 = arith.cmpi slt, %sub3A_566, %lt3A_568 : vector<16xi32>
    %add3A_570 = arith.addi %sub3A_566, %broadcast_in_dim3A_6 : vector<16xi32>
    %select_n3A_571 = arith.select %lt3A_569, %add3A_570, %sub3A_566 : vector<16xi1>, vector<16xi32>
    %ge3A_572 = arith.constant 500000 : i32
    %ge3A_573 = vector.broadcast %ge3A_572 : i32 to vector<16xi32>
    %ge3A_574 = arith.cmpi sge, %select_n3A_571, %ge3A_573 : vector<16xi32>
    %sub3A_575 = arith.subi %select_n3A_571, %broadcast_in_dim3A_6 : vector<16xi32>
    %select_n3A_576 = arith.select %ge3A_574, %sub3A_575, %select_n3A_571 : vector<16xi1>, vector<16xi32>
    %swap3A_577 = arith.constant 1 : i64
    %swap3A_578 = arith.index_cast %swap3A_577 : i64 to index
    %swap3A_579 = arith.constant 32 : index
    %swap3A_580 = tpu.vector_load %arg11[%swap3A_578, %swap3A_579] {strides = array<i32>} : memref<12x128xi32, #tpu.memory_space<vmem>>, vector<1x16xi32>,
    %swap3A_581 = vector.shape_cast %swap3A_580 : vector<1x16xi32> to vector<16xi32>
    %swap3A_582 = vector.shape_cast %select_n3A_576 : vector<16xi32> to vector<1x16xi32>
    tpu.vector_store %arg11[%swap3A_578, %swap3A_579], %swap3A_582 {strides = array<i32>} : memref<12x128xi32, #tpu.memory_space<vmem>>, vector<1x16xi32>,
    %add3A_583 = arith.constant 5 : i32
    %add3A_584 = arith.addi %add3A_502, %add3A_583 : i32
    %sub3A_585 = arith.constant 1 : i32
    %sub3A_586 = arith.subi %add3A_584, %sub3A_585 : i32
    %get3A_587 = arith.index_cast %sub3A_586 : i32 to index
    %get3A_588 = tpu.vector_load %arg10[%get3A_587] {strides = array<i32>} : memref<8208xi32, #tpu.memory_space<vmem>>, vector<16xi32>,
    %get3A_589 = vector.shape_cast %get3A_588 : vector<16xi32> to vector<16xi32>
    %mul3A_590 = arith.constant 467296 : i32
    %mul3A_591 = vector.broadcast %mul3A_590 : i32 to vector<16xi32>
    %mul3A_592 = arith.muli %get3A_589, %mul3A_591 : vector<16xi32>
    %add3A_593 = arith.addi %add3A_558, %mul3A_592 : vector<16xi32>
    %max3A_594 = arith.maxsi %add3A_593, %broadcast_in_dim3A_8 : vector<16xi32>
    %convert_element_type3A_595 = arith.sitofp %max3A_594 : vector<16xi32> to vector<16xf32>
    %mul3A_596 = arith.mulf %convert_element_type3A_595, %broadcast_in_dim3A_12 : vector<16xf32>
    %convert_element_type3A_597 = arith.fptosi %mul3A_596 : vector<16xf32> to vector<16xi32>
    %mul3A_598 = arith.constant 500000 : i32
    %mul3A_599 = vector.broadcast %mul3A_598 : i32 to vector<16xi32>
    %mul3A_600 = arith.muli %convert_element_type3A_597, %mul3A_599 : vector<16xi32>
    %sub3A_601 = arith.subi %max3A_594, %mul3A_600 : vector<16xi32>
    %lt3A_602 = arith.constant 0 : i32
    %lt3A_603 = vector.broadcast %lt3A_602 : i32 to vector<16xi32>
    %lt3A_604 = arith.cmpi slt, %sub3A_601, %lt3A_603 : vector<16xi32>
    %add3A_605 = arith.addi %sub3A_601, %broadcast_in_dim3A_6 : vector<16xi32>
    %select_n3A_606 = arith.select %lt3A_604, %add3A_605, %sub3A_601 : vector<16xi1>, vector<16xi32>
    %ge3A_607 = arith.constant 500000 : i32
    %ge3A_608 = vector.broadcast %ge3A_607 : i32 to vector<16xi32>
    %ge3A_609 = arith.cmpi sge, %select_n3A_606, %ge3A_608 : vector<16xi32>
    %sub3A_610 = arith.subi %select_n3A_606, %broadcast_in_dim3A_6 : vector<16xi32>
    %select_n3A_611 = arith.select %ge3A_609, %sub3A_610, %select_n3A_606 : vector<16xi1>, vector<16xi32>
    %swap3A_612 = arith.constant 2 : i64
    %swap3A_613 = arith.index_cast %swap3A_612 : i64 to index
    %swap3A_614 = arith.constant 32 : index
    %swap3A_615 = tpu.vector_load %arg11[%swap3A_613, %swap3A_614] {strides = array<i32>} : memref<12x128xi32, #tpu.memory_space<vmem>>, vector<1x16xi32>,
    %swap3A_616 = vector.shape_cast %swap3A_615 : vector<1x16xi32> to vector<16xi32>
    %swap3A_617 = vector.shape_cast %select_n3A_611 : vector<16xi32> to vector<1x16xi32>
    tpu.vector_store %arg11[%swap3A_613, %swap3A_614], %swap3A_617 {strides = array<i32>} : memref<12x128xi32, #tpu.memory_space<vmem>>, vector<1x16xi32>,
    %add3A_618 = arith.constant 6 : i32
    %add3A_619 = arith.addi %add3A_502, %add3A_618 : i32
    %sub3A_620 = arith.constant 1 : i32
    %sub3A_621 = arith.subi %add3A_619, %sub3A_620 : i32
    %get3A_622 = arith.index_cast %sub3A_621 : i32 to index
    %get3A_623 = tpu.vector_load %arg10[%get3A_622] {strides = array<i32>} : memref<8208xi32, #tpu.memory_space<vmem>>, vector<16xi32>,
    %get3A_624 = vector.shape_cast %get3A_623 : vector<16xi32> to vector<16xi32>
    %mul3A_625 = arith.constant 127776 : i32
    %mul3A_626 = vector.broadcast %mul3A_625 : i32 to vector<16xi32>
    %mul3A_627 = arith.muli %get3A_624, %mul3A_626 : vector<16xi32>
    %add3A_628 = arith.addi %add3A_593, %mul3A_627 : vector<16xi32>
    %max3A_629 = arith.maxsi %add3A_628, %broadcast_in_dim3A_8 : vector<16xi32>
    %convert_element_type3A_630 = arith.sitofp %max3A_629 : vector<16xi32> to vector<16xf32>
    %mul3A_631 = arith.mulf %convert_element_type3A_630, %broadcast_in_dim3A_12 : vector<16xf32>
    %convert_element_type3A_632 = arith.fptosi %mul3A_631 : vector<16xf32> to vector<16xi32>
    %mul3A_633 = arith.constant 500000 : i32
    %mul3A_634 = vector.broadcast %mul3A_633 : i32 to vector<16xi32>
    %mul3A_635 = arith.muli %convert_element_type3A_632, %mul3A_634 : vector<16xi32>
    %sub3A_636 = arith.subi %max3A_629, %mul3A_635 : vector<16xi32>
    %lt3A_637 = arith.constant 0 : i32
    %lt3A_638 = vector.broadcast %lt3A_637 : i32 to vector<16xi32>
    %lt3A_639 = arith.cmpi slt, %sub3A_636, %lt3A_638 : vector<16xi32>
    %add3A_640 = arith.addi %sub3A_636, %broadcast_in_dim3A_6 : vector<16xi32>
    %select_n3A_641 = arith.select %lt3A_639, %add3A_640, %sub3A_636 : vector<16xi1>, vector<16xi32>
    %ge3A_642 = arith.constant 500000 : i32
    %ge3A_643 = vector.broadcast %ge3A_642 : i32 to vector<16xi32>
    %ge3A_644 = arith.cmpi sge, %select_n3A_641, %ge3A_643 : vector<16xi32>
    %sub3A_645 = arith.subi %select_n3A_641, %broadcast_in_dim3A_6 : vector<16xi32>
    %select_n3A_646 = arith.select %ge3A_644, %sub3A_645, %select_n3A_641 : vector<16xi1>, vector<16xi32>
    %swap3A_647 = arith.constant 3 : i64
    %swap3A_648 = arith.index_cast %swap3A_647 : i64 to index
    %swap3A_649 = arith.constant 32 : index
    %swap3A_650 = tpu.vector_load %arg11[%swap3A_648, %swap3A_649] {strides = array<i32>} : memref<12x128xi32, #tpu.memory_space<vmem>>, vector<1x16xi32>,
    %swap3A_651 = vector.shape_cast %swap3A_650 : vector<1x16xi32> to vector<16xi32>
    %swap3A_652 = vector.shape_cast %select_n3A_646 : vector<16xi32> to vector<1x16xi32>
    tpu.vector_store %arg11[%swap3A_648, %swap3A_649], %swap3A_652 {strides = array<i32>} : memref<12x128xi32, #tpu.memory_space<vmem>>, vector<1x16xi32>,
    %add3A_653 = arith.constant 7 : i32
    %add3A_654 = arith.addi %add3A_502, %add3A_653 : i32
    %sub3A_655 = arith.constant 1 : i32
    %sub3A_656 = arith.subi %add3A_654, %sub3A_655 : i32
    %get3A_657 = arith.index_cast %sub3A_656 : i32 to index
    %get3A_658 = tpu.vector_load %arg10[%get3A_657] {strides = array<i32>} : memref<8208xi32, #tpu.memory_space<vmem>>, vector<16xi32>,
    %get3A_659 = vector.shape_cast %get3A_658 : vector<16xi32> to vector<16xi32>
    %mul3A_660 = arith.constant 210656 : i32
    %mul3A_661 = vector.broadcast %mul3A_660 : i32 to vector<16xi32>
    %mul3A_662 = arith.muli %get3A_659, %mul3A_661 : vector<16xi32>
    %add3A_663 = arith.addi %add3A_628, %mul3A_662 : vector<16xi32>
    %max3A_664 = arith.maxsi %add3A_663, %broadcast_in_dim3A_8 : vector<16xi32>
    %convert_element_type3A_665 = arith.sitofp %max3A_664 : vector<16xi32> to vector<16xf32>
    %mul3A_666 = arith.mulf %convert_element_type3A_665, %broadcast_in_dim3A_12 : vector<16xf32>
    %convert_element_type3A_667 = arith.fptosi %mul3A_666 : vector<16xf32> to vector<16xi32>
    %mul3A_668 = arith.constant 500000 : i32
    %mul3A_669 = vector.broadcast %mul3A_668 : i32 to vector<16xi32>
    %mul3A_670 = arith.muli %convert_element_type3A_667, %mul3A_669 : vector<16xi32>
    %sub3A_671 = arith.subi %max3A_664, %mul3A_670 : vector<16xi32>
    %lt3A_672 = arith.constant 0 : i32
    %lt3A_673 = vector.broadcast %lt3A_672 : i32 to vector<16xi32>
    %lt3A_674 = arith.cmpi slt, %sub3A_671, %lt3A_673 : vector<16xi32>
    %add3A_675 = arith.addi %sub3A_671, %broadcast_in_dim3A_6 : vector<16xi32>
    %select_n3A_676 = arith.select %lt3A_674, %add3A_675, %sub3A_671 : vector<16xi1>, vector<16xi32>
    %ge3A_677 = arith.constant 500000 : i32
    %ge3A_678 = vector.broadcast %ge3A_677 : i32 to vector<16xi32>
    %ge3A_679 = arith.cmpi sge, %select_n3A_676, %ge3A_678 : vector<16xi32>
    %sub3A_680 = arith.subi %select_n3A_676, %broadcast_in_dim3A_6 : vector<16xi32>
    %select_n3A_681 = arith.select %ge3A_679, %sub3A_680, %select_n3A_676 : vector<16xi1>, vector<16xi32>
    %swap3A_682 = arith.constant 4 : i64
    %swap3A_683 = arith.index_cast %swap3A_682 : i64 to index
    %swap3A_684 = arith.constant 32 : index
    %swap3A_685 = tpu.vector_load %arg11[%swap3A_683, %swap3A_684] {strides = array<i32>} : memref<12x128xi32, #tpu.memory_space<vmem>>, vector<1x16xi32>,
    %swap3A_686 = vector.shape_cast %swap3A_685 : vector<1x16xi32> to vector<16xi32>
    %swap3A_687 = vector.shape_cast %select_n3A_681 : vector<16xi32> to vector<1x16xi32>
    tpu.vector_store %arg11[%swap3A_683, %swap3A_684], %swap3A_687 {strides = array<i32>} : memref<12x128xi32, #tpu.memory_space<vmem>>, vector<1x16xi32>,
    %add3A_688 = arith.constant 8 : i32
    %add3A_689 = arith.addi %add3A_502, %add3A_688 : i32
    %sub3A_690 = arith.constant 1 : i32
    %sub3A_691 = arith.subi %add3A_689, %sub3A_690 : i32
    %get3A_692 = arith.index_cast %sub3A_691 : i32 to index
    %get3A_693 = tpu.vector_load %arg10[%get3A_692] {strides = array<i32>} : memref<8208xi32, #tpu.memory_space<vmem>>, vector<16xi32>,
    %get3A_694 = vector.shape_cast %get3A_693 : vector<16xi32> to vector<16xi32>
    %mul3A_695 = arith.constant 427936 : i32
    %mul3A_696 = vector.broadcast %mul3A_695 : i32 to vector<16xi32>
    %mul3A_697 = arith.muli %get3A_694, %mul3A_696 : vector<16xi32>
    %add3A_698 = arith.addi %add3A_663, %mul3A_697 : vector<16xi32>
    %add3A_699 = arith.constant 7 : i32
    %add3A_700 = arith.addi %add3A_502, %add3A_699 : i32
    %get3A_701 = arith.index_cast %add3A_700 : i32 to index
    %get3A_702 = tpu.vector_load %arg10[%get3A_701] {strides = array<i32>} : memref<8208xi32, #tpu.memory_space<vmem>>, vector<16xi32>,
    %get3A_703 = vector.shape_cast %get3A_702 : vector<16xi32> to vector<16xi32>
    %ge3A_704 = arith.constant 128 : i32
    %ge3A_705 = vector.broadcast %ge3A_704 : i32 to vector<16xi32>
    %ge3A_706 = arith.cmpi sge, %get3A_703, %ge3A_705 : vector<16xi32>
    %select_n3A_707 = arith.select %ge3A_706, %broadcast_in_dim3A_10, %broadcast_in_dim3A_8 : vector<16xi1>, vector<16xi32>
    %add3A_708 = arith.addi %add3A_698, %select_n3A_707 : vector<16xi32>
    %max3A_709 = arith.maxsi %add3A_708, %broadcast_in_dim3A_8 : vector<16xi32>
    %convert_element_type3A_710 = arith.sitofp %max3A_709 : vector<16xi32> to vector<16xf32>
    %mul3A_711 = arith.mulf %convert_element_type3A_710, %broadcast_in_dim3A_12 : vector<16xf32>
    %convert_element_type3A_712 = arith.fptosi %mul3A_711 : vector<16xf32> to vector<16xi32>
    %mul3A_713 = arith.constant 500000 : i32
    %mul3A_714 = vector.broadcast %mul3A_713 : i32 to vector<16xi32>
    %mul3A_715 = arith.muli %convert_element_type3A_712, %mul3A_714 : vector<16xi32>
    %sub3A_716 = arith.subi %max3A_709, %mul3A_715 : vector<16xi32>
    %lt3A_717 = arith.constant 0 : i32
    %lt3A_718 = vector.broadcast %lt3A_717 : i32 to vector<16xi32>
    %lt3A_719 = arith.cmpi slt, %sub3A_716, %lt3A_718 : vector<16xi32>
    %add3A_720 = arith.addi %sub3A_716, %broadcast_in_dim3A_6 : vector<16xi32>
    %select_n3A_721 = arith.select %lt3A_719, %add3A_720, %sub3A_716 : vector<16xi1>, vector<16xi32>
    %ge3A_722 = arith.constant 500000 : i32
    %ge3A_723 = vector.broadcast %ge3A_722 : i32 to vector<16xi32>
    %ge3A_724 = arith.cmpi sge, %select_n3A_721, %ge3A_723 : vector<16xi32>
    %sub3A_725 = arith.subi %select_n3A_721, %broadcast_in_dim3A_6 : vector<16xi32>
    %select_n3A_726 = arith.select %ge3A_724, %sub3A_725, %select_n3A_721 : vector<16xi1>, vector<16xi32>
    %swap3A_727 = arith.constant 5 : i64
    %swap3A_728 = arith.index_cast %swap3A_727 : i64 to index
    %swap3A_729 = arith.constant 32 : index
    %swap3A_730 = tpu.vector_load %arg11[%swap3A_728, %swap3A_729] {strides = array<i32>} : memref<12x128xi32, #tpu.memory_space<vmem>>, vector<1x16xi32>,
    %swap3A_731 = vector.shape_cast %swap3A_730 : vector<1x16xi32> to vector<16xi32>
    %swap3A_732 = vector.shape_cast %select_n3A_726 : vector<16xi32> to vector<1x16xi32>
    tpu.vector_store %arg11[%swap3A_728, %swap3A_729], %swap3A_732 {strides = array<i32>} : memref<12x128xi32, #tpu.memory_space<vmem>>, vector<1x16xi32>,
    %add3A_733 = arith.constant 48 : i32
    %add3A_734 = arith.addi %add3A_40, %add3A_733 : i32
    %get3A_735 = arith.index_cast %add3A_734 : i32 to index
    %get3A_736 = tpu.vector_load %arg10[%get3A_735] {strides = array<i32>} : memref<8208xi32, #tpu.memory_space<vmem>>, vector<16xi32>,
    %get3A_737 = vector.shape_cast %get3A_736 : vector<16xi32> to vector<16xi32>
    %add3A_738 = arith.constant 1 : i32
    %add3A_739 = arith.addi %add3A_734, %add3A_738 : i32
    %get3A_740 = arith.index_cast %add3A_739 : i32 to index
    %get3A_741 = tpu.vector_load %arg10[%get3A_740] {strides = array<i32>} : memref<8208xi32, #tpu.memory_space<vmem>>, vector<16xi32>,
    %get3A_742 = vector.shape_cast %get3A_741 : vector<16xi32> to vector<16xi32>
    %mul3A_743 = arith.constant 256 : i32
    %mul3A_744 = vector.broadcast %mul3A_743 : i32 to vector<16xi32>
    %mul3A_745 = arith.muli %get3A_742, %mul3A_744 : vector<16xi32>
    %add3A_746 = arith.addi %get3A_737, %mul3A_745 : vector<16xi32>
    %add3A_747 = arith.constant 2 : i32
    %add3A_748 = arith.addi %add3A_734, %add3A_747 : i32
    %get3A_749 = arith.index_cast %add3A_748 : i32 to index
    %get3A_750 = tpu.vector_load %arg10[%get3A_749] {strides = array<i32>} : memref<8208xi32, #tpu.memory_space<vmem>>, vector<16xi32>,
    %get3A_751 = vector.shape_cast %get3A_750 : vector<16xi32> to vector<16xi32>
    %mul3A_752 = arith.constant 65536 : i32
    %mul3A_753 = vector.broadcast %mul3A_752 : i32 to vector<16xi32>
    %mul3A_754 = arith.muli %get3A_751, %mul3A_753 : vector<16xi32>
    %add3A_755 = arith.addi %add3A_746, %mul3A_754 : vector<16xi32>
    %max3A_756 = arith.maxsi %add3A_755, %broadcast_in_dim3A_8 : vector<16xi32>
    %convert_element_type3A_757 = arith.sitofp %max3A_756 : vector<16xi32> to vector<16xf32>
    %mul3A_758 = arith.mulf %convert_element_type3A_757, %broadcast_in_dim3A_12 : vector<16xf32>
    %convert_element_type3A_759 = arith.fptosi %mul3A_758 : vector<16xf32> to vector<16xi32>
    %mul3A_760 = arith.constant 500000 : i32
    %mul3A_761 = vector.broadcast %mul3A_760 : i32 to vector<16xi32>
    %mul3A_762 = arith.muli %convert_element_type3A_759, %mul3A_761 : vector<16xi32>
    %sub3A_763 = arith.subi %max3A_756, %mul3A_762 : vector<16xi32>
    %lt3A_764 = arith.constant 0 : i32
    %lt3A_765 = vector.broadcast %lt3A_764 : i32 to vector<16xi32>
    %lt3A_766 = arith.cmpi slt, %sub3A_763, %lt3A_765 : vector<16xi32>
    %add3A_767 = arith.addi %sub3A_763, %broadcast_in_dim3A_6 : vector<16xi32>
    %select_n3A_768 = arith.select %lt3A_766, %add3A_767, %sub3A_763 : vector<16xi1>, vector<16xi32>
    %ge3A_769 = arith.constant 500000 : i32
    %ge3A_770 = vector.broadcast %ge3A_769 : i32 to vector<16xi32>
    %ge3A_771 = arith.cmpi sge, %select_n3A_768, %ge3A_770 : vector<16xi32>
    %sub3A_772 = arith.subi %select_n3A_768, %broadcast_in_dim3A_6 : vector<16xi32>
    %select_n3A_773 = arith.select %ge3A_771, %sub3A_772, %select_n3A_768 : vector<16xi1>, vector<16xi32>
    %swap3A_774 = arith.constant 0 : i64
    %swap3A_775 = arith.index_cast %swap3A_774 : i64 to index
    %swap3A_776 = arith.constant 48 : index
    %swap3A_777 = tpu.vector_load %arg11[%swap3A_775, %swap3A_776] {strides = array<i32>} : memref<12x128xi32, #tpu.memory_space<vmem>>, vector<1x16xi32>,
    %swap3A_778 = vector.shape_cast %swap3A_777 : vector<1x16xi32> to vector<16xi32>
    %swap3A_779 = vector.shape_cast %select_n3A_773 : vector<16xi32> to vector<1x16xi32>
    tpu.vector_store %arg11[%swap3A_775, %swap3A_776], %swap3A_779 {strides = array<i32>} : memref<12x128xi32, #tpu.memory_space<vmem>>, vector<1x16xi32>,
    %add3A_780 = arith.constant 4 : i32
    %add3A_781 = arith.addi %add3A_734, %add3A_780 : i32
    %sub3A_782 = arith.constant 1 : i32
    %sub3A_783 = arith.subi %add3A_781, %sub3A_782 : i32
    %get3A_784 = arith.index_cast %sub3A_783 : i32 to index
    %get3A_785 = tpu.vector_load %arg10[%get3A_784] {strides = array<i32>} : memref<8208xi32, #tpu.memory_space<vmem>>, vector<16xi32>,
    %get3A_786 = vector.shape_cast %get3A_785 : vector<16xi32> to vector<16xi32>
    %mul3A_787 = arith.constant 277216 : i32
    %mul3A_788 = vector.broadcast %mul3A_787 : i32 to vector<16xi32>
    %mul3A_789 = arith.muli %get3A_786, %mul3A_788 : vector<16xi32>
    %add3A_790 = arith.addi %add3A_755, %mul3A_789 : vector<16xi32>
    %max3A_791 = arith.maxsi %add3A_790, %broadcast_in_dim3A_8 : vector<16xi32>
    %convert_element_type3A_792 = arith.sitofp %max3A_791 : vector<16xi32> to vector<16xf32>
    %mul3A_793 = arith.mulf %convert_element_type3A_792, %broadcast_in_dim3A_12 : vector<16xf32>
    %convert_element_type3A_794 = arith.fptosi %mul3A_793 : vector<16xf32> to vector<16xi32>
    %mul3A_795 = arith.constant 500000 : i32
    %mul3A_796 = vector.broadcast %mul3A_795 : i32 to vector<16xi32>
    %mul3A_797 = arith.muli %convert_element_type3A_794, %mul3A_796 : vector<16xi32>
    %sub3A_798 = arith.subi %max3A_791, %mul3A_797 : vector<16xi32>
    %lt3A_799 = arith.constant 0 : i32
    %lt3A_800 = vector.broadcast %lt3A_799 : i32 to vector<16xi32>
    %lt3A_801 = arith.cmpi slt, %sub3A_798, %lt3A_800 : vector<16xi32>
    %add3A_802 = arith.addi %sub3A_798, %broadcast_in_dim3A_6 : vector<16xi32>
    %select_n3A_803 = arith.select %lt3A_801, %add3A_802, %sub3A_798 : vector<16xi1>, vector<16xi32>
    %ge3A_804 = arith.constant 500000 : i32
    %ge3A_805 = vector.broadcast %ge3A_804 : i32 to vector<16xi32>
    %ge3A_806 = arith.cmpi sge, %select_n3A_803, %ge3A_805 : vector<16xi32>
    %sub3A_807 = arith.subi %select_n3A_803, %broadcast_in_dim3A_6 : vector<16xi32>
    %select_n3A_808 = arith.select %ge3A_806, %sub3A_807, %select_n3A_803 : vector<16xi1>, vector<16xi32>
    %swap3A_809 = arith.constant 1 : i64
    %swap3A_810 = arith.index_cast %swap3A_809 : i64 to index
    %swap3A_811 = arith.constant 48 : index
    %swap3A_812 = tpu.vector_load %arg11[%swap3A_810, %swap3A_811] {strides = array<i32>} : memref<12x128xi32, #tpu.memory_space<vmem>>, vector<1x16xi32>,
    %swap3A_813 = vector.shape_cast %swap3A_812 : vector<1x16xi32> to vector<16xi32>
    %swap3A_814 = vector.shape_cast %select_n3A_808 : vector<16xi32> to vector<1x16xi32>
    tpu.vector_store %arg11[%swap3A_810, %swap3A_811], %swap3A_814 {strides = array<i32>} : memref<12x128xi32, #tpu.memory_space<vmem>>, vector<1x16xi32>,
    %add3A_815 = arith.constant 5 : i32
    %add3A_816 = arith.addi %add3A_734, %add3A_815 : i32
    %sub3A_817 = arith.constant 1 : i32
    %sub3A_818 = arith.subi %add3A_816, %sub3A_817 : i32
    %get3A_819 = arith.index_cast %sub3A_818 : i32 to index
    %get3A_820 = tpu.vector_load %arg10[%get3A_819] {strides = array<i32>} : memref<8208xi32, #tpu.memory_space<vmem>>, vector<16xi32>,
    %get3A_821 = vector.shape_cast %get3A_820 : vector<16xi32> to vector<16xi32>
    %mul3A_822 = arith.constant 467296 : i32
    %mul3A_823 = vector.broadcast %mul3A_822 : i32 to vector<16xi32>
    %mul3A_824 = arith.muli %get3A_821, %mul3A_823 : vector<16xi32>
    %add3A_825 = arith.addi %add3A_790, %mul3A_824 : vector<16xi32>
    %max3A_826 = arith.maxsi %add3A_825, %broadcast_in_dim3A_8 : vector<16xi32>
    %convert_element_type3A_827 = arith.sitofp %max3A_826 : vector<16xi32> to vector<16xf32>
    %mul3A_828 = arith.mulf %convert_element_type3A_827, %broadcast_in_dim3A_12 : vector<16xf32>
    %convert_element_type3A_829 = arith.fptosi %mul3A_828 : vector<16xf32> to vector<16xi32>
    %mul3A_830 = arith.constant 500000 : i32
    %mul3A_831 = vector.broadcast %mul3A_830 : i32 to vector<16xi32>
    %mul3A_832 = arith.muli %convert_element_type3A_829, %mul3A_831 : vector<16xi32>
    %sub3A_833 = arith.subi %max3A_826, %mul3A_832 : vector<16xi32>
    %lt3A_834 = arith.constant 0 : i32
    %lt3A_835 = vector.broadcast %lt3A_834 : i32 to vector<16xi32>
    %lt3A_836 = arith.cmpi slt, %sub3A_833, %lt3A_835 : vector<16xi32>
    %add3A_837 = arith.addi %sub3A_833, %broadcast_in_dim3A_6 : vector<16xi32>
    %select_n3A_838 = arith.select %lt3A_836, %add3A_837, %sub3A_833 : vector<16xi1>, vector<16xi32>
    %ge3A_839 = arith.constant 500000 : i32
    %ge3A_840 = vector.broadcast %ge3A_839 : i32 to vector<16xi32>
    %ge3A_841 = arith.cmpi sge, %select_n3A_838, %ge3A_840 : vector<16xi32>
    %sub3A_842 = arith.subi %select_n3A_838, %broadcast_in_dim3A_6 : vector<16xi32>
    %select_n3A_843 = arith.select %ge3A_841, %sub3A_842, %select_n3A_838 : vector<16xi1>, vector<16xi32>
    %swap3A_844 = arith.constant 2 : i64
    %swap3A_845 = arith.index_cast %swap3A_844 : i64 to index
    %swap3A_846 = arith.constant 48 : index
    %swap3A_847 = tpu.vector_load %arg11[%swap3A_845, %swap3A_846] {strides = array<i32>} : memref<12x128xi32, #tpu.memory_space<vmem>>, vector<1x16xi32>,
    %swap3A_848 = vector.shape_cast %swap3A_847 : vector<1x16xi32> to vector<16xi32>
    %swap3A_849 = vector.shape_cast %select_n3A_843 : vector<16xi32> to vector<1x16xi32>
    tpu.vector_store %arg11[%swap3A_845, %swap3A_846], %swap3A_849 {strides = array<i32>} : memref<12x128xi32, #tpu.memory_space<vmem>>, vector<1x16xi32>,
    %add3A_850 = arith.constant 6 : i32
    %add3A_851 = arith.addi %add3A_734, %add3A_850 : i32
    %sub3A_852 = arith.constant 1 : i32
    %sub3A_853 = arith.subi %add3A_851, %sub3A_852 : i32
    %get3A_854 = arith.index_cast %sub3A_853 : i32 to index
    %get3A_855 = tpu.vector_load %arg10[%get3A_854] {strides = array<i32>} : memref<8208xi32, #tpu.memory_space<vmem>>, vector<16xi32>,
    %get3A_856 = vector.shape_cast %get3A_855 : vector<16xi32> to vector<16xi32>
    %mul3A_857 = arith.constant 127776 : i32
    %mul3A_858 = vector.broadcast %mul3A_857 : i32 to vector<16xi32>
    %mul3A_859 = arith.muli %get3A_856, %mul3A_858 : vector<16xi32>
    %add3A_860 = arith.addi %add3A_825, %mul3A_859 : vector<16xi32>
    %max3A_861 = arith.maxsi %add3A_860, %broadcast_in_dim3A_8 : vector<16xi32>
    %convert_element_type3A_862 = arith.sitofp %max3A_861 : vector<16xi32> to vector<16xf32>
    %mul3A_863 = arith.mulf %convert_element_type3A_862, %broadcast_in_dim3A_12 : vector<16xf32>
    %convert_element_type3A_864 = arith.fptosi %mul3A_863 : vector<16xf32> to vector<16xi32>
    %mul3A_865 = arith.constant 500000 : i32
    %mul3A_866 = vector.broadcast %mul3A_865 : i32 to vector<16xi32>
    %mul3A_867 = arith.muli %convert_element_type3A_864, %mul3A_866 : vector<16xi32>
    %sub3A_868 = arith.subi %max3A_861, %mul3A_867 : vector<16xi32>
    %lt3A_869 = arith.constant 0 : i32
    %lt3A_870 = vector.broadcast %lt3A_869 : i32 to vector<16xi32>
    %lt3A_871 = arith.cmpi slt, %sub3A_868, %lt3A_870 : vector<16xi32>
    %add3A_872 = arith.addi %sub3A_868, %broadcast_in_dim3A_6 : vector<16xi32>
    %select_n3A_873 = arith.select %lt3A_871, %add3A_872, %sub3A_868 : vector<16xi1>, vector<16xi32>
    %ge3A_874 = arith.constant 500000 : i32
    %ge3A_875 = vector.broadcast %ge3A_874 : i32 to vector<16xi32>
    %ge3A_876 = arith.cmpi sge, %select_n3A_873, %ge3A_875 : vector<16xi32>
    %sub3A_877 = arith.subi %select_n3A_873, %broadcast_in_dim3A_6 : vector<16xi32>
    %select_n3A_878 = arith.select %ge3A_876, %sub3A_877, %select_n3A_873 : vector<16xi1>, vector<16xi32>
    %swap3A_879 = arith.constant 3 : i64
    %swap3A_880 = arith.index_cast %swap3A_879 : i64 to index
    %swap3A_881 = arith.constant 48 : index
    %swap3A_882 = tpu.vector_load %arg11[%swap3A_880, %swap3A_881] {strides = array<i32>} : memref<12x128xi32, #tpu.memory_space<vmem>>, vector<1x16xi32>,
    %swap3A_883 = vector.shape_cast %swap3A_882 : vector<1x16xi32> to vector<16xi32>
    %swap3A_884 = vector.shape_cast %select_n3A_878 : vector<16xi32> to vector<1x16xi32>
    tpu.vector_store %arg11[%swap3A_880, %swap3A_881], %swap3A_884 {strides = array<i32>} : memref<12x128xi32, #tpu.memory_space<vmem>>, vector<1x16xi32>,
    %add3A_885 = arith.constant 7 : i32
    %add3A_886 = arith.addi %add3A_734, %add3A_885 : i32
    %sub3A_887 = arith.constant 1 : i32
    %sub3A_888 = arith.subi %add3A_886, %sub3A_887 : i32
    %get3A_889 = arith.index_cast %sub3A_888 : i32 to index
    %get3A_890 = tpu.vector_load %arg10[%get3A_889] {strides = array<i32>} : memref<8208xi32, #tpu.memory_space<vmem>>, vector<16xi32>,
    %get3A_891 = vector.shape_cast %get3A_890 : vector<16xi32> to vector<16xi32>
    %mul3A_892 = arith.constant 210656 : i32
    %mul3A_893 = vector.broadcast %mul3A_892 : i32 to vector<16xi32>
    %mul3A_894 = arith.muli %get3A_891, %mul3A_893 : vector<16xi32>
    %add3A_895 = arith.addi %add3A_860, %mul3A_894 : vector<16xi32>
    %max3A_896 = arith.maxsi %add3A_895, %broadcast_in_dim3A_8 : vector<16xi32>
    %convert_element_type3A_897 = arith.sitofp %max3A_896 : vector<16xi32> to vector<16xf32>
    %mul3A_898 = arith.mulf %convert_element_type3A_897, %broadcast_in_dim3A_12 : vector<16xf32>
    %convert_element_type3A_899 = arith.fptosi %mul3A_898 : vector<16xf32> to vector<16xi32>
    %mul3A_900 = arith.constant 500000 : i32
    %mul3A_901 = vector.broadcast %mul3A_900 : i32 to vector<16xi32>
    %mul3A_902 = arith.muli %convert_element_type3A_899, %mul3A_901 : vector<16xi32>
    %sub3A_903 = arith.subi %max3A_896, %mul3A_902 : vector<16xi32>
    %lt3A_904 = arith.constant 0 : i32
    %lt3A_905 = vector.broadcast %lt3A_904 : i32 to vector<16xi32>
    %lt3A_906 = arith.cmpi slt, %sub3A_903, %lt3A_905 : vector<16xi32>
    %add3A_907 = arith.addi %sub3A_903, %broadcast_in_dim3A_6 : vector<16xi32>
    %select_n3A_908 = arith.select %lt3A_906, %add3A_907, %sub3A_903 : vector<16xi1>, vector<16xi32>
    %ge3A_909 = arith.constant 500000 : i32
    %ge3A_910 = vector.broadcast %ge3A_909 : i32 to vector<16xi32>
    %ge3A_911 = arith.cmpi sge, %select_n3A_908, %ge3A_910 : vector<16xi32>
    %sub3A_912 = arith.subi %select_n3A_908, %broadcast_in_dim3A_6 : vector<16xi32>
    %select_n3A_913 = arith.select %ge3A_911, %sub3A_912, %select_n3A_908 : vector<16xi1>, vector<16xi32>
    %swap3A_914 = arith.constant 4 : i64
    %swap3A_915 = arith.index_cast %swap3A_914 : i64 to index
    %swap3A_916 = arith.constant 48 : index
    %swap3A_917 = tpu.vector_load %arg11[%swap3A_915, %swap3A_916] {strides = array<i32>} : memref<12x128xi32, #tpu.memory_space<vmem>>, vector<1x16xi32>,
    %swap3A_918 = vector.shape_cast %swap3A_917 : vector<1x16xi32> to vector<16xi32>
    %swap3A_919 = vector.shape_cast %select_n3A_913 : vector<16xi32> to vector<1x16xi32>
    tpu.vector_store %arg11[%swap3A_915, %swap3A_916], %swap3A_919 {strides = array<i32>} : memref<12x128xi32, #tpu.memory_space<vmem>>, vector<1x16xi32>,
    %add3A_920 = arith.constant 8 : i32
    %add3A_921 = arith.addi %add3A_734, %add3A_920 : i32
    %sub3A_922 = arith.constant 1 : i32
    %sub3A_923 = arith.subi %add3A_921, %sub3A_922 : i32
    %get3A_924 = arith.index_cast %sub3A_923 : i32 to index
    %get3A_925 = tpu.vector_load %arg10[%get3A_924] {strides = array<i32>} : memref<8208xi32, #tpu.memory_space<vmem>>, vector<16xi32>,
    %get3A_926 = vector.shape_cast %get3A_925 : vector<16xi32> to vector<16xi32>
    %mul3A_927 = arith.constant 427936 : i32
    %mul3A_928 = vector.broadcast %mul3A_927 : i32 to vector<16xi32>
    %mul3A_929 = arith.muli %get3A_926, %mul3A_928 : vector<16xi32>
    %add3A_930 = arith.addi %add3A_895, %mul3A_929 : vector<16xi32>
    %add3A_931 = arith.constant 7 : i32
    %add3A_932 = arith.addi %add3A_734, %add3A_931 : i32
    %get3A_933 = arith.index_cast %add3A_932 : i32 to index
    %get3A_934 = tpu.vector_load %arg10[%get3A_933] {strides = array<i32>} : memref<8208xi32, #tpu.memory_space<vmem>>, vector<16xi32>,
    %get3A_935 = vector.shape_cast %get3A_934 : vector<16xi32> to vector<16xi32>
    %ge3A_936 = arith.constant 128 : i32
    %ge3A_937 = vector.broadcast %ge3A_936 : i32 to vector<16xi32>
    %ge3A_938 = arith.cmpi sge, %get3A_935, %ge3A_937 : vector<16xi32>
    %select_n3A_939 = arith.select %ge3A_938, %broadcast_in_dim3A_10, %broadcast_in_dim3A_8 : vector<16xi1>, vector<16xi32>
    %add3A_940 = arith.addi %add3A_930, %select_n3A_939 : vector<16xi32>
    %max3A_941 = arith.maxsi %add3A_940, %broadcast_in_dim3A_8 : vector<16xi32>
    %convert_element_type3A_942 = arith.sitofp %max3A_941 : vector<16xi32> to vector<16xf32>
    %mul3A_943 = arith.mulf %convert_element_type3A_942, %broadcast_in_dim3A_12 : vector<16xf32>
    %convert_element_type3A_944 = arith.fptosi %mul3A_943 : vector<16xf32> to vector<16xi32>
    %mul3A_945 = arith.constant 500000 : i32
    %mul3A_946 = vector.broadcast %mul3A_945 : i32 to vector<16xi32>
    %mul3A_947 = arith.muli %convert_element_type3A_944, %mul3A_946 : vector<16xi32>
    %sub3A_948 = arith.subi %max3A_941, %mul3A_947 : vector<16xi32>
    %lt3A_949 = arith.constant 0 : i32
    %lt3A_950 = vector.broadcast %lt3A_949 : i32 to vector<16xi32>
    %lt3A_951 = arith.cmpi slt, %sub3A_948, %lt3A_950 : vector<16xi32>
    %add3A_952 = arith.addi %sub3A_948, %broadcast_in_dim3A_6 : vector<16xi32>
    %select_n3A_953 = arith.select %lt3A_951, %add3A_952, %sub3A_948 : vector<16xi1>, vector<16xi32>
    %ge3A_954 = arith.constant 500000 : i32
    %ge3A_955 = vector.broadcast %ge3A_954 : i32 to vector<16xi32>
    %ge3A_956 = arith.cmpi sge, %select_n3A_953, %ge3A_955 : vector<16xi32>
    %sub3A_957 = arith.subi %select_n3A_953, %broadcast_in_dim3A_6 : vector<16xi32>
    %select_n3A_958 = arith.select %ge3A_956, %sub3A_957, %select_n3A_953 : vector<16xi1>, vector<16xi32>
    %swap3A_959 = arith.constant 5 : i64
    %swap3A_960 = arith.index_cast %swap3A_959 : i64 to index
    %swap3A_961 = arith.constant 48 : index
    %swap3A_962 = tpu.vector_load %arg11[%swap3A_960, %swap3A_961] {strides = array<i32>} : memref<12x128xi32, #tpu.memory_space<vmem>>, vector<1x16xi32>,
    %swap3A_963 = vector.shape_cast %swap3A_962 : vector<1x16xi32> to vector<16xi32>
    %swap3A_964 = vector.shape_cast %select_n3A_958 : vector<16xi32> to vector<1x16xi32>
    tpu.vector_store %arg11[%swap3A_960, %swap3A_961], %swap3A_964 {strides = array<i32>} : memref<12x128xi32, #tpu.memory_space<vmem>>, vector<1x16xi32>,
    %add3A_965 = arith.constant 64 : i32
    %add3A_966 = arith.addi %add3A_40, %add3A_965 : i32
    %get3A_967 = arith.index_cast %add3A_966 : i32 to index
    %get3A_968 = tpu.vector_load %arg10[%get3A_967] {strides = array<i32>} : memref<8208xi32, #tpu.memory_space<vmem>>, vector<16xi32>,
    %get3A_969 = vector.shape_cast %get3A_968 : vector<16xi32> to vector<16xi32>
    %add3A_970 = arith.constant 1 : i32
    %add3A_971 = arith.addi %add3A_966, %add3A_970 : i32
    %get3A_972 = arith.index_cast %add3A_971 : i32 to index
    %get3A_973 = tpu.vector_load %arg10[%get3A_972] {strides = array<i32>} : memref<8208xi32, #tpu.memory_space<vmem>>, vector<16xi32>,
    %get3A_974 = vector.shape_cast %get3A_973 : vector<16xi32> to vector<16xi32>
    %mul3A_975 = arith.constant 256 : i32
    %mul3A_976 = vector.broadcast %mul3A_975 : i32 to vector<16xi32>
    %mul3A_977 = arith.muli %get3A_974, %mul3A_976 : vector<16xi32>
    %add3A_978 = arith.addi %get3A_969, %mul3A_977 : vector<16xi32>
    %add3A_979 = arith.constant 2 : i32
    %add3A_980 = arith.addi %add3A_966, %add3A_979 : i32
    %get3A_981 = arith.index_cast %add3A_980 : i32 to index
    %get3A_982 = tpu.vector_load %arg10[%get3A_981] {strides = array<i32>} : memref<8208xi32, #tpu.memory_space<vmem>>, vector<16xi32>,
    %get3A_983 = vector.shape_cast %get3A_982 : vector<16xi32> to vector<16xi32>
    %mul3A_984 = arith.constant 65536 : i32
    %mul3A_985 = vector.broadcast %mul3A_984 : i32 to vector<16xi32>
    %mul3A_986 = arith.muli %get3A_983, %mul3A_985 : vector<16xi32>
    %add3A_987 = arith.addi %add3A_978, %mul3A_986 : vector<16xi32>
    %max3A_988 = arith.maxsi %add3A_987, %broadcast_in_dim3A_8 : vector<16xi32>
    %convert_element_type3A_989 = arith.sitofp %max3A_988 : vector<16xi32> to vector<16xf32>
    %mul3A_990 = arith.mulf %convert_element_type3A_989, %broadcast_in_dim3A_12 : vector<16xf32>
    %convert_element_type3A_991 = arith.fptosi %mul3A_990 : vector<16xf32> to vector<16xi32>
    %mul3A_992 = arith.constant 500000 : i32
    %mul3A_993 = vector.broadcast %mul3A_992 : i32 to vector<16xi32>
    %mul3A_994 = arith.muli %convert_element_type3A_991, %mul3A_993 : vector<16xi32>
    %sub3A_995 = arith.subi %max3A_988, %mul3A_994 : vector<16xi32>
    %lt3A_996 = arith.constant 0 : i32
    %lt3A_997 = vector.broadcast %lt3A_996 : i32 to vector<16xi32>
    %lt3A_998 = arith.cmpi slt, %sub3A_995, %lt3A_997 : vector<16xi32>
    %add3A_999 = arith.addi %sub3A_995, %broadcast_in_dim3A_6 : vector<16xi32>
    %select_n3A_1000 = arith.select %lt3A_998, %add3A_999, %sub3A_995 : vector<16xi1>, vector<16xi32>
    %ge3A_1001 = arith.constant 500000 : i32
    %ge3A_1002 = vector.broadcast %ge3A_1001 : i32 to vector<16xi32>
    %ge3A_1003 = arith.cmpi sge, %select_n3A_1000, %ge3A_1002 : vector<16xi32>
    %sub3A_1004 = arith.subi %select_n3A_1000, %broadcast_in_dim3A_6 : vector<16xi32>
    %select_n3A_1005 = arith.select %ge3A_1003, %sub3A_1004, %select_n3A_1000 : vector<16xi1>, vector<16xi32>
    %swap3A_1006 = arith.constant 0 : i64
    %swap3A_1007 = arith.index_cast %swap3A_1006 : i64 to index
    %swap3A_1008 = arith.constant 64 : index
    %swap3A_1009 = tpu.vector_load %arg11[%swap3A_1007, %swap3A_1008] {strides = array<i32>} : memref<12x128xi32, #tpu.memory_space<vmem>>, vector<1x16xi32>,
    %swap3A_1010 = vector.shape_cast %swap3A_1009 : vector<1x16xi32> to vector<16xi32>
    %swap3A_1011 = vector.shape_cast %select_n3A_1005 : vector<16xi32> to vector<1x16xi32>
    tpu.vector_store %arg11[%swap3A_1007, %swap3A_1008], %swap3A_1011 {strides = array<i32>} : memref<12x128xi32, #tpu.memory_space<vmem>>, vector<1x16xi32>,
    %add3A_1012 = arith.constant 4 : i32
    %add3A_1013 = arith.addi %add3A_966, %add3A_1012 : i32
    %sub3A_1014 = arith.constant 1 : i32
    %sub3A_1015 = arith.subi %add3A_1013, %sub3A_1014 : i32
    %get3A_1016 = arith.index_cast %sub3A_1015 : i32 to index
    %get3A_1017 = tpu.vector_load %arg10[%get3A_1016] {strides = array<i32>} : memref<8208xi32, #tpu.memory_space<vmem>>, vector<16xi32>,
    %get3A_1018 = vector.shape_cast %get3A_1017 : vector<16xi32> to vector<16xi32>
    %mul3A_1019 = arith.constant 277216 : i32
    %mul3A_1020 = vector.broadcast %mul3A_1019 : i32 to vector<16xi32>
    %mul3A_1021 = arith.muli %get3A_1018, %mul3A_1020 : vector<16xi32>
    %add3A_1022 = arith.addi %add3A_987, %mul3A_1021 : vector<16xi32>
    %max3A_1023 = arith.maxsi %add3A_1022, %broadcast_in_dim3A_8 : vector<16xi32>
    %convert_element_type3A_1024 = arith.sitofp %max3A_1023 : vector<16xi32> to vector<16xf32>
    %mul3A_1025 = arith.mulf %convert_element_type3A_1024, %broadcast_in_dim3A_12 : vector<16xf32>
    %convert_element_type3A_1026 = arith.fptosi %mul3A_1025 : vector<16xf32> to vector<16xi32>
    %mul3A_1027 = arith.constant 500000 : i32
    %mul3A_1028 = vector.broadcast %mul3A_1027 : i32 to vector<16xi32>
    %mul3A_1029 = arith.muli %convert_element_type3A_1026, %mul3A_1028 : vector<16xi32>
    %sub3A_1030 = arith.subi %max3A_1023, %mul3A_1029 : vector<16xi32>
    %lt3A_1031 = arith.constant 0 : i32
    %lt3A_1032 = vector.broadcast %lt3A_1031 : i32 to vector<16xi32>
    %lt3A_1033 = arith.cmpi slt, %sub3A_1030, %lt3A_1032 : vector<16xi32>
    %add3A_1034 = arith.addi %sub3A_1030, %broadcast_in_dim3A_6 : vector<16xi32>
    %select_n3A_1035 = arith.select %lt3A_1033, %add3A_1034, %sub3A_1030 : vector<16xi1>, vector<16xi32>
    %ge3A_1036 = arith.constant 500000 : i32
    %ge3A_1037 = vector.broadcast %ge3A_1036 : i32 to vector<16xi32>
    %ge3A_1038 = arith.cmpi sge, %select_n3A_1035, %ge3A_1037 : vector<16xi32>
    %sub3A_1039 = arith.subi %select_n3A_1035, %broadcast_in_dim3A_6 : vector<16xi32>
    %select_n3A_1040 = arith.select %ge3A_1038, %sub3A_1039, %select_n3A_1035 : vector<16xi1>, vector<16xi32>
    %swap3A_1041 = arith.constant 1 : i64
    %swap3A_1042 = arith.index_cast %swap3A_1041 : i64 to index
    %swap3A_1043 = arith.constant 64 : index
    %swap3A_1044 = tpu.vector_load %arg11[%swap3A_1042, %swap3A_1043] {strides = array<i32>} : memref<12x128xi32, #tpu.memory_space<vmem>>, vector<1x16xi32>,
    %swap3A_1045 = vector.shape_cast %swap3A_1044 : vector<1x16xi32> to vector<16xi32>
    %swap3A_1046 = vector.shape_cast %select_n3A_1040 : vector<16xi32> to vector<1x16xi32>
    tpu.vector_store %arg11[%swap3A_1042, %swap3A_1043], %swap3A_1046 {strides = array<i32>} : memref<12x128xi32, #tpu.memory_space<vmem>>, vector<1x16xi32>,
    %add3A_1047 = arith.constant 5 : i32
    %add3A_1048 = arith.addi %add3A_966, %add3A_1047 : i32
    %sub3A_1049 = arith.constant 1 : i32
    %sub3A_1050 = arith.subi %add3A_1048, %sub3A_1049 : i32
    %get3A_1051 = arith.index_cast %sub3A_1050 : i32 to index
    %get3A_1052 = tpu.vector_load %arg10[%get3A_1051] {strides = array<i32>} : memref<8208xi32, #tpu.memory_space<vmem>>, vector<16xi32>,
    %get3A_1053 = vector.shape_cast %get3A_1052 : vector<16xi32> to vector<16xi32>
    %mul3A_1054 = arith.constant 467296 : i32
    %mul3A_1055 = vector.broadcast %mul3A_1054 : i32 to vector<16xi32>
    %mul3A_1056 = arith.muli %get3A_1053, %mul3A_1055 : vector<16xi32>
    %add3A_1057 = arith.addi %add3A_1022, %mul3A_1056 : vector<16xi32>
    %max3A_1058 = arith.maxsi %add3A_1057, %broadcast_in_dim3A_8 : vector<16xi32>
    %convert_element_type3A_1059 = arith.sitofp %max3A_1058 : vector<16xi32> to vector<16xf32>
    %mul3A_1060 = arith.mulf %convert_element_type3A_1059, %broadcast_in_dim3A_12 : vector<16xf32>
    %convert_element_type3A_1061 = arith.fptosi %mul3A_1060 : vector<16xf32> to vector<16xi32>
    %mul3A_1062 = arith.constant 500000 : i32
    %mul3A_1063 = vector.broadcast %mul3A_1062 : i32 to vector<16xi32>
    %mul3A_1064 = arith.muli %convert_element_type3A_1061, %mul3A_1063 : vector<16xi32>
    %sub3A_1065 = arith.subi %max3A_1058, %mul3A_1064 : vector<16xi32>
    %lt3A_1066 = arith.constant 0 : i32
    %lt3A_1067 = vector.broadcast %lt3A_1066 : i32 to vector<16xi32>
    %lt3A_1068 = arith.cmpi slt, %sub3A_1065, %lt3A_1067 : vector<16xi32>
    %add3A_1069 = arith.addi %sub3A_1065, %broadcast_in_dim3A_6 : vector<16xi32>
    %select_n3A_1070 = arith.select %lt3A_1068, %add3A_1069, %sub3A_1065 : vector<16xi1>, vector<16xi32>
    %ge3A_1071 = arith.constant 500000 : i32
    %ge3A_1072 = vector.broadcast %ge3A_1071 : i32 to vector<16xi32>
    %ge3A_1073 = arith.cmpi sge, %select_n3A_1070, %ge3A_1072 : vector<16xi32>
    %sub3A_1074 = arith.subi %select_n3A_1070, %broadcast_in_dim3A_6 : vector<16xi32>
    %select_n3A_1075 = arith.select %ge3A_1073, %sub3A_1074, %select_n3A_1070 : vector<16xi1>, vector<16xi32>
    %swap3A_1076 = arith.constant 2 : i64
    %swap3A_1077 = arith.index_cast %swap3A_1076 : i64 to index
    %swap3A_1078 = arith.constant 64 : index
    %swap3A_1079 = tpu.vector_load %arg11[%swap3A_1077, %swap3A_1078] {strides = array<i32>} : memref<12x128xi32, #tpu.memory_space<vmem>>, vector<1x16xi32>,
    %swap3A_1080 = vector.shape_cast %swap3A_1079 : vector<1x16xi32> to vector<16xi32>
    %swap3A_1081 = vector.shape_cast %select_n3A_1075 : vector<16xi32> to vector<1x16xi32>
    tpu.vector_store %arg11[%swap3A_1077, %swap3A_1078], %swap3A_1081 {strides = array<i32>} : memref<12x128xi32, #tpu.memory_space<vmem>>, vector<1x16xi32>,
    %add3A_1082 = arith.constant 6 : i32
    %add3A_1083 = arith.addi %add3A_966, %add3A_1082 : i32
    %sub3A_1084 = arith.constant 1 : i32
    %sub3A_1085 = arith.subi %add3A_1083, %sub3A_1084 : i32
    %get3A_1086 = arith.index_cast %sub3A_1085 : i32 to index
    %get3A_1087 = tpu.vector_load %arg10[%get3A_1086] {strides = array<i32>} : memref<8208xi32, #tpu.memory_space<vmem>>, vector<16xi32>,
    %get3A_1088 = vector.shape_cast %get3A_1087 : vector<16xi32> to vector<16xi32>
    %mul3A_1089 = arith.constant 127776 : i32
    %mul3A_1090 = vector.broadcast %mul3A_1089 : i32 to vector<16xi32>
    %mul3A_1091 = arith.muli %get3A_1088, %mul3A_1090 : vector<16xi32>
    %add3A_1092 = arith.addi %add3A_1057, %mul3A_1091 : vector<16xi32>
    %max3A_1093 = arith.maxsi %add3A_1092, %broadcast_in_dim3A_8 : vector<16xi32>
    %convert_element_type3A_1094 = arith.sitofp %max3A_1093 : vector<16xi32> to vector<16xf32>
    %mul3A_1095 = arith.mulf %convert_element_type3A_1094, %broadcast_in_dim3A_12 : vector<16xf32>
    %convert_element_type3A_1096 = arith.fptosi %mul3A_1095 : vector<16xf32> to vector<16xi32>
    %mul3A_1097 = arith.constant 500000 : i32
    %mul3A_1098 = vector.broadcast %mul3A_1097 : i32 to vector<16xi32>
    %mul3A_1099 = arith.muli %convert_element_type3A_1096, %mul3A_1098 : vector<16xi32>
    %sub3A_1100 = arith.subi %max3A_1093, %mul3A_1099 : vector<16xi32>
    %lt3A_1101 = arith.constant 0 : i32
    %lt3A_1102 = vector.broadcast %lt3A_1101 : i32 to vector<16xi32>
    %lt3A_1103 = arith.cmpi slt, %sub3A_1100, %lt3A_1102 : vector<16xi32>
    %add3A_1104 = arith.addi %sub3A_1100, %broadcast_in_dim3A_6 : vector<16xi32>
    %select_n3A_1105 = arith.select %lt3A_1103, %add3A_1104, %sub3A_1100 : vector<16xi1>, vector<16xi32>
    %ge3A_1106 = arith.constant 500000 : i32
    %ge3A_1107 = vector.broadcast %ge3A_1106 : i32 to vector<16xi32>
    %ge3A_1108 = arith.cmpi sge, %select_n3A_1105, %ge3A_1107 : vector<16xi32>
    %sub3A_1109 = arith.subi %select_n3A_1105, %broadcast_in_dim3A_6 : vector<16xi32>
    %select_n3A_1110 = arith.select %ge3A_1108, %sub3A_1109, %select_n3A_1105 : vector<16xi1>, vector<16xi32>
    %swap3A_1111 = arith.constant 3 : i64
    %swap3A_1112 = arith.index_cast %swap3A_1111 : i64 to index
    %swap3A_1113 = arith.constant 64 : index
    %swap3A_1114 = tpu.vector_load %arg11[%swap3A_1112, %swap3A_1113] {strides = array<i32>} : memref<12x128xi32, #tpu.memory_space<vmem>>, vector<1x16xi32>,
    %swap3A_1115 = vector.shape_cast %swap3A_1114 : vector<1x16xi32> to vector<16xi32>
    %swap3A_1116 = vector.shape_cast %select_n3A_1110 : vector<16xi32> to vector<1x16xi32>
    tpu.vector_store %arg11[%swap3A_1112, %swap3A_1113], %swap3A_1116 {strides = array<i32>} : memref<12x128xi32, #tpu.memory_space<vmem>>, vector<1x16xi32>,
    %add3A_1117 = arith.constant 7 : i32
    %add3A_1118 = arith.addi %add3A_966, %add3A_1117 : i32
    %sub3A_1119 = arith.constant 1 : i32
    %sub3A_1120 = arith.subi %add3A_1118, %sub3A_1119 : i32
    %get3A_1121 = arith.index_cast %sub3A_1120 : i32 to index
    %get3A_1122 = tpu.vector_load %arg10[%get3A_1121] {strides = array<i32>} : memref<8208xi32, #tpu.memory_space<vmem>>, vector<16xi32>,
    %get3A_1123 = vector.shape_cast %get3A_1122 : vector<16xi32> to vector<16xi32>
    %mul3A_1124 = arith.constant 210656 : i32
    %mul3A_1125 = vector.broadcast %mul3A_1124 : i32 to vector<16xi32>
    %mul3A_1126 = arith.muli %get3A_1123, %mul3A_1125 : vector<16xi32>
    %add3A_1127 = arith.addi %add3A_1092, %mul3A_1126 : vector<16xi32>
    %max3A_1128 = arith.maxsi %add3A_1127, %broadcast_in_dim3A_8 : vector<16xi32>
    %convert_element_type3A_1129 = arith.sitofp %max3A_1128 : vector<16xi32> to vector<16xf32>
    %mul3A_1130 = arith.mulf %convert_element_type3A_1129, %broadcast_in_dim3A_12 : vector<16xf32>
    %convert_element_type3A_1131 = arith.fptosi %mul3A_1130 : vector<16xf32> to vector<16xi32>
    %mul3A_1132 = arith.constant 500000 : i32
    %mul3A_1133 = vector.broadcast %mul3A_1132 : i32 to vector<16xi32>
    %mul3A_1134 = arith.muli %convert_element_type3A_1131, %mul3A_1133 : vector<16xi32>
    %sub3A_1135 = arith.subi %max3A_1128, %mul3A_1134 : vector<16xi32>
    %lt3A_1136 = arith.constant 0 : i32
    %lt3A_1137 = vector.broadcast %lt3A_1136 : i32 to vector<16xi32>
    %lt3A_1138 = arith.cmpi slt, %sub3A_1135, %lt3A_1137 : vector<16xi32>
    %add3A_1139 = arith.addi %sub3A_1135, %broadcast_in_dim3A_6 : vector<16xi32>
    %select_n3A_1140 = arith.select %lt3A_1138, %add3A_1139, %sub3A_1135 : vector<16xi1>, vector<16xi32>
    %ge3A_1141 = arith.constant 500000 : i32
    %ge3A_1142 = vector.broadcast %ge3A_1141 : i32 to vector<16xi32>
    %ge3A_1143 = arith.cmpi sge, %select_n3A_1140, %ge3A_1142 : vector<16xi32>
    %sub3A_1144 = arith.subi %select_n3A_1140, %broadcast_in_dim3A_6 : vector<16xi32>
    %select_n3A_1145 = arith.select %ge3A_1143, %sub3A_1144, %select_n3A_1140 : vector<16xi1>, vector<16xi32>
    %swap3A_1146 = arith.constant 4 : i64
    %swap3A_1147 = arith.index_cast %swap3A_1146 : i64 to index
    %swap3A_1148 = arith.constant 64 : index
    %swap3A_1149 = tpu.vector_load %arg11[%swap3A_1147, %swap3A_1148] {strides = array<i32>} : memref<12x128xi32, #tpu.memory_space<vmem>>, vector<1x16xi32>,
    %swap3A_1150 = vector.shape_cast %swap3A_1149 : vector<1x16xi32> to vector<16xi32>
    %swap3A_1151 = vector.shape_cast %select_n3A_1145 : vector<16xi32> to vector<1x16xi32>
    tpu.vector_store %arg11[%swap3A_1147, %swap3A_1148], %swap3A_1151 {strides = array<i32>} : memref<12x128xi32, #tpu.memory_space<vmem>>, vector<1x16xi32>,
    %add3A_1152 = arith.constant 8 : i32
    %add3A_1153 = arith.addi %add3A_966, %add3A_1152 : i32
    %sub3A_1154 = arith.constant 1 : i32
    %sub3A_1155 = arith.subi %add3A_1153, %sub3A_1154 : i32
    %get3A_1156 = arith.index_cast %sub3A_1155 : i32 to index
    %get3A_1157 = tpu.vector_load %arg10[%get3A_1156] {strides = array<i32>} : memref<8208xi32, #tpu.memory_space<vmem>>, vector<16xi32>,
    %get3A_1158 = vector.shape_cast %get3A_1157 : vector<16xi32> to vector<16xi32>
    %mul3A_1159 = arith.constant 427936 : i32
    %mul3A_1160 = vector.broadcast %mul3A_1159 : i32 to vector<16xi32>
    %mul3A_1161 = arith.muli %get3A_1158, %mul3A_1160 : vector<16xi32>
    %add3A_1162 = arith.addi %add3A_1127, %mul3A_1161 : vector<16xi32>
    %add3A_1163 = arith.constant 7 : i32
    %add3A_1164 = arith.addi %add3A_966, %add3A_1163 : i32
    %get3A_1165 = arith.index_cast %add3A_1164 : i32 to index
    %get3A_1166 = tpu.vector_load %arg10[%get3A_1165] {strides = array<i32>} : memref<8208xi32, #tpu.memory_space<vmem>>, vector<16xi32>,
    %get3A_1167 = vector.shape_cast %get3A_1166 : vector<16xi32> to vector<16xi32>
    %ge3A_1168 = arith.constant 128 : i32
    %ge3A_1169 = vector.broadcast %ge3A_1168 : i32 to vector<16xi32>
    %ge3A_1170 = arith.cmpi sge, %get3A_1167, %ge3A_1169 : vector<16xi32>
    %select_n3A_1171 = arith.select %ge3A_1170, %broadcast_in_dim3A_10, %broadcast_in_dim3A_8 : vector<16xi1>, vector<16xi32>
    %add3A_1172 = arith.addi %add3A_1162, %select_n3A_1171 : vector<16xi32>
    %max3A_1173 = arith.maxsi %add3A_1172, %broadcast_in_dim3A_8 : vector<16xi32>
    %convert_element_type3A_1174 = arith.sitofp %max3A_1173 : vector<16xi32> to vector<16xf32>
    %mul3A_1175 = arith.mulf %convert_element_type3A_1174, %broadcast_in_dim3A_12 : vector<16xf32>
    %convert_element_type3A_1176 = arith.fptosi %mul3A_1175 : vector<16xf32> to vector<16xi32>
    %mul3A_1177 = arith.constant 500000 : i32
    %mul3A_1178 = vector.broadcast %mul3A_1177 : i32 to vector<16xi32>
    %mul3A_1179 = arith.muli %convert_element_type3A_1176, %mul3A_1178 : vector<16xi32>
    %sub3A_1180 = arith.subi %max3A_1173, %mul3A_1179 : vector<16xi32>
    %lt3A_1181 = arith.constant 0 : i32
    %lt3A_1182 = vector.broadcast %lt3A_1181 : i32 to vector<16xi32>
    %lt3A_1183 = arith.cmpi slt, %sub3A_1180, %lt3A_1182 : vector<16xi32>
    %add3A_1184 = arith.addi %sub3A_1180, %broadcast_in_dim3A_6 : vector<16xi32>
    %select_n3A_1185 = arith.select %lt3A_1183, %add3A_1184, %sub3A_1180 : vector<16xi1>, vector<16xi32>
    %ge3A_1186 = arith.constant 500000 : i32
    %ge3A_1187 = vector.broadcast %ge3A_1186 : i32 to vector<16xi32>
    %ge3A_1188 = arith.cmpi sge, %select_n3A_1185, %ge3A_1187 : vector<16xi32>
    %sub3A_1189 = arith.subi %select_n3A_1185, %broadcast_in_dim3A_6 : vector<16xi32>
    %select_n3A_1190 = arith.select %ge3A_1188, %sub3A_1189, %select_n3A_1185 : vector<16xi1>, vector<16xi32>
    %swap3A_1191 = arith.constant 5 : i64
    %swap3A_1192 = arith.index_cast %swap3A_1191 : i64 to index
    %swap3A_1193 = arith.constant 64 : index
    %swap3A_1194 = tpu.vector_load %arg11[%swap3A_1192, %swap3A_1193] {strides = array<i32>} : memref<12x128xi32, #tpu.memory_space<vmem>>, vector<1x16xi32>,
    %swap3A_1195 = vector.shape_cast %swap3A_1194 : vector<1x16xi32> to vector<16xi32>
    %swap3A_1196 = vector.shape_cast %select_n3A_1190 : vector<16xi32> to vector<1x16xi32>
    tpu.vector_store %arg11[%swap3A_1192, %swap3A_1193], %swap3A_1196 {strides = array<i32>} : memref<12x128xi32, #tpu.memory_space<vmem>>, vector<1x16xi32>,
    %add3A_1197 = arith.constant 80 : i32
    %add3A_1198 = arith.addi %add3A_40, %add3A_1197 : i32
    %get3A_1199 = arith.index_cast %add3A_1198 : i32 to index
    %get3A_1200 = tpu.vector_load %arg10[%get3A_1199] {strides = array<i32>} : memref<8208xi32, #tpu.memory_space<vmem>>, vector<16xi32>,
    %get3A_1201 = vector.shape_cast %get3A_1200 : vector<16xi32> to vector<16xi32>
    %add3A_1202 = arith.constant 1 : i32
    %add3A_1203 = arith.addi %add3A_1198, %add3A_1202 : i32
    %get3A_1204 = arith.index_cast %add3A_1203 : i32 to index
    %get3A_1205 = tpu.vector_load %arg10[%get3A_1204] {strides = array<i32>} : memref<8208xi32, #tpu.memory_space<vmem>>, vector<16xi32>,
    %get3A_1206 = vector.shape_cast %get3A_1205 : vector<16xi32> to vector<16xi32>
    %mul3A_1207 = arith.constant 256 : i32
    %mul3A_1208 = vector.broadcast %mul3A_1207 : i32 to vector<16xi32>
    %mul3A_1209 = arith.muli %get3A_1206, %mul3A_1208 : vector<16xi32>
    %add3A_1210 = arith.addi %get3A_1201, %mul3A_1209 : vector<16xi32>
    %add3A_1211 = arith.constant 2 : i32
    %add3A_1212 = arith.addi %add3A_1198, %add3A_1211 : i32
    %get3A_1213 = arith.index_cast %add3A_1212 : i32 to index
    %get3A_1214 = tpu.vector_load %arg10[%get3A_1213] {strides = array<i32>} : memref<8208xi32, #tpu.memory_space<vmem>>, vector<16xi32>,
    %get3A_1215 = vector.shape_cast %get3A_1214 : vector<16xi32> to vector<16xi32>
    %mul3A_1216 = arith.constant 65536 : i32
    %mul3A_1217 = vector.broadcast %mul3A_1216 : i32 to vector<16xi32>
    %mul3A_1218 = arith.muli %get3A_1215, %mul3A_1217 : vector<16xi32>
    %add3A_1219 = arith.addi %add3A_1210, %mul3A_1218 : vector<16xi32>
    %max3A_1220 = arith.maxsi %add3A_1219, %broadcast_in_dim3A_8 : vector<16xi32>
    %convert_element_type3A_1221 = arith.sitofp %max3A_1220 : vector<16xi32> to vector<16xf32>
    %mul3A_1222 = arith.mulf %convert_element_type3A_1221, %broadcast_in_dim3A_12 : vector<16xf32>
    %convert_element_type3A_1223 = arith.fptosi %mul3A_1222 : vector<16xf32> to vector<16xi32>
    %mul3A_1224 = arith.constant 500000 : i32
    %mul3A_1225 = vector.broadcast %mul3A_1224 : i32 to vector<16xi32>
    %mul3A_1226 = arith.muli %convert_element_type3A_1223, %mul3A_1225 : vector<16xi32>
    %sub3A_1227 = arith.subi %max3A_1220, %mul3A_1226 : vector<16xi32>
    %lt3A_1228 = arith.constant 0 : i32
    %lt3A_1229 = vector.broadcast %lt3A_1228 : i32 to vector<16xi32>
    %lt3A_1230 = arith.cmpi slt, %sub3A_1227, %lt3A_1229 : vector<16xi32>
    %add3A_1231 = arith.addi %sub3A_1227, %broadcast_in_dim3A_6 : vector<16xi32>
    %select_n3A_1232 = arith.select %lt3A_1230, %add3A_1231, %sub3A_1227 : vector<16xi1>, vector<16xi32>
    %ge3A_1233 = arith.constant 500000 : i32
    %ge3A_1234 = vector.broadcast %ge3A_1233 : i32 to vector<16xi32>
    %ge3A_1235 = arith.cmpi sge, %select_n3A_1232, %ge3A_1234 : vector<16xi32>
    %sub3A_1236 = arith.subi %select_n3A_1232, %broadcast_in_dim3A_6 : vector<16xi32>
    %select_n3A_1237 = arith.select %ge3A_1235, %sub3A_1236, %select_n3A_1232 : vector<16xi1>, vector<16xi32>
    %swap3A_1238 = arith.constant 0 : i64
    %swap3A_1239 = arith.index_cast %swap3A_1238 : i64 to index
    %swap3A_1240 = arith.constant 80 : index
    %swap3A_1241 = tpu.vector_load %arg11[%swap3A_1239, %swap3A_1240] {strides = array<i32>} : memref<12x128xi32, #tpu.memory_space<vmem>>, vector<1x16xi32>,
    %swap3A_1242 = vector.shape_cast %swap3A_1241 : vector<1x16xi32> to vector<16xi32>
    %swap3A_1243 = vector.shape_cast %select_n3A_1237 : vector<16xi32> to vector<1x16xi32>
    tpu.vector_store %arg11[%swap3A_1239, %swap3A_1240], %swap3A_1243 {strides = array<i32>} : memref<12x128xi32, #tpu.memory_space<vmem>>, vector<1x16xi32>,
    %add3A_1244 = arith.constant 4 : i32
    %add3A_1245 = arith.addi %add3A_1198, %add3A_1244 : i32
    %sub3A_1246 = arith.constant 1 : i32
    %sub3A_1247 = arith.subi %add3A_1245, %sub3A_1246 : i32
    %get3A_1248 = arith.index_cast %sub3A_1247 : i32 to index
    %get3A_1249 = tpu.vector_load %arg10[%get3A_1248] {strides = array<i32>} : memref<8208xi32, #tpu.memory_space<vmem>>, vector<16xi32>,
    %get3A_1250 = vector.shape_cast %get3A_1249 : vector<16xi32> to vector<16xi32>
    %mul3A_1251 = arith.constant 277216 : i32
    %mul3A_1252 = vector.broadcast %mul3A_1251 : i32 to vector<16xi32>
    %mul3A_1253 = arith.muli %get3A_1250, %mul3A_1252 : vector<16xi32>
    %add3A_1254 = arith.addi %add3A_1219, %mul3A_1253 : vector<16xi32>
    %max3A_1255 = arith.maxsi %add3A_1254, %broadcast_in_dim3A_8 : vector<16xi32>
    %convert_element_type3A_1256 = arith.sitofp %max3A_1255 : vector<16xi32> to vector<16xf32>
    %mul3A_1257 = arith.mulf %convert_element_type3A_1256, %broadcast_in_dim3A_12 : vector<16xf32>
    %convert_element_type3A_1258 = arith.fptosi %mul3A_1257 : vector<16xf32> to vector<16xi32>
    %mul3A_1259 = arith.constant 500000 : i32
    %mul3A_1260 = vector.broadcast %mul3A_1259 : i32 to vector<16xi32>
    %mul3A_1261 = arith.muli %convert_element_type3A_1258, %mul3A_1260 : vector<16xi32>
    %sub3A_1262 = arith.subi %max3A_1255, %mul3A_1261 : vector<16xi32>
    %lt3A_1263 = arith.constant 0 : i32
    %lt3A_1264 = vector.broadcast %lt3A_1263 : i32 to vector<16xi32>
    %lt3A_1265 = arith.cmpi slt, %sub3A_1262, %lt3A_1264 : vector<16xi32>
    %add3A_1266 = arith.addi %sub3A_1262, %broadcast_in_dim3A_6 : vector<16xi32>
    %select_n3A_1267 = arith.select %lt3A_1265, %add3A_1266, %sub3A_1262 : vector<16xi1>, vector<16xi32>
    %ge3A_1268 = arith.constant 500000 : i32
    %ge3A_1269 = vector.broadcast %ge3A_1268 : i32 to vector<16xi32>
    %ge3A_1270 = arith.cmpi sge, %select_n3A_1267, %ge3A_1269 : vector<16xi32>
    %sub3A_1271 = arith.subi %select_n3A_1267, %broadcast_in_dim3A_6 : vector<16xi32>
    %select_n3A_1272 = arith.select %ge3A_1270, %sub3A_1271, %select_n3A_1267 : vector<16xi1>, vector<16xi32>
    %swap3A_1273 = arith.constant 1 : i64
    %swap3A_1274 = arith.index_cast %swap3A_1273 : i64 to index
    %swap3A_1275 = arith.constant 80 : index
    %swap3A_1276 = tpu.vector_load %arg11[%swap3A_1274, %swap3A_1275] {strides = array<i32>} : memref<12x128xi32, #tpu.memory_space<vmem>>, vector<1x16xi32>,
    %swap3A_1277 = vector.shape_cast %swap3A_1276 : vector<1x16xi32> to vector<16xi32>
    %swap3A_1278 = vector.shape_cast %select_n3A_1272 : vector<16xi32> to vector<1x16xi32>
    tpu.vector_store %arg11[%swap3A_1274, %swap3A_1275], %swap3A_1278 {strides = array<i32>} : memref<12x128xi32, #tpu.memory_space<vmem>>, vector<1x16xi32>,
    %add3A_1279 = arith.constant 5 : i32
    %add3A_1280 = arith.addi %add3A_1198, %add3A_1279 : i32
    %sub3A_1281 = arith.constant 1 : i32
    %sub3A_1282 = arith.subi %add3A_1280, %sub3A_1281 : i32
    %get3A_1283 = arith.index_cast %sub3A_1282 : i32 to index
    %get3A_1284 = tpu.vector_load %arg10[%get3A_1283] {strides = array<i32>} : memref<8208xi32, #tpu.memory_space<vmem>>, vector<16xi32>,
    %get3A_1285 = vector.shape_cast %get3A_1284 : vector<16xi32> to vector<16xi32>
    %mul3A_1286 = arith.constant 467296 : i32
    %mul3A_1287 = vector.broadcast %mul3A_1286 : i32 to vector<16xi32>
    %mul3A_1288 = arith.muli %get3A_1285, %mul3A_1287 : vector<16xi32>
    %add3A_1289 = arith.addi %add3A_1254, %mul3A_1288 : vector<16xi32>
    %max3A_1290 = arith.maxsi %add3A_1289, %broadcast_in_dim3A_8 : vector<16xi32>
    %convert_element_type3A_1291 = arith.sitofp %max3A_1290 : vector<16xi32> to vector<16xf32>
    %mul3A_1292 = arith.mulf %convert_element_type3A_1291, %broadcast_in_dim3A_12 : vector<16xf32>
    %convert_element_type3A_1293 = arith.fptosi %mul3A_1292 : vector<16xf32> to vector<16xi32>
    %mul3A_1294 = arith.constant 500000 : i32
    %mul3A_1295 = vector.broadcast %mul3A_1294 : i32 to vector<16xi32>
    %mul3A_1296 = arith.muli %convert_element_type3A_1293, %mul3A_1295 : vector<16xi32>
    %sub3A_1297 = arith.subi %max3A_1290, %mul3A_1296 : vector<16xi32>
    %lt3A_1298 = arith.constant 0 : i32
    %lt3A_1299 = vector.broadcast %lt3A_1298 : i32 to vector<16xi32>
    %lt3A_1300 = arith.cmpi slt, %sub3A_1297, %lt3A_1299 : vector<16xi32>
    %add3A_1301 = arith.addi %sub3A_1297, %broadcast_in_dim3A_6 : vector<16xi32>
    %select_n3A_1302 = arith.select %lt3A_1300, %add3A_1301, %sub3A_1297 : vector<16xi1>, vector<16xi32>
    %ge3A_1303 = arith.constant 500000 : i32
    %ge3A_1304 = vector.broadcast %ge3A_1303 : i32 to vector<16xi32>
    %ge3A_1305 = arith.cmpi sge, %select_n3A_1302, %ge3A_1304 : vector<16xi32>
    %sub3A_1306 = arith.subi %select_n3A_1302, %broadcast_in_dim3A_6 : vector<16xi32>
    %select_n3A_1307 = arith.select %ge3A_1305, %sub3A_1306, %select_n3A_1302 : vector<16xi1>, vector<16xi32>
    %swap3A_1308 = arith.constant 2 : i64
    %swap3A_1309 = arith.index_cast %swap3A_1308 : i64 to index
    %swap3A_1310 = arith.constant 80 : index
    %swap3A_1311 = tpu.vector_load %arg11[%swap3A_1309, %swap3A_1310] {strides = array<i32>} : memref<12x128xi32, #tpu.memory_space<vmem>>, vector<1x16xi32>,
    %swap3A_1312 = vector.shape_cast %swap3A_1311 : vector<1x16xi32> to vector<16xi32>
    %swap3A_1313 = vector.shape_cast %select_n3A_1307 : vector<16xi32> to vector<1x16xi32>
    tpu.vector_store %arg11[%swap3A_1309, %swap3A_1310], %swap3A_1313 {strides = array<i32>} : memref<12x128xi32, #tpu.memory_space<vmem>>, vector<1x16xi32>,
    %add3A_1314 = arith.constant 6 : i32
    %add3A_1315 = arith.addi %add3A_1198, %add3A_1314 : i32
    %sub3A_1316 = arith.constant 1 : i32
    %sub3A_1317 = arith.subi %add3A_1315, %sub3A_1316 : i32
    %get3A_1318 = arith.index_cast %sub3A_1317 : i32 to index
    %get3A_1319 = tpu.vector_load %arg10[%get3A_1318] {strides = array<i32>} : memref<8208xi32, #tpu.memory_space<vmem>>, vector<16xi32>,
    %get3A_1320 = vector.shape_cast %get3A_1319 : vector<16xi32> to vector<16xi32>
    %mul3A_1321 = arith.constant 127776 : i32
    %mul3A_1322 = vector.broadcast %mul3A_1321 : i32 to vector<16xi32>
    %mul3A_1323 = arith.muli %get3A_1320, %mul3A_1322 : vector<16xi32>
    %add3A_1324 = arith.addi %add3A_1289, %mul3A_1323 : vector<16xi32>
    %max3A_1325 = arith.maxsi %add3A_1324, %broadcast_in_dim3A_8 : vector<16xi32>
    %convert_element_type3A_1326 = arith.sitofp %max3A_1325 : vector<16xi32> to vector<16xf32>
    %mul3A_1327 = arith.mulf %convert_element_type3A_1326, %broadcast_in_dim3A_12 : vector<16xf32>
    %convert_element_type3A_1328 = arith.fptosi %mul3A_1327 : vector<16xf32> to vector<16xi32>
    %mul3A_1329 = arith.constant 500000 : i32
    %mul3A_1330 = vector.broadcast %mul3A_1329 : i32 to vector<16xi32>
    %mul3A_1331 = arith.muli %convert_element_type3A_1328, %mul3A_1330 : vector<16xi32>
    %sub3A_1332 = arith.subi %max3A_1325, %mul3A_1331 : vector<16xi32>
    %lt3A_1333 = arith.constant 0 : i32
    %lt3A_1334 = vector.broadcast %lt3A_1333 : i32 to vector<16xi32>
    %lt3A_1335 = arith.cmpi slt, %sub3A_1332, %lt3A_1334 : vector<16xi32>
    %add3A_1336 = arith.addi %sub3A_1332, %broadcast_in_dim3A_6 : vector<16xi32>
    %select_n3A_1337 = arith.select %lt3A_1335, %add3A_1336, %sub3A_1332 : vector<16xi1>, vector<16xi32>
    %ge3A_1338 = arith.constant 500000 : i32
    %ge3A_1339 = vector.broadcast %ge3A_1338 : i32 to vector<16xi32>
    %ge3A_1340 = arith.cmpi sge, %select_n3A_1337, %ge3A_1339 : vector<16xi32>
    %sub3A_1341 = arith.subi %select_n3A_1337, %broadcast_in_dim3A_6 : vector<16xi32>
    %select_n3A_1342 = arith.select %ge3A_1340, %sub3A_1341, %select_n3A_1337 : vector<16xi1>, vector<16xi32>
    %swap3A_1343 = arith.constant 3 : i64
    %swap3A_1344 = arith.index_cast %swap3A_1343 : i64 to index
    %swap3A_1345 = arith.constant 80 : index
    %swap3A_1346 = tpu.vector_load %arg11[%swap3A_1344, %swap3A_1345] {strides = array<i32>} : memref<12x128xi32, #tpu.memory_space<vmem>>, vector<1x16xi32>,
    %swap3A_1347 = vector.shape_cast %swap3A_1346 : vector<1x16xi32> to vector<16xi32>
    %swap3A_1348 = vector.shape_cast %select_n3A_1342 : vector<16xi32> to vector<1x16xi32>
    tpu.vector_store %arg11[%swap3A_1344, %swap3A_1345], %swap3A_1348 {strides = array<i32>} : memref<12x128xi32, #tpu.memory_space<vmem>>, vector<1x16xi32>,
    %add3A_1349 = arith.constant 7 : i32
    %add3A_1350 = arith.addi %add3A_1198, %add3A_1349 : i32
    %sub3A_1351 = arith.constant 1 : i32
    %sub3A_1352 = arith.subi %add3A_1350, %sub3A_1351 : i32
    %get3A_1353 = arith.index_cast %sub3A_1352 : i32 to index
    %get3A_1354 = tpu.vector_load %arg10[%get3A_1353] {strides = array<i32>} : memref<8208xi32, #tpu.memory_space<vmem>>, vector<16xi32>,
    %get3A_1355 = vector.shape_cast %get3A_1354 : vector<16xi32> to vector<16xi32>
    %mul3A_1356 = arith.constant 210656 : i32
    %mul3A_1357 = vector.broadcast %mul3A_1356 : i32 to vector<16xi32>
    %mul3A_1358 = arith.muli %get3A_1355, %mul3A_1357 : vector<16xi32>
    %add3A_1359 = arith.addi %add3A_1324, %mul3A_1358 : vector<16xi32>
    %max3A_1360 = arith.maxsi %add3A_1359, %broadcast_in_dim3A_8 : vector<16xi32>
    %convert_element_type3A_1361 = arith.sitofp %max3A_1360 : vector<16xi32> to vector<16xf32>
    %mul3A_1362 = arith.mulf %convert_element_type3A_1361, %broadcast_in_dim3A_12 : vector<16xf32>
    %convert_element_type3A_1363 = arith.fptosi %mul3A_1362 : vector<16xf32> to vector<16xi32>
    %mul3A_1364 = arith.constant 500000 : i32
    %mul3A_1365 = vector.broadcast %mul3A_1364 : i32 to vector<16xi32>
    %mul3A_1366 = arith.muli %convert_element_type3A_1363, %mul3A_1365 : vector<16xi32>
    %sub3A_1367 = arith.subi %max3A_1360, %mul3A_1366 : vector<16xi32>
    %lt3A_1368 = arith.constant 0 : i32
    %lt3A_1369 = vector.broadcast %lt3A_1368 : i32 to vector<16xi32>
    %lt3A_1370 = arith.cmpi slt, %sub3A_1367, %lt3A_1369 : vector<16xi32>
    %add3A_1371 = arith.addi %sub3A_1367, %broadcast_in_dim3A_6 : vector<16xi32>
    %select_n3A_1372 = arith.select %lt3A_1370, %add3A_1371, %sub3A_1367 : vector<16xi1>, vector<16xi32>
    %ge3A_1373 = arith.constant 500000 : i32
    %ge3A_1374 = vector.broadcast %ge3A_1373 : i32 to vector<16xi32>
    %ge3A_1375 = arith.cmpi sge, %select_n3A_1372, %ge3A_1374 : vector<16xi32>
    %sub3A_1376 = arith.subi %select_n3A_1372, %broadcast_in_dim3A_6 : vector<16xi32>
    %select_n3A_1377 = arith.select %ge3A_1375, %sub3A_1376, %select_n3A_1372 : vector<16xi1>, vector<16xi32>
    %swap3A_1378 = arith.constant 4 : i64
    %swap3A_1379 = arith.index_cast %swap3A_1378 : i64 to index
    %swap3A_1380 = arith.constant 80 : index
    %swap3A_1381 = tpu.vector_load %arg11[%swap3A_1379, %swap3A_1380] {strides = array<i32>} : memref<12x128xi32, #tpu.memory_space<vmem>>, vector<1x16xi32>,
    %swap3A_1382 = vector.shape_cast %swap3A_1381 : vector<1x16xi32> to vector<16xi32>
    %swap3A_1383 = vector.shape_cast %select_n3A_1377 : vector<16xi32> to vector<1x16xi32>
    tpu.vector_store %arg11[%swap3A_1379, %swap3A_1380], %swap3A_1383 {strides = array<i32>} : memref<12x128xi32, #tpu.memory_space<vmem>>, vector<1x16xi32>,
    %add3A_1384 = arith.constant 8 : i32
    %add3A_1385 = arith.addi %add3A_1198, %add3A_1384 : i32
    %sub3A_1386 = arith.constant 1 : i32
    %sub3A_1387 = arith.subi %add3A_1385, %sub3A_1386 : i32
    %get3A_1388 = arith.index_cast %sub3A_1387 : i32 to index
    %get3A_1389 = tpu.vector_load %arg10[%get3A_1388] {strides = array<i32>} : memref<8208xi32, #tpu.memory_space<vmem>>, vector<16xi32>,
    %get3A_1390 = vector.shape_cast %get3A_1389 : vector<16xi32> to vector<16xi32>
    %mul3A_1391 = arith.constant 427936 : i32
    %mul3A_1392 = vector.broadcast %mul3A_1391 : i32 to vector<16xi32>
    %mul3A_1393 = arith.muli %get3A_1390, %mul3A_1392 : vector<16xi32>
    %add3A_1394 = arith.addi %add3A_1359, %mul3A_1393 : vector<16xi32>
    %add3A_1395 = arith.constant 7 : i32
    %add3A_1396 = arith.addi %add3A_1198, %add3A_1395 : i32
    %get3A_1397 = arith.index_cast %add3A_1396 : i32 to index
    %get3A_1398 = tpu.vector_load %arg10[%get3A_1397] {strides = array<i32>} : memref<8208xi32, #tpu.memory_space<vmem>>, vector<16xi32>,
    %get3A_1399 = vector.shape_cast %get3A_1398 : vector<16xi32> to vector<16xi32>
    %ge3A_1400 = arith.constant 128 : i32
    %ge3A_1401 = vector.broadcast %ge3A_1400 : i32 to vector<16xi32>
    %ge3A_1402 = arith.cmpi sge, %get3A_1399, %ge3A_1401 : vector<16xi32>
    %select_n3A_1403 = arith.select %ge3A_1402, %broadcast_in_dim3A_10, %broadcast_in_dim3A_8 : vector<16xi1>, vector<16xi32>
    %add3A_1404 = arith.addi %add3A_1394, %select_n3A_1403 : vector<16xi32>
    %max3A_1405 = arith.maxsi %add3A_1404, %broadcast_in_dim3A_8 : vector<16xi32>
    %convert_element_type3A_1406 = arith.sitofp %max3A_1405 : vector<16xi32> to vector<16xf32>
    %mul3A_1407 = arith.mulf %convert_element_type3A_1406, %broadcast_in_dim3A_12 : vector<16xf32>
    %convert_element_type3A_1408 = arith.fptosi %mul3A_1407 : vector<16xf32> to vector<16xi32>
    %mul3A_1409 = arith.constant 500000 : i32
    %mul3A_1410 = vector.broadcast %mul3A_1409 : i32 to vector<16xi32>
    %mul3A_1411 = arith.muli %convert_element_type3A_1408, %mul3A_1410 : vector<16xi32>
    %sub3A_1412 = arith.subi %max3A_1405, %mul3A_1411 : vector<16xi32>
    %lt3A_1413 = arith.constant 0 : i32
    %lt3A_1414 = vector.broadcast %lt3A_1413 : i32 to vector<16xi32>
    %lt3A_1415 = arith.cmpi slt, %sub3A_1412, %lt3A_1414 : vector<16xi32>
    %add3A_1416 = arith.addi %sub3A_1412, %broadcast_in_dim3A_6 : vector<16xi32>
    %select_n3A_1417 = arith.select %lt3A_1415, %add3A_1416, %sub3A_1412 : vector<16xi1>, vector<16xi32>
    %ge3A_1418 = arith.constant 500000 : i32
    %ge3A_1419 = vector.broadcast %ge3A_1418 : i32 to vector<16xi32>
    %ge3A_1420 = arith.cmpi sge, %select_n3A_1417, %ge3A_1419 : vector<16xi32>
    %sub3A_1421 = arith.subi %select_n3A_1417, %broadcast_in_dim3A_6 : vector<16xi32>
    %select_n3A_1422 = arith.select %ge3A_1420, %sub3A_1421, %select_n3A_1417 : vector<16xi1>, vector<16xi32>
    %swap3A_1423 = arith.constant 5 : i64
    %swap3A_1424 = arith.index_cast %swap3A_1423 : i64 to index
    %swap3A_1425 = arith.constant 80 : index
    %swap3A_1426 = tpu.vector_load %arg11[%swap3A_1424, %swap3A_1425] {strides = array<i32>} : memref<12x128xi32, #tpu.memory_space<vmem>>, vector<1x16xi32>,
    %swap3A_1427 = vector.shape_cast %swap3A_1426 : vector<1x16xi32> to vector<16xi32>
    %swap3A_1428 = vector.shape_cast %select_n3A_1422 : vector<16xi32> to vector<1x16xi32>
    tpu.vector_store %arg11[%swap3A_1424, %swap3A_1425], %swap3A_1428 {strides = array<i32>} : memref<12x128xi32, #tpu.memory_space<vmem>>, vector<1x16xi32>,
    %add3A_1429 = arith.constant 96 : i32
    %add3A_1430 = arith.addi %add3A_40, %add3A_1429 : i32
    %get3A_1431 = arith.index_cast %add3A_1430 : i32 to index
    %get3A_1432 = tpu.vector_load %arg10[%get3A_1431] {strides = array<i32>} : memref<8208xi32, #tpu.memory_space<vmem>>, vector<16xi32>,
    %get3A_1433 = vector.shape_cast %get3A_1432 : vector<16xi32> to vector<16xi32>
    %add3A_1434 = arith.constant 1 : i32
    %add3A_1435 = arith.addi %add3A_1430, %add3A_1434 : i32
    %get3A_1436 = arith.index_cast %add3A_1435 : i32 to index
    %get3A_1437 = tpu.vector_load %arg10[%get3A_1436] {strides = array<i32>} : memref<8208xi32, #tpu.memory_space<vmem>>, vector<16xi32>,
    %get3A_1438 = vector.shape_cast %get3A_1437 : vector<16xi32> to vector<16xi32>
    %mul3A_1439 = arith.constant 256 : i32
    %mul3A_1440 = vector.broadcast %mul3A_1439 : i32 to vector<16xi32>
    %mul3A_1441 = arith.muli %get3A_1438, %mul3A_1440 : vector<16xi32>
    %add3A_1442 = arith.addi %get3A_1433, %mul3A_1441 : vector<16xi32>
    %add3A_1443 = arith.constant 2 : i32
    %add3A_1444 = arith.addi %add3A_1430, %add3A_1443 : i32
    %get3A_1445 = arith.index_cast %add3A_1444 : i32 to index
    %get3A_1446 = tpu.vector_load %arg10[%get3A_1445] {strides = array<i32>} : memref<8208xi32, #tpu.memory_space<vmem>>, vector<16xi32>,
    %get3A_1447 = vector.shape_cast %get3A_1446 : vector<16xi32> to vector<16xi32>
    %mul3A_1448 = arith.constant 65536 : i32
    %mul3A_1449 = vector.broadcast %mul3A_1448 : i32 to vector<16xi32>
    %mul3A_1450 = arith.muli %get3A_1447, %mul3A_1449 : vector<16xi32>
    %add3A_1451 = arith.addi %add3A_1442, %mul3A_1450 : vector<16xi32>
    %max3A_1452 = arith.maxsi %add3A_1451, %broadcast_in_dim3A_8 : vector<16xi32>
    %convert_element_type3A_1453 = arith.sitofp %max3A_1452 : vector<16xi32> to vector<16xf32>
    %mul3A_1454 = arith.mulf %convert_element_type3A_1453, %broadcast_in_dim3A_12 : vector<16xf32>
    %convert_element_type3A_1455 = arith.fptosi %mul3A_1454 : vector<16xf32> to vector<16xi32>
    %mul3A_1456 = arith.constant 500000 : i32
    %mul3A_1457 = vector.broadcast %mul3A_1456 : i32 to vector<16xi32>
    %mul3A_1458 = arith.muli %convert_element_type3A_1455, %mul3A_1457 : vector<16xi32>
    %sub3A_1459 = arith.subi %max3A_1452, %mul3A_1458 : vector<16xi32>
    %lt3A_1460 = arith.constant 0 : i32
    %lt3A_1461 = vector.broadcast %lt3A_1460 : i32 to vector<16xi32>
    %lt3A_1462 = arith.cmpi slt, %sub3A_1459, %lt3A_1461 : vector<16xi32>
    %add3A_1463 = arith.addi %sub3A_1459, %broadcast_in_dim3A_6 : vector<16xi32>
    %select_n3A_1464 = arith.select %lt3A_1462, %add3A_1463, %sub3A_1459 : vector<16xi1>, vector<16xi32>
    %ge3A_1465 = arith.constant 500000 : i32
    %ge3A_1466 = vector.broadcast %ge3A_1465 : i32 to vector<16xi32>
    %ge3A_1467 = arith.cmpi sge, %select_n3A_1464, %ge3A_1466 : vector<16xi32>
    %sub3A_1468 = arith.subi %select_n3A_1464, %broadcast_in_dim3A_6 : vector<16xi32>
    %select_n3A_1469 = arith.select %ge3A_1467, %sub3A_1468, %select_n3A_1464 : vector<16xi1>, vector<16xi32>
    %swap3A_1470 = arith.constant 0 : i64
    %swap3A_1471 = arith.index_cast %swap3A_1470 : i64 to index
    %swap3A_1472 = arith.constant 96 : index
    %swap3A_1473 = tpu.vector_load %arg11[%swap3A_1471, %swap3A_1472] {strides = array<i32>} : memref<12x128xi32, #tpu.memory_space<vmem>>, vector<1x16xi32>,
    %swap3A_1474 = vector.shape_cast %swap3A_1473 : vector<1x16xi32> to vector<16xi32>
    %swap3A_1475 = vector.shape_cast %select_n3A_1469 : vector<16xi32> to vector<1x16xi32>
    tpu.vector_store %arg11[%swap3A_1471, %swap3A_1472], %swap3A_1475 {strides = array<i32>} : memref<12x128xi32, #tpu.memory_space<vmem>>, vector<1x16xi32>,
    %add3A_1476 = arith.constant 4 : i32
    %add3A_1477 = arith.addi %add3A_1430, %add3A_1476 : i32
    %sub3A_1478 = arith.constant 1 : i32
    %sub3A_1479 = arith.subi %add3A_1477, %sub3A_1478 : i32
    %get3A_1480 = arith.index_cast %sub3A_1479 : i32 to index
    %get3A_1481 = tpu.vector_load %arg10[%get3A_1480] {strides = array<i32>} : memref<8208xi32, #tpu.memory_space<vmem>>, vector<16xi32>,
    %get3A_1482 = vector.shape_cast %get3A_1481 : vector<16xi32> to vector<16xi32>
    %mul3A_1483 = arith.constant 277216 : i32
    %mul3A_1484 = vector.broadcast %mul3A_1483 : i32 to vector<16xi32>
    %mul3A_1485 = arith.muli %get3A_1482, %mul3A_1484 : vector<16xi32>
    %add3A_1486 = arith.addi %add3A_1451, %mul3A_1485 : vector<16xi32>
    %max3A_1487 = arith.maxsi %add3A_1486, %broadcast_in_dim3A_8 : vector<16xi32>
    %convert_element_type3A_1488 = arith.sitofp %max3A_1487 : vector<16xi32> to vector<16xf32>
    %mul3A_1489 = arith.mulf %convert_element_type3A_1488, %broadcast_in_dim3A_12 : vector<16xf32>
    %convert_element_type3A_1490 = arith.fptosi %mul3A_1489 : vector<16xf32> to vector<16xi32>
    %mul3A_1491 = arith.constant 500000 : i32
    %mul3A_1492 = vector.broadcast %mul3A_1491 : i32 to vector<16xi32>
    %mul3A_1493 = arith.muli %convert_element_type3A_1490, %mul3A_1492 : vector<16xi32>
    %sub3A_1494 = arith.subi %max3A_1487, %mul3A_1493 : vector<16xi32>
    %lt3A_1495 = arith.constant 0 : i32
    %lt3A_1496 = vector.broadcast %lt3A_1495 : i32 to vector<16xi32>
    %lt3A_1497 = arith.cmpi slt, %sub3A_1494, %lt3A_1496 : vector<16xi32>
    %add3A_1498 = arith.addi %sub3A_1494, %broadcast_in_dim3A_6 : vector<16xi32>
    %select_n3A_1499 = arith.select %lt3A_1497, %add3A_1498, %sub3A_1494 : vector<16xi1>, vector<16xi32>
    %ge3A_1500 = arith.constant 500000 : i32
    %ge3A_1501 = vector.broadcast %ge3A_1500 : i32 to vector<16xi32>
    %ge3A_1502 = arith.cmpi sge, %select_n3A_1499, %ge3A_1501 : vector<16xi32>
    %sub3A_1503 = arith.subi %select_n3A_1499, %broadcast_in_dim3A_6 : vector<16xi32>
    %select_n3A_1504 = arith.select %ge3A_1502, %sub3A_1503, %select_n3A_1499 : vector<16xi1>, vector<16xi32>
    %swap3A_1505 = arith.constant 1 : i64
    %swap3A_1506 = arith.index_cast %swap3A_1505 : i64 to index
    %swap3A_1507 = arith.constant 96 : index
    %swap3A_1508 = tpu.vector_load %arg11[%swap3A_1506, %swap3A_1507] {strides = array<i32>} : memref<12x128xi32, #tpu.memory_space<vmem>>, vector<1x16xi32>,
    %swap3A_1509 = vector.shape_cast %swap3A_1508 : vector<1x16xi32> to vector<16xi32>
    %swap3A_1510 = vector.shape_cast %select_n3A_1504 : vector<16xi32> to vector<1x16xi32>
    tpu.vector_store %arg11[%swap3A_1506, %swap3A_1507], %swap3A_1510 {strides = array<i32>} : memref<12x128xi32, #tpu.memory_space<vmem>>, vector<1x16xi32>,
    %add3A_1511 = arith.constant 5 : i32
    %add3A_1512 = arith.addi %add3A_1430, %add3A_1511 : i32
    %sub3A_1513 = arith.constant 1 : i32
    %sub3A_1514 = arith.subi %add3A_1512, %sub3A_1513 : i32
    %get3A_1515 = arith.index_cast %sub3A_1514 : i32 to index
    %get3A_1516 = tpu.vector_load %arg10[%get3A_1515] {strides = array<i32>} : memref<8208xi32, #tpu.memory_space<vmem>>, vector<16xi32>,
    %get3A_1517 = vector.shape_cast %get3A_1516 : vector<16xi32> to vector<16xi32>
    %mul3A_1518 = arith.constant 467296 : i32
    %mul3A_1519 = vector.broadcast %mul3A_1518 : i32 to vector<16xi32>
    %mul3A_1520 = arith.muli %get3A_1517, %mul3A_1519 : vector<16xi32>
    %add3A_1521 = arith.addi %add3A_1486, %mul3A_1520 : vector<16xi32>
    %max3A_1522 = arith.maxsi %add3A_1521, %broadcast_in_dim3A_8 : vector<16xi32>
    %convert_element_type3A_1523 = arith.sitofp %max3A_1522 : vector<16xi32> to vector<16xf32>
    %mul3A_1524 = arith.mulf %convert_element_type3A_1523, %broadcast_in_dim3A_12 : vector<16xf32>
    %convert_element_type3A_1525 = arith.fptosi %mul3A_1524 : vector<16xf32> to vector<16xi32>
    %mul3A_1526 = arith.constant 500000 : i32
    %mul3A_1527 = vector.broadcast %mul3A_1526 : i32 to vector<16xi32>
    %mul3A_1528 = arith.muli %convert_element_type3A_1525, %mul3A_1527 : vector<16xi32>
    %sub3A_1529 = arith.subi %max3A_1522, %mul3A_1528 : vector<16xi32>
    %lt3A_1530 = arith.constant 0 : i32
    %lt3A_1531 = vector.broadcast %lt3A_1530 : i32 to vector<16xi32>
    %lt3A_1532 = arith.cmpi slt, %sub3A_1529, %lt3A_1531 : vector<16xi32>
    %add3A_1533 = arith.addi %sub3A_1529, %broadcast_in_dim3A_6 : vector<16xi32>
    %select_n3A_1534 = arith.select %lt3A_1532, %add3A_1533, %sub3A_1529 : vector<16xi1>, vector<16xi32>
    %ge3A_1535 = arith.constant 500000 : i32
    %ge3A_1536 = vector.broadcast %ge3A_1535 : i32 to vector<16xi32>
    %ge3A_1537 = arith.cmpi sge, %select_n3A_1534, %ge3A_1536 : vector<16xi32>
    %sub3A_1538 = arith.subi %select_n3A_1534, %broadcast_in_dim3A_6 : vector<16xi32>
    %select_n3A_1539 = arith.select %ge3A_1537, %sub3A_1538, %select_n3A_1534 : vector<16xi1>, vector<16xi32>
    %swap3A_1540 = arith.constant 2 : i64
    %swap3A_1541 = arith.index_cast %swap3A_1540 : i64 to index
    %swap3A_1542 = arith.constant 96 : index
    %swap3A_1543 = tpu.vector_load %arg11[%swap3A_1541, %swap3A_1542] {strides = array<i32>} : memref<12x128xi32, #tpu.memory_space<vmem>>, vector<1x16xi32>,
    %swap3A_1544 = vector.shape_cast %swap3A_1543 : vector<1x16xi32> to vector<16xi32>
    %swap3A_1545 = vector.shape_cast %select_n3A_1539 : vector<16xi32> to vector<1x16xi32>
    tpu.vector_store %arg11[%swap3A_1541, %swap3A_1542], %swap3A_1545 {strides = array<i32>} : memref<12x128xi32, #tpu.memory_space<vmem>>, vector<1x16xi32>,
    %add3A_1546 = arith.constant 6 : i32
    %add3A_1547 = arith.addi %add3A_1430, %add3A_1546 : i32
    %sub3A_1548 = arith.constant 1 : i32
    %sub3A_1549 = arith.subi %add3A_1547, %sub3A_1548 : i32
    %get3A_1550 = arith.index_cast %sub3A_1549 : i32 to index
    %get3A_1551 = tpu.vector_load %arg10[%get3A_1550] {strides = array<i32>} : memref<8208xi32, #tpu.memory_space<vmem>>, vector<16xi32>,
    %get3A_1552 = vector.shape_cast %get3A_1551 : vector<16xi32> to vector<16xi32>
    %mul3A_1553 = arith.constant 127776 : i32
    %mul3A_1554 = vector.broadcast %mul3A_1553 : i32 to vector<16xi32>
    %mul3A_1555 = arith.muli %get3A_1552, %mul3A_1554 : vector<16xi32>
    %add3A_1556 = arith.addi %add3A_1521, %mul3A_1555 : vector<16xi32>
    %max3A_1557 = arith.maxsi %add3A_1556, %broadcast_in_dim3A_8 : vector<16xi32>
    %convert_element_type3A_1558 = arith.sitofp %max3A_1557 : vector<16xi32> to vector<16xf32>
    %mul3A_1559 = arith.mulf %convert_element_type3A_1558, %broadcast_in_dim3A_12 : vector<16xf32>
    %convert_element_type3A_1560 = arith.fptosi %mul3A_1559 : vector<16xf32> to vector<16xi32>
    %mul3A_1561 = arith.constant 500000 : i32
    %mul3A_1562 = vector.broadcast %mul3A_1561 : i32 to vector<16xi32>
    %mul3A_1563 = arith.muli %convert_element_type3A_1560, %mul3A_1562 : vector<16xi32>
    %sub3A_1564 = arith.subi %max3A_1557, %mul3A_1563 : vector<16xi32>
    %lt3A_1565 = arith.constant 0 : i32
    %lt3A_1566 = vector.broadcast %lt3A_1565 : i32 to vector<16xi32>
    %lt3A_1567 = arith.cmpi slt, %sub3A_1564, %lt3A_1566 : vector<16xi32>
    %add3A_1568 = arith.addi %sub3A_1564, %broadcast_in_dim3A_6 : vector<16xi32>
    %select_n3A_1569 = arith.select %lt3A_1567, %add3A_1568, %sub3A_1564 : vector<16xi1>, vector<16xi32>
    %ge3A_1570 = arith.constant 500000 : i32
    %ge3A_1571 = vector.broadcast %ge3A_1570 : i32 to vector<16xi32>
    %ge3A_1572 = arith.cmpi sge, %select_n3A_1569, %ge3A_1571 : vector<16xi32>
    %sub3A_1573 = arith.subi %select_n3A_1569, %broadcast_in_dim3A_6 : vector<16xi32>
    %select_n3A_1574 = arith.select %ge3A_1572, %sub3A_1573, %select_n3A_1569 : vector<16xi1>, vector<16xi32>
    %swap3A_1575 = arith.constant 3 : i64
    %swap3A_1576 = arith.index_cast %swap3A_1575 : i64 to index
    %swap3A_1577 = arith.constant 96 : index
    %swap3A_1578 = tpu.vector_load %arg11[%swap3A_1576, %swap3A_1577] {strides = array<i32>} : memref<12x128xi32, #tpu.memory_space<vmem>>, vector<1x16xi32>,
    %swap3A_1579 = vector.shape_cast %swap3A_1578 : vector<1x16xi32> to vector<16xi32>
    %swap3A_1580 = vector.shape_cast %select_n3A_1574 : vector<16xi32> to vector<1x16xi32>
    tpu.vector_store %arg11[%swap3A_1576, %swap3A_1577], %swap3A_1580 {strides = array<i32>} : memref<12x128xi32, #tpu.memory_space<vmem>>, vector<1x16xi32>,
    %add3A_1581 = arith.constant 7 : i32
    %add3A_1582 = arith.addi %add3A_1430, %add3A_1581 : i32
    %sub3A_1583 = arith.constant 1 : i32
    %sub3A_1584 = arith.subi %add3A_1582, %sub3A_1583 : i32
    %get3A_1585 = arith.index_cast %sub3A_1584 : i32 to index
    %get3A_1586 = tpu.vector_load %arg10[%get3A_1585] {strides = array<i32>} : memref<8208xi32, #tpu.memory_space<vmem>>, vector<16xi32>,
    %get3A_1587 = vector.shape_cast %get3A_1586 : vector<16xi32> to vector<16xi32>
    %mul3A_1588 = arith.constant 210656 : i32
    %mul3A_1589 = vector.broadcast %mul3A_1588 : i32 to vector<16xi32>
    %mul3A_1590 = arith.muli %get3A_1587, %mul3A_1589 : vector<16xi32>
    %add3A_1591 = arith.addi %add3A_1556, %mul3A_1590 : vector<16xi32>
    %max3A_1592 = arith.maxsi %add3A_1591, %broadcast_in_dim3A_8 : vector<16xi32>
    %convert_element_type3A_1593 = arith.sitofp %max3A_1592 : vector<16xi32> to vector<16xf32>
    %mul3A_1594 = arith.mulf %convert_element_type3A_1593, %broadcast_in_dim3A_12 : vector<16xf32>
    %convert_element_type3A_1595 = arith.fptosi %mul3A_1594 : vector<16xf32> to vector<16xi32>
    %mul3A_1596 = arith.constant 500000 : i32
    %mul3A_1597 = vector.broadcast %mul3A_1596 : i32 to vector<16xi32>
    %mul3A_1598 = arith.muli %convert_element_type3A_1595, %mul3A_1597 : vector<16xi32>
    %sub3A_1599 = arith.subi %max3A_1592, %mul3A_1598 : vector<16xi32>
    %lt3A_1600 = arith.constant 0 : i32
    %lt3A_1601 = vector.broadcast %lt3A_1600 : i32 to vector<16xi32>
    %lt3A_1602 = arith.cmpi slt, %sub3A_1599, %lt3A_1601 : vector<16xi32>
    %add3A_1603 = arith.addi %sub3A_1599, %broadcast_in_dim3A_6 : vector<16xi32>
    %select_n3A_1604 = arith.select %lt3A_1602, %add3A_1603, %sub3A_1599 : vector<16xi1>, vector<16xi32>
    %ge3A_1605 = arith.constant 500000 : i32
    %ge3A_1606 = vector.broadcast %ge3A_1605 : i32 to vector<16xi32>
    %ge3A_1607 = arith.cmpi sge, %select_n3A_1604, %ge3A_1606 : vector<16xi32>
    %sub3A_1608 = arith.subi %select_n3A_1604, %broadcast_in_dim3A_6 : vector<16xi32>
    %select_n3A_1609 = arith.select %ge3A_1607, %sub3A_1608, %select_n3A_1604 : vector<16xi1>, vector<16xi32>
    %swap3A_1610 = arith.constant 4 : i64
    %swap3A_1611 = arith.index_cast %swap3A_1610 : i64 to index
    %swap3A_1612 = arith.constant 96 : index
    %swap3A_1613 = tpu.vector_load %arg11[%swap3A_1611, %swap3A_1612] {strides = array<i32>} : memref<12x128xi32, #tpu.memory_space<vmem>>, vector<1x16xi32>,
    %swap3A_1614 = vector.shape_cast %swap3A_1613 : vector<1x16xi32> to vector<16xi32>
    %swap3A_1615 = vector.shape_cast %select_n3A_1609 : vector<16xi32> to vector<1x16xi32>
    tpu.vector_store %arg11[%swap3A_1611, %swap3A_1612], %swap3A_1615 {strides = array<i32>} : memref<12x128xi32, #tpu.memory_space<vmem>>, vector<1x16xi32>,
    %add3A_1616 = arith.constant 8 : i32
    %add3A_1617 = arith.addi %add3A_1430, %add3A_1616 : i32
    %sub3A_1618 = arith.constant 1 : i32
    %sub3A_1619 = arith.subi %add3A_1617, %sub3A_1618 : i32
    %get3A_1620 = arith.index_cast %sub3A_1619 : i32 to index
    %get3A_1621 = tpu.vector_load %arg10[%get3A_1620] {strides = array<i32>} : memref<8208xi32, #tpu.memory_space<vmem>>, vector<16xi32>,
    %get3A_1622 = vector.shape_cast %get3A_1621 : vector<16xi32> to vector<16xi32>
    %mul3A_1623 = arith.constant 427936 : i32
    %mul3A_1624 = vector.broadcast %mul3A_1623 : i32 to vector<16xi32>
    %mul3A_1625 = arith.muli %get3A_1622, %mul3A_1624 : vector<16xi32>
    %add3A_1626 = arith.addi %add3A_1591, %mul3A_1625 : vector<16xi32>
    %add3A_1627 = arith.constant 7 : i32
    %add3A_1628 = arith.addi %add3A_1430, %add3A_1627 : i32
    %get3A_1629 = arith.index_cast %add3A_1628 : i32 to index
    %get3A_1630 = tpu.vector_load %arg10[%get3A_1629] {strides = array<i32>} : memref<8208xi32, #tpu.memory_space<vmem>>, vector<16xi32>,
    %get3A_1631 = vector.shape_cast %get3A_1630 : vector<16xi32> to vector<16xi32>
    %ge3A_1632 = arith.constant 128 : i32
    %ge3A_1633 = vector.broadcast %ge3A_1632 : i32 to vector<16xi32>
    %ge3A_1634 = arith.cmpi sge, %get3A_1631, %ge3A_1633 : vector<16xi32>
    %select_n3A_1635 = arith.select %ge3A_1634, %broadcast_in_dim3A_10, %broadcast_in_dim3A_8 : vector<16xi1>, vector<16xi32>
    %add3A_1636 = arith.addi %add3A_1626, %select_n3A_1635 : vector<16xi32>
    %max3A_1637 = arith.maxsi %add3A_1636, %broadcast_in_dim3A_8 : vector<16xi32>
    %convert_element_type3A_1638 = arith.sitofp %max3A_1637 : vector<16xi32> to vector<16xf32>
    %mul3A_1639 = arith.mulf %convert_element_type3A_1638, %broadcast_in_dim3A_12 : vector<16xf32>
    %convert_element_type3A_1640 = arith.fptosi %mul3A_1639 : vector<16xf32> to vector<16xi32>
    %mul3A_1641 = arith.constant 500000 : i32
    %mul3A_1642 = vector.broadcast %mul3A_1641 : i32 to vector<16xi32>
    %mul3A_1643 = arith.muli %convert_element_type3A_1640, %mul3A_1642 : vector<16xi32>
    %sub3A_1644 = arith.subi %max3A_1637, %mul3A_1643 : vector<16xi32>
    %lt3A_1645 = arith.constant 0 : i32
    %lt3A_1646 = vector.broadcast %lt3A_1645 : i32 to vector<16xi32>
    %lt3A_1647 = arith.cmpi slt, %sub3A_1644, %lt3A_1646 : vector<16xi32>
    %add3A_1648 = arith.addi %sub3A_1644, %broadcast_in_dim3A_6 : vector<16xi32>
    %select_n3A_1649 = arith.select %lt3A_1647, %add3A_1648, %sub3A_1644 : vector<16xi1>, vector<16xi32>
    %ge3A_1650 = arith.constant 500000 : i32
    %ge3A_1651 = vector.broadcast %ge3A_1650 : i32 to vector<16xi32>
    %ge3A_1652 = arith.cmpi sge, %select_n3A_1649, %ge3A_1651 : vector<16xi32>
    %sub3A_1653 = arith.subi %select_n3A_1649, %broadcast_in_dim3A_6 : vector<16xi32>
    %select_n3A_1654 = arith.select %ge3A_1652, %sub3A_1653, %select_n3A_1649 : vector<16xi1>, vector<16xi32>
    %swap3A_1655 = arith.constant 5 : i64
    %swap3A_1656 = arith.index_cast %swap3A_1655 : i64 to index
    %swap3A_1657 = arith.constant 96 : index
    %swap3A_1658 = tpu.vector_load %arg11[%swap3A_1656, %swap3A_1657] {strides = array<i32>} : memref<12x128xi32, #tpu.memory_space<vmem>>, vector<1x16xi32>,
    %swap3A_1659 = vector.shape_cast %swap3A_1658 : vector<1x16xi32> to vector<16xi32>
    %swap3A_1660 = vector.shape_cast %select_n3A_1654 : vector<16xi32> to vector<1x16xi32>
    tpu.vector_store %arg11[%swap3A_1656, %swap3A_1657], %swap3A_1660 {strides = array<i32>} : memref<12x128xi32, #tpu.memory_space<vmem>>, vector<1x16xi32>,
    %add3A_1661 = arith.constant 112 : i32
    %add3A_1662 = arith.addi %add3A_40, %add3A_1661 : i32
    %get3A_1663 = arith.index_cast %add3A_1662 : i32 to index
    %get3A_1664 = tpu.vector_load %arg10[%get3A_1663] {strides = array<i32>} : memref<8208xi32, #tpu.memory_space<vmem>>, vector<16xi32>,
    %get3A_1665 = vector.shape_cast %get3A_1664 : vector<16xi32> to vector<16xi32>
    %add3A_1666 = arith.constant 1 : i32
    %add3A_1667 = arith.addi %add3A_1662, %add3A_1666 : i32
    %get3A_1668 = arith.index_cast %add3A_1667 : i32 to index
    %get3A_1669 = tpu.vector_load %arg10[%get3A_1668] {strides = array<i32>} : memref<8208xi32, #tpu.memory_space<vmem>>, vector<16xi32>,
    %get3A_1670 = vector.shape_cast %get3A_1669 : vector<16xi32> to vector<16xi32>
    %mul3A_1671 = arith.constant 256 : i32
    %mul3A_1672 = vector.broadcast %mul3A_1671 : i32 to vector<16xi32>
    %mul3A_1673 = arith.muli %get3A_1670, %mul3A_1672 : vector<16xi32>
    %add3A_1674 = arith.addi %get3A_1665, %mul3A_1673 : vector<16xi32>
    %add3A_1675 = arith.constant 2 : i32
    %add3A_1676 = arith.addi %add3A_1662, %add3A_1675 : i32
    %get3A_1677 = arith.index_cast %add3A_1676 : i32 to index
    %get3A_1678 = tpu.vector_load %arg10[%get3A_1677] {strides = array<i32>} : memref<8208xi32, #tpu.memory_space<vmem>>, vector<16xi32>,
    %get3A_1679 = vector.shape_cast %get3A_1678 : vector<16xi32> to vector<16xi32>
    %mul3A_1680 = arith.constant 65536 : i32
    %mul3A_1681 = vector.broadcast %mul3A_1680 : i32 to vector<16xi32>
    %mul3A_1682 = arith.muli %get3A_1679, %mul3A_1681 : vector<16xi32>
    %add3A_1683 = arith.addi %add3A_1674, %mul3A_1682 : vector<16xi32>
    %max3A_1684 = arith.maxsi %add3A_1683, %broadcast_in_dim3A_8 : vector<16xi32>
    %convert_element_type3A_1685 = arith.sitofp %max3A_1684 : vector<16xi32> to vector<16xf32>
    %mul3A_1686 = arith.mulf %convert_element_type3A_1685, %broadcast_in_dim3A_12 : vector<16xf32>
    %convert_element_type3A_1687 = arith.fptosi %mul3A_1686 : vector<16xf32> to vector<16xi32>
    %mul3A_1688 = arith.constant 500000 : i32
    %mul3A_1689 = vector.broadcast %mul3A_1688 : i32 to vector<16xi32>
    %mul3A_1690 = arith.muli %convert_element_type3A_1687, %mul3A_1689 : vector<16xi32>
    %sub3A_1691 = arith.subi %max3A_1684, %mul3A_1690 : vector<16xi32>
    %lt3A_1692 = arith.constant 0 : i32
    %lt3A_1693 = vector.broadcast %lt3A_1692 : i32 to vector<16xi32>
    %lt3A_1694 = arith.cmpi slt, %sub3A_1691, %lt3A_1693 : vector<16xi32>
    %add3A_1695 = arith.addi %sub3A_1691, %broadcast_in_dim3A_6 : vector<16xi32>
    %select_n3A_1696 = arith.select %lt3A_1694, %add3A_1695, %sub3A_1691 : vector<16xi1>, vector<16xi32>
    %ge3A_1697 = arith.constant 500000 : i32
    %ge3A_1698 = vector.broadcast %ge3A_1697 : i32 to vector<16xi32>
    %ge3A_1699 = arith.cmpi sge, %select_n3A_1696, %ge3A_1698 : vector<16xi32>
    %sub3A_1700 = arith.subi %select_n3A_1696, %broadcast_in_dim3A_6 : vector<16xi32>
    %select_n3A_1701 = arith.select %ge3A_1699, %sub3A_1700, %select_n3A_1696 : vector<16xi1>, vector<16xi32>
    %swap3A_1702 = arith.constant 0 : i64
    %swap3A_1703 = arith.index_cast %swap3A_1702 : i64 to index
    %swap3A_1704 = arith.constant 112 : index
    %swap3A_1705 = tpu.vector_load %arg11[%swap3A_1703, %swap3A_1704] {strides = array<i32>} : memref<12x128xi32, #tpu.memory_space<vmem>>, vector<1x16xi32>,
    %swap3A_1706 = vector.shape_cast %swap3A_1705 : vector<1x16xi32> to vector<16xi32>
    %swap3A_1707 = vector.shape_cast %select_n3A_1701 : vector<16xi32> to vector<1x16xi32>
    tpu.vector_store %arg11[%swap3A_1703, %swap3A_1704], %swap3A_1707 {strides = array<i32>} : memref<12x128xi32, #tpu.memory_space<vmem>>, vector<1x16xi32>,
    %add3A_1708 = arith.constant 4 : i32
    %add3A_1709 = arith.addi %add3A_1662, %add3A_1708 : i32
    %sub3A_1710 = arith.constant 1 : i32
    %sub3A_1711 = arith.subi %add3A_1709, %sub3A_1710 : i32
    %get3A_1712 = arith.index_cast %sub3A_1711 : i32 to index
    %get3A_1713 = tpu.vector_load %arg10[%get3A_1712] {strides = array<i32>} : memref<8208xi32, #tpu.memory_space<vmem>>, vector<16xi32>,
    %get3A_1714 = vector.shape_cast %get3A_1713 : vector<16xi32> to vector<16xi32>
    %mul3A_1715 = arith.constant 277216 : i32
    %mul3A_1716 = vector.broadcast %mul3A_1715 : i32 to vector<16xi32>
    %mul3A_1717 = arith.muli %get3A_1714, %mul3A_1716 : vector<16xi32>
    %add3A_1718 = arith.addi %add3A_1683, %mul3A_1717 : vector<16xi32>
    %max3A_1719 = arith.maxsi %add3A_1718, %broadcast_in_dim3A_8 : vector<16xi32>
    %convert_element_type3A_1720 = arith.sitofp %max3A_1719 : vector<16xi32> to vector<16xf32>
    %mul3A_1721 = arith.mulf %convert_element_type3A_1720, %broadcast_in_dim3A_12 : vector<16xf32>
    %convert_element_type3A_1722 = arith.fptosi %mul3A_1721 : vector<16xf32> to vector<16xi32>
    %mul3A_1723 = arith.constant 500000 : i32
    %mul3A_1724 = vector.broadcast %mul3A_1723 : i32 to vector<16xi32>
    %mul3A_1725 = arith.muli %convert_element_type3A_1722, %mul3A_1724 : vector<16xi32>
    %sub3A_1726 = arith.subi %max3A_1719, %mul3A_1725 : vector<16xi32>
    %lt3A_1727 = arith.constant 0 : i32
    %lt3A_1728 = vector.broadcast %lt3A_1727 : i32 to vector<16xi32>
    %lt3A_1729 = arith.cmpi slt, %sub3A_1726, %lt3A_1728 : vector<16xi32>
    %add3A_1730 = arith.addi %sub3A_1726, %broadcast_in_dim3A_6 : vector<16xi32>
    %select_n3A_1731 = arith.select %lt3A_1729, %add3A_1730, %sub3A_1726 : vector<16xi1>, vector<16xi32>
    %ge3A_1732 = arith.constant 500000 : i32
    %ge3A_1733 = vector.broadcast %ge3A_1732 : i32 to vector<16xi32>
    %ge3A_1734 = arith.cmpi sge, %select_n3A_1731, %ge3A_1733 : vector<16xi32>
    %sub3A_1735 = arith.subi %select_n3A_1731, %broadcast_in_dim3A_6 : vector<16xi32>
    %select_n3A_1736 = arith.select %ge3A_1734, %sub3A_1735, %select_n3A_1731 : vector<16xi1>, vector<16xi32>
    %swap3A_1737 = arith.constant 1 : i64
    %swap3A_1738 = arith.index_cast %swap3A_1737 : i64 to index
    %swap3A_1739 = arith.constant 112 : index
    %swap3A_1740 = tpu.vector_load %arg11[%swap3A_1738, %swap3A_1739] {strides = array<i32>} : memref<12x128xi32, #tpu.memory_space<vmem>>, vector<1x16xi32>,
    %swap3A_1741 = vector.shape_cast %swap3A_1740 : vector<1x16xi32> to vector<16xi32>
    %swap3A_1742 = vector.shape_cast %select_n3A_1736 : vector<16xi32> to vector<1x16xi32>
    tpu.vector_store %arg11[%swap3A_1738, %swap3A_1739], %swap3A_1742 {strides = array<i32>} : memref<12x128xi32, #tpu.memory_space<vmem>>, vector<1x16xi32>,
    %add3A_1743 = arith.constant 5 : i32
    %add3A_1744 = arith.addi %add3A_1662, %add3A_1743 : i32
    %sub3A_1745 = arith.constant 1 : i32
    %sub3A_1746 = arith.subi %add3A_1744, %sub3A_1745 : i32
    %get3A_1747 = arith.index_cast %sub3A_1746 : i32 to index
    %get3A_1748 = tpu.vector_load %arg10[%get3A_1747] {strides = array<i32>} : memref<8208xi32, #tpu.memory_space<vmem>>, vector<16xi32>,
    %get3A_1749 = vector.shape_cast %get3A_1748 : vector<16xi32> to vector<16xi32>
    %mul3A_1750 = arith.constant 467296 : i32
    %mul3A_1751 = vector.broadcast %mul3A_1750 : i32 to vector<16xi32>
    %mul3A_1752 = arith.muli %get3A_1749, %mul3A_1751 : vector<16xi32>
    %add3A_1753 = arith.addi %add3A_1718, %mul3A_1752 : vector<16xi32>
    %max3A_1754 = arith.maxsi %add3A_1753, %broadcast_in_dim3A_8 : vector<16xi32>
    %convert_element_type3A_1755 = arith.sitofp %max3A_1754 : vector<16xi32> to vector<16xf32>
    %mul3A_1756 = arith.mulf %convert_element_type3A_1755, %broadcast_in_dim3A_12 : vector<16xf32>
    %convert_element_type3A_1757 = arith.fptosi %mul3A_1756 : vector<16xf32> to vector<16xi32>
    %mul3A_1758 = arith.constant 500000 : i32
    %mul3A_1759 = vector.broadcast %mul3A_1758 : i32 to vector<16xi32>
    %mul3A_1760 = arith.muli %convert_element_type3A_1757, %mul3A_1759 : vector<16xi32>
    %sub3A_1761 = arith.subi %max3A_1754, %mul3A_1760 : vector<16xi32>
    %lt3A_1762 = arith.constant 0 : i32
    %lt3A_1763 = vector.broadcast %lt3A_1762 : i32 to vector<16xi32>
    %lt3A_1764 = arith.cmpi slt, %sub3A_1761, %lt3A_1763 : vector<16xi32>
    %add3A_1765 = arith.addi %sub3A_1761, %broadcast_in_dim3A_6 : vector<16xi32>
    %select_n3A_1766 = arith.select %lt3A_1764, %add3A_1765, %sub3A_1761 : vector<16xi1>, vector<16xi32>
    %ge3A_1767 = arith.constant 500000 : i32
    %ge3A_1768 = vector.broadcast %ge3A_1767 : i32 to vector<16xi32>
    %ge3A_1769 = arith.cmpi sge, %select_n3A_1766, %ge3A_1768 : vector<16xi32>
    %sub3A_1770 = arith.subi %select_n3A_1766, %broadcast_in_dim3A_6 : vector<16xi32>
    %select_n3A_1771 = arith.select %ge3A_1769, %sub3A_1770, %select_n3A_1766 : vector<16xi1>, vector<16xi32>
    %swap3A_1772 = arith.constant 2 : i64
    %swap3A_1773 = arith.index_cast %swap3A_1772 : i64 to index
    %swap3A_1774 = arith.constant 112 : index
    %swap3A_1775 = tpu.vector_load %arg11[%swap3A_1773, %swap3A_1774] {strides = array<i32>} : memref<12x128xi32, #tpu.memory_space<vmem>>, vector<1x16xi32>,
    %swap3A_1776 = vector.shape_cast %swap3A_1775 : vector<1x16xi32> to vector<16xi32>
    %swap3A_1777 = vector.shape_cast %select_n3A_1771 : vector<16xi32> to vector<1x16xi32>
    tpu.vector_store %arg11[%swap3A_1773, %swap3A_1774], %swap3A_1777 {strides = array<i32>} : memref<12x128xi32, #tpu.memory_space<vmem>>, vector<1x16xi32>,
    %add3A_1778 = arith.constant 6 : i32
    %add3A_1779 = arith.addi %add3A_1662, %add3A_1778 : i32
    %sub3A_1780 = arith.constant 1 : i32
    %sub3A_1781 = arith.subi %add3A_1779, %sub3A_1780 : i32
    %get3A_1782 = arith.index_cast %sub3A_1781 : i32 to index
    %get3A_1783 = tpu.vector_load %arg10[%get3A_1782] {strides = array<i32>} : memref<8208xi32, #tpu.memory_space<vmem>>, vector<16xi32>,
    %get3A_1784 = vector.shape_cast %get3A_1783 : vector<16xi32> to vector<16xi32>
    %mul3A_1785 = arith.constant 127776 : i32
    %mul3A_1786 = vector.broadcast %mul3A_1785 : i32 to vector<16xi32>
    %mul3A_1787 = arith.muli %get3A_1784, %mul3A_1786 : vector<16xi32>
    %add3A_1788 = arith.addi %add3A_1753, %mul3A_1787 : vector<16xi32>
    %max3A_1789 = arith.maxsi %add3A_1788, %broadcast_in_dim3A_8 : vector<16xi32>
    %convert_element_type3A_1790 = arith.sitofp %max3A_1789 : vector<16xi32> to vector<16xf32>
    %mul3A_1791 = arith.mulf %convert_element_type3A_1790, %broadcast_in_dim3A_12 : vector<16xf32>
    %convert_element_type3A_1792 = arith.fptosi %mul3A_1791 : vector<16xf32> to vector<16xi32>
    %mul3A_1793 = arith.constant 500000 : i32
    %mul3A_1794 = vector.broadcast %mul3A_1793 : i32 to vector<16xi32>
    %mul3A_1795 = arith.muli %convert_element_type3A_1792, %mul3A_1794 : vector<16xi32>
    %sub3A_1796 = arith.subi %max3A_1789, %mul3A_1795 : vector<16xi32>
    %lt3A_1797 = arith.constant 0 : i32
    %lt3A_1798 = vector.broadcast %lt3A_1797 : i32 to vector<16xi32>
    %lt3A_1799 = arith.cmpi slt, %sub3A_1796, %lt3A_1798 : vector<16xi32>
    %add3A_1800 = arith.addi %sub3A_1796, %broadcast_in_dim3A_6 : vector<16xi32>
    %select_n3A_1801 = arith.select %lt3A_1799, %add3A_1800, %sub3A_1796 : vector<16xi1>, vector<16xi32>
    %ge3A_1802 = arith.constant 500000 : i32
    %ge3A_1803 = vector.broadcast %ge3A_1802 : i32 to vector<16xi32>
    %ge3A_1804 = arith.cmpi sge, %select_n3A_1801, %ge3A_1803 : vector<16xi32>
    %sub3A_1805 = arith.subi %select_n3A_1801, %broadcast_in_dim3A_6 : vector<16xi32>
    %select_n3A_1806 = arith.select %ge3A_1804, %sub3A_1805, %select_n3A_1801 : vector<16xi1>, vector<16xi32>
    %swap3A_1807 = arith.constant 3 : i64
    %swap3A_1808 = arith.index_cast %swap3A_1807 : i64 to index
    %swap3A_1809 = arith.constant 112 : index
    %swap3A_1810 = tpu.vector_load %arg11[%swap3A_1808, %swap3A_1809] {strides = array<i32>} : memref<12x128xi32, #tpu.memory_space<vmem>>, vector<1x16xi32>,
    %swap3A_1811 = vector.shape_cast %swap3A_1810 : vector<1x16xi32> to vector<16xi32>
    %swap3A_1812 = vector.shape_cast %select_n3A_1806 : vector<16xi32> to vector<1x16xi32>
    tpu.vector_store %arg11[%swap3A_1808, %swap3A_1809], %swap3A_1812 {strides = array<i32>} : memref<12x128xi32, #tpu.memory_space<vmem>>, vector<1x16xi32>,
    %add3A_1813 = arith.constant 7 : i32
    %add3A_1814 = arith.addi %add3A_1662, %add3A_1813 : i32
    %sub3A_1815 = arith.constant 1 : i32
    %sub3A_1816 = arith.subi %add3A_1814, %sub3A_1815 : i32
    %get3A_1817 = arith.index_cast %sub3A_1816 : i32 to index
    %get3A_1818 = tpu.vector_load %arg10[%get3A_1817] {strides = array<i32>} : memref<8208xi32, #tpu.memory_space<vmem>>, vector<16xi32>,
    %get3A_1819 = vector.shape_cast %get3A_1818 : vector<16xi32> to vector<16xi32>
    %mul3A_1820 = arith.constant 210656 : i32
    %mul3A_1821 = vector.broadcast %mul3A_1820 : i32 to vector<16xi32>
    %mul3A_1822 = arith.muli %get3A_1819, %mul3A_1821 : vector<16xi32>
    %add3A_1823 = arith.addi %add3A_1788, %mul3A_1822 : vector<16xi32>
    %max3A_1824 = arith.maxsi %add3A_1823, %broadcast_in_dim3A_8 : vector<16xi32>
    %convert_element_type3A_1825 = arith.sitofp %max3A_1824 : vector<16xi32> to vector<16xf32>
    %mul3A_1826 = arith.mulf %convert_element_type3A_1825, %broadcast_in_dim3A_12 : vector<16xf32>
    %convert_element_type3A_1827 = arith.fptosi %mul3A_1826 : vector<16xf32> to vector<16xi32>
    %mul3A_1828 = arith.constant 500000 : i32
    %mul3A_1829 = vector.broadcast %mul3A_1828 : i32 to vector<16xi32>
    %mul3A_1830 = arith.muli %convert_element_type3A_1827, %mul3A_1829 : vector<16xi32>
    %sub3A_1831 = arith.subi %max3A_1824, %mul3A_1830 : vector<16xi32>
    %lt3A_1832 = arith.constant 0 : i32
    %lt3A_1833 = vector.broadcast %lt3A_1832 : i32 to vector<16xi32>
    %lt3A_1834 = arith.cmpi slt, %sub3A_1831, %lt3A_1833 : vector<16xi32>
    %add3A_1835 = arith.addi %sub3A_1831, %broadcast_in_dim3A_6 : vector<16xi32>
    %select_n3A_1836 = arith.select %lt3A_1834, %add3A_1835, %sub3A_1831 : vector<16xi1>, vector<16xi32>
    %ge3A_1837 = arith.constant 500000 : i32
    %ge3A_1838 = vector.broadcast %ge3A_1837 : i32 to vector<16xi32>
    %ge3A_1839 = arith.cmpi sge, %select_n3A_1836, %ge3A_1838 : vector<16xi32>
    %sub3A_1840 = arith.subi %select_n3A_1836, %broadcast_in_dim3A_6 : vector<16xi32>
    %select_n3A_1841 = arith.select %ge3A_1839, %sub3A_1840, %select_n3A_1836 : vector<16xi1>, vector<16xi32>
    %swap3A_1842 = arith.constant 4 : i64
    %swap3A_1843 = arith.index_cast %swap3A_1842 : i64 to index
    %swap3A_1844 = arith.constant 112 : index
    %swap3A_1845 = tpu.vector_load %arg11[%swap3A_1843, %swap3A_1844] {strides = array<i32>} : memref<12x128xi32, #tpu.memory_space<vmem>>, vector<1x16xi32>,
    %swap3A_1846 = vector.shape_cast %swap3A_1845 : vector<1x16xi32> to vector<16xi32>
    %swap3A_1847 = vector.shape_cast %select_n3A_1841 : vector<16xi32> to vector<1x16xi32>
    tpu.vector_store %arg11[%swap3A_1843, %swap3A_1844], %swap3A_1847 {strides = array<i32>} : memref<12x128xi32, #tpu.memory_space<vmem>>, vector<1x16xi32>,
    %add3A_1848 = arith.constant 8 : i32
    %add3A_1849 = arith.addi %add3A_1662, %add3A_1848 : i32
    %sub3A_1850 = arith.constant 1 : i32
    %sub3A_1851 = arith.subi %add3A_1849, %sub3A_1850 : i32
    %get3A_1852 = arith.index_cast %sub3A_1851 : i32 to index
    %get3A_1853 = tpu.vector_load %arg10[%get3A_1852] {strides = array<i32>} : memref<8208xi32, #tpu.memory_space<vmem>>, vector<16xi32>,
    %get3A_1854 = vector.shape_cast %get3A_1853 : vector<16xi32> to vector<16xi32>
    %mul3A_1855 = arith.constant 427936 : i32
    %mul3A_1856 = vector.broadcast %mul3A_1855 : i32 to vector<16xi32>
    %mul3A_1857 = arith.muli %get3A_1854, %mul3A_1856 : vector<16xi32>
    %add3A_1858 = arith.addi %add3A_1823, %mul3A_1857 : vector<16xi32>
    %add3A_1859 = arith.constant 7 : i32
    %add3A_1860 = arith.addi %add3A_1662, %add3A_1859 : i32
    %get3A_1861 = arith.index_cast %add3A_1860 : i32 to index
    %get3A_1862 = tpu.vector_load %arg10[%get3A_1861] {strides = array<i32>} : memref<8208xi32, #tpu.memory_space<vmem>>, vector<16xi32>,
    %get3A_1863 = vector.shape_cast %get3A_1862 : vector<16xi32> to vector<16xi32>
    %ge3A_1864 = arith.constant 128 : i32
    %ge3A_1865 = vector.broadcast %ge3A_1864 : i32 to vector<16xi32>
    %ge3A_1866 = arith.cmpi sge, %get3A_1863, %ge3A_1865 : vector<16xi32>
    %select_n3A_1867 = arith.select %ge3A_1866, %broadcast_in_dim3A_10, %broadcast_in_dim3A_8 : vector<16xi1>, vector<16xi32>
    %add3A_1868 = arith.addi %add3A_1858, %select_n3A_1867 : vector<16xi32>
    %max3A_1869 = arith.maxsi %add3A_1868, %broadcast_in_dim3A_8 : vector<16xi32>
    %convert_element_type3A_1870 = arith.sitofp %max3A_1869 : vector<16xi32> to vector<16xf32>
    %mul3A_1871 = arith.mulf %convert_element_type3A_1870, %broadcast_in_dim3A_12 : vector<16xf32>
    %convert_element_type3A_1872 = arith.fptosi %mul3A_1871 : vector<16xf32> to vector<16xi32>
    %mul3A_1873 = arith.constant 500000 : i32
    %mul3A_1874 = vector.broadcast %mul3A_1873 : i32 to vector<16xi32>
    %mul3A_1875 = arith.muli %convert_element_type3A_1872, %mul3A_1874 : vector<16xi32>
    %sub3A_1876 = arith.subi %max3A_1869, %mul3A_1875 : vector<16xi32>
    %lt3A_1877 = arith.constant 0 : i32
    %lt3A_1878 = vector.broadcast %lt3A_1877 : i32 to vector<16xi32>
    %lt3A_1879 = arith.cmpi slt, %sub3A_1876, %lt3A_1878 : vector<16xi32>
    %add3A_1880 = arith.addi %sub3A_1876, %broadcast_in_dim3A_6 : vector<16xi32>
    %select_n3A_1881 = arith.select %lt3A_1879, %add3A_1880, %sub3A_1876 : vector<16xi1>, vector<16xi32>
    %ge3A_1882 = arith.constant 500000 : i32
    %ge3A_1883 = vector.broadcast %ge3A_1882 : i32 to vector<16xi32>
    %ge3A_1884 = arith.cmpi sge, %select_n3A_1881, %ge3A_1883 : vector<16xi32>
    %sub3A_1885 = arith.subi %select_n3A_1881, %broadcast_in_dim3A_6 : vector<16xi32>
    %select_n3A_1886 = arith.select %ge3A_1884, %sub3A_1885, %select_n3A_1881 : vector<16xi1>, vector<16xi32>
    %swap3A_1887 = arith.constant 5 : i64
    %swap3A_1888 = arith.index_cast %swap3A_1887 : i64 to index
    %swap3A_1889 = arith.constant 112 : index
    %swap3A_1890 = tpu.vector_load %arg11[%swap3A_1888, %swap3A_1889] {strides = array<i32>} : memref<12x128xi32, #tpu.memory_space<vmem>>, vector<1x16xi32>,
    %swap3A_1891 = vector.shape_cast %swap3A_1890 : vector<1x16xi32> to vector<16xi32>
    %swap3A_1892 = vector.shape_cast %select_n3A_1886 : vector<16xi32> to vector<1x16xi32>
    tpu.vector_store %arg11[%swap3A_1888, %swap3A_1889], %swap3A_1892 {strides = array<i32>} : memref<12x128xi32, #tpu.memory_space<vmem>>, vector<1x16xi32>,
    %add3A_1893 = arith.constant 0 : i32
    %add3A_1894 = arith.addi %add3A_1893, %select_n3A : i32
    %mul3A_1895 = arith.constant 2048 : i32
    %mul3A_1896 = arith.muli %add3A_1894, %mul3A_1895 : i32
    %add3A_1897 = arith.addi %mul3A_1896, %mul3A_37 : i32
    %dma_start3A = arith.constant 0 : i32
    %dma_start3A_1898 = arith.constant 0 : i32
    %dma_start3A_1899 = tpu.memref_slice %arg11[%dma_start3A, %dma_start3A_1898] : memref<12x128xi32, #tpu.memory_space<vmem>> -> memref<1x128xi32, #tpu.memory_space<vmem>>
    %dma_start3A_1900 = tpu.memref_squeeze %dma_start3A_1899 : memref<1x128xi32, #tpu.memory_space<vmem>> -> memref<128xi32, #tpu.memory_space<vmem>>
    %dma_start3A_1901 = arith.constant 0 : i32
    %dma_start3A_1902 = arith.constant 0 : i32
    %dma_start3A_1903 = tpu.memref_slice %arg3[%dma_start3A_1901, %dma_start3A_1902] : memref<500000x128xf32, #tpu.memory_space<hbm>> -> memref<500000x128xf32, #tpu.memory_space<hbm>>
    tpu.enqueue_indirect_dma source(%dma_start3A_1903 : memref<500000x128xf32, #tpu.memory_space<hbm>>) target(%arg12 : memref<128x128xf32, #tpu.memory_space<vmem>>) offsets(%dma_start3A_1900 : memref<128xi32, #tpu.memory_space<vmem>>) semaphore(%arg18 : memref<!tpu.dma_semaphore, #tpu.memory_space<semaphore_mem>>)
    %mul3A_1904 = arith.constant 2 : i32
    %mul3A_1905 = arith.muli %add3A, %mul3A_1904 : i32
    %add3A_1906 = arith.constant 0 : i32
    %add3A_1907 = arith.addi %mul3A_1905, %add3A_1906 : i32
    %jit3A_1908 = arith.constant 16 : i64
    %convert_element_type3A_1909 = arith.trunci %jit3A_1908 : i64 to i32
    %div3A_1910 = arith.divsi %add3A_1907, %convert_element_type3A_1909 : i32
    %sign3A_1911 = arith.constant 0 : i32
    %sign3A_1912 = arith.cmpi sgt, %add3A_1907, %sign3A_1911 : i32
    %sign3A_1913 = arith.extui %sign3A_1912 : i1 to i32
    %sign3A_1914 = arith.constant 0 : i32
    %sign3A_1915 = arith.cmpi slt, %add3A_1907, %sign3A_1914 : i32
    %sign3A_1916 = arith.extui %sign3A_1915 : i1 to i32
    %sign3A_1917 = arith.subi %sign3A_1913, %sign3A_1916 : i32
    %sign3A_1918 = arith.constant 0 : i32
    %sign3A_1919 = arith.cmpi sgt, %convert_element_type3A_1909, %sign3A_1918 : i32
    %sign3A_1920 = arith.extui %sign3A_1919 : i1 to i32
    %sign3A_1921 = arith.constant 0 : i32
    %sign3A_1922 = arith.cmpi slt, %convert_element_type3A_1909, %sign3A_1921 : i32
    %sign3A_1923 = arith.extui %sign3A_1922 : i1 to i32
    %sign3A_1924 = arith.subi %sign3A_1920, %sign3A_1923 : i32
    %ne3A_1925 = arith.cmpi ne, %sign3A_1917, %sign3A_1924 : i32
    %rem3A_1926 = arith.remsi %add3A_1907, %convert_element_type3A_1909 : i32
    %ne3A_1927 = arith.constant 0 : i32
    %ne3A_1928 = arith.cmpi ne, %rem3A_1926, %ne3A_1927 : i32
    %and3A_1929 = arith.andi %ne3A_1925, %ne3A_1928 : i1
    %sub3A_1930 = arith.constant 1 : i32
    %sub3A_1931 = arith.subi %div3A_1910, %sub3A_1930 : i32
    %select_n3A_1932 = arith.select %and3A_1929, %sub3A_1931, %div3A_1910 : i32
    %mul3A_1933 = arith.constant 16 : i32
    %mul3A_1934 = arith.muli %select_n3A_1932, %mul3A_1933 : i32
    %sub3A_1935 = arith.subi %add3A_1907, %mul3A_1934 : i32
    %mul3A_1936 = arith.constant 128 : i32
    %mul3A_1937 = arith.muli %sub3A_1935, %mul3A_1936 : i32
    %add3A_1938 = arith.constant 4 : i32
    %add3A_1939 = arith.addi %add3A_1938, %select_n3A_1932 : i32
    %mul3A_1940 = arith.constant 2048 : i32
    %mul3A_1941 = arith.muli %add3A_1939, %mul3A_1940 : i32
    %add3A_1942 = arith.addi %mul3A_1941, %mul3A_1937 : i32
    %dma_start3A_1943 = arith.constant 1 : i32
    %dma_start3A_1944 = arith.constant 0 : i32
    %dma_start3A_1945 = tpu.memref_slice %arg11[%dma_start3A_1943, %dma_start3A_1944] : memref<12x128xi32, #tpu.memory_space<vmem>> -> memref<1x128xi32, #tpu.memory_space<vmem>>
    %dma_start3A_1946 = tpu.memref_squeeze %dma_start3A_1945 : memref<1x128xi32, #tpu.memory_space<vmem>> -> memref<128xi32, #tpu.memory_space<vmem>>
    %dma_start3A_1947 = arith.constant 0 : i32
    %dma_start3A_1948 = arith.constant 0 : i32
    %dma_start3A_1949 = tpu.memref_slice %arg4[%dma_start3A_1947, %dma_start3A_1948] : memref<500000x128xf32, #tpu.memory_space<hbm>> -> memref<500000x128xf32, #tpu.memory_space<hbm>>
    tpu.enqueue_indirect_dma source(%dma_start3A_1949 : memref<500000x128xf32, #tpu.memory_space<hbm>>) target(%arg13 : memref<128x128xf32, #tpu.memory_space<vmem>>) offsets(%dma_start3A_1946 : memref<128xi32, #tpu.memory_space<vmem>>) semaphore(%arg19 : memref<!tpu.dma_semaphore, #tpu.memory_space<semaphore_mem>>)
    %mul3A_1950 = arith.constant 2 : i32
    %mul3A_1951 = arith.muli %add3A, %mul3A_1950 : i32
    %add3A_1952 = arith.constant 0 : i32
    %add3A_1953 = arith.addi %mul3A_1951, %add3A_1952 : i32
    %jit3A_1954 = arith.constant 16 : i64
    %convert_element_type3A_1955 = arith.trunci %jit3A_1954 : i64 to i32
    %div3A_1956 = arith.divsi %add3A_1953, %convert_element_type3A_1955 : i32
    %sign3A_1957 = arith.constant 0 : i32
    %sign3A_1958 = arith.cmpi sgt, %add3A_1953, %sign3A_1957 : i32
    %sign3A_1959 = arith.extui %sign3A_1958 : i1 to i32
    %sign3A_1960 = arith.constant 0 : i32
    %sign3A_1961 = arith.cmpi slt, %add3A_1953, %sign3A_1960 : i32
    %sign3A_1962 = arith.extui %sign3A_1961 : i1 to i32
    %sign3A_1963 = arith.subi %sign3A_1959, %sign3A_1962 : i32
    %sign3A_1964 = arith.constant 0 : i32
    %sign3A_1965 = arith.cmpi sgt, %convert_element_type3A_1955, %sign3A_1964 : i32
    %sign3A_1966 = arith.extui %sign3A_1965 : i1 to i32
    %sign3A_1967 = arith.constant 0 : i32
    %sign3A_1968 = arith.cmpi slt, %convert_element_type3A_1955, %sign3A_1967 : i32
    %sign3A_1969 = arith.extui %sign3A_1968 : i1 to i32
    %sign3A_1970 = arith.subi %sign3A_1966, %sign3A_1969 : i32
    %ne3A_1971 = arith.cmpi ne, %sign3A_1963, %sign3A_1970 : i32
    %rem3A_1972 = arith.remsi %add3A_1953, %convert_element_type3A_1955 : i32
    %ne3A_1973 = arith.constant 0 : i32
    %ne3A_1974 = arith.cmpi ne, %rem3A_1972, %ne3A_1973 : i32
    %and3A_1975 = arith.andi %ne3A_1971, %ne3A_1974 : i1
    %sub3A_1976 = arith.constant 1 : i32
    %sub3A_1977 = arith.subi %div3A_1956, %sub3A_1976 : i32
    %select_n3A_1978 = arith.select %and3A_1975, %sub3A_1977, %div3A_1956 : i32
    %mul3A_1979 = arith.constant 16 : i32
    %mul3A_1980 = arith.muli %select_n3A_1978, %mul3A_1979 : i32
    %sub3A_1981 = arith.subi %add3A_1953, %mul3A_1980 : i32
    %mul3A_1982 = arith.constant 128 : i32
    %mul3A_1983 = arith.muli %sub3A_1981, %mul3A_1982 : i32
    %add3A_1984 = arith.constant 8 : i32
    %add3A_1985 = arith.addi %add3A_1984, %select_n3A_1978 : i32
    %mul3A_1986 = arith.constant 2048 : i32
    %mul3A_1987 = arith.muli %add3A_1985, %mul3A_1986 : i32
    %add3A_1988 = arith.addi %mul3A_1987, %mul3A_1983 : i32
    %dma_start3A_1989 = arith.constant 2 : i32
    %dma_start3A_1990 = arith.constant 0 : i32
    %dma_start3A_1991 = tpu.memref_slice %arg11[%dma_start3A_1989, %dma_start3A_1990] : memref<12x128xi32, #tpu.memory_space<vmem>> -> memref<1x128xi32, #tpu.memory_space<vmem>>
    %dma_start3A_1992 = tpu.memref_squeeze %dma_start3A_1991 : memref<1x128xi32, #tpu.memory_space<vmem>> -> memref<128xi32, #tpu.memory_space<vmem>>
    %dma_start3A_1993 = arith.constant 0 : i32
    %dma_start3A_1994 = arith.constant 0 : i32
    %dma_start3A_1995 = tpu.memref_slice %arg5[%dma_start3A_1993, %dma_start3A_1994] : memref<500000x128xf32, #tpu.memory_space<hbm>> -> memref<500000x128xf32, #tpu.memory_space<hbm>>
    tpu.enqueue_indirect_dma source(%dma_start3A_1995 : memref<500000x128xf32, #tpu.memory_space<hbm>>) target(%arg14 : memref<128x128xf32, #tpu.memory_space<vmem>>) offsets(%dma_start3A_1992 : memref<128xi32, #tpu.memory_space<vmem>>) semaphore(%arg20 : memref<!tpu.dma_semaphore, #tpu.memory_space<semaphore_mem>>)
    %mul3A_1996 = arith.constant 2 : i32
    %mul3A_1997 = arith.muli %add3A, %mul3A_1996 : i32
    %add3A_1998 = arith.constant 0 : i32
    %add3A_1999 = arith.addi %mul3A_1997, %add3A_1998 : i32
    %jit3A_2000 = arith.constant 16 : i64
    %convert_element_type3A_2001 = arith.trunci %jit3A_2000 : i64 to i32
    %div3A_2002 = arith.divsi %add3A_1999, %convert_element_type3A_2001 : i32
    %sign3A_2003 = arith.constant 0 : i32
    %sign3A_2004 = arith.cmpi sgt, %add3A_1999, %sign3A_2003 : i32
    %sign3A_2005 = arith.extui %sign3A_2004 : i1 to i32
    %sign3A_2006 = arith.constant 0 : i32
    %sign3A_2007 = arith.cmpi slt, %add3A_1999, %sign3A_2006 : i32
    %sign3A_2008 = arith.extui %sign3A_2007 : i1 to i32
    %sign3A_2009 = arith.subi %sign3A_2005, %sign3A_2008 : i32
    %sign3A_2010 = arith.constant 0 : i32
    %sign3A_2011 = arith.cmpi sgt, %convert_element_type3A_2001, %sign3A_2010 : i32
    %sign3A_2012 = arith.extui %sign3A_2011 : i1 to i32
    %sign3A_2013 = arith.constant 0 : i32
    %sign3A_2014 = arith.cmpi slt, %convert_element_type3A_2001, %sign3A_2013 : i32
    %sign3A_2015 = arith.extui %sign3A_2014 : i1 to i32
    %sign3A_2016 = arith.subi %sign3A_2012, %sign3A_2015 : i32
    %ne3A_2017 = arith.cmpi ne, %sign3A_2009, %sign3A_2016 : i32
    %rem3A_2018 = arith.remsi %add3A_1999, %convert_element_type3A_2001 : i32
    %ne3A_2019 = arith.constant 0 : i32
    %ne3A_2020 = arith.cmpi ne, %rem3A_2018, %ne3A_2019 : i32
    %and3A_2021 = arith.andi %ne3A_2017, %ne3A_2020 : i1
    %sub3A_2022 = arith.constant 1 : i32
    %sub3A_2023 = arith.subi %div3A_2002, %sub3A_2022 : i32
    %select_n3A_2024 = arith.select %and3A_2021, %sub3A_2023, %div3A_2002 : i32
    %mul3A_2025 = arith.constant 16 : i32
    %mul3A_2026 = arith.muli %select_n3A_2024, %mul3A_2025 : i32
    %sub3A_2027 = arith.subi %add3A_1999, %mul3A_2026 : i32
    %mul3A_2028 = arith.constant 128 : i32
    %mul3A_2029 = arith.muli %sub3A_2027, %mul3A_2028 : i32
    %add3A_2030 = arith.constant 12 : i32
    %add3A_2031 = arith.addi %add3A_2030, %select_n3A_2024 : i32
    %mul3A_2032 = arith.constant 2048 : i32
    %mul3A_2033 = arith.muli %add3A_2031, %mul3A_2032 : i32
    %add3A_2034 = arith.addi %mul3A_2033, %mul3A_2029 : i32
    %dma_start3A_2035 = arith.constant 3 : i32
    %dma_start3A_2036 = arith.constant 0 : i32
    %dma_start3A_2037 = tpu.memref_slice %arg11[%dma_start3A_2035, %dma_start3A_2036] : memref<12x128xi32, #tpu.memory_space<vmem>> -> memref<1x128xi32, #tpu.memory_space<vmem>>
    %dma_start3A_2038 = tpu.memref_squeeze %dma_start3A_2037 : memref<1x128xi32, #tpu.memory_space<vmem>> -> memref<128xi32, #tpu.memory_space<vmem>>
    %dma_start3A_2039 = arith.constant 0 : i32
    %dma_start3A_2040 = arith.constant 0 : i32
    %dma_start3A_2041 = tpu.memref_slice %arg6[%dma_start3A_2039, %dma_start3A_2040] : memref<500000x128xf32, #tpu.memory_space<hbm>> -> memref<500000x128xf32, #tpu.memory_space<hbm>>
    tpu.enqueue_indirect_dma source(%dma_start3A_2041 : memref<500000x128xf32, #tpu.memory_space<hbm>>) target(%arg15 : memref<128x128xf32, #tpu.memory_space<vmem>>) offsets(%dma_start3A_2038 : memref<128xi32, #tpu.memory_space<vmem>>) semaphore(%arg21 : memref<!tpu.dma_semaphore, #tpu.memory_space<semaphore_mem>>)
    %mul3A_2042 = arith.constant 2 : i32
    %mul3A_2043 = arith.muli %add3A, %mul3A_2042 : i32
    %add3A_2044 = arith.constant 0 : i32
    %add3A_2045 = arith.addi %mul3A_2043, %add3A_2044 : i32
    %jit3A_2046 = arith.constant 16 : i64
    %convert_element_type3A_2047 = arith.trunci %jit3A_2046 : i64 to i32
    %div3A_2048 = arith.divsi %add3A_2045, %convert_element_type3A_2047 : i32
    %sign3A_2049 = arith.constant 0 : i32
    %sign3A_2050 = arith.cmpi sgt, %add3A_2045, %sign3A_2049 : i32
    %sign3A_2051 = arith.extui %sign3A_2050 : i1 to i32
    %sign3A_2052 = arith.constant 0 : i32
    %sign3A_2053 = arith.cmpi slt, %add3A_2045, %sign3A_2052 : i32
    %sign3A_2054 = arith.extui %sign3A_2053 : i1 to i32
    %sign3A_2055 = arith.subi %sign3A_2051, %sign3A_2054 : i32
    %sign3A_2056 = arith.constant 0 : i32
    %sign3A_2057 = arith.cmpi sgt, %convert_element_type3A_2047, %sign3A_2056 : i32
    %sign3A_2058 = arith.extui %sign3A_2057 : i1 to i32
    %sign3A_2059 = arith.constant 0 : i32
    %sign3A_2060 = arith.cmpi slt, %convert_element_type3A_2047, %sign3A_2059 : i32
    %sign3A_2061 = arith.extui %sign3A_2060 : i1 to i32
    %sign3A_2062 = arith.subi %sign3A_2058, %sign3A_2061 : i32
    %ne3A_2063 = arith.cmpi ne, %sign3A_2055, %sign3A_2062 : i32
    %rem3A_2064 = arith.remsi %add3A_2045, %convert_element_type3A_2047 : i32
    %ne3A_2065 = arith.constant 0 : i32
    %ne3A_2066 = arith.cmpi ne, %rem3A_2064, %ne3A_2065 : i32
    %and3A_2067 = arith.andi %ne3A_2063, %ne3A_2066 : i1
    %sub3A_2068 = arith.constant 1 : i32
    %sub3A_2069 = arith.subi %div3A_2048, %sub3A_2068 : i32
    %select_n3A_2070 = arith.select %and3A_2067, %sub3A_2069, %div3A_2048 : i32
    %mul3A_2071 = arith.constant 16 : i32
    %mul3A_2072 = arith.muli %select_n3A_2070, %mul3A_2071 : i32
    %sub3A_2073 = arith.subi %add3A_2045, %mul3A_2072 : i32
    %mul3A_2074 = arith.constant 128 : i32
    %mul3A_2075 = arith.muli %sub3A_2073, %mul3A_2074 : i32
    %add3A_2076 = arith.constant 16 : i32
    %add3A_2077 = arith.addi %add3A_2076, %select_n3A_2070 : i32
    %mul3A_2078 = arith.constant 2048 : i32
    %mul3A_2079 = arith.muli %add3A_2077, %mul3A_2078 : i32
    %add3A_2080 = arith.addi %mul3A_2079, %mul3A_2075 : i32
    %dma_start3A_2081 = arith.constant 4 : i32
    %dma_start3A_2082 = arith.constant 0 : i32
    %dma_start3A_2083 = tpu.memref_slice %arg11[%dma_start3A_2081, %dma_start3A_2082] : memref<12x128xi32, #tpu.memory_space<vmem>> -> memref<1x128xi32, #tpu.memory_space<vmem>>
    %dma_start3A_2084 = tpu.memref_squeeze %dma_start3A_2083 : memref<1x128xi32, #tpu.memory_space<vmem>> -> memref<128xi32, #tpu.memory_space<vmem>>
    %dma_start3A_2085 = arith.constant 0 : i32
    %dma_start3A_2086 = arith.constant 0 : i32
    %dma_start3A_2087 = tpu.memref_slice %arg7[%dma_start3A_2085, %dma_start3A_2086] : memref<500000x128xf32, #tpu.memory_space<hbm>> -> memref<500000x128xf32, #tpu.memory_space<hbm>>
    tpu.enqueue_indirect_dma source(%dma_start3A_2087 : memref<500000x128xf32, #tpu.memory_space<hbm>>) target(%arg16 : memref<128x128xf32, #tpu.memory_space<vmem>>) offsets(%dma_start3A_2084 : memref<128xi32, #tpu.memory_space<vmem>>) semaphore(%arg22 : memref<!tpu.dma_semaphore, #tpu.memory_space<semaphore_mem>>)
    %mul3A_2088 = arith.constant 2 : i32
    %mul3A_2089 = arith.muli %add3A, %mul3A_2088 : i32
    %add3A_2090 = arith.constant 0 : i32
    %add3A_2091 = arith.addi %mul3A_2089, %add3A_2090 : i32
    %jit3A_2092 = arith.constant 16 : i64
    %convert_element_type3A_2093 = arith.trunci %jit3A_2092 : i64 to i32
    %div3A_2094 = arith.divsi %add3A_2091, %convert_element_type3A_2093 : i32
    %sign3A_2095 = arith.constant 0 : i32
    %sign3A_2096 = arith.cmpi sgt, %add3A_2091, %sign3A_2095 : i32
    %sign3A_2097 = arith.extui %sign3A_2096 : i1 to i32
    %sign3A_2098 = arith.constant 0 : i32
    %sign3A_2099 = arith.cmpi slt, %add3A_2091, %sign3A_2098 : i32
    %sign3A_2100 = arith.extui %sign3A_2099 : i1 to i32
    %sign3A_2101 = arith.subi %sign3A_2097, %sign3A_2100 : i32
    %sign3A_2102 = arith.constant 0 : i32
    %sign3A_2103 = arith.cmpi sgt, %convert_element_type3A_2093, %sign3A_2102 : i32
    %sign3A_2104 = arith.extui %sign3A_2103 : i1 to i32
    %sign3A_2105 = arith.constant 0 : i32
    %sign3A_2106 = arith.cmpi slt, %convert_element_type3A_2093, %sign3A_2105 : i32
    %sign3A_2107 = arith.extui %sign3A_2106 : i1 to i32
    %sign3A_2108 = arith.subi %sign3A_2104, %sign3A_2107 : i32
    %ne3A_2109 = arith.cmpi ne, %sign3A_2101, %sign3A_2108 : i32
    %rem3A_2110 = arith.remsi %add3A_2091, %convert_element_type3A_2093 : i32
    %ne3A_2111 = arith.constant 0 : i32
    %ne3A_2112 = arith.cmpi ne, %rem3A_2110, %ne3A_2111 : i32
    %and3A_2113 = arith.andi %ne3A_2109, %ne3A_2112 : i1
    %sub3A_2114 = arith.constant 1 : i32
    %sub3A_2115 = arith.subi %div3A_2094, %sub3A_2114 : i32
    %select_n3A_2116 = arith.select %and3A_2113, %sub3A_2115, %div3A_2094 : i32
    %mul3A_2117 = arith.constant 16 : i32
    %mul3A_2118 = arith.muli %select_n3A_2116, %mul3A_2117 : i32
    %sub3A_2119 = arith.subi %add3A_2091, %mul3A_2118 : i32
    %mul3A_2120 = arith.constant 128 : i32
    %mul3A_2121 = arith.muli %sub3A_2119, %mul3A_2120 : i32
    %add3A_2122 = arith.constant 20 : i32
    %add3A_2123 = arith.addi %add3A_2122, %select_n3A_2116 : i32
    %mul3A_2124 = arith.constant 2048 : i32
    %mul3A_2125 = arith.muli %add3A_2123, %mul3A_2124 : i32
    %add3A_2126 = arith.addi %mul3A_2125, %mul3A_2121 : i32
    %dma_start3A_2127 = arith.constant 5 : i32
    %dma_start3A_2128 = arith.constant 0 : i32
    %dma_start3A_2129 = tpu.memref_slice %arg11[%dma_start3A_2127, %dma_start3A_2128] : memref<12x128xi32, #tpu.memory_space<vmem>> -> memref<1x128xi32, #tpu.memory_space<vmem>>
    %dma_start3A_2130 = tpu.memref_squeeze %dma_start3A_2129 : memref<1x128xi32, #tpu.memory_space<vmem>> -> memref<128xi32, #tpu.memory_space<vmem>>
    %dma_start3A_2131 = arith.constant 0 : i32
    %dma_start3A_2132 = arith.constant 0 : i32
    %dma_start3A_2133 = tpu.memref_slice %arg8[%dma_start3A_2131, %dma_start3A_2132] : memref<500000x128xf32, #tpu.memory_space<hbm>> -> memref<500000x128xf32, #tpu.memory_space<hbm>>
    tpu.enqueue_indirect_dma source(%dma_start3A_2133 : memref<500000x128xf32, #tpu.memory_space<hbm>>) target(%arg17 : memref<128x128xf32, #tpu.memory_space<vmem>>) offsets(%dma_start3A_2130 : memref<128xi32, #tpu.memory_space<vmem>>) semaphore(%arg23 : memref<!tpu.dma_semaphore, #tpu.memory_space<semaphore_mem>>)
    %dma_wait3A = arith.constant 0 : i32
    %dma_wait3A_2134 = arith.constant 0 : i32
    %dma_wait3A_2135 = tpu.memref_slice %arg11[%dma_wait3A, %dma_wait3A_2134] : memref<12x128xi32, #tpu.memory_space<vmem>> -> memref<1x128xi32, #tpu.memory_space<vmem>>
    %dma_wait3A_2136 = tpu.memref_squeeze %dma_wait3A_2135 : memref<1x128xi32, #tpu.memory_space<vmem>> -> memref<128xi32, #tpu.memory_space<vmem>>
    %dma_wait3A_2137 = arith.constant 0 : i32
    %dma_wait3A_2138 = arith.constant 0 : i32
    %dma_wait3A_2139 = tpu.memref_slice %arg3[%dma_wait3A_2137, %dma_wait3A_2138] : memref<500000x128xf32, #tpu.memory_space<hbm>> -> memref<500000x128xf32, #tpu.memory_space<hbm>>
    tpu.wait_indirect_dma semaphore(%arg18 : memref<!tpu.dma_semaphore, #tpu.memory_space<semaphore_mem>>) src(%dma_wait3A_2139 : memref<500000x128xf32, #tpu.memory_space<hbm>>) dst(%arg12 : memref<128x128xf32, #tpu.memory_space<vmem>>)
    %dma_start3A_2140 = arith.constant 0 : i32
    %dma_start3A_2141 = tpu.memref_slice %arg9[%add3A_1897, %dma_start3A_2140] : memref<49152x128xf32, #tpu.memory_space<hbm>> -> memref<128x128xf32, #tpu.memory_space<hbm>>
    %dma_start3A_2142 = arith.constant 0 : i32
    %dma_start3A_2143 = tpu.memref_slice %arg9[%add3A_1897, %dma_start3A_2142] : memref<49152x128xf32, #tpu.memory_space<hbm>> -> memref<128x128xf32, #tpu.memory_space<hbm>>
    tpu.enqueue_dma source(%arg12 : memref<128x128xf32, #tpu.memory_space<vmem>>) target(%dma_start3A_2143 : memref<128x128xf32, #tpu.memory_space<hbm>>) target_semaphore(%arg24 : memref<!tpu.dma_semaphore, #tpu.memory_space<semaphore_mem>>)
    %dma_wait3A_2144 = arith.constant 0 : i32
    %dma_wait3A_2145 = tpu.memref_slice %arg9[%add3A_1897, %dma_wait3A_2144] : memref<49152x128xf32, #tpu.memory_space<hbm>> -> memref<128x128xf32, #tpu.memory_space<hbm>>
    %dma_wait3A_2146 = arith.constant 0 : i32
    %dma_wait3A_2147 = tpu.memref_slice %arg9[%add3A_1897, %dma_wait3A_2146] : memref<49152x128xf32, #tpu.memory_space<hbm>> -> memref<128x128xf32, #tpu.memory_space<hbm>>
    tpu.wait_dma2 semaphore(%arg24 : memref<!tpu.dma_semaphore, #tpu.memory_space<semaphore_mem>>) src(%arg12 : memref<128x128xf32, #tpu.memory_space<vmem>>) dst(%dma_wait3A_2147 : memref<128x128xf32, #tpu.memory_space<hbm>>)
    %mul3A_2148 = arith.constant 2 : i32
    %mul3A_2149 = arith.muli %add3A, %mul3A_2148 : i32
    %add3A_2150 = arith.constant 1 : i32
    %add3A_2151 = arith.addi %mul3A_2149, %add3A_2150 : i32
    %jit3A_2152 = arith.constant 16 : i64
    %convert_element_type3A_2153 = arith.trunci %jit3A_2152 : i64 to i32
    %div3A_2154 = arith.divsi %add3A_2151, %convert_element_type3A_2153 : i32
    %sign3A_2155 = arith.constant 0 : i32
    %sign3A_2156 = arith.cmpi sgt, %add3A_2151, %sign3A_2155 : i32
    %sign3A_2157 = arith.extui %sign3A_2156 : i1 to i32
    %sign3A_2158 = arith.constant 0 : i32
    %sign3A_2159 = arith.cmpi slt, %add3A_2151, %sign3A_2158 : i32
    %sign3A_2160 = arith.extui %sign3A_2159 : i1 to i32
    %sign3A_2161 = arith.subi %sign3A_2157, %sign3A_2160 : i32
    %sign3A_2162 = arith.constant 0 : i32
    %sign3A_2163 = arith.cmpi sgt, %convert_element_type3A_2153, %sign3A_2162 : i32
    %sign3A_2164 = arith.extui %sign3A_2163 : i1 to i32
    %sign3A_2165 = arith.constant 0 : i32
    %sign3A_2166 = arith.cmpi slt, %convert_element_type3A_2153, %sign3A_2165 : i32
    %sign3A_2167 = arith.extui %sign3A_2166 : i1 to i32
    %sign3A_2168 = arith.subi %sign3A_2164, %sign3A_2167 : i32
    %ne3A_2169 = arith.cmpi ne, %sign3A_2161, %sign3A_2168 : i32
    %rem3A_2170 = arith.remsi %add3A_2151, %convert_element_type3A_2153 : i32
    %ne3A_2171 = arith.constant 0 : i32
    %ne3A_2172 = arith.cmpi ne, %rem3A_2170, %ne3A_2171 : i32
    %and3A_2173 = arith.andi %ne3A_2169, %ne3A_2172 : i1
    %sub3A_2174 = arith.constant 1 : i32
    %sub3A_2175 = arith.subi %div3A_2154, %sub3A_2174 : i32
    %select_n3A_2176 = arith.select %and3A_2173, %sub3A_2175, %div3A_2154 : i32
    %mul3A_2177 = arith.constant 16 : i32
    %mul3A_2178 = arith.muli %select_n3A_2176, %mul3A_2177 : i32
    %sub3A_2179 = arith.subi %add3A_2151, %mul3A_2178 : i32
    %mul3A_2180 = arith.constant 128 : i32
    %mul3A_2181 = arith.muli %sub3A_2179, %mul3A_2180 : i32
    %mul3A_2182 = arith.constant 2048 : i32
    %mul3A_2183 = arith.muli %select_n3A_2176, %mul3A_2182 : i32
    %add3A_2184 = arith.addi %mul3A_2183, %mul3A_2181 : i32
    %add3A_2185 = arith.constant 0 : i32
    %add3A_2186 = arith.addi %add3A_2184, %add3A_2185 : i32
    %get3A_2187 = arith.index_cast %add3A_2186 : i32 to index
    %get3A_2188 = tpu.vector_load %arg10[%get3A_2187] {strides = array<i32>} : memref<8208xi32, #tpu.memory_space<vmem>>, vector<16xi32>,
    %get3A_2189 = vector.shape_cast %get3A_2188 : vector<16xi32> to vector<16xi32>
    %add3A_2190 = arith.constant 1 : i32
    %add3A_2191 = arith.addi %add3A_2186, %add3A_2190 : i32
    %get3A_2192 = arith.index_cast %add3A_2191 : i32 to index
    %get3A_2193 = tpu.vector_load %arg10[%get3A_2192] {strides = array<i32>} : memref<8208xi32, #tpu.memory_space<vmem>>, vector<16xi32>,
    %get3A_2194 = vector.shape_cast %get3A_2193 : vector<16xi32> to vector<16xi32>
    %mul3A_2195 = arith.constant 256 : i32
    %mul3A_2196 = vector.broadcast %mul3A_2195 : i32 to vector<16xi32>
    %mul3A_2197 = arith.muli %get3A_2194, %mul3A_2196 : vector<16xi32>
    %add3A_2198 = arith.addi %get3A_2189, %mul3A_2197 : vector<16xi32>
    %add3A_2199 = arith.constant 2 : i32
    %add3A_2200 = arith.addi %add3A_2186, %add3A_2199 : i32
    %get3A_2201 = arith.index_cast %add3A_2200 : i32 to index
    %get3A_2202 = tpu.vector_load %arg10[%get3A_2201] {strides = array<i32>} : memref<8208xi32, #tpu.memory_space<vmem>>, vector<16xi32>,
    %get3A_2203 = vector.shape_cast %get3A_2202 : vector<16xi32> to vector<16xi32>
    %mul3A_2204 = arith.constant 65536 : i32
    %mul3A_2205 = vector.broadcast %mul3A_2204 : i32 to vector<16xi32>
    %mul3A_2206 = arith.muli %get3A_2203, %mul3A_2205 : vector<16xi32>
    %add3A_2207 = arith.addi %add3A_2198, %mul3A_2206 : vector<16xi32>
    %max3A_2208 = arith.maxsi %add3A_2207, %broadcast_in_dim3A_8 : vector<16xi32>
    %convert_element_type3A_2209 = arith.sitofp %max3A_2208 : vector<16xi32> to vector<16xf32>
    %mul3A_2210 = arith.mulf %convert_element_type3A_2209, %broadcast_in_dim3A_12 : vector<16xf32>
    %convert_element_type3A_2211 = arith.fptosi %mul3A_2210 : vector<16xf32> to vector<16xi32>
    %mul3A_2212 = arith.constant 500000 : i32
    %mul3A_2213 = vector.broadcast %mul3A_2212 : i32 to vector<16xi32>
    %mul3A_2214 = arith.muli %convert_element_type3A_2211, %mul3A_2213 : vector<16xi32>
    %sub3A_2215 = arith.subi %max3A_2208, %mul3A_2214 : vector<16xi32>
    %lt3A_2216 = arith.constant 0 : i32
    %lt3A_2217 = vector.broadcast %lt3A_2216 : i32 to vector<16xi32>
    %lt3A_2218 = arith.cmpi slt, %sub3A_2215, %lt3A_2217 : vector<16xi32>
    %add3A_2219 = arith.addi %sub3A_2215, %broadcast_in_dim3A_6 : vector<16xi32>
    %select_n3A_2220 = arith.select %lt3A_2218, %add3A_2219, %sub3A_2215 : vector<16xi1>, vector<16xi32>
    %ge3A_2221 = arith.constant 500000 : i32
    %ge3A_2222 = vector.broadcast %ge3A_2221 : i32 to vector<16xi32>
    %ge3A_2223 = arith.cmpi sge, %select_n3A_2220, %ge3A_2222 : vector<16xi32>
    %sub3A_2224 = arith.subi %select_n3A_2220, %broadcast_in_dim3A_6 : vector<16xi32>
    %select_n3A_2225 = arith.select %ge3A_2223, %sub3A_2224, %select_n3A_2220 : vector<16xi1>, vector<16xi32>
    %swap3A_2226 = arith.constant 6 : i64
    %swap3A_2227 = arith.index_cast %swap3A_2226 : i64 to index
    %swap3A_2228 = arith.constant 0 : index
    %swap3A_2229 = tpu.vector_load %arg11[%swap3A_2227, %swap3A_2228] {strides = array<i32>} : memref<12x128xi32, #tpu.memory_space<vmem>>, vector<1x16xi32>,
    %swap3A_2230 = vector.shape_cast %swap3A_2229 : vector<1x16xi32> to vector<16xi32>
    %swap3A_2231 = vector.shape_cast %select_n3A_2225 : vector<16xi32> to vector<1x16xi32>
    tpu.vector_store %arg11[%swap3A_2227, %swap3A_2228], %swap3A_2231 {strides = array<i32>} : memref<12x128xi32, #tpu.memory_space<vmem>>, vector<1x16xi32>,
    %add3A_2232 = arith.constant 4 : i32
    %add3A_2233 = arith.addi %add3A_2186, %add3A_2232 : i32
    %sub3A_2234 = arith.constant 1 : i32
    %sub3A_2235 = arith.subi %add3A_2233, %sub3A_2234 : i32
    %get3A_2236 = arith.index_cast %sub3A_2235 : i32 to index
    %get3A_2237 = tpu.vector_load %arg10[%get3A_2236] {strides = array<i32>} : memref<8208xi32, #tpu.memory_space<vmem>>, vector<16xi32>,
    %get3A_2238 = vector.shape_cast %get3A_2237 : vector<16xi32> to vector<16xi32>
    %mul3A_2239 = arith.constant 277216 : i32
    %mul3A_2240 = vector.broadcast %mul3A_2239 : i32 to vector<16xi32>
    %mul3A_2241 = arith.muli %get3A_2238, %mul3A_2240 : vector<16xi32>
    %add3A_2242 = arith.addi %add3A_2207, %mul3A_2241 : vector<16xi32>
    %max3A_2243 = arith.maxsi %add3A_2242, %broadcast_in_dim3A_8 : vector<16xi32>
    %convert_element_type3A_2244 = arith.sitofp %max3A_2243 : vector<16xi32> to vector<16xf32>
    %mul3A_2245 = arith.mulf %convert_element_type3A_2244, %broadcast_in_dim3A_12 : vector<16xf32>
    %convert_element_type3A_2246 = arith.fptosi %mul3A_2245 : vector<16xf32> to vector<16xi32>
    %mul3A_2247 = arith.constant 500000 : i32
    %mul3A_2248 = vector.broadcast %mul3A_2247 : i32 to vector<16xi32>
    %mul3A_2249 = arith.muli %convert_element_type3A_2246, %mul3A_2248 : vector<16xi32>
    %sub3A_2250 = arith.subi %max3A_2243, %mul3A_2249 : vector<16xi32>
    %lt3A_2251 = arith.constant 0 : i32
    %lt3A_2252 = vector.broadcast %lt3A_2251 : i32 to vector<16xi32>
    %lt3A_2253 = arith.cmpi slt, %sub3A_2250, %lt3A_2252 : vector<16xi32>
    %add3A_2254 = arith.addi %sub3A_2250, %broadcast_in_dim3A_6 : vector<16xi32>
    %select_n3A_2255 = arith.select %lt3A_2253, %add3A_2254, %sub3A_2250 : vector<16xi1>, vector<16xi32>
    %ge3A_2256 = arith.constant 500000 : i32
    %ge3A_2257 = vector.broadcast %ge3A_2256 : i32 to vector<16xi32>
    %ge3A_2258 = arith.cmpi sge, %select_n3A_2255, %ge3A_2257 : vector<16xi32>
    %sub3A_2259 = arith.subi %select_n3A_2255, %broadcast_in_dim3A_6 : vector<16xi32>
    %select_n3A_2260 = arith.select %ge3A_2258, %sub3A_2259, %select_n3A_2255 : vector<16xi1>, vector<16xi32>
    %swap3A_2261 = arith.constant 7 : i64
    %swap3A_2262 = arith.index_cast %swap3A_2261 : i64 to index
    %swap3A_2263 = arith.constant 0 : index
    %swap3A_2264 = tpu.vector_load %arg11[%swap3A_2262, %swap3A_2263] {strides = array<i32>} : memref<12x128xi32, #tpu.memory_space<vmem>>, vector<1x16xi32>,
    %swap3A_2265 = vector.shape_cast %swap3A_2264 : vector<1x16xi32> to vector<16xi32>
    %swap3A_2266 = vector.shape_cast %select_n3A_2260 : vector<16xi32> to vector<1x16xi32>
    tpu.vector_store %arg11[%swap3A_2262, %swap3A_2263], %swap3A_2266 {strides = array<i32>} : memref<12x128xi32, #tpu.memory_space<vmem>>, vector<1x16xi32>,
    %add3A_2267 = arith.constant 5 : i32
    %add3A_2268 = arith.addi %add3A_2186, %add3A_2267 : i32
    %sub3A_2269 = arith.constant 1 : i32
    %sub3A_2270 = arith.subi %add3A_2268, %sub3A_2269 : i32
    %get3A_2271 = arith.index_cast %sub3A_2270 : i32 to index
    %get3A_2272 = tpu.vector_load %arg10[%get3A_2271] {strides = array<i32>} : memref<8208xi32, #tpu.memory_space<vmem>>, vector<16xi32>,
    %get3A_2273 = vector.shape_cast %get3A_2272 : vector<16xi32> to vector<16xi32>
    %mul3A_2274 = arith.constant 467296 : i32
    %mul3A_2275 = vector.broadcast %mul3A_2274 : i32 to vector<16xi32>
    %mul3A_2276 = arith.muli %get3A_2273, %mul3A_2275 : vector<16xi32>
    %add3A_2277 = arith.addi %add3A_2242, %mul3A_2276 : vector<16xi32>
    %max3A_2278 = arith.maxsi %add3A_2277, %broadcast_in_dim3A_8 : vector<16xi32>
    %convert_element_type3A_2279 = arith.sitofp %max3A_2278 : vector<16xi32> to vector<16xf32>
    %mul3A_2280 = arith.mulf %convert_element_type3A_2279, %broadcast_in_dim3A_12 : vector<16xf32>
    %convert_element_type3A_2281 = arith.fptosi %mul3A_2280 : vector<16xf32> to vector<16xi32>
    %mul3A_2282 = arith.constant 500000 : i32
    %mul3A_2283 = vector.broadcast %mul3A_2282 : i32 to vector<16xi32>
    %mul3A_2284 = arith.muli %convert_element_type3A_2281, %mul3A_2283 : vector<16xi32>
    %sub3A_2285 = arith.subi %max3A_2278, %mul3A_2284 : vector<16xi32>
    %lt3A_2286 = arith.constant 0 : i32
    %lt3A_2287 = vector.broadcast %lt3A_2286 : i32 to vector<16xi32>
    %lt3A_2288 = arith.cmpi slt, %sub3A_2285, %lt3A_2287 : vector<16xi32>
    %add3A_2289 = arith.addi %sub3A_2285, %broadcast_in_dim3A_6 : vector<16xi32>
    %select_n3A_2290 = arith.select %lt3A_2288, %add3A_2289, %sub3A_2285 : vector<16xi1>, vector<16xi32>
    %ge3A_2291 = arith.constant 500000 : i32
    %ge3A_2292 = vector.broadcast %ge3A_2291 : i32 to vector<16xi32>
    %ge3A_2293 = arith.cmpi sge, %select_n3A_2290, %ge3A_2292 : vector<16xi32>
    %sub3A_2294 = arith.subi %select_n3A_2290, %broadcast_in_dim3A_6 : vector<16xi32>
    %select_n3A_2295 = arith.select %ge3A_2293, %sub3A_2294, %select_n3A_2290 : vector<16xi1>, vector<16xi32>
    %swap3A_2296 = arith.constant 8 : i64
    %swap3A_2297 = arith.index_cast %swap3A_2296 : i64 to index
    %swap3A_2298 = arith.constant 0 : index
    %swap3A_2299 = tpu.vector_load %arg11[%swap3A_2297, %swap3A_2298] {strides = array<i32>} : memref<12x128xi32, #tpu.memory_space<vmem>>, vector<1x16xi32>,
    %swap3A_2300 = vector.shape_cast %swap3A_2299 : vector<1x16xi32> to vector<16xi32>
    %swap3A_2301 = vector.shape_cast %select_n3A_2295 : vector<16xi32> to vector<1x16xi32>
    tpu.vector_store %arg11[%swap3A_2297, %swap3A_2298], %swap3A_2301 {strides = array<i32>} : memref<12x128xi32, #tpu.memory_space<vmem>>, vector<1x16xi32>,
    %add3A_2302 = arith.constant 6 : i32
    %add3A_2303 = arith.addi %add3A_2186, %add3A_2302 : i32
    %sub3A_2304 = arith.constant 1 : i32
    %sub3A_2305 = arith.subi %add3A_2303, %sub3A_2304 : i32
    %get3A_2306 = arith.index_cast %sub3A_2305 : i32 to index
    %get3A_2307 = tpu.vector_load %arg10[%get3A_2306] {strides = array<i32>} : memref<8208xi32, #tpu.memory_space<vmem>>, vector<16xi32>,
    %get3A_2308 = vector.shape_cast %get3A_2307 : vector<16xi32> to vector<16xi32>
    %mul3A_2309 = arith.constant 127776 : i32
    %mul3A_2310 = vector.broadcast %mul3A_2309 : i32 to vector<16xi32>
    %mul3A_2311 = arith.muli %get3A_2308, %mul3A_2310 : vector<16xi32>
    %add3A_2312 = arith.addi %add3A_2277, %mul3A_2311 : vector<16xi32>
    %max3A_2313 = arith.maxsi %add3A_2312, %broadcast_in_dim3A_8 : vector<16xi32>
    %convert_element_type3A_2314 = arith.sitofp %max3A_2313 : vector<16xi32> to vector<16xf32>
    %mul3A_2315 = arith.mulf %convert_element_type3A_2314, %broadcast_in_dim3A_12 : vector<16xf32>
    %convert_element_type3A_2316 = arith.fptosi %mul3A_2315 : vector<16xf32> to vector<16xi32>
    %mul3A_2317 = arith.constant 500000 : i32
    %mul3A_2318 = vector.broadcast %mul3A_2317 : i32 to vector<16xi32>
    %mul3A_2319 = arith.muli %convert_element_type3A_2316, %mul3A_2318 : vector<16xi32>
    %sub3A_2320 = arith.subi %max3A_2313, %mul3A_2319 : vector<16xi32>
    %lt3A_2321 = arith.constant 0 : i32
    %lt3A_2322 = vector.broadcast %lt3A_2321 : i32 to vector<16xi32>
    %lt3A_2323 = arith.cmpi slt, %sub3A_2320, %lt3A_2322 : vector<16xi32>
    %add3A_2324 = arith.addi %sub3A_2320, %broadcast_in_dim3A_6 : vector<16xi32>
    %select_n3A_2325 = arith.select %lt3A_2323, %add3A_2324, %sub3A_2320 : vector<16xi1>, vector<16xi32>
    %ge3A_2326 = arith.constant 500000 : i32
    %ge3A_2327 = vector.broadcast %ge3A_2326 : i32 to vector<16xi32>
    %ge3A_2328 = arith.cmpi sge, %select_n3A_2325, %ge3A_2327 : vector<16xi32>
    %sub3A_2329 = arith.subi %select_n3A_2325, %broadcast_in_dim3A_6 : vector<16xi32>
    %select_n3A_2330 = arith.select %ge3A_2328, %sub3A_2329, %select_n3A_2325 : vector<16xi1>, vector<16xi32>
    %swap3A_2331 = arith.constant 9 : i64
    %swap3A_2332 = arith.index_cast %swap3A_2331 : i64 to index
    %swap3A_2333 = arith.constant 0 : index
    %swap3A_2334 = tpu.vector_load %arg11[%swap3A_2332, %swap3A_2333] {strides = array<i32>} : memref<12x128xi32, #tpu.memory_space<vmem>>, vector<1x16xi32>,
    %swap3A_2335 = vector.shape_cast %swap3A_2334 : vector<1x16xi32> to vector<16xi32>
    %swap3A_2336 = vector.shape_cast %select_n3A_2330 : vector<16xi32> to vector<1x16xi32>
    tpu.vector_store %arg11[%swap3A_2332, %swap3A_2333], %swap3A_2336 {strides = array<i32>} : memref<12x128xi32, #tpu.memory_space<vmem>>, vector<1x16xi32>,
    %add3A_2337 = arith.constant 7 : i32
    %add3A_2338 = arith.addi %add3A_2186, %add3A_2337 : i32
    %sub3A_2339 = arith.constant 1 : i32
    %sub3A_2340 = arith.subi %add3A_2338, %sub3A_2339 : i32
    %get3A_2341 = arith.index_cast %sub3A_2340 : i32 to index
    %get3A_2342 = tpu.vector_load %arg10[%get3A_2341] {strides = array<i32>} : memref<8208xi32, #tpu.memory_space<vmem>>, vector<16xi32>,
    %get3A_2343 = vector.shape_cast %get3A_2342 : vector<16xi32> to vector<16xi32>
    %mul3A_2344 = arith.constant 210656 : i32
    %mul3A_2345 = vector.broadcast %mul3A_2344 : i32 to vector<16xi32>
    %mul3A_2346 = arith.muli %get3A_2343, %mul3A_2345 : vector<16xi32>
    %add3A_2347 = arith.addi %add3A_2312, %mul3A_2346 : vector<16xi32>
    %max3A_2348 = arith.maxsi %add3A_2347, %broadcast_in_dim3A_8 : vector<16xi32>
    %convert_element_type3A_2349 = arith.sitofp %max3A_2348 : vector<16xi32> to vector<16xf32>
    %mul3A_2350 = arith.mulf %convert_element_type3A_2349, %broadcast_in_dim3A_12 : vector<16xf32>
    %convert_element_type3A_2351 = arith.fptosi %mul3A_2350 : vector<16xf32> to vector<16xi32>
    %mul3A_2352 = arith.constant 500000 : i32
    %mul3A_2353 = vector.broadcast %mul3A_2352 : i32 to vector<16xi32>
    %mul3A_2354 = arith.muli %convert_element_type3A_2351, %mul3A_2353 : vector<16xi32>
    %sub3A_2355 = arith.subi %max3A_2348, %mul3A_2354 : vector<16xi32>
    %lt3A_2356 = arith.constant 0 : i32
    %lt3A_2357 = vector.broadcast %lt3A_2356 : i32 to vector<16xi32>
    %lt3A_2358 = arith.cmpi slt, %sub3A_2355, %lt3A_2357 : vector<16xi32>
    %add3A_2359 = arith.addi %sub3A_2355, %broadcast_in_dim3A_6 : vector<16xi32>
    %select_n3A_2360 = arith.select %lt3A_2358, %add3A_2359, %sub3A_2355 : vector<16xi1>, vector<16xi32>
    %ge3A_2361 = arith.constant 500000 : i32
    %ge3A_2362 = vector.broadcast %ge3A_2361 : i32 to vector<16xi32>
    %ge3A_2363 = arith.cmpi sge, %select_n3A_2360, %ge3A_2362 : vector<16xi32>
    %sub3A_2364 = arith.subi %select_n3A_2360, %broadcast_in_dim3A_6 : vector<16xi32>
    %select_n3A_2365 = arith.select %ge3A_2363, %sub3A_2364, %select_n3A_2360 : vector<16xi1>, vector<16xi32>
    %swap3A_2366 = arith.constant 10 : i64
    %swap3A_2367 = arith.index_cast %swap3A_2366 : i64 to index
    %swap3A_2368 = arith.constant 0 : index
    %swap3A_2369 = tpu.vector_load %arg11[%swap3A_2367, %swap3A_2368] {strides = array<i32>} : memref<12x128xi32, #tpu.memory_space<vmem>>, vector<1x16xi32>,
    %swap3A_2370 = vector.shape_cast %swap3A_2369 : vector<1x16xi32> to vector<16xi32>
    %swap3A_2371 = vector.shape_cast %select_n3A_2365 : vector<16xi32> to vector<1x16xi32>
    tpu.vector_store %arg11[%swap3A_2367, %swap3A_2368], %swap3A_2371 {strides = array<i32>} : memref<12x128xi32, #tpu.memory_space<vmem>>, vector<1x16xi32>,
    %add3A_2372 = arith.constant 8 : i32
    %add3A_2373 = arith.addi %add3A_2186, %add3A_2372 : i32
    %sub3A_2374 = arith.constant 1 : i32
    %sub3A_2375 = arith.subi %add3A_2373, %sub3A_2374 : i32
    %get3A_2376 = arith.index_cast %sub3A_2375 : i32 to index
    %get3A_2377 = tpu.vector_load %arg10[%get3A_2376] {strides = array<i32>} : memref<8208xi32, #tpu.memory_space<vmem>>, vector<16xi32>,
    %get3A_2378 = vector.shape_cast %get3A_2377 : vector<16xi32> to vector<16xi32>
    %mul3A_2379 = arith.constant 427936 : i32
    %mul3A_2380 = vector.broadcast %mul3A_2379 : i32 to vector<16xi32>
    %mul3A_2381 = arith.muli %get3A_2378, %mul3A_2380 : vector<16xi32>
    %add3A_2382 = arith.addi %add3A_2347, %mul3A_2381 : vector<16xi32>
    %add3A_2383 = arith.constant 7 : i32
    %add3A_2384 = arith.addi %add3A_2186, %add3A_2383 : i32
    %get3A_2385 = arith.index_cast %add3A_2384 : i32 to index
    %get3A_2386 = tpu.vector_load %arg10[%get3A_2385] {strides = array<i32>} : memref<8208xi32, #tpu.memory_space<vmem>>, vector<16xi32>,
    %get3A_2387 = vector.shape_cast %get3A_2386 : vector<16xi32> to vector<16xi32>
    %ge3A_2388 = arith.constant 128 : i32
    %ge3A_2389 = vector.broadcast %ge3A_2388 : i32 to vector<16xi32>
    %ge3A_2390 = arith.cmpi sge, %get3A_2387, %ge3A_2389 : vector<16xi32>
    %select_n3A_2391 = arith.select %ge3A_2390, %broadcast_in_dim3A_10, %broadcast_in_dim3A_8 : vector<16xi1>, vector<16xi32>
    %add3A_2392 = arith.addi %add3A_2382, %select_n3A_2391 : vector<16xi32>
    %max3A_2393 = arith.maxsi %add3A_2392, %broadcast_in_dim3A_8 : vector<16xi32>
    %convert_element_type3A_2394 = arith.sitofp %max3A_2393 : vector<16xi32> to vector<16xf32>
    %mul3A_2395 = arith.mulf %convert_element_type3A_2394, %broadcast_in_dim3A_12 : vector<16xf32>
    %convert_element_type3A_2396 = arith.fptosi %mul3A_2395 : vector<16xf32> to vector<16xi32>
    %mul3A_2397 = arith.constant 500000 : i32
    %mul3A_2398 = vector.broadcast %mul3A_2397 : i32 to vector<16xi32>
    %mul3A_2399 = arith.muli %convert_element_type3A_2396, %mul3A_2398 : vector<16xi32>
    %sub3A_2400 = arith.subi %max3A_2393, %mul3A_2399 : vector<16xi32>
    %lt3A_2401 = arith.constant 0 : i32
    %lt3A_2402 = vector.broadcast %lt3A_2401 : i32 to vector<16xi32>
    %lt3A_2403 = arith.cmpi slt, %sub3A_2400, %lt3A_2402 : vector<16xi32>
    %add3A_2404 = arith.addi %sub3A_2400, %broadcast_in_dim3A_6 : vector<16xi32>
    %select_n3A_2405 = arith.select %lt3A_2403, %add3A_2404, %sub3A_2400 : vector<16xi1>, vector<16xi32>
    %ge3A_2406 = arith.constant 500000 : i32
    %ge3A_2407 = vector.broadcast %ge3A_2406 : i32 to vector<16xi32>
    %ge3A_2408 = arith.cmpi sge, %select_n3A_2405, %ge3A_2407 : vector<16xi32>
    %sub3A_2409 = arith.subi %select_n3A_2405, %broadcast_in_dim3A_6 : vector<16xi32>
    %select_n3A_2410 = arith.select %ge3A_2408, %sub3A_2409, %select_n3A_2405 : vector<16xi1>, vector<16xi32>
    %swap3A_2411 = arith.constant 11 : i64
    %swap3A_2412 = arith.index_cast %swap3A_2411 : i64 to index
    %swap3A_2413 = arith.constant 0 : index
    %swap3A_2414 = tpu.vector_load %arg11[%swap3A_2412, %swap3A_2413] {strides = array<i32>} : memref<12x128xi32, #tpu.memory_space<vmem>>, vector<1x16xi32>,
    %swap3A_2415 = vector.shape_cast %swap3A_2414 : vector<1x16xi32> to vector<16xi32>
    %swap3A_2416 = vector.shape_cast %select_n3A_2410 : vector<16xi32> to vector<1x16xi32>
    tpu.vector_store %arg11[%swap3A_2412, %swap3A_2413], %swap3A_2416 {strides = array<i32>} : memref<12x128xi32, #tpu.memory_space<vmem>>, vector<1x16xi32>,
    %add3A_2417 = arith.constant 16 : i32
    %add3A_2418 = arith.addi %add3A_2184, %add3A_2417 : i32
    %get3A_2419 = arith.index_cast %add3A_2418 : i32 to index
    %get3A_2420 = tpu.vector_load %arg10[%get3A_2419] {strides = array<i32>} : memref<8208xi32, #tpu.memory_space<vmem>>, vector<16xi32>,
    %get3A_2421 = vector.shape_cast %get3A_2420 : vector<16xi32> to vector<16xi32>
    %add3A_2422 = arith.constant 1 : i32
    %add3A_2423 = arith.addi %add3A_2418, %add3A_2422 : i32
    %get3A_2424 = arith.index_cast %add3A_2423 : i32 to index
    %get3A_2425 = tpu.vector_load %arg10[%get3A_2424] {strides = array<i32>} : memref<8208xi32, #tpu.memory_space<vmem>>, vector<16xi32>,
    %get3A_2426 = vector.shape_cast %get3A_2425 : vector<16xi32> to vector<16xi32>
    %mul3A_2427 = arith.constant 256 : i32
    %mul3A_2428 = vector.broadcast %mul3A_2427 : i32 to vector<16xi32>
    %mul3A_2429 = arith.muli %get3A_2426, %mul3A_2428 : vector<16xi32>
    %add3A_2430 = arith.addi %get3A_2421, %mul3A_2429 : vector<16xi32>
    %add3A_2431 = arith.constant 2 : i32
    %add3A_2432 = arith.addi %add3A_2418, %add3A_2431 : i32
    %get3A_2433 = arith.index_cast %add3A_2432 : i32 to index
    %get3A_2434 = tpu.vector_load %arg10[%get3A_2433] {strides = array<i32>} : memref<8208xi32, #tpu.memory_space<vmem>>, vector<16xi32>,
    %get3A_2435 = vector.shape_cast %get3A_2434 : vector<16xi32> to vector<16xi32>
    %mul3A_2436 = arith.constant 65536 : i32
    %mul3A_2437 = vector.broadcast %mul3A_2436 : i32 to vector<16xi32>
    %mul3A_2438 = arith.muli %get3A_2435, %mul3A_2437 : vector<16xi32>
    %add3A_2439 = arith.addi %add3A_2430, %mul3A_2438 : vector<16xi32>
    %max3A_2440 = arith.maxsi %add3A_2439, %broadcast_in_dim3A_8 : vector<16xi32>
    %convert_element_type3A_2441 = arith.sitofp %max3A_2440 : vector<16xi32> to vector<16xf32>
    %mul3A_2442 = arith.mulf %convert_element_type3A_2441, %broadcast_in_dim3A_12 : vector<16xf32>
    %convert_element_type3A_2443 = arith.fptosi %mul3A_2442 : vector<16xf32> to vector<16xi32>
    %mul3A_2444 = arith.constant 500000 : i32
    %mul3A_2445 = vector.broadcast %mul3A_2444 : i32 to vector<16xi32>
    %mul3A_2446 = arith.muli %convert_element_type3A_2443, %mul3A_2445 : vector<16xi32>
    %sub3A_2447 = arith.subi %max3A_2440, %mul3A_2446 : vector<16xi32>
    %lt3A_2448 = arith.constant 0 : i32
    %lt3A_2449 = vector.broadcast %lt3A_2448 : i32 to vector<16xi32>
    %lt3A_2450 = arith.cmpi slt, %sub3A_2447, %lt3A_2449 : vector<16xi32>
    %add3A_2451 = arith.addi %sub3A_2447, %broadcast_in_dim3A_6 : vector<16xi32>
    %select_n3A_2452 = arith.select %lt3A_2450, %add3A_2451, %sub3A_2447 : vector<16xi1>, vector<16xi32>
    %ge3A_2453 = arith.constant 500000 : i32
    %ge3A_2454 = vector.broadcast %ge3A_2453 : i32 to vector<16xi32>
    %ge3A_2455 = arith.cmpi sge, %select_n3A_2452, %ge3A_2454 : vector<16xi32>
    %sub3A_2456 = arith.subi %select_n3A_2452, %broadcast_in_dim3A_6 : vector<16xi32>
    %select_n3A_2457 = arith.select %ge3A_2455, %sub3A_2456, %select_n3A_2452 : vector<16xi1>, vector<16xi32>
    %swap3A_2458 = arith.constant 6 : i64
    %swap3A_2459 = arith.index_cast %swap3A_2458 : i64 to index
    %swap3A_2460 = arith.constant 16 : index
    %swap3A_2461 = tpu.vector_load %arg11[%swap3A_2459, %swap3A_2460] {strides = array<i32>} : memref<12x128xi32, #tpu.memory_space<vmem>>, vector<1x16xi32>,
    %swap3A_2462 = vector.shape_cast %swap3A_2461 : vector<1x16xi32> to vector<16xi32>
    %swap3A_2463 = vector.shape_cast %select_n3A_2457 : vector<16xi32> to vector<1x16xi32>
    tpu.vector_store %arg11[%swap3A_2459, %swap3A_2460], %swap3A_2463 {strides = array<i32>} : memref<12x128xi32, #tpu.memory_space<vmem>>, vector<1x16xi32>,
    %add3A_2464 = arith.constant 4 : i32
    %add3A_2465 = arith.addi %add3A_2418, %add3A_2464 : i32
    %sub3A_2466 = arith.constant 1 : i32
    %sub3A_2467 = arith.subi %add3A_2465, %sub3A_2466 : i32
    %get3A_2468 = arith.index_cast %sub3A_2467 : i32 to index
    %get3A_2469 = tpu.vector_load %arg10[%get3A_2468] {strides = array<i32>} : memref<8208xi32, #tpu.memory_space<vmem>>, vector<16xi32>,
    %get3A_2470 = vector.shape_cast %get3A_2469 : vector<16xi32> to vector<16xi32>
    %mul3A_2471 = arith.constant 277216 : i32
    %mul3A_2472 = vector.broadcast %mul3A_2471 : i32 to vector<16xi32>
    %mul3A_2473 = arith.muli %get3A_2470, %mul3A_2472 : vector<16xi32>
    %add3A_2474 = arith.addi %add3A_2439, %mul3A_2473 : vector<16xi32>
    %max3A_2475 = arith.maxsi %add3A_2474, %broadcast_in_dim3A_8 : vector<16xi32>
    %convert_element_type3A_2476 = arith.sitofp %max3A_2475 : vector<16xi32> to vector<16xf32>
    %mul3A_2477 = arith.mulf %convert_element_type3A_2476, %broadcast_in_dim3A_12 : vector<16xf32>
    %convert_element_type3A_2478 = arith.fptosi %mul3A_2477 : vector<16xf32> to vector<16xi32>
    %mul3A_2479 = arith.constant 500000 : i32
    %mul3A_2480 = vector.broadcast %mul3A_2479 : i32 to vector<16xi32>
    %mul3A_2481 = arith.muli %convert_element_type3A_2478, %mul3A_2480 : vector<16xi32>
    %sub3A_2482 = arith.subi %max3A_2475, %mul3A_2481 : vector<16xi32>
    %lt3A_2483 = arith.constant 0 : i32
    %lt3A_2484 = vector.broadcast %lt3A_2483 : i32 to vector<16xi32>
    %lt3A_2485 = arith.cmpi slt, %sub3A_2482, %lt3A_2484 : vector<16xi32>
    %add3A_2486 = arith.addi %sub3A_2482, %broadcast_in_dim3A_6 : vector<16xi32>
    %select_n3A_2487 = arith.select %lt3A_2485, %add3A_2486, %sub3A_2482 : vector<16xi1>, vector<16xi32>
    %ge3A_2488 = arith.constant 500000 : i32
    %ge3A_2489 = vector.broadcast %ge3A_2488 : i32 to vector<16xi32>
    %ge3A_2490 = arith.cmpi sge, %select_n3A_2487, %ge3A_2489 : vector<16xi32>
    %sub3A_2491 = arith.subi %select_n3A_2487, %broadcast_in_dim3A_6 : vector<16xi32>
    %select_n3A_2492 = arith.select %ge3A_2490, %sub3A_2491, %select_n3A_2487 : vector<16xi1>, vector<16xi32>
    %swap3A_2493 = arith.constant 7 : i64
    %swap3A_2494 = arith.index_cast %swap3A_2493 : i64 to index
    %swap3A_2495 = arith.constant 16 : index
    %swap3A_2496 = tpu.vector_load %arg11[%swap3A_2494, %swap3A_2495] {strides = array<i32>} : memref<12x128xi32, #tpu.memory_space<vmem>>, vector<1x16xi32>,
    %swap3A_2497 = vector.shape_cast %swap3A_2496 : vector<1x16xi32> to vector<16xi32>
    %swap3A_2498 = vector.shape_cast %select_n3A_2492 : vector<16xi32> to vector<1x16xi32>
    tpu.vector_store %arg11[%swap3A_2494, %swap3A_2495], %swap3A_2498 {strides = array<i32>} : memref<12x128xi32, #tpu.memory_space<vmem>>, vector<1x16xi32>,
    %add3A_2499 = arith.constant 5 : i32
    %add3A_2500 = arith.addi %add3A_2418, %add3A_2499 : i32
    %sub3A_2501 = arith.constant 1 : i32
    %sub3A_2502 = arith.subi %add3A_2500, %sub3A_2501 : i32
    %get3A_2503 = arith.index_cast %sub3A_2502 : i32 to index
    %get3A_2504 = tpu.vector_load %arg10[%get3A_2503] {strides = array<i32>} : memref<8208xi32, #tpu.memory_space<vmem>>, vector<16xi32>,
    %get3A_2505 = vector.shape_cast %get3A_2504 : vector<16xi32> to vector<16xi32>
    %mul3A_2506 = arith.constant 467296 : i32
    %mul3A_2507 = vector.broadcast %mul3A_2506 : i32 to vector<16xi32>
    %mul3A_2508 = arith.muli %get3A_2505, %mul3A_2507 : vector<16xi32>
    %add3A_2509 = arith.addi %add3A_2474, %mul3A_2508 : vector<16xi32>
    %max3A_2510 = arith.maxsi %add3A_2509, %broadcast_in_dim3A_8 : vector<16xi32>
    %convert_element_type3A_2511 = arith.sitofp %max3A_2510 : vector<16xi32> to vector<16xf32>
    %mul3A_2512 = arith.mulf %convert_element_type3A_2511, %broadcast_in_dim3A_12 : vector<16xf32>
    %convert_element_type3A_2513 = arith.fptosi %mul3A_2512 : vector<16xf32> to vector<16xi32>
    %mul3A_2514 = arith.constant 500000 : i32
    %mul3A_2515 = vector.broadcast %mul3A_2514 : i32 to vector<16xi32>
    %mul3A_2516 = arith.muli %convert_element_type3A_2513, %mul3A_2515 : vector<16xi32>
    %sub3A_2517 = arith.subi %max3A_2510, %mul3A_2516 : vector<16xi32>
    %lt3A_2518 = arith.constant 0 : i32
    %lt3A_2519 = vector.broadcast %lt3A_2518 : i32 to vector<16xi32>
    %lt3A_2520 = arith.cmpi slt, %sub3A_2517, %lt3A_2519 : vector<16xi32>
    %add3A_2521 = arith.addi %sub3A_2517, %broadcast_in_dim3A_6 : vector<16xi32>
    %select_n3A_2522 = arith.select %lt3A_2520, %add3A_2521, %sub3A_2517 : vector<16xi1>, vector<16xi32>
    %ge3A_2523 = arith.constant 500000 : i32
    %ge3A_2524 = vector.broadcast %ge3A_2523 : i32 to vector<16xi32>
    %ge3A_2525 = arith.cmpi sge, %select_n3A_2522, %ge3A_2524 : vector<16xi32>
    %sub3A_2526 = arith.subi %select_n3A_2522, %broadcast_in_dim3A_6 : vector<16xi32>
    %select_n3A_2527 = arith.select %ge3A_2525, %sub3A_2526, %select_n3A_2522 : vector<16xi1>, vector<16xi32>
    %swap3A_2528 = arith.constant 8 : i64
    %swap3A_2529 = arith.index_cast %swap3A_2528 : i64 to index
    %swap3A_2530 = arith.constant 16 : index
    %swap3A_2531 = tpu.vector_load %arg11[%swap3A_2529, %swap3A_2530] {strides = array<i32>} : memref<12x128xi32, #tpu.memory_space<vmem>>, vector<1x16xi32>,
    %swap3A_2532 = vector.shape_cast %swap3A_2531 : vector<1x16xi32> to vector<16xi32>
    %swap3A_2533 = vector.shape_cast %select_n3A_2527 : vector<16xi32> to vector<1x16xi32>
    tpu.vector_store %arg11[%swap3A_2529, %swap3A_2530], %swap3A_2533 {strides = array<i32>} : memref<12x128xi32, #tpu.memory_space<vmem>>, vector<1x16xi32>,
    %add3A_2534 = arith.constant 6 : i32
    %add3A_2535 = arith.addi %add3A_2418, %add3A_2534 : i32
    %sub3A_2536 = arith.constant 1 : i32
    %sub3A_2537 = arith.subi %add3A_2535, %sub3A_2536 : i32
    %get3A_2538 = arith.index_cast %sub3A_2537 : i32 to index
    %get3A_2539 = tpu.vector_load %arg10[%get3A_2538] {strides = array<i32>} : memref<8208xi32, #tpu.memory_space<vmem>>, vector<16xi32>,
    %get3A_2540 = vector.shape_cast %get3A_2539 : vector<16xi32> to vector<16xi32>
    %mul3A_2541 = arith.constant 127776 : i32
    %mul3A_2542 = vector.broadcast %mul3A_2541 : i32 to vector<16xi32>
    %mul3A_2543 = arith.muli %get3A_2540, %mul3A_2542 : vector<16xi32>
    %add3A_2544 = arith.addi %add3A_2509, %mul3A_2543 : vector<16xi32>
    %max3A_2545 = arith.maxsi %add3A_2544, %broadcast_in_dim3A_8 : vector<16xi32>
    %convert_element_type3A_2546 = arith.sitofp %max3A_2545 : vector<16xi32> to vector<16xf32>
    %mul3A_2547 = arith.mulf %convert_element_type3A_2546, %broadcast_in_dim3A_12 : vector<16xf32>
    %convert_element_type3A_2548 = arith.fptosi %mul3A_2547 : vector<16xf32> to vector<16xi32>
    %mul3A_2549 = arith.constant 500000 : i32
    %mul3A_2550 = vector.broadcast %mul3A_2549 : i32 to vector<16xi32>
    %mul3A_2551 = arith.muli %convert_element_type3A_2548, %mul3A_2550 : vector<16xi32>
    %sub3A_2552 = arith.subi %max3A_2545, %mul3A_2551 : vector<16xi32>
    %lt3A_2553 = arith.constant 0 : i32
    %lt3A_2554 = vector.broadcast %lt3A_2553 : i32 to vector<16xi32>
    %lt3A_2555 = arith.cmpi slt, %sub3A_2552, %lt3A_2554 : vector<16xi32>
    %add3A_2556 = arith.addi %sub3A_2552, %broadcast_in_dim3A_6 : vector<16xi32>
    %select_n3A_2557 = arith.select %lt3A_2555, %add3A_2556, %sub3A_2552 : vector<16xi1>, vector<16xi32>
    %ge3A_2558 = arith.constant 500000 : i32
    %ge3A_2559 = vector.broadcast %ge3A_2558 : i32 to vector<16xi32>
    %ge3A_2560 = arith.cmpi sge, %select_n3A_2557, %ge3A_2559 : vector<16xi32>
    %sub3A_2561 = arith.subi %select_n3A_2557, %broadcast_in_dim3A_6 : vector<16xi32>
    %select_n3A_2562 = arith.select %ge3A_2560, %sub3A_2561, %select_n3A_2557 : vector<16xi1>, vector<16xi32>
    %swap3A_2563 = arith.constant 9 : i64
    %swap3A_2564 = arith.index_cast %swap3A_2563 : i64 to index
    %swap3A_2565 = arith.constant 16 : index
    %swap3A_2566 = tpu.vector_load %arg11[%swap3A_2564, %swap3A_2565] {strides = array<i32>} : memref<12x128xi32, #tpu.memory_space<vmem>>, vector<1x16xi32>,
    %swap3A_2567 = vector.shape_cast %swap3A_2566 : vector<1x16xi32> to vector<16xi32>
    %swap3A_2568 = vector.shape_cast %select_n3A_2562 : vector<16xi32> to vector<1x16xi32>
    tpu.vector_store %arg11[%swap3A_2564, %swap3A_2565], %swap3A_2568 {strides = array<i32>} : memref<12x128xi32, #tpu.memory_space<vmem>>, vector<1x16xi32>,
    %add3A_2569 = arith.constant 7 : i32
    %add3A_2570 = arith.addi %add3A_2418, %add3A_2569 : i32
    %sub3A_2571 = arith.constant 1 : i32
    %sub3A_2572 = arith.subi %add3A_2570, %sub3A_2571 : i32
    %get3A_2573 = arith.index_cast %sub3A_2572 : i32 to index
    %get3A_2574 = tpu.vector_load %arg10[%get3A_2573] {strides = array<i32>} : memref<8208xi32, #tpu.memory_space<vmem>>, vector<16xi32>,
    %get3A_2575 = vector.shape_cast %get3A_2574 : vector<16xi32> to vector<16xi32>
    %mul3A_2576 = arith.constant 210656 : i32
    %mul3A_2577 = vector.broadcast %mul3A_2576 : i32 to vector<16xi32>
    %mul3A_2578 = arith.muli %get3A_2575, %mul3A_2577 : vector<16xi32>
    %add3A_2579 = arith.addi %add3A_2544, %mul3A_2578 : vector<16xi32>
    %max3A_2580 = arith.maxsi %add3A_2579, %broadcast_in_dim3A_8 : vector<16xi32>
    %convert_element_type3A_2581 = arith.sitofp %max3A_2580 : vector<16xi32> to vector<16xf32>
    %mul3A_2582 = arith.mulf %convert_element_type3A_2581, %broadcast_in_dim3A_12 : vector<16xf32>
    %convert_element_type3A_2583 = arith.fptosi %mul3A_2582 : vector<16xf32> to vector<16xi32>
    %mul3A_2584 = arith.constant 500000 : i32
    %mul3A_2585 = vector.broadcast %mul3A_2584 : i32 to vector<16xi32>
    %mul3A_2586 = arith.muli %convert_element_type3A_2583, %mul3A_2585 : vector<16xi32>
    %sub3A_2587 = arith.subi %max3A_2580, %mul3A_2586 : vector<16xi32>
    %lt3A_2588 = arith.constant 0 : i32
    %lt3A_2589 = vector.broadcast %lt3A_2588 : i32 to vector<16xi32>
    %lt3A_2590 = arith.cmpi slt, %sub3A_2587, %lt3A_2589 : vector<16xi32>
    %add3A_2591 = arith.addi %sub3A_2587, %broadcast_in_dim3A_6 : vector<16xi32>
    %select_n3A_2592 = arith.select %lt3A_2590, %add3A_2591, %sub3A_2587 : vector<16xi1>, vector<16xi32>
    %ge3A_2593 = arith.constant 500000 : i32
    %ge3A_2594 = vector.broadcast %ge3A_2593 : i32 to vector<16xi32>
    %ge3A_2595 = arith.cmpi sge, %select_n3A_2592, %ge3A_2594 : vector<16xi32>
    %sub3A_2596 = arith.subi %select_n3A_2592, %broadcast_in_dim3A_6 : vector<16xi32>
    %select_n3A_2597 = arith.select %ge3A_2595, %sub3A_2596, %select_n3A_2592 : vector<16xi1>, vector<16xi32>
    %swap3A_2598 = arith.constant 10 : i64
    %swap3A_2599 = arith.index_cast %swap3A_2598 : i64 to index
    %swap3A_2600 = arith.constant 16 : index
    %swap3A_2601 = tpu.vector_load %arg11[%swap3A_2599, %swap3A_2600] {strides = array<i32>} : memref<12x128xi32, #tpu.memory_space<vmem>>, vector<1x16xi32>,
    %swap3A_2602 = vector.shape_cast %swap3A_2601 : vector<1x16xi32> to vector<16xi32>
    %swap3A_2603 = vector.shape_cast %select_n3A_2597 : vector<16xi32> to vector<1x16xi32>
    tpu.vector_store %arg11[%swap3A_2599, %swap3A_2600], %swap3A_2603 {strides = array<i32>} : memref<12x128xi32, #tpu.memory_space<vmem>>, vector<1x16xi32>,
    %add3A_2604 = arith.constant 8 : i32
    %add3A_2605 = arith.addi %add3A_2418, %add3A_2604 : i32
    %sub3A_2606 = arith.constant 1 : i32
    %sub3A_2607 = arith.subi %add3A_2605, %sub3A_2606 : i32
    %get3A_2608 = arith.index_cast %sub3A_2607 : i32 to index
    %get3A_2609 = tpu.vector_load %arg10[%get3A_2608] {strides = array<i32>} : memref<8208xi32, #tpu.memory_space<vmem>>, vector<16xi32>,
    %get3A_2610 = vector.shape_cast %get3A_2609 : vector<16xi32> to vector<16xi32>
    %mul3A_2611 = arith.constant 427936 : i32
    %mul3A_2612 = vector.broadcast %mul3A_2611 : i32 to vector<16xi32>
    %mul3A_2613 = arith.muli %get3A_2610, %mul3A_2612 : vector<16xi32>
    %add3A_2614 = arith.addi %add3A_2579, %mul3A_2613 : vector<16xi32>
    %add3A_2615 = arith.constant 7 : i32
    %add3A_2616 = arith.addi %add3A_2418, %add3A_2615 : i32
    %get3A_2617 = arith.index_cast %add3A_2616 : i32 to index
    %get3A_2618 = tpu.vector_load %arg10[%get3A_2617] {strides = array<i32>} : memref<8208xi32, #tpu.memory_space<vmem>>, vector<16xi32>,
    %get3A_2619 = vector.shape_cast %get3A_2618 : vector<16xi32> to vector<16xi32>
    %ge3A_2620 = arith.constant 128 : i32
    %ge3A_2621 = vector.broadcast %ge3A_2620 : i32 to vector<16xi32>
    %ge3A_2622 = arith.cmpi sge, %get3A_2619, %ge3A_2621 : vector<16xi32>
    %select_n3A_2623 = arith.select %ge3A_2622, %broadcast_in_dim3A_10, %broadcast_in_dim3A_8 : vector<16xi1>, vector<16xi32>
    %add3A_2624 = arith.addi %add3A_2614, %select_n3A_2623 : vector<16xi32>
    %max3A_2625 = arith.maxsi %add3A_2624, %broadcast_in_dim3A_8 : vector<16xi32>
    %convert_element_type3A_2626 = arith.sitofp %max3A_2625 : vector<16xi32> to vector<16xf32>
    %mul3A_2627 = arith.mulf %convert_element_type3A_2626, %broadcast_in_dim3A_12 : vector<16xf32>
    %convert_element_type3A_2628 = arith.fptosi %mul3A_2627 : vector<16xf32> to vector<16xi32>
    %mul3A_2629 = arith.constant 500000 : i32
    %mul3A_2630 = vector.broadcast %mul3A_2629 : i32 to vector<16xi32>
    %mul3A_2631 = arith.muli %convert_element_type3A_2628, %mul3A_2630 : vector<16xi32>
    %sub3A_2632 = arith.subi %max3A_2625, %mul3A_2631 : vector<16xi32>
    %lt3A_2633 = arith.constant 0 : i32
    %lt3A_2634 = vector.broadcast %lt3A_2633 : i32 to vector<16xi32>
    %lt3A_2635 = arith.cmpi slt, %sub3A_2632, %lt3A_2634 : vector<16xi32>
    %add3A_2636 = arith.addi %sub3A_2632, %broadcast_in_dim3A_6 : vector<16xi32>
    %select_n3A_2637 = arith.select %lt3A_2635, %add3A_2636, %sub3A_2632 : vector<16xi1>, vector<16xi32>
    %ge3A_2638 = arith.constant 500000 : i32
    %ge3A_2639 = vector.broadcast %ge3A_2638 : i32 to vector<16xi32>
    %ge3A_2640 = arith.cmpi sge, %select_n3A_2637, %ge3A_2639 : vector<16xi32>
    %sub3A_2641 = arith.subi %select_n3A_2637, %broadcast_in_dim3A_6 : vector<16xi32>
    %select_n3A_2642 = arith.select %ge3A_2640, %sub3A_2641, %select_n3A_2637 : vector<16xi1>, vector<16xi32>
    %swap3A_2643 = arith.constant 11 : i64
    %swap3A_2644 = arith.index_cast %swap3A_2643 : i64 to index
    %swap3A_2645 = arith.constant 16 : index
    %swap3A_2646 = tpu.vector_load %arg11[%swap3A_2644, %swap3A_2645] {strides = array<i32>} : memref<12x128xi32, #tpu.memory_space<vmem>>, vector<1x16xi32>,
    %swap3A_2647 = vector.shape_cast %swap3A_2646 : vector<1x16xi32> to vector<16xi32>
    %swap3A_2648 = vector.shape_cast %select_n3A_2642 : vector<16xi32> to vector<1x16xi32>
    tpu.vector_store %arg11[%swap3A_2644, %swap3A_2645], %swap3A_2648 {strides = array<i32>} : memref<12x128xi32, #tpu.memory_space<vmem>>, vector<1x16xi32>,
    %add3A_2649 = arith.constant 32 : i32
    %add3A_2650 = arith.addi %add3A_2184, %add3A_2649 : i32
    %get3A_2651 = arith.index_cast %add3A_2650 : i32 to index
    %get3A_2652 = tpu.vector_load %arg10[%get3A_2651] {strides = array<i32>} : memref<8208xi32, #tpu.memory_space<vmem>>, vector<16xi32>,
    %get3A_2653 = vector.shape_cast %get3A_2652 : vector<16xi32> to vector<16xi32>
    %add3A_2654 = arith.constant 1 : i32
    %add3A_2655 = arith.addi %add3A_2650, %add3A_2654 : i32
    %get3A_2656 = arith.index_cast %add3A_2655 : i32 to index
    %get3A_2657 = tpu.vector_load %arg10[%get3A_2656] {strides = array<i32>} : memref<8208xi32, #tpu.memory_space<vmem>>, vector<16xi32>,
    %get3A_2658 = vector.shape_cast %get3A_2657 : vector<16xi32> to vector<16xi32>
    %mul3A_2659 = arith.constant 256 : i32
    %mul3A_2660 = vector.broadcast %mul3A_2659 : i32 to vector<16xi32>
    %mul3A_2661 = arith.muli %get3A_2658, %mul3A_2660 : vector<16xi32>
    %add3A_2662 = arith.addi %get3A_2653, %mul3A_2661 : vector<16xi32>
    %add3A_2663 = arith.constant 2 : i32
    %add3A_2664 = arith.addi %add3A_2650, %add3A_2663 : i32
    %get3A_2665 = arith.index_cast %add3A_2664 : i32 to index
    %get3A_2666 = tpu.vector_load %arg10[%get3A_2665] {strides = array<i32>} : memref<8208xi32, #tpu.memory_space<vmem>>, vector<16xi32>,
    %get3A_2667 = vector.shape_cast %get3A_2666 : vector<16xi32> to vector<16xi32>
    %mul3A_2668 = arith.constant 65536 : i32
    %mul3A_2669 = vector.broadcast %mul3A_2668 : i32 to vector<16xi32>
    %mul3A_2670 = arith.muli %get3A_2667, %mul3A_2669 : vector<16xi32>
    %add3A_2671 = arith.addi %add3A_2662, %mul3A_2670 : vector<16xi32>
    %max3A_2672 = arith.maxsi %add3A_2671, %broadcast_in_dim3A_8 : vector<16xi32>
    %convert_element_type3A_2673 = arith.sitofp %max3A_2672 : vector<16xi32> to vector<16xf32>
    %mul3A_2674 = arith.mulf %convert_element_type3A_2673, %broadcast_in_dim3A_12 : vector<16xf32>
    %convert_element_type3A_2675 = arith.fptosi %mul3A_2674 : vector<16xf32> to vector<16xi32>
    %mul3A_2676 = arith.constant 500000 : i32
    %mul3A_2677 = vector.broadcast %mul3A_2676 : i32 to vector<16xi32>
    %mul3A_2678 = arith.muli %convert_element_type3A_2675, %mul3A_2677 : vector<16xi32>
    %sub3A_2679 = arith.subi %max3A_2672, %mul3A_2678 : vector<16xi32>
    %lt3A_2680 = arith.constant 0 : i32
    %lt3A_2681 = vector.broadcast %lt3A_2680 : i32 to vector<16xi32>
    %lt3A_2682 = arith.cmpi slt, %sub3A_2679, %lt3A_2681 : vector<16xi32>
    %add3A_2683 = arith.addi %sub3A_2679, %broadcast_in_dim3A_6 : vector<16xi32>
    %select_n3A_2684 = arith.select %lt3A_2682, %add3A_2683, %sub3A_2679 : vector<16xi1>, vector<16xi32>
    %ge3A_2685 = arith.constant 500000 : i32
    %ge3A_2686 = vector.broadcast %ge3A_2685 : i32 to vector<16xi32>
    %ge3A_2687 = arith.cmpi sge, %select_n3A_2684, %ge3A_2686 : vector<16xi32>
    %sub3A_2688 = arith.subi %select_n3A_2684, %broadcast_in_dim3A_6 : vector<16xi32>
    %select_n3A_2689 = arith.select %ge3A_2687, %sub3A_2688, %select_n3A_2684 : vector<16xi1>, vector<16xi32>
    %swap3A_2690 = arith.constant 6 : i64
    %swap3A_2691 = arith.index_cast %swap3A_2690 : i64 to index
    %swap3A_2692 = arith.constant 32 : index
    %swap3A_2693 = tpu.vector_load %arg11[%swap3A_2691, %swap3A_2692] {strides = array<i32>} : memref<12x128xi32, #tpu.memory_space<vmem>>, vector<1x16xi32>,
    %swap3A_2694 = vector.shape_cast %swap3A_2693 : vector<1x16xi32> to vector<16xi32>
    %swap3A_2695 = vector.shape_cast %select_n3A_2689 : vector<16xi32> to vector<1x16xi32>
    tpu.vector_store %arg11[%swap3A_2691, %swap3A_2692], %swap3A_2695 {strides = array<i32>} : memref<12x128xi32, #tpu.memory_space<vmem>>, vector<1x16xi32>,
    %add3A_2696 = arith.constant 4 : i32
    %add3A_2697 = arith.addi %add3A_2650, %add3A_2696 : i32
    %sub3A_2698 = arith.constant 1 : i32
    %sub3A_2699 = arith.subi %add3A_2697, %sub3A_2698 : i32
    %get3A_2700 = arith.index_cast %sub3A_2699 : i32 to index
    %get3A_2701 = tpu.vector_load %arg10[%get3A_2700] {strides = array<i32>} : memref<8208xi32, #tpu.memory_space<vmem>>, vector<16xi32>,
    %get3A_2702 = vector.shape_cast %get3A_2701 : vector<16xi32> to vector<16xi32>
    %mul3A_2703 = arith.constant 277216 : i32
    %mul3A_2704 = vector.broadcast %mul3A_2703 : i32 to vector<16xi32>
    %mul3A_2705 = arith.muli %get3A_2702, %mul3A_2704 : vector<16xi32>
    %add3A_2706 = arith.addi %add3A_2671, %mul3A_2705 : vector<16xi32>
    %max3A_2707 = arith.maxsi %add3A_2706, %broadcast_in_dim3A_8 : vector<16xi32>
    %convert_element_type3A_2708 = arith.sitofp %max3A_2707 : vector<16xi32> to vector<16xf32>
    %mul3A_2709 = arith.mulf %convert_element_type3A_2708, %broadcast_in_dim3A_12 : vector<16xf32>
    %convert_element_type3A_2710 = arith.fptosi %mul3A_2709 : vector<16xf32> to vector<16xi32>
    %mul3A_2711 = arith.constant 500000 : i32
    %mul3A_2712 = vector.broadcast %mul3A_2711 : i32 to vector<16xi32>
    %mul3A_2713 = arith.muli %convert_element_type3A_2710, %mul3A_2712 : vector<16xi32>
    %sub3A_2714 = arith.subi %max3A_2707, %mul3A_2713 : vector<16xi32>
    %lt3A_2715 = arith.constant 0 : i32
    %lt3A_2716 = vector.broadcast %lt3A_2715 : i32 to vector<16xi32>
    %lt3A_2717 = arith.cmpi slt, %sub3A_2714, %lt3A_2716 : vector<16xi32>
    %add3A_2718 = arith.addi %sub3A_2714, %broadcast_in_dim3A_6 : vector<16xi32>
    %select_n3A_2719 = arith.select %lt3A_2717, %add3A_2718, %sub3A_2714 : vector<16xi1>, vector<16xi32>
    %ge3A_2720 = arith.constant 500000 : i32
    %ge3A_2721 = vector.broadcast %ge3A_2720 : i32 to vector<16xi32>
    %ge3A_2722 = arith.cmpi sge, %select_n3A_2719, %ge3A_2721 : vector<16xi32>
    %sub3A_2723 = arith.subi %select_n3A_2719, %broadcast_in_dim3A_6 : vector<16xi32>
    %select_n3A_2724 = arith.select %ge3A_2722, %sub3A_2723, %select_n3A_2719 : vector<16xi1>, vector<16xi32>
    %swap3A_2725 = arith.constant 7 : i64
    %swap3A_2726 = arith.index_cast %swap3A_2725 : i64 to index
    %swap3A_2727 = arith.constant 32 : index
    %swap3A_2728 = tpu.vector_load %arg11[%swap3A_2726, %swap3A_2727] {strides = array<i32>} : memref<12x128xi32, #tpu.memory_space<vmem>>, vector<1x16xi32>,
    %swap3A_2729 = vector.shape_cast %swap3A_2728 : vector<1x16xi32> to vector<16xi32>
    %swap3A_2730 = vector.shape_cast %select_n3A_2724 : vector<16xi32> to vector<1x16xi32>
    tpu.vector_store %arg11[%swap3A_2726, %swap3A_2727], %swap3A_2730 {strides = array<i32>} : memref<12x128xi32, #tpu.memory_space<vmem>>, vector<1x16xi32>,
    %add3A_2731 = arith.constant 5 : i32
    %add3A_2732 = arith.addi %add3A_2650, %add3A_2731 : i32
    %sub3A_2733 = arith.constant 1 : i32
    %sub3A_2734 = arith.subi %add3A_2732, %sub3A_2733 : i32
    %get3A_2735 = arith.index_cast %sub3A_2734 : i32 to index
    %get3A_2736 = tpu.vector_load %arg10[%get3A_2735] {strides = array<i32>} : memref<8208xi32, #tpu.memory_space<vmem>>, vector<16xi32>,
    %get3A_2737 = vector.shape_cast %get3A_2736 : vector<16xi32> to vector<16xi32>
    %mul3A_2738 = arith.constant 467296 : i32
    %mul3A_2739 = vector.broadcast %mul3A_2738 : i32 to vector<16xi32>
    %mul3A_2740 = arith.muli %get3A_2737, %mul3A_2739 : vector<16xi32>
    %add3A_2741 = arith.addi %add3A_2706, %mul3A_2740 : vector<16xi32>
    %max3A_2742 = arith.maxsi %add3A_2741, %broadcast_in_dim3A_8 : vector<16xi32>
    %convert_element_type3A_2743 = arith.sitofp %max3A_2742 : vector<16xi32> to vector<16xf32>
    %mul3A_2744 = arith.mulf %convert_element_type3A_2743, %broadcast_in_dim3A_12 : vector<16xf32>
    %convert_element_type3A_2745 = arith.fptosi %mul3A_2744 : vector<16xf32> to vector<16xi32>
    %mul3A_2746 = arith.constant 500000 : i32
    %mul3A_2747 = vector.broadcast %mul3A_2746 : i32 to vector<16xi32>
    %mul3A_2748 = arith.muli %convert_element_type3A_2745, %mul3A_2747 : vector<16xi32>
    %sub3A_2749 = arith.subi %max3A_2742, %mul3A_2748 : vector<16xi32>
    %lt3A_2750 = arith.constant 0 : i32
    %lt3A_2751 = vector.broadcast %lt3A_2750 : i32 to vector<16xi32>
    %lt3A_2752 = arith.cmpi slt, %sub3A_2749, %lt3A_2751 : vector<16xi32>
    %add3A_2753 = arith.addi %sub3A_2749, %broadcast_in_dim3A_6 : vector<16xi32>
    %select_n3A_2754 = arith.select %lt3A_2752, %add3A_2753, %sub3A_2749 : vector<16xi1>, vector<16xi32>
    %ge3A_2755 = arith.constant 500000 : i32
    %ge3A_2756 = vector.broadcast %ge3A_2755 : i32 to vector<16xi32>
    %ge3A_2757 = arith.cmpi sge, %select_n3A_2754, %ge3A_2756 : vector<16xi32>
    %sub3A_2758 = arith.subi %select_n3A_2754, %broadcast_in_dim3A_6 : vector<16xi32>
    %select_n3A_2759 = arith.select %ge3A_2757, %sub3A_2758, %select_n3A_2754 : vector<16xi1>, vector<16xi32>
    %swap3A_2760 = arith.constant 8 : i64
    %swap3A_2761 = arith.index_cast %swap3A_2760 : i64 to index
    %swap3A_2762 = arith.constant 32 : index
    %swap3A_2763 = tpu.vector_load %arg11[%swap3A_2761, %swap3A_2762] {strides = array<i32>} : memref<12x128xi32, #tpu.memory_space<vmem>>, vector<1x16xi32>,
    %swap3A_2764 = vector.shape_cast %swap3A_2763 : vector<1x16xi32> to vector<16xi32>
    %swap3A_2765 = vector.shape_cast %select_n3A_2759 : vector<16xi32> to vector<1x16xi32>
    tpu.vector_store %arg11[%swap3A_2761, %swap3A_2762], %swap3A_2765 {strides = array<i32>} : memref<12x128xi32, #tpu.memory_space<vmem>>, vector<1x16xi32>,
    %add3A_2766 = arith.constant 6 : i32
    %add3A_2767 = arith.addi %add3A_2650, %add3A_2766 : i32
    %sub3A_2768 = arith.constant 1 : i32
    %sub3A_2769 = arith.subi %add3A_2767, %sub3A_2768 : i32
    %get3A_2770 = arith.index_cast %sub3A_2769 : i32 to index
    %get3A_2771 = tpu.vector_load %arg10[%get3A_2770] {strides = array<i32>} : memref<8208xi32, #tpu.memory_space<vmem>>, vector<16xi32>,
    %get3A_2772 = vector.shape_cast %get3A_2771 : vector<16xi32> to vector<16xi32>
    %mul3A_2773 = arith.constant 127776 : i32
    %mul3A_2774 = vector.broadcast %mul3A_2773 : i32 to vector<16xi32>
    %mul3A_2775 = arith.muli %get3A_2772, %mul3A_2774 : vector<16xi32>
    %add3A_2776 = arith.addi %add3A_2741, %mul3A_2775 : vector<16xi32>
    %max3A_2777 = arith.maxsi %add3A_2776, %broadcast_in_dim3A_8 : vector<16xi32>
    %convert_element_type3A_2778 = arith.sitofp %max3A_2777 : vector<16xi32> to vector<16xf32>
    %mul3A_2779 = arith.mulf %convert_element_type3A_2778, %broadcast_in_dim3A_12 : vector<16xf32>
    %convert_element_type3A_2780 = arith.fptosi %mul3A_2779 : vector<16xf32> to vector<16xi32>
    %mul3A_2781 = arith.constant 500000 : i32
    %mul3A_2782 = vector.broadcast %mul3A_2781 : i32 to vector<16xi32>
    %mul3A_2783 = arith.muli %convert_element_type3A_2780, %mul3A_2782 : vector<16xi32>
    %sub3A_2784 = arith.subi %max3A_2777, %mul3A_2783 : vector<16xi32>
    %lt3A_2785 = arith.constant 0 : i32
    %lt3A_2786 = vector.broadcast %lt3A_2785 : i32 to vector<16xi32>
    %lt3A_2787 = arith.cmpi slt, %sub3A_2784, %lt3A_2786 : vector<16xi32>
    %add3A_2788 = arith.addi %sub3A_2784, %broadcast_in_dim3A_6 : vector<16xi32>
    %select_n3A_2789 = arith.select %lt3A_2787, %add3A_2788, %sub3A_2784 : vector<16xi1>, vector<16xi32>
    %ge3A_2790 = arith.constant 500000 : i32
    %ge3A_2791 = vector.broadcast %ge3A_2790 : i32 to vector<16xi32>
    %ge3A_2792 = arith.cmpi sge, %select_n3A_2789, %ge3A_2791 : vector<16xi32>
    %sub3A_2793 = arith.subi %select_n3A_2789, %broadcast_in_dim3A_6 : vector<16xi32>
    %select_n3A_2794 = arith.select %ge3A_2792, %sub3A_2793, %select_n3A_2789 : vector<16xi1>, vector<16xi32>
    %swap3A_2795 = arith.constant 9 : i64
    %swap3A_2796 = arith.index_cast %swap3A_2795 : i64 to index
    %swap3A_2797 = arith.constant 32 : index
    %swap3A_2798 = tpu.vector_load %arg11[%swap3A_2796, %swap3A_2797] {strides = array<i32>} : memref<12x128xi32, #tpu.memory_space<vmem>>, vector<1x16xi32>,
    %swap3A_2799 = vector.shape_cast %swap3A_2798 : vector<1x16xi32> to vector<16xi32>
    %swap3A_2800 = vector.shape_cast %select_n3A_2794 : vector<16xi32> to vector<1x16xi32>
    tpu.vector_store %arg11[%swap3A_2796, %swap3A_2797], %swap3A_2800 {strides = array<i32>} : memref<12x128xi32, #tpu.memory_space<vmem>>, vector<1x16xi32>,
    %add3A_2801 = arith.constant 7 : i32
    %add3A_2802 = arith.addi %add3A_2650, %add3A_2801 : i32
    %sub3A_2803 = arith.constant 1 : i32
    %sub3A_2804 = arith.subi %add3A_2802, %sub3A_2803 : i32
    %get3A_2805 = arith.index_cast %sub3A_2804 : i32 to index
    %get3A_2806 = tpu.vector_load %arg10[%get3A_2805] {strides = array<i32>} : memref<8208xi32, #tpu.memory_space<vmem>>, vector<16xi32>,
    %get3A_2807 = vector.shape_cast %get3A_2806 : vector<16xi32> to vector<16xi32>
    %mul3A_2808 = arith.constant 210656 : i32
    %mul3A_2809 = vector.broadcast %mul3A_2808 : i32 to vector<16xi32>
    %mul3A_2810 = arith.muli %get3A_2807, %mul3A_2809 : vector<16xi32>
    %add3A_2811 = arith.addi %add3A_2776, %mul3A_2810 : vector<16xi32>
    %max3A_2812 = arith.maxsi %add3A_2811, %broadcast_in_dim3A_8 : vector<16xi32>
    %convert_element_type3A_2813 = arith.sitofp %max3A_2812 : vector<16xi32> to vector<16xf32>
    %mul3A_2814 = arith.mulf %convert_element_type3A_2813, %broadcast_in_dim3A_12 : vector<16xf32>
    %convert_element_type3A_2815 = arith.fptosi %mul3A_2814 : vector<16xf32> to vector<16xi32>
    %mul3A_2816 = arith.constant 500000 : i32
    %mul3A_2817 = vector.broadcast %mul3A_2816 : i32 to vector<16xi32>
    %mul3A_2818 = arith.muli %convert_element_type3A_2815, %mul3A_2817 : vector<16xi32>
    %sub3A_2819 = arith.subi %max3A_2812, %mul3A_2818 : vector<16xi32>
    %lt3A_2820 = arith.constant 0 : i32
    %lt3A_2821 = vector.broadcast %lt3A_2820 : i32 to vector<16xi32>
    %lt3A_2822 = arith.cmpi slt, %sub3A_2819, %lt3A_2821 : vector<16xi32>
    %add3A_2823 = arith.addi %sub3A_2819, %broadcast_in_dim3A_6 : vector<16xi32>
    %select_n3A_2824 = arith.select %lt3A_2822, %add3A_2823, %sub3A_2819 : vector<16xi1>, vector<16xi32>
    %ge3A_2825 = arith.constant 500000 : i32
    %ge3A_2826 = vector.broadcast %ge3A_2825 : i32 to vector<16xi32>
    %ge3A_2827 = arith.cmpi sge, %select_n3A_2824, %ge3A_2826 : vector<16xi32>
    %sub3A_2828 = arith.subi %select_n3A_2824, %broadcast_in_dim3A_6 : vector<16xi32>
    %select_n3A_2829 = arith.select %ge3A_2827, %sub3A_2828, %select_n3A_2824 : vector<16xi1>, vector<16xi32>
    %swap3A_2830 = arith.constant 10 : i64
    %swap3A_2831 = arith.index_cast %swap3A_2830 : i64 to index
    %swap3A_2832 = arith.constant 32 : index
    %swap3A_2833 = tpu.vector_load %arg11[%swap3A_2831, %swap3A_2832] {strides = array<i32>} : memref<12x128xi32, #tpu.memory_space<vmem>>, vector<1x16xi32>,
    %swap3A_2834 = vector.shape_cast %swap3A_2833 : vector<1x16xi32> to vector<16xi32>
    %swap3A_2835 = vector.shape_cast %select_n3A_2829 : vector<16xi32> to vector<1x16xi32>
    tpu.vector_store %arg11[%swap3A_2831, %swap3A_2832], %swap3A_2835 {strides = array<i32>} : memref<12x128xi32, #tpu.memory_space<vmem>>, vector<1x16xi32>,
    %add3A_2836 = arith.constant 8 : i32
    %add3A_2837 = arith.addi %add3A_2650, %add3A_2836 : i32
    %sub3A_2838 = arith.constant 1 : i32
    %sub3A_2839 = arith.subi %add3A_2837, %sub3A_2838 : i32
    %get3A_2840 = arith.index_cast %sub3A_2839 : i32 to index
    %get3A_2841 = tpu.vector_load %arg10[%get3A_2840] {strides = array<i32>} : memref<8208xi32, #tpu.memory_space<vmem>>, vector<16xi32>,
    %get3A_2842 = vector.shape_cast %get3A_2841 : vector<16xi32> to vector<16xi32>
    %mul3A_2843 = arith.constant 427936 : i32
    %mul3A_2844 = vector.broadcast %mul3A_2843 : i32 to vector<16xi32>
    %mul3A_2845 = arith.muli %get3A_2842, %mul3A_2844 : vector<16xi32>
    %add3A_2846 = arith.addi %add3A_2811, %mul3A_2845 : vector<16xi32>
    %add3A_2847 = arith.constant 7 : i32
    %add3A_2848 = arith.addi %add3A_2650, %add3A_2847 : i32
    %get3A_2849 = arith.index_cast %add3A_2848 : i32 to index
    %get3A_2850 = tpu.vector_load %arg10[%get3A_2849] {strides = array<i32>} : memref<8208xi32, #tpu.memory_space<vmem>>, vector<16xi32>,
    %get3A_2851 = vector.shape_cast %get3A_2850 : vector<16xi32> to vector<16xi32>
    %ge3A_2852 = arith.constant 128 : i32
    %ge3A_2853 = vector.broadcast %ge3A_2852 : i32 to vector<16xi32>
    %ge3A_2854 = arith.cmpi sge, %get3A_2851, %ge3A_2853 : vector<16xi32>
    %select_n3A_2855 = arith.select %ge3A_2854, %broadcast_in_dim3A_10, %broadcast_in_dim3A_8 : vector<16xi1>, vector<16xi32>
    %add3A_2856 = arith.addi %add3A_2846, %select_n3A_2855 : vector<16xi32>
    %max3A_2857 = arith.maxsi %add3A_2856, %broadcast_in_dim3A_8 : vector<16xi32>
    %convert_element_type3A_2858 = arith.sitofp %max3A_2857 : vector<16xi32> to vector<16xf32>
    %mul3A_2859 = arith.mulf %convert_element_type3A_2858, %broadcast_in_dim3A_12 : vector<16xf32>
    %convert_element_type3A_2860 = arith.fptosi %mul3A_2859 : vector<16xf32> to vector<16xi32>
    %mul3A_2861 = arith.constant 500000 : i32
    %mul3A_2862 = vector.broadcast %mul3A_2861 : i32 to vector<16xi32>
    %mul3A_2863 = arith.muli %convert_element_type3A_2860, %mul3A_2862 : vector<16xi32>
    %sub3A_2864 = arith.subi %max3A_2857, %mul3A_2863 : vector<16xi32>
    %lt3A_2865 = arith.constant 0 : i32
    %lt3A_2866 = vector.broadcast %lt3A_2865 : i32 to vector<16xi32>
    %lt3A_2867 = arith.cmpi slt, %sub3A_2864, %lt3A_2866 : vector<16xi32>
    %add3A_2868 = arith.addi %sub3A_2864, %broadcast_in_dim3A_6 : vector<16xi32>
    %select_n3A_2869 = arith.select %lt3A_2867, %add3A_2868, %sub3A_2864 : vector<16xi1>, vector<16xi32>
    %ge3A_2870 = arith.constant 500000 : i32
    %ge3A_2871 = vector.broadcast %ge3A_2870 : i32 to vector<16xi32>
    %ge3A_2872 = arith.cmpi sge, %select_n3A_2869, %ge3A_2871 : vector<16xi32>
    %sub3A_2873 = arith.subi %select_n3A_2869, %broadcast_in_dim3A_6 : vector<16xi32>
    %select_n3A_2874 = arith.select %ge3A_2872, %sub3A_2873, %select_n3A_2869 : vector<16xi1>, vector<16xi32>
    %swap3A_2875 = arith.constant 11 : i64
    %swap3A_2876 = arith.index_cast %swap3A_2875 : i64 to index
    %swap3A_2877 = arith.constant 32 : index
    %swap3A_2878 = tpu.vector_load %arg11[%swap3A_2876, %swap3A_2877] {strides = array<i32>} : memref<12x128xi32, #tpu.memory_space<vmem>>, vector<1x16xi32>,
    %swap3A_2879 = vector.shape_cast %swap3A_2878 : vector<1x16xi32> to vector<16xi32>
    %swap3A_2880 = vector.shape_cast %select_n3A_2874 : vector<16xi32> to vector<1x16xi32>
    tpu.vector_store %arg11[%swap3A_2876, %swap3A_2877], %swap3A_2880 {strides = array<i32>} : memref<12x128xi32, #tpu.memory_space<vmem>>, vector<1x16xi32>,
    %add3A_2881 = arith.constant 48 : i32
    %add3A_2882 = arith.addi %add3A_2184, %add3A_2881 : i32
    %get3A_2883 = arith.index_cast %add3A_2882 : i32 to index
    %get3A_2884 = tpu.vector_load %arg10[%get3A_2883] {strides = array<i32>} : memref<8208xi32, #tpu.memory_space<vmem>>, vector<16xi32>,
    %get3A_2885 = vector.shape_cast %get3A_2884 : vector<16xi32> to vector<16xi32>
    %add3A_2886 = arith.constant 1 : i32
    %add3A_2887 = arith.addi %add3A_2882, %add3A_2886 : i32
    %get3A_2888 = arith.index_cast %add3A_2887 : i32 to index
    %get3A_2889 = tpu.vector_load %arg10[%get3A_2888] {strides = array<i32>} : memref<8208xi32, #tpu.memory_space<vmem>>, vector<16xi32>,
    %get3A_2890 = vector.shape_cast %get3A_2889 : vector<16xi32> to vector<16xi32>
    %mul3A_2891 = arith.constant 256 : i32
    %mul3A_2892 = vector.broadcast %mul3A_2891 : i32 to vector<16xi32>
    %mul3A_2893 = arith.muli %get3A_2890, %mul3A_2892 : vector<16xi32>
    %add3A_2894 = arith.addi %get3A_2885, %mul3A_2893 : vector<16xi32>
    %add3A_2895 = arith.constant 2 : i32
    %add3A_2896 = arith.addi %add3A_2882, %add3A_2895 : i32
    %get3A_2897 = arith.index_cast %add3A_2896 : i32 to index
    %get3A_2898 = tpu.vector_load %arg10[%get3A_2897] {strides = array<i32>} : memref<8208xi32, #tpu.memory_space<vmem>>, vector<16xi32>,
    %get3A_2899 = vector.shape_cast %get3A_2898 : vector<16xi32> to vector<16xi32>
    %mul3A_2900 = arith.constant 65536 : i32
    %mul3A_2901 = vector.broadcast %mul3A_2900 : i32 to vector<16xi32>
    %mul3A_2902 = arith.muli %get3A_2899, %mul3A_2901 : vector<16xi32>
    %add3A_2903 = arith.addi %add3A_2894, %mul3A_2902 : vector<16xi32>
    %max3A_2904 = arith.maxsi %add3A_2903, %broadcast_in_dim3A_8 : vector<16xi32>
    %convert_element_type3A_2905 = arith.sitofp %max3A_2904 : vector<16xi32> to vector<16xf32>
    %mul3A_2906 = arith.mulf %convert_element_type3A_2905, %broadcast_in_dim3A_12 : vector<16xf32>
    %convert_element_type3A_2907 = arith.fptosi %mul3A_2906 : vector<16xf32> to vector<16xi32>
    %mul3A_2908 = arith.constant 500000 : i32
    %mul3A_2909 = vector.broadcast %mul3A_2908 : i32 to vector<16xi32>
    %mul3A_2910 = arith.muli %convert_element_type3A_2907, %mul3A_2909 : vector<16xi32>
    %sub3A_2911 = arith.subi %max3A_2904, %mul3A_2910 : vector<16xi32>
    %lt3A_2912 = arith.constant 0 : i32
    %lt3A_2913 = vector.broadcast %lt3A_2912 : i32 to vector<16xi32>
    %lt3A_2914 = arith.cmpi slt, %sub3A_2911, %lt3A_2913 : vector<16xi32>
    %add3A_2915 = arith.addi %sub3A_2911, %broadcast_in_dim3A_6 : vector<16xi32>
    %select_n3A_2916 = arith.select %lt3A_2914, %add3A_2915, %sub3A_2911 : vector<16xi1>, vector<16xi32>
    %ge3A_2917 = arith.constant 500000 : i32
    %ge3A_2918 = vector.broadcast %ge3A_2917 : i32 to vector<16xi32>
    %ge3A_2919 = arith.cmpi sge, %select_n3A_2916, %ge3A_2918 : vector<16xi32>
    %sub3A_2920 = arith.subi %select_n3A_2916, %broadcast_in_dim3A_6 : vector<16xi32>
    %select_n3A_2921 = arith.select %ge3A_2919, %sub3A_2920, %select_n3A_2916 : vector<16xi1>, vector<16xi32>
    %swap3A_2922 = arith.constant 6 : i64
    %swap3A_2923 = arith.index_cast %swap3A_2922 : i64 to index
    %swap3A_2924 = arith.constant 48 : index
    %swap3A_2925 = tpu.vector_load %arg11[%swap3A_2923, %swap3A_2924] {strides = array<i32>} : memref<12x128xi32, #tpu.memory_space<vmem>>, vector<1x16xi32>,
    %swap3A_2926 = vector.shape_cast %swap3A_2925 : vector<1x16xi32> to vector<16xi32>
    %swap3A_2927 = vector.shape_cast %select_n3A_2921 : vector<16xi32> to vector<1x16xi32>
    tpu.vector_store %arg11[%swap3A_2923, %swap3A_2924], %swap3A_2927 {strides = array<i32>} : memref<12x128xi32, #tpu.memory_space<vmem>>, vector<1x16xi32>,
    %add3A_2928 = arith.constant 4 : i32
    %add3A_2929 = arith.addi %add3A_2882, %add3A_2928 : i32
    %sub3A_2930 = arith.constant 1 : i32
    %sub3A_2931 = arith.subi %add3A_2929, %sub3A_2930 : i32
    %get3A_2932 = arith.index_cast %sub3A_2931 : i32 to index
    %get3A_2933 = tpu.vector_load %arg10[%get3A_2932] {strides = array<i32>} : memref<8208xi32, #tpu.memory_space<vmem>>, vector<16xi32>,
    %get3A_2934 = vector.shape_cast %get3A_2933 : vector<16xi32> to vector<16xi32>
    %mul3A_2935 = arith.constant 277216 : i32
    %mul3A_2936 = vector.broadcast %mul3A_2935 : i32 to vector<16xi32>
    %mul3A_2937 = arith.muli %get3A_2934, %mul3A_2936 : vector<16xi32>
    %add3A_2938 = arith.addi %add3A_2903, %mul3A_2937 : vector<16xi32>
    %max3A_2939 = arith.maxsi %add3A_2938, %broadcast_in_dim3A_8 : vector<16xi32>
    %convert_element_type3A_2940 = arith.sitofp %max3A_2939 : vector<16xi32> to vector<16xf32>
    %mul3A_2941 = arith.mulf %convert_element_type3A_2940, %broadcast_in_dim3A_12 : vector<16xf32>
    %convert_element_type3A_2942 = arith.fptosi %mul3A_2941 : vector<16xf32> to vector<16xi32>
    %mul3A_2943 = arith.constant 500000 : i32
    %mul3A_2944 = vector.broadcast %mul3A_2943 : i32 to vector<16xi32>
    %mul3A_2945 = arith.muli %convert_element_type3A_2942, %mul3A_2944 : vector<16xi32>
    %sub3A_2946 = arith.subi %max3A_2939, %mul3A_2945 : vector<16xi32>
    %lt3A_2947 = arith.constant 0 : i32
    %lt3A_2948 = vector.broadcast %lt3A_2947 : i32 to vector<16xi32>
    %lt3A_2949 = arith.cmpi slt, %sub3A_2946, %lt3A_2948 : vector<16xi32>
    %add3A_2950 = arith.addi %sub3A_2946, %broadcast_in_dim3A_6 : vector<16xi32>
    %select_n3A_2951 = arith.select %lt3A_2949, %add3A_2950, %sub3A_2946 : vector<16xi1>, vector<16xi32>
    %ge3A_2952 = arith.constant 500000 : i32
    %ge3A_2953 = vector.broadcast %ge3A_2952 : i32 to vector<16xi32>
    %ge3A_2954 = arith.cmpi sge, %select_n3A_2951, %ge3A_2953 : vector<16xi32>
    %sub3A_2955 = arith.subi %select_n3A_2951, %broadcast_in_dim3A_6 : vector<16xi32>
    %select_n3A_2956 = arith.select %ge3A_2954, %sub3A_2955, %select_n3A_2951 : vector<16xi1>, vector<16xi32>
    %swap3A_2957 = arith.constant 7 : i64
    %swap3A_2958 = arith.index_cast %swap3A_2957 : i64 to index
    %swap3A_2959 = arith.constant 48 : index
    %swap3A_2960 = tpu.vector_load %arg11[%swap3A_2958, %swap3A_2959] {strides = array<i32>} : memref<12x128xi32, #tpu.memory_space<vmem>>, vector<1x16xi32>,
    %swap3A_2961 = vector.shape_cast %swap3A_2960 : vector<1x16xi32> to vector<16xi32>
    %swap3A_2962 = vector.shape_cast %select_n3A_2956 : vector<16xi32> to vector<1x16xi32>
    tpu.vector_store %arg11[%swap3A_2958, %swap3A_2959], %swap3A_2962 {strides = array<i32>} : memref<12x128xi32, #tpu.memory_space<vmem>>, vector<1x16xi32>,
    %add3A_2963 = arith.constant 5 : i32
    %add3A_2964 = arith.addi %add3A_2882, %add3A_2963 : i32
    %sub3A_2965 = arith.constant 1 : i32
    %sub3A_2966 = arith.subi %add3A_2964, %sub3A_2965 : i32
    %get3A_2967 = arith.index_cast %sub3A_2966 : i32 to index
    %get3A_2968 = tpu.vector_load %arg10[%get3A_2967] {strides = array<i32>} : memref<8208xi32, #tpu.memory_space<vmem>>, vector<16xi32>,
    %get3A_2969 = vector.shape_cast %get3A_2968 : vector<16xi32> to vector<16xi32>
    %mul3A_2970 = arith.constant 467296 : i32
    %mul3A_2971 = vector.broadcast %mul3A_2970 : i32 to vector<16xi32>
    %mul3A_2972 = arith.muli %get3A_2969, %mul3A_2971 : vector<16xi32>
    %add3A_2973 = arith.addi %add3A_2938, %mul3A_2972 : vector<16xi32>
    %max3A_2974 = arith.maxsi %add3A_2973, %broadcast_in_dim3A_8 : vector<16xi32>
    %convert_element_type3A_2975 = arith.sitofp %max3A_2974 : vector<16xi32> to vector<16xf32>
    %mul3A_2976 = arith.mulf %convert_element_type3A_2975, %broadcast_in_dim3A_12 : vector<16xf32>
    %convert_element_type3A_2977 = arith.fptosi %mul3A_2976 : vector<16xf32> to vector<16xi32>
    %mul3A_2978 = arith.constant 500000 : i32
    %mul3A_2979 = vector.broadcast %mul3A_2978 : i32 to vector<16xi32>
    %mul3A_2980 = arith.muli %convert_element_type3A_2977, %mul3A_2979 : vector<16xi32>
    %sub3A_2981 = arith.subi %max3A_2974, %mul3A_2980 : vector<16xi32>
    %lt3A_2982 = arith.constant 0 : i32
    %lt3A_2983 = vector.broadcast %lt3A_2982 : i32 to vector<16xi32>
    %lt3A_2984 = arith.cmpi slt, %sub3A_2981, %lt3A_2983 : vector<16xi32>
    %add3A_2985 = arith.addi %sub3A_2981, %broadcast_in_dim3A_6 : vector<16xi32>
    %select_n3A_2986 = arith.select %lt3A_2984, %add3A_2985, %sub3A_2981 : vector<16xi1>, vector<16xi32>
    %ge3A_2987 = arith.constant 500000 : i32
    %ge3A_2988 = vector.broadcast %ge3A_2987 : i32 to vector<16xi32>
    %ge3A_2989 = arith.cmpi sge, %select_n3A_2986, %ge3A_2988 : vector<16xi32>
    %sub3A_2990 = arith.subi %select_n3A_2986, %broadcast_in_dim3A_6 : vector<16xi32>
    %select_n3A_2991 = arith.select %ge3A_2989, %sub3A_2990, %select_n3A_2986 : vector<16xi1>, vector<16xi32>
    %swap3A_2992 = arith.constant 8 : i64
    %swap3A_2993 = arith.index_cast %swap3A_2992 : i64 to index
    %swap3A_2994 = arith.constant 48 : index
    %swap3A_2995 = tpu.vector_load %arg11[%swap3A_2993, %swap3A_2994] {strides = array<i32>} : memref<12x128xi32, #tpu.memory_space<vmem>>, vector<1x16xi32>,
    %swap3A_2996 = vector.shape_cast %swap3A_2995 : vector<1x16xi32> to vector<16xi32>
    %swap3A_2997 = vector.shape_cast %select_n3A_2991 : vector<16xi32> to vector<1x16xi32>
    tpu.vector_store %arg11[%swap3A_2993, %swap3A_2994], %swap3A_2997 {strides = array<i32>} : memref<12x128xi32, #tpu.memory_space<vmem>>, vector<1x16xi32>,
    %add3A_2998 = arith.constant 6 : i32
    %add3A_2999 = arith.addi %add3A_2882, %add3A_2998 : i32
    %sub3A_3000 = arith.constant 1 : i32
    %sub3A_3001 = arith.subi %add3A_2999, %sub3A_3000 : i32
    %get3A_3002 = arith.index_cast %sub3A_3001 : i32 to index
    %get3A_3003 = tpu.vector_load %arg10[%get3A_3002] {strides = array<i32>} : memref<8208xi32, #tpu.memory_space<vmem>>, vector<16xi32>,
    %get3A_3004 = vector.shape_cast %get3A_3003 : vector<16xi32> to vector<16xi32>
    %mul3A_3005 = arith.constant 127776 : i32
    %mul3A_3006 = vector.broadcast %mul3A_3005 : i32 to vector<16xi32>
    %mul3A_3007 = arith.muli %get3A_3004, %mul3A_3006 : vector<16xi32>
    %add3A_3008 = arith.addi %add3A_2973, %mul3A_3007 : vector<16xi32>
    %max3A_3009 = arith.maxsi %add3A_3008, %broadcast_in_dim3A_8 : vector<16xi32>
    %convert_element_type3A_3010 = arith.sitofp %max3A_3009 : vector<16xi32> to vector<16xf32>
    %mul3A_3011 = arith.mulf %convert_element_type3A_3010, %broadcast_in_dim3A_12 : vector<16xf32>
    %convert_element_type3A_3012 = arith.fptosi %mul3A_3011 : vector<16xf32> to vector<16xi32>
    %mul3A_3013 = arith.constant 500000 : i32
    %mul3A_3014 = vector.broadcast %mul3A_3013 : i32 to vector<16xi32>
    %mul3A_3015 = arith.muli %convert_element_type3A_3012, %mul3A_3014 : vector<16xi32>
    %sub3A_3016 = arith.subi %max3A_3009, %mul3A_3015 : vector<16xi32>
    %lt3A_3017 = arith.constant 0 : i32
    %lt3A_3018 = vector.broadcast %lt3A_3017 : i32 to vector<16xi32>
    %lt3A_3019 = arith.cmpi slt, %sub3A_3016, %lt3A_3018 : vector<16xi32>
    %add3A_3020 = arith.addi %sub3A_3016, %broadcast_in_dim3A_6 : vector<16xi32>
    %select_n3A_3021 = arith.select %lt3A_3019, %add3A_3020, %sub3A_3016 : vector<16xi1>, vector<16xi32>
    %ge3A_3022 = arith.constant 500000 : i32
    %ge3A_3023 = vector.broadcast %ge3A_3022 : i32 to vector<16xi32>
    %ge3A_3024 = arith.cmpi sge, %select_n3A_3021, %ge3A_3023 : vector<16xi32>
    %sub3A_3025 = arith.subi %select_n3A_3021, %broadcast_in_dim3A_6 : vector<16xi32>
    %select_n3A_3026 = arith.select %ge3A_3024, %sub3A_3025, %select_n3A_3021 : vector<16xi1>, vector<16xi32>
    %swap3A_3027 = arith.constant 9 : i64
    %swap3A_3028 = arith.index_cast %swap3A_3027 : i64 to index
    %swap3A_3029 = arith.constant 48 : index
    %swap3A_3030 = tpu.vector_load %arg11[%swap3A_3028, %swap3A_3029] {strides = array<i32>} : memref<12x128xi32, #tpu.memory_space<vmem>>, vector<1x16xi32>,
    %swap3A_3031 = vector.shape_cast %swap3A_3030 : vector<1x16xi32> to vector<16xi32>
    %swap3A_3032 = vector.shape_cast %select_n3A_3026 : vector<16xi32> to vector<1x16xi32>
    tpu.vector_store %arg11[%swap3A_3028, %swap3A_3029], %swap3A_3032 {strides = array<i32>} : memref<12x128xi32, #tpu.memory_space<vmem>>, vector<1x16xi32>,
    %add3A_3033 = arith.constant 7 : i32
    %add3A_3034 = arith.addi %add3A_2882, %add3A_3033 : i32
    %sub3A_3035 = arith.constant 1 : i32
    %sub3A_3036 = arith.subi %add3A_3034, %sub3A_3035 : i32
    %get3A_3037 = arith.index_cast %sub3A_3036 : i32 to index
    %get3A_3038 = tpu.vector_load %arg10[%get3A_3037] {strides = array<i32>} : memref<8208xi32, #tpu.memory_space<vmem>>, vector<16xi32>,
    %get3A_3039 = vector.shape_cast %get3A_3038 : vector<16xi32> to vector<16xi32>
    %mul3A_3040 = arith.constant 210656 : i32
    %mul3A_3041 = vector.broadcast %mul3A_3040 : i32 to vector<16xi32>
    %mul3A_3042 = arith.muli %get3A_3039, %mul3A_3041 : vector<16xi32>
    %add3A_3043 = arith.addi %add3A_3008, %mul3A_3042 : vector<16xi32>
    %max3A_3044 = arith.maxsi %add3A_3043, %broadcast_in_dim3A_8 : vector<16xi32>
    %convert_element_type3A_3045 = arith.sitofp %max3A_3044 : vector<16xi32> to vector<16xf32>
    %mul3A_3046 = arith.mulf %convert_element_type3A_3045, %broadcast_in_dim3A_12 : vector<16xf32>
    %convert_element_type3A_3047 = arith.fptosi %mul3A_3046 : vector<16xf32> to vector<16xi32>
    %mul3A_3048 = arith.constant 500000 : i32
    %mul3A_3049 = vector.broadcast %mul3A_3048 : i32 to vector<16xi32>
    %mul3A_3050 = arith.muli %convert_element_type3A_3047, %mul3A_3049 : vector<16xi32>
    %sub3A_3051 = arith.subi %max3A_3044, %mul3A_3050 : vector<16xi32>
    %lt3A_3052 = arith.constant 0 : i32
    %lt3A_3053 = vector.broadcast %lt3A_3052 : i32 to vector<16xi32>
    %lt3A_3054 = arith.cmpi slt, %sub3A_3051, %lt3A_3053 : vector<16xi32>
    %add3A_3055 = arith.addi %sub3A_3051, %broadcast_in_dim3A_6 : vector<16xi32>
    %select_n3A_3056 = arith.select %lt3A_3054, %add3A_3055, %sub3A_3051 : vector<16xi1>, vector<16xi32>
    %ge3A_3057 = arith.constant 500000 : i32
    %ge3A_3058 = vector.broadcast %ge3A_3057 : i32 to vector<16xi32>
    %ge3A_3059 = arith.cmpi sge, %select_n3A_3056, %ge3A_3058 : vector<16xi32>
    %sub3A_3060 = arith.subi %select_n3A_3056, %broadcast_in_dim3A_6 : vector<16xi32>
    %select_n3A_3061 = arith.select %ge3A_3059, %sub3A_3060, %select_n3A_3056 : vector<16xi1>, vector<16xi32>
    %swap3A_3062 = arith.constant 10 : i64
    %swap3A_3063 = arith.index_cast %swap3A_3062 : i64 to index
    %swap3A_3064 = arith.constant 48 : index
    %swap3A_3065 = tpu.vector_load %arg11[%swap3A_3063, %swap3A_3064] {strides = array<i32>} : memref<12x128xi32, #tpu.memory_space<vmem>>, vector<1x16xi32>,
    %swap3A_3066 = vector.shape_cast %swap3A_3065 : vector<1x16xi32> to vector<16xi32>
    %swap3A_3067 = vector.shape_cast %select_n3A_3061 : vector<16xi32> to vector<1x16xi32>
    tpu.vector_store %arg11[%swap3A_3063, %swap3A_3064], %swap3A_3067 {strides = array<i32>} : memref<12x128xi32, #tpu.memory_space<vmem>>, vector<1x16xi32>,
    %add3A_3068 = arith.constant 8 : i32
    %add3A_3069 = arith.addi %add3A_2882, %add3A_3068 : i32
    %sub3A_3070 = arith.constant 1 : i32
    %sub3A_3071 = arith.subi %add3A_3069, %sub3A_3070 : i32
    %get3A_3072 = arith.index_cast %sub3A_3071 : i32 to index
    %get3A_3073 = tpu.vector_load %arg10[%get3A_3072] {strides = array<i32>} : memref<8208xi32, #tpu.memory_space<vmem>>, vector<16xi32>,
    %get3A_3074 = vector.shape_cast %get3A_3073 : vector<16xi32> to vector<16xi32>
    %mul3A_3075 = arith.constant 427936 : i32
    %mul3A_3076 = vector.broadcast %mul3A_3075 : i32 to vector<16xi32>
    %mul3A_3077 = arith.muli %get3A_3074, %mul3A_3076 : vector<16xi32>
    %add3A_3078 = arith.addi %add3A_3043, %mul3A_3077 : vector<16xi32>
    %add3A_3079 = arith.constant 7 : i32
    %add3A_3080 = arith.addi %add3A_2882, %add3A_3079 : i32
    %get3A_3081 = arith.index_cast %add3A_3080 : i32 to index
    %get3A_3082 = tpu.vector_load %arg10[%get3A_3081] {strides = array<i32>} : memref<8208xi32, #tpu.memory_space<vmem>>, vector<16xi32>,
    %get3A_3083 = vector.shape_cast %get3A_3082 : vector<16xi32> to vector<16xi32>
    %ge3A_3084 = arith.constant 128 : i32
    %ge3A_3085 = vector.broadcast %ge3A_3084 : i32 to vector<16xi32>
    %ge3A_3086 = arith.cmpi sge, %get3A_3083, %ge3A_3085 : vector<16xi32>
    %select_n3A_3087 = arith.select %ge3A_3086, %broadcast_in_dim3A_10, %broadcast_in_dim3A_8 : vector<16xi1>, vector<16xi32>
    %add3A_3088 = arith.addi %add3A_3078, %select_n3A_3087 : vector<16xi32>
    %max3A_3089 = arith.maxsi %add3A_3088, %broadcast_in_dim3A_8 : vector<16xi32>
    %convert_element_type3A_3090 = arith.sitofp %max3A_3089 : vector<16xi32> to vector<16xf32>
    %mul3A_3091 = arith.mulf %convert_element_type3A_3090, %broadcast_in_dim3A_12 : vector<16xf32>
    %convert_element_type3A_3092 = arith.fptosi %mul3A_3091 : vector<16xf32> to vector<16xi32>
    %mul3A_3093 = arith.constant 500000 : i32
    %mul3A_3094 = vector.broadcast %mul3A_3093 : i32 to vector<16xi32>
    %mul3A_3095 = arith.muli %convert_element_type3A_3092, %mul3A_3094 : vector<16xi32>
    %sub3A_3096 = arith.subi %max3A_3089, %mul3A_3095 : vector<16xi32>
    %lt3A_3097 = arith.constant 0 : i32
    %lt3A_3098 = vector.broadcast %lt3A_3097 : i32 to vector<16xi32>
    %lt3A_3099 = arith.cmpi slt, %sub3A_3096, %lt3A_3098 : vector<16xi32>
    %add3A_3100 = arith.addi %sub3A_3096, %broadcast_in_dim3A_6 : vector<16xi32>
    %select_n3A_3101 = arith.select %lt3A_3099, %add3A_3100, %sub3A_3096 : vector<16xi1>, vector<16xi32>
    %ge3A_3102 = arith.constant 500000 : i32
    %ge3A_3103 = vector.broadcast %ge3A_3102 : i32 to vector<16xi32>
    %ge3A_3104 = arith.cmpi sge, %select_n3A_3101, %ge3A_3103 : vector<16xi32>
    %sub3A_3105 = arith.subi %select_n3A_3101, %broadcast_in_dim3A_6 : vector<16xi32>
    %select_n3A_3106 = arith.select %ge3A_3104, %sub3A_3105, %select_n3A_3101 : vector<16xi1>, vector<16xi32>
    %swap3A_3107 = arith.constant 11 : i64
    %swap3A_3108 = arith.index_cast %swap3A_3107 : i64 to index
    %swap3A_3109 = arith.constant 48 : index
    %swap3A_3110 = tpu.vector_load %arg11[%swap3A_3108, %swap3A_3109] {strides = array<i32>} : memref<12x128xi32, #tpu.memory_space<vmem>>, vector<1x16xi32>,
    %swap3A_3111 = vector.shape_cast %swap3A_3110 : vector<1x16xi32> to vector<16xi32>
    %swap3A_3112 = vector.shape_cast %select_n3A_3106 : vector<16xi32> to vector<1x16xi32>
    tpu.vector_store %arg11[%swap3A_3108, %swap3A_3109], %swap3A_3112 {strides = array<i32>} : memref<12x128xi32, #tpu.memory_space<vmem>>, vector<1x16xi32>,
    %add3A_3113 = arith.constant 64 : i32
    %add3A_3114 = arith.addi %add3A_2184, %add3A_3113 : i32
    %get3A_3115 = arith.index_cast %add3A_3114 : i32 to index
    %get3A_3116 = tpu.vector_load %arg10[%get3A_3115] {strides = array<i32>} : memref<8208xi32, #tpu.memory_space<vmem>>, vector<16xi32>,
    %get3A_3117 = vector.shape_cast %get3A_3116 : vector<16xi32> to vector<16xi32>
    %add3A_3118 = arith.constant 1 : i32
    %add3A_3119 = arith.addi %add3A_3114, %add3A_3118 : i32
    %get3A_3120 = arith.index_cast %add3A_3119 : i32 to index
    %get3A_3121 = tpu.vector_load %arg10[%get3A_3120] {strides = array<i32>} : memref<8208xi32, #tpu.memory_space<vmem>>, vector<16xi32>,
    %get3A_3122 = vector.shape_cast %get3A_3121 : vector<16xi32> to vector<16xi32>
    %mul3A_3123 = arith.constant 256 : i32
    %mul3A_3124 = vector.broadcast %mul3A_3123 : i32 to vector<16xi32>
    %mul3A_3125 = arith.muli %get3A_3122, %mul3A_3124 : vector<16xi32>
    %add3A_3126 = arith.addi %get3A_3117, %mul3A_3125 : vector<16xi32>
    %add3A_3127 = arith.constant 2 : i32
    %add3A_3128 = arith.addi %add3A_3114, %add3A_3127 : i32
    %get3A_3129 = arith.index_cast %add3A_3128 : i32 to index
    %get3A_3130 = tpu.vector_load %arg10[%get3A_3129] {strides = array<i32>} : memref<8208xi32, #tpu.memory_space<vmem>>, vector<16xi32>,
    %get3A_3131 = vector.shape_cast %get3A_3130 : vector<16xi32> to vector<16xi32>
    %mul3A_3132 = arith.constant 65536 : i32
    %mul3A_3133 = vector.broadcast %mul3A_3132 : i32 to vector<16xi32>
    %mul3A_3134 = arith.muli %get3A_3131, %mul3A_3133 : vector<16xi32>
    %add3A_3135 = arith.addi %add3A_3126, %mul3A_3134 : vector<16xi32>
    %max3A_3136 = arith.maxsi %add3A_3135, %broadcast_in_dim3A_8 : vector<16xi32>
    %convert_element_type3A_3137 = arith.sitofp %max3A_3136 : vector<16xi32> to vector<16xf32>
    %mul3A_3138 = arith.mulf %convert_element_type3A_3137, %broadcast_in_dim3A_12 : vector<16xf32>
    %convert_element_type3A_3139 = arith.fptosi %mul3A_3138 : vector<16xf32> to vector<16xi32>
    %mul3A_3140 = arith.constant 500000 : i32
    %mul3A_3141 = vector.broadcast %mul3A_3140 : i32 to vector<16xi32>
    %mul3A_3142 = arith.muli %convert_element_type3A_3139, %mul3A_3141 : vector<16xi32>
    %sub3A_3143 = arith.subi %max3A_3136, %mul3A_3142 : vector<16xi32>
    %lt3A_3144 = arith.constant 0 : i32
    %lt3A_3145 = vector.broadcast %lt3A_3144 : i32 to vector<16xi32>
    %lt3A_3146 = arith.cmpi slt, %sub3A_3143, %lt3A_3145 : vector<16xi32>
    %add3A_3147 = arith.addi %sub3A_3143, %broadcast_in_dim3A_6 : vector<16xi32>
    %select_n3A_3148 = arith.select %lt3A_3146, %add3A_3147, %sub3A_3143 : vector<16xi1>, vector<16xi32>
    %ge3A_3149 = arith.constant 500000 : i32
    %ge3A_3150 = vector.broadcast %ge3A_3149 : i32 to vector<16xi32>
    %ge3A_3151 = arith.cmpi sge, %select_n3A_3148, %ge3A_3150 : vector<16xi32>
    %sub3A_3152 = arith.subi %select_n3A_3148, %broadcast_in_dim3A_6 : vector<16xi32>
    %select_n3A_3153 = arith.select %ge3A_3151, %sub3A_3152, %select_n3A_3148 : vector<16xi1>, vector<16xi32>
    %swap3A_3154 = arith.constant 6 : i64
    %swap3A_3155 = arith.index_cast %swap3A_3154 : i64 to index
    %swap3A_3156 = arith.constant 64 : index
    %swap3A_3157 = tpu.vector_load %arg11[%swap3A_3155, %swap3A_3156] {strides = array<i32>} : memref<12x128xi32, #tpu.memory_space<vmem>>, vector<1x16xi32>,
    %swap3A_3158 = vector.shape_cast %swap3A_3157 : vector<1x16xi32> to vector<16xi32>
    %swap3A_3159 = vector.shape_cast %select_n3A_3153 : vector<16xi32> to vector<1x16xi32>
    tpu.vector_store %arg11[%swap3A_3155, %swap3A_3156], %swap3A_3159 {strides = array<i32>} : memref<12x128xi32, #tpu.memory_space<vmem>>, vector<1x16xi32>,
    %add3A_3160 = arith.constant 4 : i32
    %add3A_3161 = arith.addi %add3A_3114, %add3A_3160 : i32
    %sub3A_3162 = arith.constant 1 : i32
    %sub3A_3163 = arith.subi %add3A_3161, %sub3A_3162 : i32
    %get3A_3164 = arith.index_cast %sub3A_3163 : i32 to index
    %get3A_3165 = tpu.vector_load %arg10[%get3A_3164] {strides = array<i32>} : memref<8208xi32, #tpu.memory_space<vmem>>, vector<16xi32>,
    %get3A_3166 = vector.shape_cast %get3A_3165 : vector<16xi32> to vector<16xi32>
    %mul3A_3167 = arith.constant 277216 : i32
    %mul3A_3168 = vector.broadcast %mul3A_3167 : i32 to vector<16xi32>
    %mul3A_3169 = arith.muli %get3A_3166, %mul3A_3168 : vector<16xi32>
    %add3A_3170 = arith.addi %add3A_3135, %mul3A_3169 : vector<16xi32>
    %max3A_3171 = arith.maxsi %add3A_3170, %broadcast_in_dim3A_8 : vector<16xi32>
    %convert_element_type3A_3172 = arith.sitofp %max3A_3171 : vector<16xi32> to vector<16xf32>
    %mul3A_3173 = arith.mulf %convert_element_type3A_3172, %broadcast_in_dim3A_12 : vector<16xf32>
    %convert_element_type3A_3174 = arith.fptosi %mul3A_3173 : vector<16xf32> to vector<16xi32>
    %mul3A_3175 = arith.constant 500000 : i32
    %mul3A_3176 = vector.broadcast %mul3A_3175 : i32 to vector<16xi32>
    %mul3A_3177 = arith.muli %convert_element_type3A_3174, %mul3A_3176 : vector<16xi32>
    %sub3A_3178 = arith.subi %max3A_3171, %mul3A_3177 : vector<16xi32>
    %lt3A_3179 = arith.constant 0 : i32
    %lt3A_3180 = vector.broadcast %lt3A_3179 : i32 to vector<16xi32>
    %lt3A_3181 = arith.cmpi slt, %sub3A_3178, %lt3A_3180 : vector<16xi32>
    %add3A_3182 = arith.addi %sub3A_3178, %broadcast_in_dim3A_6 : vector<16xi32>
    %select_n3A_3183 = arith.select %lt3A_3181, %add3A_3182, %sub3A_3178 : vector<16xi1>, vector<16xi32>
    %ge3A_3184 = arith.constant 500000 : i32
    %ge3A_3185 = vector.broadcast %ge3A_3184 : i32 to vector<16xi32>
    %ge3A_3186 = arith.cmpi sge, %select_n3A_3183, %ge3A_3185 : vector<16xi32>
    %sub3A_3187 = arith.subi %select_n3A_3183, %broadcast_in_dim3A_6 : vector<16xi32>
    %select_n3A_3188 = arith.select %ge3A_3186, %sub3A_3187, %select_n3A_3183 : vector<16xi1>, vector<16xi32>
    %swap3A_3189 = arith.constant 7 : i64
    %swap3A_3190 = arith.index_cast %swap3A_3189 : i64 to index
    %swap3A_3191 = arith.constant 64 : index
    %swap3A_3192 = tpu.vector_load %arg11[%swap3A_3190, %swap3A_3191] {strides = array<i32>} : memref<12x128xi32, #tpu.memory_space<vmem>>, vector<1x16xi32>,
    %swap3A_3193 = vector.shape_cast %swap3A_3192 : vector<1x16xi32> to vector<16xi32>
    %swap3A_3194 = vector.shape_cast %select_n3A_3188 : vector<16xi32> to vector<1x16xi32>
    tpu.vector_store %arg11[%swap3A_3190, %swap3A_3191], %swap3A_3194 {strides = array<i32>} : memref<12x128xi32, #tpu.memory_space<vmem>>, vector<1x16xi32>,
    %add3A_3195 = arith.constant 5 : i32
    %add3A_3196 = arith.addi %add3A_3114, %add3A_3195 : i32
    %sub3A_3197 = arith.constant 1 : i32
    %sub3A_3198 = arith.subi %add3A_3196, %sub3A_3197 : i32
    %get3A_3199 = arith.index_cast %sub3A_3198 : i32 to index
    %get3A_3200 = tpu.vector_load %arg10[%get3A_3199] {strides = array<i32>} : memref<8208xi32, #tpu.memory_space<vmem>>, vector<16xi32>,
    %get3A_3201 = vector.shape_cast %get3A_3200 : vector<16xi32> to vector<16xi32>
    %mul3A_3202 = arith.constant 467296 : i32
    %mul3A_3203 = vector.broadcast %mul3A_3202 : i32 to vector<16xi32>
    %mul3A_3204 = arith.muli %get3A_3201, %mul3A_3203 : vector<16xi32>
    %add3A_3205 = arith.addi %add3A_3170, %mul3A_3204 : vector<16xi32>
    %max3A_3206 = arith.maxsi %add3A_3205, %broadcast_in_dim3A_8 : vector<16xi32>
    %convert_element_type3A_3207 = arith.sitofp %max3A_3206 : vector<16xi32> to vector<16xf32>
    %mul3A_3208 = arith.mulf %convert_element_type3A_3207, %broadcast_in_dim3A_12 : vector<16xf32>
    %convert_element_type3A_3209 = arith.fptosi %mul3A_3208 : vector<16xf32> to vector<16xi32>
    %mul3A_3210 = arith.constant 500000 : i32
    %mul3A_3211 = vector.broadcast %mul3A_3210 : i32 to vector<16xi32>
    %mul3A_3212 = arith.muli %convert_element_type3A_3209, %mul3A_3211 : vector<16xi32>
    %sub3A_3213 = arith.subi %max3A_3206, %mul3A_3212 : vector<16xi32>
    %lt3A_3214 = arith.constant 0 : i32
    %lt3A_3215 = vector.broadcast %lt3A_3214 : i32 to vector<16xi32>
    %lt3A_3216 = arith.cmpi slt, %sub3A_3213, %lt3A_3215 : vector<16xi32>
    %add3A_3217 = arith.addi %sub3A_3213, %broadcast_in_dim3A_6 : vector<16xi32>
    %select_n3A_3218 = arith.select %lt3A_3216, %add3A_3217, %sub3A_3213 : vector<16xi1>, vector<16xi32>
    %ge3A_3219 = arith.constant 500000 : i32
    %ge3A_3220 = vector.broadcast %ge3A_3219 : i32 to vector<16xi32>
    %ge3A_3221 = arith.cmpi sge, %select_n3A_3218, %ge3A_3220 : vector<16xi32>
    %sub3A_3222 = arith.subi %select_n3A_3218, %broadcast_in_dim3A_6 : vector<16xi32>
    %select_n3A_3223 = arith.select %ge3A_3221, %sub3A_3222, %select_n3A_3218 : vector<16xi1>, vector<16xi32>
    %swap3A_3224 = arith.constant 8 : i64
    %swap3A_3225 = arith.index_cast %swap3A_3224 : i64 to index
    %swap3A_3226 = arith.constant 64 : index
    %swap3A_3227 = tpu.vector_load %arg11[%swap3A_3225, %swap3A_3226] {strides = array<i32>} : memref<12x128xi32, #tpu.memory_space<vmem>>, vector<1x16xi32>,
    %swap3A_3228 = vector.shape_cast %swap3A_3227 : vector<1x16xi32> to vector<16xi32>
    %swap3A_3229 = vector.shape_cast %select_n3A_3223 : vector<16xi32> to vector<1x16xi32>
    tpu.vector_store %arg11[%swap3A_3225, %swap3A_3226], %swap3A_3229 {strides = array<i32>} : memref<12x128xi32, #tpu.memory_space<vmem>>, vector<1x16xi32>,
    %add3A_3230 = arith.constant 6 : i32
    %add3A_3231 = arith.addi %add3A_3114, %add3A_3230 : i32
    %sub3A_3232 = arith.constant 1 : i32
    %sub3A_3233 = arith.subi %add3A_3231, %sub3A_3232 : i32
    %get3A_3234 = arith.index_cast %sub3A_3233 : i32 to index
    %get3A_3235 = tpu.vector_load %arg10[%get3A_3234] {strides = array<i32>} : memref<8208xi32, #tpu.memory_space<vmem>>, vector<16xi32>,
    %get3A_3236 = vector.shape_cast %get3A_3235 : vector<16xi32> to vector<16xi32>
    %mul3A_3237 = arith.constant 127776 : i32
    %mul3A_3238 = vector.broadcast %mul3A_3237 : i32 to vector<16xi32>
    %mul3A_3239 = arith.muli %get3A_3236, %mul3A_3238 : vector<16xi32>
    %add3A_3240 = arith.addi %add3A_3205, %mul3A_3239 : vector<16xi32>
    %max3A_3241 = arith.maxsi %add3A_3240, %broadcast_in_dim3A_8 : vector<16xi32>
    %convert_element_type3A_3242 = arith.sitofp %max3A_3241 : vector<16xi32> to vector<16xf32>
    %mul3A_3243 = arith.mulf %convert_element_type3A_3242, %broadcast_in_dim3A_12 : vector<16xf32>
    %convert_element_type3A_3244 = arith.fptosi %mul3A_3243 : vector<16xf32> to vector<16xi32>
    %mul3A_3245 = arith.constant 500000 : i32
    %mul3A_3246 = vector.broadcast %mul3A_3245 : i32 to vector<16xi32>
    %mul3A_3247 = arith.muli %convert_element_type3A_3244, %mul3A_3246 : vector<16xi32>
    %sub3A_3248 = arith.subi %max3A_3241, %mul3A_3247 : vector<16xi32>
    %lt3A_3249 = arith.constant 0 : i32
    %lt3A_3250 = vector.broadcast %lt3A_3249 : i32 to vector<16xi32>
    %lt3A_3251 = arith.cmpi slt, %sub3A_3248, %lt3A_3250 : vector<16xi32>
    %add3A_3252 = arith.addi %sub3A_3248, %broadcast_in_dim3A_6 : vector<16xi32>
    %select_n3A_3253 = arith.select %lt3A_3251, %add3A_3252, %sub3A_3248 : vector<16xi1>, vector<16xi32>
    %ge3A_3254 = arith.constant 500000 : i32
    %ge3A_3255 = vector.broadcast %ge3A_3254 : i32 to vector<16xi32>
    %ge3A_3256 = arith.cmpi sge, %select_n3A_3253, %ge3A_3255 : vector<16xi32>
    %sub3A_3257 = arith.subi %select_n3A_3253, %broadcast_in_dim3A_6 : vector<16xi32>
    %select_n3A_3258 = arith.select %ge3A_3256, %sub3A_3257, %select_n3A_3253 : vector<16xi1>, vector<16xi32>
    %swap3A_3259 = arith.constant 9 : i64
    %swap3A_3260 = arith.index_cast %swap3A_3259 : i64 to index
    %swap3A_3261 = arith.constant 64 : index
    %swap3A_3262 = tpu.vector_load %arg11[%swap3A_3260, %swap3A_3261] {strides = array<i32>} : memref<12x128xi32, #tpu.memory_space<vmem>>, vector<1x16xi32>,
    %swap3A_3263 = vector.shape_cast %swap3A_3262 : vector<1x16xi32> to vector<16xi32>
    %swap3A_3264 = vector.shape_cast %select_n3A_3258 : vector<16xi32> to vector<1x16xi32>
    tpu.vector_store %arg11[%swap3A_3260, %swap3A_3261], %swap3A_3264 {strides = array<i32>} : memref<12x128xi32, #tpu.memory_space<vmem>>, vector<1x16xi32>,
    %add3A_3265 = arith.constant 7 : i32
    %add3A_3266 = arith.addi %add3A_3114, %add3A_3265 : i32
    %sub3A_3267 = arith.constant 1 : i32
    %sub3A_3268 = arith.subi %add3A_3266, %sub3A_3267 : i32
    %get3A_3269 = arith.index_cast %sub3A_3268 : i32 to index
    %get3A_3270 = tpu.vector_load %arg10[%get3A_3269] {strides = array<i32>} : memref<8208xi32, #tpu.memory_space<vmem>>, vector<16xi32>,
    %get3A_3271 = vector.shape_cast %get3A_3270 : vector<16xi32> to vector<16xi32>
    %mul3A_3272 = arith.constant 210656 : i32
    %mul3A_3273 = vector.broadcast %mul3A_3272 : i32 to vector<16xi32>
    %mul3A_3274 = arith.muli %get3A_3271, %mul3A_3273 : vector<16xi32>
    %add3A_3275 = arith.addi %add3A_3240, %mul3A_3274 : vector<16xi32>
    %max3A_3276 = arith.maxsi %add3A_3275, %broadcast_in_dim3A_8 : vector<16xi32>
    %convert_element_type3A_3277 = arith.sitofp %max3A_3276 : vector<16xi32> to vector<16xf32>
    %mul3A_3278 = arith.mulf %convert_element_type3A_3277, %broadcast_in_dim3A_12 : vector<16xf32>
    %convert_element_type3A_3279 = arith.fptosi %mul3A_3278 : vector<16xf32> to vector<16xi32>
    %mul3A_3280 = arith.constant 500000 : i32
    %mul3A_3281 = vector.broadcast %mul3A_3280 : i32 to vector<16xi32>
    %mul3A_3282 = arith.muli %convert_element_type3A_3279, %mul3A_3281 : vector<16xi32>
    %sub3A_3283 = arith.subi %max3A_3276, %mul3A_3282 : vector<16xi32>
    %lt3A_3284 = arith.constant 0 : i32
    %lt3A_3285 = vector.broadcast %lt3A_3284 : i32 to vector<16xi32>
    %lt3A_3286 = arith.cmpi slt, %sub3A_3283, %lt3A_3285 : vector<16xi32>
    %add3A_3287 = arith.addi %sub3A_3283, %broadcast_in_dim3A_6 : vector<16xi32>
    %select_n3A_3288 = arith.select %lt3A_3286, %add3A_3287, %sub3A_3283 : vector<16xi1>, vector<16xi32>
    %ge3A_3289 = arith.constant 500000 : i32
    %ge3A_3290 = vector.broadcast %ge3A_3289 : i32 to vector<16xi32>
    %ge3A_3291 = arith.cmpi sge, %select_n3A_3288, %ge3A_3290 : vector<16xi32>
    %sub3A_3292 = arith.subi %select_n3A_3288, %broadcast_in_dim3A_6 : vector<16xi32>
    %select_n3A_3293 = arith.select %ge3A_3291, %sub3A_3292, %select_n3A_3288 : vector<16xi1>, vector<16xi32>
    %swap3A_3294 = arith.constant 10 : i64
    %swap3A_3295 = arith.index_cast %swap3A_3294 : i64 to index
    %swap3A_3296 = arith.constant 64 : index
    %swap3A_3297 = tpu.vector_load %arg11[%swap3A_3295, %swap3A_3296] {strides = array<i32>} : memref<12x128xi32, #tpu.memory_space<vmem>>, vector<1x16xi32>,
    %swap3A_3298 = vector.shape_cast %swap3A_3297 : vector<1x16xi32> to vector<16xi32>
    %swap3A_3299 = vector.shape_cast %select_n3A_3293 : vector<16xi32> to vector<1x16xi32>
    tpu.vector_store %arg11[%swap3A_3295, %swap3A_3296], %swap3A_3299 {strides = array<i32>} : memref<12x128xi32, #tpu.memory_space<vmem>>, vector<1x16xi32>,
    %add3A_3300 = arith.constant 8 : i32
    %add3A_3301 = arith.addi %add3A_3114, %add3A_3300 : i32
    %sub3A_3302 = arith.constant 1 : i32
    %sub3A_3303 = arith.subi %add3A_3301, %sub3A_3302 : i32
    %get3A_3304 = arith.index_cast %sub3A_3303 : i32 to index
    %get3A_3305 = tpu.vector_load %arg10[%get3A_3304] {strides = array<i32>} : memref<8208xi32, #tpu.memory_space<vmem>>, vector<16xi32>,
    %get3A_3306 = vector.shape_cast %get3A_3305 : vector<16xi32> to vector<16xi32>
    %mul3A_3307 = arith.constant 427936 : i32
    %mul3A_3308 = vector.broadcast %mul3A_3307 : i32 to vector<16xi32>
    %mul3A_3309 = arith.muli %get3A_3306, %mul3A_3308 : vector<16xi32>
    %add3A_3310 = arith.addi %add3A_3275, %mul3A_3309 : vector<16xi32>
    %add3A_3311 = arith.constant 7 : i32
    %add3A_3312 = arith.addi %add3A_3114, %add3A_3311 : i32
    %get3A_3313 = arith.index_cast %add3A_3312 : i32 to index
    %get3A_3314 = tpu.vector_load %arg10[%get3A_3313] {strides = array<i32>} : memref<8208xi32, #tpu.memory_space<vmem>>, vector<16xi32>,
    %get3A_3315 = vector.shape_cast %get3A_3314 : vector<16xi32> to vector<16xi32>
    %ge3A_3316 = arith.constant 128 : i32
    %ge3A_3317 = vector.broadcast %ge3A_3316 : i32 to vector<16xi32>
    %ge3A_3318 = arith.cmpi sge, %get3A_3315, %ge3A_3317 : vector<16xi32>
    %select_n3A_3319 = arith.select %ge3A_3318, %broadcast_in_dim3A_10, %broadcast_in_dim3A_8 : vector<16xi1>, vector<16xi32>
    %add3A_3320 = arith.addi %add3A_3310, %select_n3A_3319 : vector<16xi32>
    %max3A_3321 = arith.maxsi %add3A_3320, %broadcast_in_dim3A_8 : vector<16xi32>
    %convert_element_type3A_3322 = arith.sitofp %max3A_3321 : vector<16xi32> to vector<16xf32>
    %mul3A_3323 = arith.mulf %convert_element_type3A_3322, %broadcast_in_dim3A_12 : vector<16xf32>
    %convert_element_type3A_3324 = arith.fptosi %mul3A_3323 : vector<16xf32> to vector<16xi32>
    %mul3A_3325 = arith.constant 500000 : i32
    %mul3A_3326 = vector.broadcast %mul3A_3325 : i32 to vector<16xi32>
    %mul3A_3327 = arith.muli %convert_element_type3A_3324, %mul3A_3326 : vector<16xi32>
    %sub3A_3328 = arith.subi %max3A_3321, %mul3A_3327 : vector<16xi32>
    %lt3A_3329 = arith.constant 0 : i32
    %lt3A_3330 = vector.broadcast %lt3A_3329 : i32 to vector<16xi32>
    %lt3A_3331 = arith.cmpi slt, %sub3A_3328, %lt3A_3330 : vector<16xi32>
    %add3A_3332 = arith.addi %sub3A_3328, %broadcast_in_dim3A_6 : vector<16xi32>
    %select_n3A_3333 = arith.select %lt3A_3331, %add3A_3332, %sub3A_3328 : vector<16xi1>, vector<16xi32>
    %ge3A_3334 = arith.constant 500000 : i32
    %ge3A_3335 = vector.broadcast %ge3A_3334 : i32 to vector<16xi32>
    %ge3A_3336 = arith.cmpi sge, %select_n3A_3333, %ge3A_3335 : vector<16xi32>
    %sub3A_3337 = arith.subi %select_n3A_3333, %broadcast_in_dim3A_6 : vector<16xi32>
    %select_n3A_3338 = arith.select %ge3A_3336, %sub3A_3337, %select_n3A_3333 : vector<16xi1>, vector<16xi32>
    %swap3A_3339 = arith.constant 11 : i64
    %swap3A_3340 = arith.index_cast %swap3A_3339 : i64 to index
    %swap3A_3341 = arith.constant 64 : index
    %swap3A_3342 = tpu.vector_load %arg11[%swap3A_3340, %swap3A_3341] {strides = array<i32>} : memref<12x128xi32, #tpu.memory_space<vmem>>, vector<1x16xi32>,
    %swap3A_3343 = vector.shape_cast %swap3A_3342 : vector<1x16xi32> to vector<16xi32>
    %swap3A_3344 = vector.shape_cast %select_n3A_3338 : vector<16xi32> to vector<1x16xi32>
    tpu.vector_store %arg11[%swap3A_3340, %swap3A_3341], %swap3A_3344 {strides = array<i32>} : memref<12x128xi32, #tpu.memory_space<vmem>>, vector<1x16xi32>,
    %add3A_3345 = arith.constant 80 : i32
    %add3A_3346 = arith.addi %add3A_2184, %add3A_3345 : i32
    %get3A_3347 = arith.index_cast %add3A_3346 : i32 to index
    %get3A_3348 = tpu.vector_load %arg10[%get3A_3347] {strides = array<i32>} : memref<8208xi32, #tpu.memory_space<vmem>>, vector<16xi32>,
    %get3A_3349 = vector.shape_cast %get3A_3348 : vector<16xi32> to vector<16xi32>
    %add3A_3350 = arith.constant 1 : i32
    %add3A_3351 = arith.addi %add3A_3346, %add3A_3350 : i32
    %get3A_3352 = arith.index_cast %add3A_3351 : i32 to index
    %get3A_3353 = tpu.vector_load %arg10[%get3A_3352] {strides = array<i32>} : memref<8208xi32, #tpu.memory_space<vmem>>, vector<16xi32>,
    %get3A_3354 = vector.shape_cast %get3A_3353 : vector<16xi32> to vector<16xi32>
    %mul3A_3355 = arith.constant 256 : i32
    %mul3A_3356 = vector.broadcast %mul3A_3355 : i32 to vector<16xi32>
    %mul3A_3357 = arith.muli %get3A_3354, %mul3A_3356 : vector<16xi32>
    %add3A_3358 = arith.addi %get3A_3349, %mul3A_3357 : vector<16xi32>
    %add3A_3359 = arith.constant 2 : i32
    %add3A_3360 = arith.addi %add3A_3346, %add3A_3359 : i32
    %get3A_3361 = arith.index_cast %add3A_3360 : i32 to index
    %get3A_3362 = tpu.vector_load %arg10[%get3A_3361] {strides = array<i32>} : memref<8208xi32, #tpu.memory_space<vmem>>, vector<16xi32>,
    %get3A_3363 = vector.shape_cast %get3A_3362 : vector<16xi32> to vector<16xi32>
    %mul3A_3364 = arith.constant 65536 : i32
    %mul3A_3365 = vector.broadcast %mul3A_3364 : i32 to vector<16xi32>
    %mul3A_3366 = arith.muli %get3A_3363, %mul3A_3365 : vector<16xi32>
    %add3A_3367 = arith.addi %add3A_3358, %mul3A_3366 : vector<16xi32>
    %max3A_3368 = arith.maxsi %add3A_3367, %broadcast_in_dim3A_8 : vector<16xi32>
    %convert_element_type3A_3369 = arith.sitofp %max3A_3368 : vector<16xi32> to vector<16xf32>
    %mul3A_3370 = arith.mulf %convert_element_type3A_3369, %broadcast_in_dim3A_12 : vector<16xf32>
    %convert_element_type3A_3371 = arith.fptosi %mul3A_3370 : vector<16xf32> to vector<16xi32>
    %mul3A_3372 = arith.constant 500000 : i32
    %mul3A_3373 = vector.broadcast %mul3A_3372 : i32 to vector<16xi32>
    %mul3A_3374 = arith.muli %convert_element_type3A_3371, %mul3A_3373 : vector<16xi32>
    %sub3A_3375 = arith.subi %max3A_3368, %mul3A_3374 : vector<16xi32>
    %lt3A_3376 = arith.constant 0 : i32
    %lt3A_3377 = vector.broadcast %lt3A_3376 : i32 to vector<16xi32>
    %lt3A_3378 = arith.cmpi slt, %sub3A_3375, %lt3A_3377 : vector<16xi32>
    %add3A_3379 = arith.addi %sub3A_3375, %broadcast_in_dim3A_6 : vector<16xi32>
    %select_n3A_3380 = arith.select %lt3A_3378, %add3A_3379, %sub3A_3375 : vector<16xi1>, vector<16xi32>
    %ge3A_3381 = arith.constant 500000 : i32
    %ge3A_3382 = vector.broadcast %ge3A_3381 : i32 to vector<16xi32>
    %ge3A_3383 = arith.cmpi sge, %select_n3A_3380, %ge3A_3382 : vector<16xi32>
    %sub3A_3384 = arith.subi %select_n3A_3380, %broadcast_in_dim3A_6 : vector<16xi32>
    %select_n3A_3385 = arith.select %ge3A_3383, %sub3A_3384, %select_n3A_3380 : vector<16xi1>, vector<16xi32>
    %swap3A_3386 = arith.constant 6 : i64
    %swap3A_3387 = arith.index_cast %swap3A_3386 : i64 to index
    %swap3A_3388 = arith.constant 80 : index
    %swap3A_3389 = tpu.vector_load %arg11[%swap3A_3387, %swap3A_3388] {strides = array<i32>} : memref<12x128xi32, #tpu.memory_space<vmem>>, vector<1x16xi32>,
    %swap3A_3390 = vector.shape_cast %swap3A_3389 : vector<1x16xi32> to vector<16xi32>
    %swap3A_3391 = vector.shape_cast %select_n3A_3385 : vector<16xi32> to vector<1x16xi32>
    tpu.vector_store %arg11[%swap3A_3387, %swap3A_3388], %swap3A_3391 {strides = array<i32>} : memref<12x128xi32, #tpu.memory_space<vmem>>, vector<1x16xi32>,
    %add3A_3392 = arith.constant 4 : i32
    %add3A_3393 = arith.addi %add3A_3346, %add3A_3392 : i32
    %sub3A_3394 = arith.constant 1 : i32
    %sub3A_3395 = arith.subi %add3A_3393, %sub3A_3394 : i32
    %get3A_3396 = arith.index_cast %sub3A_3395 : i32 to index
    %get3A_3397 = tpu.vector_load %arg10[%get3A_3396] {strides = array<i32>} : memref<8208xi32, #tpu.memory_space<vmem>>, vector<16xi32>,
    %get3A_3398 = vector.shape_cast %get3A_3397 : vector<16xi32> to vector<16xi32>
    %mul3A_3399 = arith.constant 277216 : i32
    %mul3A_3400 = vector.broadcast %mul3A_3399 : i32 to vector<16xi32>
    %mul3A_3401 = arith.muli %get3A_3398, %mul3A_3400 : vector<16xi32>
    %add3A_3402 = arith.addi %add3A_3367, %mul3A_3401 : vector<16xi32>
    %max3A_3403 = arith.maxsi %add3A_3402, %broadcast_in_dim3A_8 : vector<16xi32>
    %convert_element_type3A_3404 = arith.sitofp %max3A_3403 : vector<16xi32> to vector<16xf32>
    %mul3A_3405 = arith.mulf %convert_element_type3A_3404, %broadcast_in_dim3A_12 : vector<16xf32>
    %convert_element_type3A_3406 = arith.fptosi %mul3A_3405 : vector<16xf32> to vector<16xi32>
    %mul3A_3407 = arith.constant 500000 : i32
    %mul3A_3408 = vector.broadcast %mul3A_3407 : i32 to vector<16xi32>
    %mul3A_3409 = arith.muli %convert_element_type3A_3406, %mul3A_3408 : vector<16xi32>
    %sub3A_3410 = arith.subi %max3A_3403, %mul3A_3409 : vector<16xi32>
    %lt3A_3411 = arith.constant 0 : i32
    %lt3A_3412 = vector.broadcast %lt3A_3411 : i32 to vector<16xi32>
    %lt3A_3413 = arith.cmpi slt, %sub3A_3410, %lt3A_3412 : vector<16xi32>
    %add3A_3414 = arith.addi %sub3A_3410, %broadcast_in_dim3A_6 : vector<16xi32>
    %select_n3A_3415 = arith.select %lt3A_3413, %add3A_3414, %sub3A_3410 : vector<16xi1>, vector<16xi32>
    %ge3A_3416 = arith.constant 500000 : i32
    %ge3A_3417 = vector.broadcast %ge3A_3416 : i32 to vector<16xi32>
    %ge3A_3418 = arith.cmpi sge, %select_n3A_3415, %ge3A_3417 : vector<16xi32>
    %sub3A_3419 = arith.subi %select_n3A_3415, %broadcast_in_dim3A_6 : vector<16xi32>
    %select_n3A_3420 = arith.select %ge3A_3418, %sub3A_3419, %select_n3A_3415 : vector<16xi1>, vector<16xi32>
    %swap3A_3421 = arith.constant 7 : i64
    %swap3A_3422 = arith.index_cast %swap3A_3421 : i64 to index
    %swap3A_3423 = arith.constant 80 : index
    %swap3A_3424 = tpu.vector_load %arg11[%swap3A_3422, %swap3A_3423] {strides = array<i32>} : memref<12x128xi32, #tpu.memory_space<vmem>>, vector<1x16xi32>,
    %swap3A_3425 = vector.shape_cast %swap3A_3424 : vector<1x16xi32> to vector<16xi32>
    %swap3A_3426 = vector.shape_cast %select_n3A_3420 : vector<16xi32> to vector<1x16xi32>
    tpu.vector_store %arg11[%swap3A_3422, %swap3A_3423], %swap3A_3426 {strides = array<i32>} : memref<12x128xi32, #tpu.memory_space<vmem>>, vector<1x16xi32>,
    %add3A_3427 = arith.constant 5 : i32
    %add3A_3428 = arith.addi %add3A_3346, %add3A_3427 : i32
    %sub3A_3429 = arith.constant 1 : i32
    %sub3A_3430 = arith.subi %add3A_3428, %sub3A_3429 : i32
    %get3A_3431 = arith.index_cast %sub3A_3430 : i32 to index
    %get3A_3432 = tpu.vector_load %arg10[%get3A_3431] {strides = array<i32>} : memref<8208xi32, #tpu.memory_space<vmem>>, vector<16xi32>,
    %get3A_3433 = vector.shape_cast %get3A_3432 : vector<16xi32> to vector<16xi32>
    %mul3A_3434 = arith.constant 467296 : i32
    %mul3A_3435 = vector.broadcast %mul3A_3434 : i32 to vector<16xi32>
    %mul3A_3436 = arith.muli %get3A_3433, %mul3A_3435 : vector<16xi32>
    %add3A_3437 = arith.addi %add3A_3402, %mul3A_3436 : vector<16xi32>
    %max3A_3438 = arith.maxsi %add3A_3437, %broadcast_in_dim3A_8 : vector<16xi32>
    %convert_element_type3A_3439 = arith.sitofp %max3A_3438 : vector<16xi32> to vector<16xf32>
    %mul3A_3440 = arith.mulf %convert_element_type3A_3439, %broadcast_in_dim3A_12 : vector<16xf32>
    %convert_element_type3A_3441 = arith.fptosi %mul3A_3440 : vector<16xf32> to vector<16xi32>
    %mul3A_3442 = arith.constant 500000 : i32
    %mul3A_3443 = vector.broadcast %mul3A_3442 : i32 to vector<16xi32>
    %mul3A_3444 = arith.muli %convert_element_type3A_3441, %mul3A_3443 : vector<16xi32>
    %sub3A_3445 = arith.subi %max3A_3438, %mul3A_3444 : vector<16xi32>
    %lt3A_3446 = arith.constant 0 : i32
    %lt3A_3447 = vector.broadcast %lt3A_3446 : i32 to vector<16xi32>
    %lt3A_3448 = arith.cmpi slt, %sub3A_3445, %lt3A_3447 : vector<16xi32>
    %add3A_3449 = arith.addi %sub3A_3445, %broadcast_in_dim3A_6 : vector<16xi32>
    %select_n3A_3450 = arith.select %lt3A_3448, %add3A_3449, %sub3A_3445 : vector<16xi1>, vector<16xi32>
    %ge3A_3451 = arith.constant 500000 : i32
    %ge3A_3452 = vector.broadcast %ge3A_3451 : i32 to vector<16xi32>
    %ge3A_3453 = arith.cmpi sge, %select_n3A_3450, %ge3A_3452 : vector<16xi32>
    %sub3A_3454 = arith.subi %select_n3A_3450, %broadcast_in_dim3A_6 : vector<16xi32>
    %select_n3A_3455 = arith.select %ge3A_3453, %sub3A_3454, %select_n3A_3450 : vector<16xi1>, vector<16xi32>
    %swap3A_3456 = arith.constant 8 : i64
    %swap3A_3457 = arith.index_cast %swap3A_3456 : i64 to index
    %swap3A_3458 = arith.constant 80 : index
    %swap3A_3459 = tpu.vector_load %arg11[%swap3A_3457, %swap3A_3458] {strides = array<i32>} : memref<12x128xi32, #tpu.memory_space<vmem>>, vector<1x16xi32>,
    %swap3A_3460 = vector.shape_cast %swap3A_3459 : vector<1x16xi32> to vector<16xi32>
    %swap3A_3461 = vector.shape_cast %select_n3A_3455 : vector<16xi32> to vector<1x16xi32>
    tpu.vector_store %arg11[%swap3A_3457, %swap3A_3458], %swap3A_3461 {strides = array<i32>} : memref<12x128xi32, #tpu.memory_space<vmem>>, vector<1x16xi32>,
    %add3A_3462 = arith.constant 6 : i32
    %add3A_3463 = arith.addi %add3A_3346, %add3A_3462 : i32
    %sub3A_3464 = arith.constant 1 : i32
    %sub3A_3465 = arith.subi %add3A_3463, %sub3A_3464 : i32
    %get3A_3466 = arith.index_cast %sub3A_3465 : i32 to index
    %get3A_3467 = tpu.vector_load %arg10[%get3A_3466] {strides = array<i32>} : memref<8208xi32, #tpu.memory_space<vmem>>, vector<16xi32>,
    %get3A_3468 = vector.shape_cast %get3A_3467 : vector<16xi32> to vector<16xi32>
    %mul3A_3469 = arith.constant 127776 : i32
    %mul3A_3470 = vector.broadcast %mul3A_3469 : i32 to vector<16xi32>
    %mul3A_3471 = arith.muli %get3A_3468, %mul3A_3470 : vector<16xi32>
    %add3A_3472 = arith.addi %add3A_3437, %mul3A_3471 : vector<16xi32>
    %max3A_3473 = arith.maxsi %add3A_3472, %broadcast_in_dim3A_8 : vector<16xi32>
    %convert_element_type3A_3474 = arith.sitofp %max3A_3473 : vector<16xi32> to vector<16xf32>
    %mul3A_3475 = arith.mulf %convert_element_type3A_3474, %broadcast_in_dim3A_12 : vector<16xf32>
    %convert_element_type3A_3476 = arith.fptosi %mul3A_3475 : vector<16xf32> to vector<16xi32>
    %mul3A_3477 = arith.constant 500000 : i32
    %mul3A_3478 = vector.broadcast %mul3A_3477 : i32 to vector<16xi32>
    %mul3A_3479 = arith.muli %convert_element_type3A_3476, %mul3A_3478 : vector<16xi32>
    %sub3A_3480 = arith.subi %max3A_3473, %mul3A_3479 : vector<16xi32>
    %lt3A_3481 = arith.constant 0 : i32
    %lt3A_3482 = vector.broadcast %lt3A_3481 : i32 to vector<16xi32>
    %lt3A_3483 = arith.cmpi slt, %sub3A_3480, %lt3A_3482 : vector<16xi32>
    %add3A_3484 = arith.addi %sub3A_3480, %broadcast_in_dim3A_6 : vector<16xi32>
    %select_n3A_3485 = arith.select %lt3A_3483, %add3A_3484, %sub3A_3480 : vector<16xi1>, vector<16xi32>
    %ge3A_3486 = arith.constant 500000 : i32
    %ge3A_3487 = vector.broadcast %ge3A_3486 : i32 to vector<16xi32>
    %ge3A_3488 = arith.cmpi sge, %select_n3A_3485, %ge3A_3487 : vector<16xi32>
    %sub3A_3489 = arith.subi %select_n3A_3485, %broadcast_in_dim3A_6 : vector<16xi32>
    %select_n3A_3490 = arith.select %ge3A_3488, %sub3A_3489, %select_n3A_3485 : vector<16xi1>, vector<16xi32>
    %swap3A_3491 = arith.constant 9 : i64
    %swap3A_3492 = arith.index_cast %swap3A_3491 : i64 to index
    %swap3A_3493 = arith.constant 80 : index
    %swap3A_3494 = tpu.vector_load %arg11[%swap3A_3492, %swap3A_3493] {strides = array<i32>} : memref<12x128xi32, #tpu.memory_space<vmem>>, vector<1x16xi32>,
    %swap3A_3495 = vector.shape_cast %swap3A_3494 : vector<1x16xi32> to vector<16xi32>
    %swap3A_3496 = vector.shape_cast %select_n3A_3490 : vector<16xi32> to vector<1x16xi32>
    tpu.vector_store %arg11[%swap3A_3492, %swap3A_3493], %swap3A_3496 {strides = array<i32>} : memref<12x128xi32, #tpu.memory_space<vmem>>, vector<1x16xi32>,
    %add3A_3497 = arith.constant 7 : i32
    %add3A_3498 = arith.addi %add3A_3346, %add3A_3497 : i32
    %sub3A_3499 = arith.constant 1 : i32
    %sub3A_3500 = arith.subi %add3A_3498, %sub3A_3499 : i32
    %get3A_3501 = arith.index_cast %sub3A_3500 : i32 to index
    %get3A_3502 = tpu.vector_load %arg10[%get3A_3501] {strides = array<i32>} : memref<8208xi32, #tpu.memory_space<vmem>>, vector<16xi32>,
    %get3A_3503 = vector.shape_cast %get3A_3502 : vector<16xi32> to vector<16xi32>
    %mul3A_3504 = arith.constant 210656 : i32
    %mul3A_3505 = vector.broadcast %mul3A_3504 : i32 to vector<16xi32>
    %mul3A_3506 = arith.muli %get3A_3503, %mul3A_3505 : vector<16xi32>
    %add3A_3507 = arith.addi %add3A_3472, %mul3A_3506 : vector<16xi32>
    %max3A_3508 = arith.maxsi %add3A_3507, %broadcast_in_dim3A_8 : vector<16xi32>
    %convert_element_type3A_3509 = arith.sitofp %max3A_3508 : vector<16xi32> to vector<16xf32>
    %mul3A_3510 = arith.mulf %convert_element_type3A_3509, %broadcast_in_dim3A_12 : vector<16xf32>
    %convert_element_type3A_3511 = arith.fptosi %mul3A_3510 : vector<16xf32> to vector<16xi32>
    %mul3A_3512 = arith.constant 500000 : i32
    %mul3A_3513 = vector.broadcast %mul3A_3512 : i32 to vector<16xi32>
    %mul3A_3514 = arith.muli %convert_element_type3A_3511, %mul3A_3513 : vector<16xi32>
    %sub3A_3515 = arith.subi %max3A_3508, %mul3A_3514 : vector<16xi32>
    %lt3A_3516 = arith.constant 0 : i32
    %lt3A_3517 = vector.broadcast %lt3A_3516 : i32 to vector<16xi32>
    %lt3A_3518 = arith.cmpi slt, %sub3A_3515, %lt3A_3517 : vector<16xi32>
    %add3A_3519 = arith.addi %sub3A_3515, %broadcast_in_dim3A_6 : vector<16xi32>
    %select_n3A_3520 = arith.select %lt3A_3518, %add3A_3519, %sub3A_3515 : vector<16xi1>, vector<16xi32>
    %ge3A_3521 = arith.constant 500000 : i32
    %ge3A_3522 = vector.broadcast %ge3A_3521 : i32 to vector<16xi32>
    %ge3A_3523 = arith.cmpi sge, %select_n3A_3520, %ge3A_3522 : vector<16xi32>
    %sub3A_3524 = arith.subi %select_n3A_3520, %broadcast_in_dim3A_6 : vector<16xi32>
    %select_n3A_3525 = arith.select %ge3A_3523, %sub3A_3524, %select_n3A_3520 : vector<16xi1>, vector<16xi32>
    %swap3A_3526 = arith.constant 10 : i64
    %swap3A_3527 = arith.index_cast %swap3A_3526 : i64 to index
    %swap3A_3528 = arith.constant 80 : index
    %swap3A_3529 = tpu.vector_load %arg11[%swap3A_3527, %swap3A_3528] {strides = array<i32>} : memref<12x128xi32, #tpu.memory_space<vmem>>, vector<1x16xi32>,
    %swap3A_3530 = vector.shape_cast %swap3A_3529 : vector<1x16xi32> to vector<16xi32>
    %swap3A_3531 = vector.shape_cast %select_n3A_3525 : vector<16xi32> to vector<1x16xi32>
    tpu.vector_store %arg11[%swap3A_3527, %swap3A_3528], %swap3A_3531 {strides = array<i32>} : memref<12x128xi32, #tpu.memory_space<vmem>>, vector<1x16xi32>,
    %add3A_3532 = arith.constant 8 : i32
    %add3A_3533 = arith.addi %add3A_3346, %add3A_3532 : i32
    %sub3A_3534 = arith.constant 1 : i32
    %sub3A_3535 = arith.subi %add3A_3533, %sub3A_3534 : i32
    %get3A_3536 = arith.index_cast %sub3A_3535 : i32 to index
    %get3A_3537 = tpu.vector_load %arg10[%get3A_3536] {strides = array<i32>} : memref<8208xi32, #tpu.memory_space<vmem>>, vector<16xi32>,
    %get3A_3538 = vector.shape_cast %get3A_3537 : vector<16xi32> to vector<16xi32>
    %mul3A_3539 = arith.constant 427936 : i32
    %mul3A_3540 = vector.broadcast %mul3A_3539 : i32 to vector<16xi32>
    %mul3A_3541 = arith.muli %get3A_3538, %mul3A_3540 : vector<16xi32>
    %add3A_3542 = arith.addi %add3A_3507, %mul3A_3541 : vector<16xi32>
    %add3A_3543 = arith.constant 7 : i32
    %add3A_3544 = arith.addi %add3A_3346, %add3A_3543 : i32
    %get3A_3545 = arith.index_cast %add3A_3544 : i32 to index
    %get3A_3546 = tpu.vector_load %arg10[%get3A_3545] {strides = array<i32>} : memref<8208xi32, #tpu.memory_space<vmem>>, vector<16xi32>,
    %get3A_3547 = vector.shape_cast %get3A_3546 : vector<16xi32> to vector<16xi32>
    %ge3A_3548 = arith.constant 128 : i32
    %ge3A_3549 = vector.broadcast %ge3A_3548 : i32 to vector<16xi32>
    %ge3A_3550 = arith.cmpi sge, %get3A_3547, %ge3A_3549 : vector<16xi32>
    %select_n3A_3551 = arith.select %ge3A_3550, %broadcast_in_dim3A_10, %broadcast_in_dim3A_8 : vector<16xi1>, vector<16xi32>
    %add3A_3552 = arith.addi %add3A_3542, %select_n3A_3551 : vector<16xi32>
    %max3A_3553 = arith.maxsi %add3A_3552, %broadcast_in_dim3A_8 : vector<16xi32>
    %convert_element_type3A_3554 = arith.sitofp %max3A_3553 : vector<16xi32> to vector<16xf32>
    %mul3A_3555 = arith.mulf %convert_element_type3A_3554, %broadcast_in_dim3A_12 : vector<16xf32>
    %convert_element_type3A_3556 = arith.fptosi %mul3A_3555 : vector<16xf32> to vector<16xi32>
    %mul3A_3557 = arith.constant 500000 : i32
    %mul3A_3558 = vector.broadcast %mul3A_3557 : i32 to vector<16xi32>
    %mul3A_3559 = arith.muli %convert_element_type3A_3556, %mul3A_3558 : vector<16xi32>
    %sub3A_3560 = arith.subi %max3A_3553, %mul3A_3559 : vector<16xi32>
    %lt3A_3561 = arith.constant 0 : i32
    %lt3A_3562 = vector.broadcast %lt3A_3561 : i32 to vector<16xi32>
    %lt3A_3563 = arith.cmpi slt, %sub3A_3560, %lt3A_3562 : vector<16xi32>
    %add3A_3564 = arith.addi %sub3A_3560, %broadcast_in_dim3A_6 : vector<16xi32>
    %select_n3A_3565 = arith.select %lt3A_3563, %add3A_3564, %sub3A_3560 : vector<16xi1>, vector<16xi32>
    %ge3A_3566 = arith.constant 500000 : i32
    %ge3A_3567 = vector.broadcast %ge3A_3566 : i32 to vector<16xi32>
    %ge3A_3568 = arith.cmpi sge, %select_n3A_3565, %ge3A_3567 : vector<16xi32>
    %sub3A_3569 = arith.subi %select_n3A_3565, %broadcast_in_dim3A_6 : vector<16xi32>
    %select_n3A_3570 = arith.select %ge3A_3568, %sub3A_3569, %select_n3A_3565 : vector<16xi1>, vector<16xi32>
    %swap3A_3571 = arith.constant 11 : i64
    %swap3A_3572 = arith.index_cast %swap3A_3571 : i64 to index
    %swap3A_3573 = arith.constant 80 : index
    %swap3A_3574 = tpu.vector_load %arg11[%swap3A_3572, %swap3A_3573] {strides = array<i32>} : memref<12x128xi32, #tpu.memory_space<vmem>>, vector<1x16xi32>,
    %swap3A_3575 = vector.shape_cast %swap3A_3574 : vector<1x16xi32> to vector<16xi32>
    %swap3A_3576 = vector.shape_cast %select_n3A_3570 : vector<16xi32> to vector<1x16xi32>
    tpu.vector_store %arg11[%swap3A_3572, %swap3A_3573], %swap3A_3576 {strides = array<i32>} : memref<12x128xi32, #tpu.memory_space<vmem>>, vector<1x16xi32>,
    %add3A_3577 = arith.constant 96 : i32
    %add3A_3578 = arith.addi %add3A_2184, %add3A_3577 : i32
    %get3A_3579 = arith.index_cast %add3A_3578 : i32 to index
    %get3A_3580 = tpu.vector_load %arg10[%get3A_3579] {strides = array<i32>} : memref<8208xi32, #tpu.memory_space<vmem>>, vector<16xi32>,
    %get3A_3581 = vector.shape_cast %get3A_3580 : vector<16xi32> to vector<16xi32>
    %add3A_3582 = arith.constant 1 : i32
    %add3A_3583 = arith.addi %add3A_3578, %add3A_3582 : i32
    %get3A_3584 = arith.index_cast %add3A_3583 : i32 to index
    %get3A_3585 = tpu.vector_load %arg10[%get3A_3584] {strides = array<i32>} : memref<8208xi32, #tpu.memory_space<vmem>>, vector<16xi32>,
    %get3A_3586 = vector.shape_cast %get3A_3585 : vector<16xi32> to vector<16xi32>
    %mul3A_3587 = arith.constant 256 : i32
    %mul3A_3588 = vector.broadcast %mul3A_3587 : i32 to vector<16xi32>
    %mul3A_3589 = arith.muli %get3A_3586, %mul3A_3588 : vector<16xi32>
    %add3A_3590 = arith.addi %get3A_3581, %mul3A_3589 : vector<16xi32>
    %add3A_3591 = arith.constant 2 : i32
    %add3A_3592 = arith.addi %add3A_3578, %add3A_3591 : i32
    %get3A_3593 = arith.index_cast %add3A_3592 : i32 to index
    %get3A_3594 = tpu.vector_load %arg10[%get3A_3593] {strides = array<i32>} : memref<8208xi32, #tpu.memory_space<vmem>>, vector<16xi32>,
    %get3A_3595 = vector.shape_cast %get3A_3594 : vector<16xi32> to vector<16xi32>
    %mul3A_3596 = arith.constant 65536 : i32
    %mul3A_3597 = vector.broadcast %mul3A_3596 : i32 to vector<16xi32>
    %mul3A_3598 = arith.muli %get3A_3595, %mul3A_3597 : vector<16xi32>
    %add3A_3599 = arith.addi %add3A_3590, %mul3A_3598 : vector<16xi32>
    %max3A_3600 = arith.maxsi %add3A_3599, %broadcast_in_dim3A_8 : vector<16xi32>
    %convert_element_type3A_3601 = arith.sitofp %max3A_3600 : vector<16xi32> to vector<16xf32>
    %mul3A_3602 = arith.mulf %convert_element_type3A_3601, %broadcast_in_dim3A_12 : vector<16xf32>
    %convert_element_type3A_3603 = arith.fptosi %mul3A_3602 : vector<16xf32> to vector<16xi32>
    %mul3A_3604 = arith.constant 500000 : i32
    %mul3A_3605 = vector.broadcast %mul3A_3604 : i32 to vector<16xi32>
    %mul3A_3606 = arith.muli %convert_element_type3A_3603, %mul3A_3605 : vector<16xi32>
    %sub3A_3607 = arith.subi %max3A_3600, %mul3A_3606 : vector<16xi32>
    %lt3A_3608 = arith.constant 0 : i32
    %lt3A_3609 = vector.broadcast %lt3A_3608 : i32 to vector<16xi32>
    %lt3A_3610 = arith.cmpi slt, %sub3A_3607, %lt3A_3609 : vector<16xi32>
    %add3A_3611 = arith.addi %sub3A_3607, %broadcast_in_dim3A_6 : vector<16xi32>
    %select_n3A_3612 = arith.select %lt3A_3610, %add3A_3611, %sub3A_3607 : vector<16xi1>, vector<16xi32>
    %ge3A_3613 = arith.constant 500000 : i32
    %ge3A_3614 = vector.broadcast %ge3A_3613 : i32 to vector<16xi32>
    %ge3A_3615 = arith.cmpi sge, %select_n3A_3612, %ge3A_3614 : vector<16xi32>
    %sub3A_3616 = arith.subi %select_n3A_3612, %broadcast_in_dim3A_6 : vector<16xi32>
    %select_n3A_3617 = arith.select %ge3A_3615, %sub3A_3616, %select_n3A_3612 : vector<16xi1>, vector<16xi32>
    %swap3A_3618 = arith.constant 6 : i64
    %swap3A_3619 = arith.index_cast %swap3A_3618 : i64 to index
    %swap3A_3620 = arith.constant 96 : index
    %swap3A_3621 = tpu.vector_load %arg11[%swap3A_3619, %swap3A_3620] {strides = array<i32>} : memref<12x128xi32, #tpu.memory_space<vmem>>, vector<1x16xi32>,
    %swap3A_3622 = vector.shape_cast %swap3A_3621 : vector<1x16xi32> to vector<16xi32>
    %swap3A_3623 = vector.shape_cast %select_n3A_3617 : vector<16xi32> to vector<1x16xi32>
    tpu.vector_store %arg11[%swap3A_3619, %swap3A_3620], %swap3A_3623 {strides = array<i32>} : memref<12x128xi32, #tpu.memory_space<vmem>>, vector<1x16xi32>,
    %add3A_3624 = arith.constant 4 : i32
    %add3A_3625 = arith.addi %add3A_3578, %add3A_3624 : i32
    %sub3A_3626 = arith.constant 1 : i32
    %sub3A_3627 = arith.subi %add3A_3625, %sub3A_3626 : i32
    %get3A_3628 = arith.index_cast %sub3A_3627 : i32 to index
    %get3A_3629 = tpu.vector_load %arg10[%get3A_3628] {strides = array<i32>} : memref<8208xi32, #tpu.memory_space<vmem>>, vector<16xi32>,
    %get3A_3630 = vector.shape_cast %get3A_3629 : vector<16xi32> to vector<16xi32>
    %mul3A_3631 = arith.constant 277216 : i32
    %mul3A_3632 = vector.broadcast %mul3A_3631 : i32 to vector<16xi32>
    %mul3A_3633 = arith.muli %get3A_3630, %mul3A_3632 : vector<16xi32>
    %add3A_3634 = arith.addi %add3A_3599, %mul3A_3633 : vector<16xi32>
    %max3A_3635 = arith.maxsi %add3A_3634, %broadcast_in_dim3A_8 : vector<16xi32>
    %convert_element_type3A_3636 = arith.sitofp %max3A_3635 : vector<16xi32> to vector<16xf32>
    %mul3A_3637 = arith.mulf %convert_element_type3A_3636, %broadcast_in_dim3A_12 : vector<16xf32>
    %convert_element_type3A_3638 = arith.fptosi %mul3A_3637 : vector<16xf32> to vector<16xi32>
    %mul3A_3639 = arith.constant 500000 : i32
    %mul3A_3640 = vector.broadcast %mul3A_3639 : i32 to vector<16xi32>
    %mul3A_3641 = arith.muli %convert_element_type3A_3638, %mul3A_3640 : vector<16xi32>
    %sub3A_3642 = arith.subi %max3A_3635, %mul3A_3641 : vector<16xi32>
    %lt3A_3643 = arith.constant 0 : i32
    %lt3A_3644 = vector.broadcast %lt3A_3643 : i32 to vector<16xi32>
    %lt3A_3645 = arith.cmpi slt, %sub3A_3642, %lt3A_3644 : vector<16xi32>
    %add3A_3646 = arith.addi %sub3A_3642, %broadcast_in_dim3A_6 : vector<16xi32>
    %select_n3A_3647 = arith.select %lt3A_3645, %add3A_3646, %sub3A_3642 : vector<16xi1>, vector<16xi32>
    %ge3A_3648 = arith.constant 500000 : i32
    %ge3A_3649 = vector.broadcast %ge3A_3648 : i32 to vector<16xi32>
    %ge3A_3650 = arith.cmpi sge, %select_n3A_3647, %ge3A_3649 : vector<16xi32>
    %sub3A_3651 = arith.subi %select_n3A_3647, %broadcast_in_dim3A_6 : vector<16xi32>
    %select_n3A_3652 = arith.select %ge3A_3650, %sub3A_3651, %select_n3A_3647 : vector<16xi1>, vector<16xi32>
    %swap3A_3653 = arith.constant 7 : i64
    %swap3A_3654 = arith.index_cast %swap3A_3653 : i64 to index
    %swap3A_3655 = arith.constant 96 : index
    %swap3A_3656 = tpu.vector_load %arg11[%swap3A_3654, %swap3A_3655] {strides = array<i32>} : memref<12x128xi32, #tpu.memory_space<vmem>>, vector<1x16xi32>,
    %swap3A_3657 = vector.shape_cast %swap3A_3656 : vector<1x16xi32> to vector<16xi32>
    %swap3A_3658 = vector.shape_cast %select_n3A_3652 : vector<16xi32> to vector<1x16xi32>
    tpu.vector_store %arg11[%swap3A_3654, %swap3A_3655], %swap3A_3658 {strides = array<i32>} : memref<12x128xi32, #tpu.memory_space<vmem>>, vector<1x16xi32>,
    %add3A_3659 = arith.constant 5 : i32
    %add3A_3660 = arith.addi %add3A_3578, %add3A_3659 : i32
    %sub3A_3661 = arith.constant 1 : i32
    %sub3A_3662 = arith.subi %add3A_3660, %sub3A_3661 : i32
    %get3A_3663 = arith.index_cast %sub3A_3662 : i32 to index
    %get3A_3664 = tpu.vector_load %arg10[%get3A_3663] {strides = array<i32>} : memref<8208xi32, #tpu.memory_space<vmem>>, vector<16xi32>,
    %get3A_3665 = vector.shape_cast %get3A_3664 : vector<16xi32> to vector<16xi32>
    %mul3A_3666 = arith.constant 467296 : i32
    %mul3A_3667 = vector.broadcast %mul3A_3666 : i32 to vector<16xi32>
    %mul3A_3668 = arith.muli %get3A_3665, %mul3A_3667 : vector<16xi32>
    %add3A_3669 = arith.addi %add3A_3634, %mul3A_3668 : vector<16xi32>
    %max3A_3670 = arith.maxsi %add3A_3669, %broadcast_in_dim3A_8 : vector<16xi32>
    %convert_element_type3A_3671 = arith.sitofp %max3A_3670 : vector<16xi32> to vector<16xf32>
    %mul3A_3672 = arith.mulf %convert_element_type3A_3671, %broadcast_in_dim3A_12 : vector<16xf32>
    %convert_element_type3A_3673 = arith.fptosi %mul3A_3672 : vector<16xf32> to vector<16xi32>
    %mul3A_3674 = arith.constant 500000 : i32
    %mul3A_3675 = vector.broadcast %mul3A_3674 : i32 to vector<16xi32>
    %mul3A_3676 = arith.muli %convert_element_type3A_3673, %mul3A_3675 : vector<16xi32>
    %sub3A_3677 = arith.subi %max3A_3670, %mul3A_3676 : vector<16xi32>
    %lt3A_3678 = arith.constant 0 : i32
    %lt3A_3679 = vector.broadcast %lt3A_3678 : i32 to vector<16xi32>
    %lt3A_3680 = arith.cmpi slt, %sub3A_3677, %lt3A_3679 : vector<16xi32>
    %add3A_3681 = arith.addi %sub3A_3677, %broadcast_in_dim3A_6 : vector<16xi32>
    %select_n3A_3682 = arith.select %lt3A_3680, %add3A_3681, %sub3A_3677 : vector<16xi1>, vector<16xi32>
    %ge3A_3683 = arith.constant 500000 : i32
    %ge3A_3684 = vector.broadcast %ge3A_3683 : i32 to vector<16xi32>
    %ge3A_3685 = arith.cmpi sge, %select_n3A_3682, %ge3A_3684 : vector<16xi32>
    %sub3A_3686 = arith.subi %select_n3A_3682, %broadcast_in_dim3A_6 : vector<16xi32>
    %select_n3A_3687 = arith.select %ge3A_3685, %sub3A_3686, %select_n3A_3682 : vector<16xi1>, vector<16xi32>
    %swap3A_3688 = arith.constant 8 : i64
    %swap3A_3689 = arith.index_cast %swap3A_3688 : i64 to index
    %swap3A_3690 = arith.constant 96 : index
    %swap3A_3691 = tpu.vector_load %arg11[%swap3A_3689, %swap3A_3690] {strides = array<i32>} : memref<12x128xi32, #tpu.memory_space<vmem>>, vector<1x16xi32>,
    %swap3A_3692 = vector.shape_cast %swap3A_3691 : vector<1x16xi32> to vector<16xi32>
    %swap3A_3693 = vector.shape_cast %select_n3A_3687 : vector<16xi32> to vector<1x16xi32>
    tpu.vector_store %arg11[%swap3A_3689, %swap3A_3690], %swap3A_3693 {strides = array<i32>} : memref<12x128xi32, #tpu.memory_space<vmem>>, vector<1x16xi32>,
    %add3A_3694 = arith.constant 6 : i32
    %add3A_3695 = arith.addi %add3A_3578, %add3A_3694 : i32
    %sub3A_3696 = arith.constant 1 : i32
    %sub3A_3697 = arith.subi %add3A_3695, %sub3A_3696 : i32
    %get3A_3698 = arith.index_cast %sub3A_3697 : i32 to index
    %get3A_3699 = tpu.vector_load %arg10[%get3A_3698] {strides = array<i32>} : memref<8208xi32, #tpu.memory_space<vmem>>, vector<16xi32>,
    %get3A_3700 = vector.shape_cast %get3A_3699 : vector<16xi32> to vector<16xi32>
    %mul3A_3701 = arith.constant 127776 : i32
    %mul3A_3702 = vector.broadcast %mul3A_3701 : i32 to vector<16xi32>
    %mul3A_3703 = arith.muli %get3A_3700, %mul3A_3702 : vector<16xi32>
    %add3A_3704 = arith.addi %add3A_3669, %mul3A_3703 : vector<16xi32>
    %max3A_3705 = arith.maxsi %add3A_3704, %broadcast_in_dim3A_8 : vector<16xi32>
    %convert_element_type3A_3706 = arith.sitofp %max3A_3705 : vector<16xi32> to vector<16xf32>
    %mul3A_3707 = arith.mulf %convert_element_type3A_3706, %broadcast_in_dim3A_12 : vector<16xf32>
    %convert_element_type3A_3708 = arith.fptosi %mul3A_3707 : vector<16xf32> to vector<16xi32>
    %mul3A_3709 = arith.constant 500000 : i32
    %mul3A_3710 = vector.broadcast %mul3A_3709 : i32 to vector<16xi32>
    %mul3A_3711 = arith.muli %convert_element_type3A_3708, %mul3A_3710 : vector<16xi32>
    %sub3A_3712 = arith.subi %max3A_3705, %mul3A_3711 : vector<16xi32>
    %lt3A_3713 = arith.constant 0 : i32
    %lt3A_3714 = vector.broadcast %lt3A_3713 : i32 to vector<16xi32>
    %lt3A_3715 = arith.cmpi slt, %sub3A_3712, %lt3A_3714 : vector<16xi32>
    %add3A_3716 = arith.addi %sub3A_3712, %broadcast_in_dim3A_6 : vector<16xi32>
    %select_n3A_3717 = arith.select %lt3A_3715, %add3A_3716, %sub3A_3712 : vector<16xi1>, vector<16xi32>
    %ge3A_3718 = arith.constant 500000 : i32
    %ge3A_3719 = vector.broadcast %ge3A_3718 : i32 to vector<16xi32>
    %ge3A_3720 = arith.cmpi sge, %select_n3A_3717, %ge3A_3719 : vector<16xi32>
    %sub3A_3721 = arith.subi %select_n3A_3717, %broadcast_in_dim3A_6 : vector<16xi32>
    %select_n3A_3722 = arith.select %ge3A_3720, %sub3A_3721, %select_n3A_3717 : vector<16xi1>, vector<16xi32>
    %swap3A_3723 = arith.constant 9 : i64
    %swap3A_3724 = arith.index_cast %swap3A_3723 : i64 to index
    %swap3A_3725 = arith.constant 96 : index
    %swap3A_3726 = tpu.vector_load %arg11[%swap3A_3724, %swap3A_3725] {strides = array<i32>} : memref<12x128xi32, #tpu.memory_space<vmem>>, vector<1x16xi32>,
    %swap3A_3727 = vector.shape_cast %swap3A_3726 : vector<1x16xi32> to vector<16xi32>
    %swap3A_3728 = vector.shape_cast %select_n3A_3722 : vector<16xi32> to vector<1x16xi32>
    tpu.vector_store %arg11[%swap3A_3724, %swap3A_3725], %swap3A_3728 {strides = array<i32>} : memref<12x128xi32, #tpu.memory_space<vmem>>, vector<1x16xi32>,
    %add3A_3729 = arith.constant 7 : i32
    %add3A_3730 = arith.addi %add3A_3578, %add3A_3729 : i32
    %sub3A_3731 = arith.constant 1 : i32
    %sub3A_3732 = arith.subi %add3A_3730, %sub3A_3731 : i32
    %get3A_3733 = arith.index_cast %sub3A_3732 : i32 to index
    %get3A_3734 = tpu.vector_load %arg10[%get3A_3733] {strides = array<i32>} : memref<8208xi32, #tpu.memory_space<vmem>>, vector<16xi32>,
    %get3A_3735 = vector.shape_cast %get3A_3734 : vector<16xi32> to vector<16xi32>
    %mul3A_3736 = arith.constant 210656 : i32
    %mul3A_3737 = vector.broadcast %mul3A_3736 : i32 to vector<16xi32>
    %mul3A_3738 = arith.muli %get3A_3735, %mul3A_3737 : vector<16xi32>
    %add3A_3739 = arith.addi %add3A_3704, %mul3A_3738 : vector<16xi32>
    %max3A_3740 = arith.maxsi %add3A_3739, %broadcast_in_dim3A_8 : vector<16xi32>
    %convert_element_type3A_3741 = arith.sitofp %max3A_3740 : vector<16xi32> to vector<16xf32>
    %mul3A_3742 = arith.mulf %convert_element_type3A_3741, %broadcast_in_dim3A_12 : vector<16xf32>
    %convert_element_type3A_3743 = arith.fptosi %mul3A_3742 : vector<16xf32> to vector<16xi32>
    %mul3A_3744 = arith.constant 500000 : i32
    %mul3A_3745 = vector.broadcast %mul3A_3744 : i32 to vector<16xi32>
    %mul3A_3746 = arith.muli %convert_element_type3A_3743, %mul3A_3745 : vector<16xi32>
    %sub3A_3747 = arith.subi %max3A_3740, %mul3A_3746 : vector<16xi32>
    %lt3A_3748 = arith.constant 0 : i32
    %lt3A_3749 = vector.broadcast %lt3A_3748 : i32 to vector<16xi32>
    %lt3A_3750 = arith.cmpi slt, %sub3A_3747, %lt3A_3749 : vector<16xi32>
    %add3A_3751 = arith.addi %sub3A_3747, %broadcast_in_dim3A_6 : vector<16xi32>
    %select_n3A_3752 = arith.select %lt3A_3750, %add3A_3751, %sub3A_3747 : vector<16xi1>, vector<16xi32>
    %ge3A_3753 = arith.constant 500000 : i32
    %ge3A_3754 = vector.broadcast %ge3A_3753 : i32 to vector<16xi32>
    %ge3A_3755 = arith.cmpi sge, %select_n3A_3752, %ge3A_3754 : vector<16xi32>
    %sub3A_3756 = arith.subi %select_n3A_3752, %broadcast_in_dim3A_6 : vector<16xi32>
    %select_n3A_3757 = arith.select %ge3A_3755, %sub3A_3756, %select_n3A_3752 : vector<16xi1>, vector<16xi32>
    %swap3A_3758 = arith.constant 10 : i64
    %swap3A_3759 = arith.index_cast %swap3A_3758 : i64 to index
    %swap3A_3760 = arith.constant 96 : index
    %swap3A_3761 = tpu.vector_load %arg11[%swap3A_3759, %swap3A_3760] {strides = array<i32>} : memref<12x128xi32, #tpu.memory_space<vmem>>, vector<1x16xi32>,
    %swap3A_3762 = vector.shape_cast %swap3A_3761 : vector<1x16xi32> to vector<16xi32>
    %swap3A_3763 = vector.shape_cast %select_n3A_3757 : vector<16xi32> to vector<1x16xi32>
    tpu.vector_store %arg11[%swap3A_3759, %swap3A_3760], %swap3A_3763 {strides = array<i32>} : memref<12x128xi32, #tpu.memory_space<vmem>>, vector<1x16xi32>,
    %add3A_3764 = arith.constant 8 : i32
    %add3A_3765 = arith.addi %add3A_3578, %add3A_3764 : i32
    %sub3A_3766 = arith.constant 1 : i32
    %sub3A_3767 = arith.subi %add3A_3765, %sub3A_3766 : i32
    %get3A_3768 = arith.index_cast %sub3A_3767 : i32 to index
    %get3A_3769 = tpu.vector_load %arg10[%get3A_3768] {strides = array<i32>} : memref<8208xi32, #tpu.memory_space<vmem>>, vector<16xi32>,
    %get3A_3770 = vector.shape_cast %get3A_3769 : vector<16xi32> to vector<16xi32>
    %mul3A_3771 = arith.constant 427936 : i32
    %mul3A_3772 = vector.broadcast %mul3A_3771 : i32 to vector<16xi32>
    %mul3A_3773 = arith.muli %get3A_3770, %mul3A_3772 : vector<16xi32>
    %add3A_3774 = arith.addi %add3A_3739, %mul3A_3773 : vector<16xi32>
    %add3A_3775 = arith.constant 7 : i32
    %add3A_3776 = arith.addi %add3A_3578, %add3A_3775 : i32
    %get3A_3777 = arith.index_cast %add3A_3776 : i32 to index
    %get3A_3778 = tpu.vector_load %arg10[%get3A_3777] {strides = array<i32>} : memref<8208xi32, #tpu.memory_space<vmem>>, vector<16xi32>,
    %get3A_3779 = vector.shape_cast %get3A_3778 : vector<16xi32> to vector<16xi32>
    %ge3A_3780 = arith.constant 128 : i32
    %ge3A_3781 = vector.broadcast %ge3A_3780 : i32 to vector<16xi32>
    %ge3A_3782 = arith.cmpi sge, %get3A_3779, %ge3A_3781 : vector<16xi32>
    %select_n3A_3783 = arith.select %ge3A_3782, %broadcast_in_dim3A_10, %broadcast_in_dim3A_8 : vector<16xi1>, vector<16xi32>
    %add3A_3784 = arith.addi %add3A_3774, %select_n3A_3783 : vector<16xi32>
    %max3A_3785 = arith.maxsi %add3A_3784, %broadcast_in_dim3A_8 : vector<16xi32>
    %convert_element_type3A_3786 = arith.sitofp %max3A_3785 : vector<16xi32> to vector<16xf32>
    %mul3A_3787 = arith.mulf %convert_element_type3A_3786, %broadcast_in_dim3A_12 : vector<16xf32>
    %convert_element_type3A_3788 = arith.fptosi %mul3A_3787 : vector<16xf32> to vector<16xi32>
    %mul3A_3789 = arith.constant 500000 : i32
    %mul3A_3790 = vector.broadcast %mul3A_3789 : i32 to vector<16xi32>
    %mul3A_3791 = arith.muli %convert_element_type3A_3788, %mul3A_3790 : vector<16xi32>
    %sub3A_3792 = arith.subi %max3A_3785, %mul3A_3791 : vector<16xi32>
    %lt3A_3793 = arith.constant 0 : i32
    %lt3A_3794 = vector.broadcast %lt3A_3793 : i32 to vector<16xi32>
    %lt3A_3795 = arith.cmpi slt, %sub3A_3792, %lt3A_3794 : vector<16xi32>
    %add3A_3796 = arith.addi %sub3A_3792, %broadcast_in_dim3A_6 : vector<16xi32>
    %select_n3A_3797 = arith.select %lt3A_3795, %add3A_3796, %sub3A_3792 : vector<16xi1>, vector<16xi32>
    %ge3A_3798 = arith.constant 500000 : i32
    %ge3A_3799 = vector.broadcast %ge3A_3798 : i32 to vector<16xi32>
    %ge3A_3800 = arith.cmpi sge, %select_n3A_3797, %ge3A_3799 : vector<16xi32>
    %sub3A_3801 = arith.subi %select_n3A_3797, %broadcast_in_dim3A_6 : vector<16xi32>
    %select_n3A_3802 = arith.select %ge3A_3800, %sub3A_3801, %select_n3A_3797 : vector<16xi1>, vector<16xi32>
    %swap3A_3803 = arith.constant 11 : i64
    %swap3A_3804 = arith.index_cast %swap3A_3803 : i64 to index
    %swap3A_3805 = arith.constant 96 : index
    %swap3A_3806 = tpu.vector_load %arg11[%swap3A_3804, %swap3A_3805] {strides = array<i32>} : memref<12x128xi32, #tpu.memory_space<vmem>>, vector<1x16xi32>,
    %swap3A_3807 = vector.shape_cast %swap3A_3806 : vector<1x16xi32> to vector<16xi32>
    %swap3A_3808 = vector.shape_cast %select_n3A_3802 : vector<16xi32> to vector<1x16xi32>
    tpu.vector_store %arg11[%swap3A_3804, %swap3A_3805], %swap3A_3808 {strides = array<i32>} : memref<12x128xi32, #tpu.memory_space<vmem>>, vector<1x16xi32>,
    %add3A_3809 = arith.constant 112 : i32
    %add3A_3810 = arith.addi %add3A_2184, %add3A_3809 : i32
    %get3A_3811 = arith.index_cast %add3A_3810 : i32 to index
    %get3A_3812 = tpu.vector_load %arg10[%get3A_3811] {strides = array<i32>} : memref<8208xi32, #tpu.memory_space<vmem>>, vector<16xi32>,
    %get3A_3813 = vector.shape_cast %get3A_3812 : vector<16xi32> to vector<16xi32>
    %add3A_3814 = arith.constant 1 : i32
    %add3A_3815 = arith.addi %add3A_3810, %add3A_3814 : i32
    %get3A_3816 = arith.index_cast %add3A_3815 : i32 to index
    %get3A_3817 = tpu.vector_load %arg10[%get3A_3816] {strides = array<i32>} : memref<8208xi32, #tpu.memory_space<vmem>>, vector<16xi32>,
    %get3A_3818 = vector.shape_cast %get3A_3817 : vector<16xi32> to vector<16xi32>
    %mul3A_3819 = arith.constant 256 : i32
    %mul3A_3820 = vector.broadcast %mul3A_3819 : i32 to vector<16xi32>
    %mul3A_3821 = arith.muli %get3A_3818, %mul3A_3820 : vector<16xi32>
    %add3A_3822 = arith.addi %get3A_3813, %mul3A_3821 : vector<16xi32>
    %add3A_3823 = arith.constant 2 : i32
    %add3A_3824 = arith.addi %add3A_3810, %add3A_3823 : i32
    %get3A_3825 = arith.index_cast %add3A_3824 : i32 to index
    %get3A_3826 = tpu.vector_load %arg10[%get3A_3825] {strides = array<i32>} : memref<8208xi32, #tpu.memory_space<vmem>>, vector<16xi32>,
    %get3A_3827 = vector.shape_cast %get3A_3826 : vector<16xi32> to vector<16xi32>
    %mul3A_3828 = arith.constant 65536 : i32
    %mul3A_3829 = vector.broadcast %mul3A_3828 : i32 to vector<16xi32>
    %mul3A_3830 = arith.muli %get3A_3827, %mul3A_3829 : vector<16xi32>
    %add3A_3831 = arith.addi %add3A_3822, %mul3A_3830 : vector<16xi32>
    %max3A_3832 = arith.maxsi %add3A_3831, %broadcast_in_dim3A_8 : vector<16xi32>
    %convert_element_type3A_3833 = arith.sitofp %max3A_3832 : vector<16xi32> to vector<16xf32>
    %mul3A_3834 = arith.mulf %convert_element_type3A_3833, %broadcast_in_dim3A_12 : vector<16xf32>
    %convert_element_type3A_3835 = arith.fptosi %mul3A_3834 : vector<16xf32> to vector<16xi32>
    %mul3A_3836 = arith.constant 500000 : i32
    %mul3A_3837 = vector.broadcast %mul3A_3836 : i32 to vector<16xi32>
    %mul3A_3838 = arith.muli %convert_element_type3A_3835, %mul3A_3837 : vector<16xi32>
    %sub3A_3839 = arith.subi %max3A_3832, %mul3A_3838 : vector<16xi32>
    %lt3A_3840 = arith.constant 0 : i32
    %lt3A_3841 = vector.broadcast %lt3A_3840 : i32 to vector<16xi32>
    %lt3A_3842 = arith.cmpi slt, %sub3A_3839, %lt3A_3841 : vector<16xi32>
    %add3A_3843 = arith.addi %sub3A_3839, %broadcast_in_dim3A_6 : vector<16xi32>
    %select_n3A_3844 = arith.select %lt3A_3842, %add3A_3843, %sub3A_3839 : vector<16xi1>, vector<16xi32>
    %ge3A_3845 = arith.constant 500000 : i32
    %ge3A_3846 = vector.broadcast %ge3A_3845 : i32 to vector<16xi32>
    %ge3A_3847 = arith.cmpi sge, %select_n3A_3844, %ge3A_3846 : vector<16xi32>
    %sub3A_3848 = arith.subi %select_n3A_3844, %broadcast_in_dim3A_6 : vector<16xi32>
    %select_n3A_3849 = arith.select %ge3A_3847, %sub3A_3848, %select_n3A_3844 : vector<16xi1>, vector<16xi32>
    %swap3A_3850 = arith.constant 6 : i64
    %swap3A_3851 = arith.index_cast %swap3A_3850 : i64 to index
    %swap3A_3852 = arith.constant 112 : index
    %swap3A_3853 = tpu.vector_load %arg11[%swap3A_3851, %swap3A_3852] {strides = array<i32>} : memref<12x128xi32, #tpu.memory_space<vmem>>, vector<1x16xi32>,
    %swap3A_3854 = vector.shape_cast %swap3A_3853 : vector<1x16xi32> to vector<16xi32>
    %swap3A_3855 = vector.shape_cast %select_n3A_3849 : vector<16xi32> to vector<1x16xi32>
    tpu.vector_store %arg11[%swap3A_3851, %swap3A_3852], %swap3A_3855 {strides = array<i32>} : memref<12x128xi32, #tpu.memory_space<vmem>>, vector<1x16xi32>,
    %add3A_3856 = arith.constant 4 : i32
    %add3A_3857 = arith.addi %add3A_3810, %add3A_3856 : i32
    %sub3A_3858 = arith.constant 1 : i32
    %sub3A_3859 = arith.subi %add3A_3857, %sub3A_3858 : i32
    %get3A_3860 = arith.index_cast %sub3A_3859 : i32 to index
    %get3A_3861 = tpu.vector_load %arg10[%get3A_3860] {strides = array<i32>} : memref<8208xi32, #tpu.memory_space<vmem>>, vector<16xi32>,
    %get3A_3862 = vector.shape_cast %get3A_3861 : vector<16xi32> to vector<16xi32>
    %mul3A_3863 = arith.constant 277216 : i32
    %mul3A_3864 = vector.broadcast %mul3A_3863 : i32 to vector<16xi32>
    %mul3A_3865 = arith.muli %get3A_3862, %mul3A_3864 : vector<16xi32>
    %add3A_3866 = arith.addi %add3A_3831, %mul3A_3865 : vector<16xi32>
    %max3A_3867 = arith.maxsi %add3A_3866, %broadcast_in_dim3A_8 : vector<16xi32>
    %convert_element_type3A_3868 = arith.sitofp %max3A_3867 : vector<16xi32> to vector<16xf32>
    %mul3A_3869 = arith.mulf %convert_element_type3A_3868, %broadcast_in_dim3A_12 : vector<16xf32>
    %convert_element_type3A_3870 = arith.fptosi %mul3A_3869 : vector<16xf32> to vector<16xi32>
    %mul3A_3871 = arith.constant 500000 : i32
    %mul3A_3872 = vector.broadcast %mul3A_3871 : i32 to vector<16xi32>
    %mul3A_3873 = arith.muli %convert_element_type3A_3870, %mul3A_3872 : vector<16xi32>
    %sub3A_3874 = arith.subi %max3A_3867, %mul3A_3873 : vector<16xi32>
    %lt3A_3875 = arith.constant 0 : i32
    %lt3A_3876 = vector.broadcast %lt3A_3875 : i32 to vector<16xi32>
    %lt3A_3877 = arith.cmpi slt, %sub3A_3874, %lt3A_3876 : vector<16xi32>
    %add3A_3878 = arith.addi %sub3A_3874, %broadcast_in_dim3A_6 : vector<16xi32>
    %select_n3A_3879 = arith.select %lt3A_3877, %add3A_3878, %sub3A_3874 : vector<16xi1>, vector<16xi32>
    %ge3A_3880 = arith.constant 500000 : i32
    %ge3A_3881 = vector.broadcast %ge3A_3880 : i32 to vector<16xi32>
    %ge3A_3882 = arith.cmpi sge, %select_n3A_3879, %ge3A_3881 : vector<16xi32>
    %sub3A_3883 = arith.subi %select_n3A_3879, %broadcast_in_dim3A_6 : vector<16xi32>
    %select_n3A_3884 = arith.select %ge3A_3882, %sub3A_3883, %select_n3A_3879 : vector<16xi1>, vector<16xi32>
    %swap3A_3885 = arith.constant 7 : i64
    %swap3A_3886 = arith.index_cast %swap3A_3885 : i64 to index
    %swap3A_3887 = arith.constant 112 : index
    %swap3A_3888 = tpu.vector_load %arg11[%swap3A_3886, %swap3A_3887] {strides = array<i32>} : memref<12x128xi32, #tpu.memory_space<vmem>>, vector<1x16xi32>,
    %swap3A_3889 = vector.shape_cast %swap3A_3888 : vector<1x16xi32> to vector<16xi32>
    %swap3A_3890 = vector.shape_cast %select_n3A_3884 : vector<16xi32> to vector<1x16xi32>
    tpu.vector_store %arg11[%swap3A_3886, %swap3A_3887], %swap3A_3890 {strides = array<i32>} : memref<12x128xi32, #tpu.memory_space<vmem>>, vector<1x16xi32>,
    %add3A_3891 = arith.constant 5 : i32
    %add3A_3892 = arith.addi %add3A_3810, %add3A_3891 : i32
    %sub3A_3893 = arith.constant 1 : i32
    %sub3A_3894 = arith.subi %add3A_3892, %sub3A_3893 : i32
    %get3A_3895 = arith.index_cast %sub3A_3894 : i32 to index
    %get3A_3896 = tpu.vector_load %arg10[%get3A_3895] {strides = array<i32>} : memref<8208xi32, #tpu.memory_space<vmem>>, vector<16xi32>,
    %get3A_3897 = vector.shape_cast %get3A_3896 : vector<16xi32> to vector<16xi32>
    %mul3A_3898 = arith.constant 467296 : i32
    %mul3A_3899 = vector.broadcast %mul3A_3898 : i32 to vector<16xi32>
    %mul3A_3900 = arith.muli %get3A_3897, %mul3A_3899 : vector<16xi32>
    %add3A_3901 = arith.addi %add3A_3866, %mul3A_3900 : vector<16xi32>
    %max3A_3902 = arith.maxsi %add3A_3901, %broadcast_in_dim3A_8 : vector<16xi32>
    %convert_element_type3A_3903 = arith.sitofp %max3A_3902 : vector<16xi32> to vector<16xf32>
    %mul3A_3904 = arith.mulf %convert_element_type3A_3903, %broadcast_in_dim3A_12 : vector<16xf32>
    %convert_element_type3A_3905 = arith.fptosi %mul3A_3904 : vector<16xf32> to vector<16xi32>
    %mul3A_3906 = arith.constant 500000 : i32
    %mul3A_3907 = vector.broadcast %mul3A_3906 : i32 to vector<16xi32>
    %mul3A_3908 = arith.muli %convert_element_type3A_3905, %mul3A_3907 : vector<16xi32>
    %sub3A_3909 = arith.subi %max3A_3902, %mul3A_3908 : vector<16xi32>
    %lt3A_3910 = arith.constant 0 : i32
    %lt3A_3911 = vector.broadcast %lt3A_3910 : i32 to vector<16xi32>
    %lt3A_3912 = arith.cmpi slt, %sub3A_3909, %lt3A_3911 : vector<16xi32>
    %add3A_3913 = arith.addi %sub3A_3909, %broadcast_in_dim3A_6 : vector<16xi32>
    %select_n3A_3914 = arith.select %lt3A_3912, %add3A_3913, %sub3A_3909 : vector<16xi1>, vector<16xi32>
    %ge3A_3915 = arith.constant 500000 : i32
    %ge3A_3916 = vector.broadcast %ge3A_3915 : i32 to vector<16xi32>
    %ge3A_3917 = arith.cmpi sge, %select_n3A_3914, %ge3A_3916 : vector<16xi32>
    %sub3A_3918 = arith.subi %select_n3A_3914, %broadcast_in_dim3A_6 : vector<16xi32>
    %select_n3A_3919 = arith.select %ge3A_3917, %sub3A_3918, %select_n3A_3914 : vector<16xi1>, vector<16xi32>
    %swap3A_3920 = arith.constant 8 : i64
    %swap3A_3921 = arith.index_cast %swap3A_3920 : i64 to index
    %swap3A_3922 = arith.constant 112 : index
    %swap3A_3923 = tpu.vector_load %arg11[%swap3A_3921, %swap3A_3922] {strides = array<i32>} : memref<12x128xi32, #tpu.memory_space<vmem>>, vector<1x16xi32>,
    %swap3A_3924 = vector.shape_cast %swap3A_3923 : vector<1x16xi32> to vector<16xi32>
    %swap3A_3925 = vector.shape_cast %select_n3A_3919 : vector<16xi32> to vector<1x16xi32>
    tpu.vector_store %arg11[%swap3A_3921, %swap3A_3922], %swap3A_3925 {strides = array<i32>} : memref<12x128xi32, #tpu.memory_space<vmem>>, vector<1x16xi32>,
    %add3A_3926 = arith.constant 6 : i32
    %add3A_3927 = arith.addi %add3A_3810, %add3A_3926 : i32
    %sub3A_3928 = arith.constant 1 : i32
    %sub3A_3929 = arith.subi %add3A_3927, %sub3A_3928 : i32
    %get3A_3930 = arith.index_cast %sub3A_3929 : i32 to index
    %get3A_3931 = tpu.vector_load %arg10[%get3A_3930] {strides = array<i32>} : memref<8208xi32, #tpu.memory_space<vmem>>, vector<16xi32>,
    %get3A_3932 = vector.shape_cast %get3A_3931 : vector<16xi32> to vector<16xi32>
    %mul3A_3933 = arith.constant 127776 : i32
    %mul3A_3934 = vector.broadcast %mul3A_3933 : i32 to vector<16xi32>
    %mul3A_3935 = arith.muli %get3A_3932, %mul3A_3934 : vector<16xi32>
    %add3A_3936 = arith.addi %add3A_3901, %mul3A_3935 : vector<16xi32>
    %max3A_3937 = arith.maxsi %add3A_3936, %broadcast_in_dim3A_8 : vector<16xi32>
    %convert_element_type3A_3938 = arith.sitofp %max3A_3937 : vector<16xi32> to vector<16xf32>
    %mul3A_3939 = arith.mulf %convert_element_type3A_3938, %broadcast_in_dim3A_12 : vector<16xf32>
    %convert_element_type3A_3940 = arith.fptosi %mul3A_3939 : vector<16xf32> to vector<16xi32>
    %mul3A_3941 = arith.constant 500000 : i32
    %mul3A_3942 = vector.broadcast %mul3A_3941 : i32 to vector<16xi32>
    %mul3A_3943 = arith.muli %convert_element_type3A_3940, %mul3A_3942 : vector<16xi32>
    %sub3A_3944 = arith.subi %max3A_3937, %mul3A_3943 : vector<16xi32>
    %lt3A_3945 = arith.constant 0 : i32
    %lt3A_3946 = vector.broadcast %lt3A_3945 : i32 to vector<16xi32>
    %lt3A_3947 = arith.cmpi slt, %sub3A_3944, %lt3A_3946 : vector<16xi32>
    %add3A_3948 = arith.addi %sub3A_3944, %broadcast_in_dim3A_6 : vector<16xi32>
    %select_n3A_3949 = arith.select %lt3A_3947, %add3A_3948, %sub3A_3944 : vector<16xi1>, vector<16xi32>
    %ge3A_3950 = arith.constant 500000 : i32
    %ge3A_3951 = vector.broadcast %ge3A_3950 : i32 to vector<16xi32>
    %ge3A_3952 = arith.cmpi sge, %select_n3A_3949, %ge3A_3951 : vector<16xi32>
    %sub3A_3953 = arith.subi %select_n3A_3949, %broadcast_in_dim3A_6 : vector<16xi32>
    %select_n3A_3954 = arith.select %ge3A_3952, %sub3A_3953, %select_n3A_3949 : vector<16xi1>, vector<16xi32>
    %swap3A_3955 = arith.constant 9 : i64
    %swap3A_3956 = arith.index_cast %swap3A_3955 : i64 to index
    %swap3A_3957 = arith.constant 112 : index
    %swap3A_3958 = tpu.vector_load %arg11[%swap3A_3956, %swap3A_3957] {strides = array<i32>} : memref<12x128xi32, #tpu.memory_space<vmem>>, vector<1x16xi32>,
    %swap3A_3959 = vector.shape_cast %swap3A_3958 : vector<1x16xi32> to vector<16xi32>
    %swap3A_3960 = vector.shape_cast %select_n3A_3954 : vector<16xi32> to vector<1x16xi32>
    tpu.vector_store %arg11[%swap3A_3956, %swap3A_3957], %swap3A_3960 {strides = array<i32>} : memref<12x128xi32, #tpu.memory_space<vmem>>, vector<1x16xi32>,
    %add3A_3961 = arith.constant 7 : i32
    %add3A_3962 = arith.addi %add3A_3810, %add3A_3961 : i32
    %sub3A_3963 = arith.constant 1 : i32
    %sub3A_3964 = arith.subi %add3A_3962, %sub3A_3963 : i32
    %get3A_3965 = arith.index_cast %sub3A_3964 : i32 to index
    %get3A_3966 = tpu.vector_load %arg10[%get3A_3965] {strides = array<i32>} : memref<8208xi32, #tpu.memory_space<vmem>>, vector<16xi32>,
    %get3A_3967 = vector.shape_cast %get3A_3966 : vector<16xi32> to vector<16xi32>
    %mul3A_3968 = arith.constant 210656 : i32
    %mul3A_3969 = vector.broadcast %mul3A_3968 : i32 to vector<16xi32>
    %mul3A_3970 = arith.muli %get3A_3967, %mul3A_3969 : vector<16xi32>
    %add3A_3971 = arith.addi %add3A_3936, %mul3A_3970 : vector<16xi32>
    %max3A_3972 = arith.maxsi %add3A_3971, %broadcast_in_dim3A_8 : vector<16xi32>
    %convert_element_type3A_3973 = arith.sitofp %max3A_3972 : vector<16xi32> to vector<16xf32>
    %mul3A_3974 = arith.mulf %convert_element_type3A_3973, %broadcast_in_dim3A_12 : vector<16xf32>
    %convert_element_type3A_3975 = arith.fptosi %mul3A_3974 : vector<16xf32> to vector<16xi32>
    %mul3A_3976 = arith.constant 500000 : i32
    %mul3A_3977 = vector.broadcast %mul3A_3976 : i32 to vector<16xi32>
    %mul3A_3978 = arith.muli %convert_element_type3A_3975, %mul3A_3977 : vector<16xi32>
    %sub3A_3979 = arith.subi %max3A_3972, %mul3A_3978 : vector<16xi32>
    %lt3A_3980 = arith.constant 0 : i32
    %lt3A_3981 = vector.broadcast %lt3A_3980 : i32 to vector<16xi32>
    %lt3A_3982 = arith.cmpi slt, %sub3A_3979, %lt3A_3981 : vector<16xi32>
    %add3A_3983 = arith.addi %sub3A_3979, %broadcast_in_dim3A_6 : vector<16xi32>
    %select_n3A_3984 = arith.select %lt3A_3982, %add3A_3983, %sub3A_3979 : vector<16xi1>, vector<16xi32>
    %ge3A_3985 = arith.constant 500000 : i32
    %ge3A_3986 = vector.broadcast %ge3A_3985 : i32 to vector<16xi32>
    %ge3A_3987 = arith.cmpi sge, %select_n3A_3984, %ge3A_3986 : vector<16xi32>
    %sub3A_3988 = arith.subi %select_n3A_3984, %broadcast_in_dim3A_6 : vector<16xi32>
    %select_n3A_3989 = arith.select %ge3A_3987, %sub3A_3988, %select_n3A_3984 : vector<16xi1>, vector<16xi32>
    %swap3A_3990 = arith.constant 10 : i64
    %swap3A_3991 = arith.index_cast %swap3A_3990 : i64 to index
    %swap3A_3992 = arith.constant 112 : index
    %swap3A_3993 = tpu.vector_load %arg11[%swap3A_3991, %swap3A_3992] {strides = array<i32>} : memref<12x128xi32, #tpu.memory_space<vmem>>, vector<1x16xi32>,
    %swap3A_3994 = vector.shape_cast %swap3A_3993 : vector<1x16xi32> to vector<16xi32>
    %swap3A_3995 = vector.shape_cast %select_n3A_3989 : vector<16xi32> to vector<1x16xi32>
    tpu.vector_store %arg11[%swap3A_3991, %swap3A_3992], %swap3A_3995 {strides = array<i32>} : memref<12x128xi32, #tpu.memory_space<vmem>>, vector<1x16xi32>,
    %add3A_3996 = arith.constant 8 : i32
    %add3A_3997 = arith.addi %add3A_3810, %add3A_3996 : i32
    %sub3A_3998 = arith.constant 1 : i32
    %sub3A_3999 = arith.subi %add3A_3997, %sub3A_3998 : i32
    %get3A_4000 = arith.index_cast %sub3A_3999 : i32 to index
    %get3A_4001 = tpu.vector_load %arg10[%get3A_4000] {strides = array<i32>} : memref<8208xi32, #tpu.memory_space<vmem>>, vector<16xi32>,
    %get3A_4002 = vector.shape_cast %get3A_4001 : vector<16xi32> to vector<16xi32>
    %mul3A_4003 = arith.constant 427936 : i32
    %mul3A_4004 = vector.broadcast %mul3A_4003 : i32 to vector<16xi32>
    %mul3A_4005 = arith.muli %get3A_4002, %mul3A_4004 : vector<16xi32>
    %add3A_4006 = arith.addi %add3A_3971, %mul3A_4005 : vector<16xi32>
    %add3A_4007 = arith.constant 7 : i32
    %add3A_4008 = arith.addi %add3A_3810, %add3A_4007 : i32
    %get3A_4009 = arith.index_cast %add3A_4008 : i32 to index
    %get3A_4010 = tpu.vector_load %arg10[%get3A_4009] {strides = array<i32>} : memref<8208xi32, #tpu.memory_space<vmem>>, vector<16xi32>,
    %get3A_4011 = vector.shape_cast %get3A_4010 : vector<16xi32> to vector<16xi32>
    %ge3A_4012 = arith.constant 128 : i32
    %ge3A_4013 = vector.broadcast %ge3A_4012 : i32 to vector<16xi32>
    %ge3A_4014 = arith.cmpi sge, %get3A_4011, %ge3A_4013 : vector<16xi32>
    %select_n3A_4015 = arith.select %ge3A_4014, %broadcast_in_dim3A_10, %broadcast_in_dim3A_8 : vector<16xi1>, vector<16xi32>
    %add3A_4016 = arith.addi %add3A_4006, %select_n3A_4015 : vector<16xi32>
    %max3A_4017 = arith.maxsi %add3A_4016, %broadcast_in_dim3A_8 : vector<16xi32>
    %convert_element_type3A_4018 = arith.sitofp %max3A_4017 : vector<16xi32> to vector<16xf32>
    %mul3A_4019 = arith.mulf %convert_element_type3A_4018, %broadcast_in_dim3A_12 : vector<16xf32>
    %convert_element_type3A_4020 = arith.fptosi %mul3A_4019 : vector<16xf32> to vector<16xi32>
    %mul3A_4021 = arith.constant 500000 : i32
    %mul3A_4022 = vector.broadcast %mul3A_4021 : i32 to vector<16xi32>
    %mul3A_4023 = arith.muli %convert_element_type3A_4020, %mul3A_4022 : vector<16xi32>
    %sub3A_4024 = arith.subi %max3A_4017, %mul3A_4023 : vector<16xi32>
    %lt3A_4025 = arith.constant 0 : i32
    %lt3A_4026 = vector.broadcast %lt3A_4025 : i32 to vector<16xi32>
    %lt3A_4027 = arith.cmpi slt, %sub3A_4024, %lt3A_4026 : vector<16xi32>
    %add3A_4028 = arith.addi %sub3A_4024, %broadcast_in_dim3A_6 : vector<16xi32>
    %select_n3A_4029 = arith.select %lt3A_4027, %add3A_4028, %sub3A_4024 : vector<16xi1>, vector<16xi32>
    %ge3A_4030 = arith.constant 500000 : i32
    %ge3A_4031 = vector.broadcast %ge3A_4030 : i32 to vector<16xi32>
    %ge3A_4032 = arith.cmpi sge, %select_n3A_4029, %ge3A_4031 : vector<16xi32>
    %sub3A_4033 = arith.subi %select_n3A_4029, %broadcast_in_dim3A_6 : vector<16xi32>
    %select_n3A_4034 = arith.select %ge3A_4032, %sub3A_4033, %select_n3A_4029 : vector<16xi1>, vector<16xi32>
    %swap3A_4035 = arith.constant 11 : i64
    %swap3A_4036 = arith.index_cast %swap3A_4035 : i64 to index
    %swap3A_4037 = arith.constant 112 : index
    %swap3A_4038 = tpu.vector_load %arg11[%swap3A_4036, %swap3A_4037] {strides = array<i32>} : memref<12x128xi32, #tpu.memory_space<vmem>>, vector<1x16xi32>,
    %swap3A_4039 = vector.shape_cast %swap3A_4038 : vector<1x16xi32> to vector<16xi32>
    %swap3A_4040 = vector.shape_cast %select_n3A_4034 : vector<16xi32> to vector<1x16xi32>
    tpu.vector_store %arg11[%swap3A_4036, %swap3A_4037], %swap3A_4040 {strides = array<i32>} : memref<12x128xi32, #tpu.memory_space<vmem>>, vector<1x16xi32>,
    %add3A_4041 = arith.constant 0 : i32
    %add3A_4042 = arith.addi %add3A_4041, %select_n3A_2176 : i32
    %mul3A_4043 = arith.constant 2048 : i32
    %mul3A_4044 = arith.muli %add3A_4042, %mul3A_4043 : i32
    %add3A_4045 = arith.addi %mul3A_4044, %mul3A_2181 : i32
    %dma_start3A_4046 = arith.constant 6 : i32
    %dma_start3A_4047 = arith.constant 0 : i32
    %dma_start3A_4048 = tpu.memref_slice %arg11[%dma_start3A_4046, %dma_start3A_4047] : memref<12x128xi32, #tpu.memory_space<vmem>> -> memref<1x128xi32, #tpu.memory_space<vmem>>
    %dma_start3A_4049 = tpu.memref_squeeze %dma_start3A_4048 : memref<1x128xi32, #tpu.memory_space<vmem>> -> memref<128xi32, #tpu.memory_space<vmem>>
    %dma_start3A_4050 = arith.constant 0 : i32
    %dma_start3A_4051 = arith.constant 0 : i32
    %dma_start3A_4052 = tpu.memref_slice %arg3[%dma_start3A_4050, %dma_start3A_4051] : memref<500000x128xf32, #tpu.memory_space<hbm>> -> memref<500000x128xf32, #tpu.memory_space<hbm>>
    tpu.enqueue_indirect_dma source(%dma_start3A_4052 : memref<500000x128xf32, #tpu.memory_space<hbm>>) target(%arg12 : memref<128x128xf32, #tpu.memory_space<vmem>>) offsets(%dma_start3A_4049 : memref<128xi32, #tpu.memory_space<vmem>>) semaphore(%arg18 : memref<!tpu.dma_semaphore, #tpu.memory_space<semaphore_mem>>)
    %dma_wait3A_4053 = arith.constant 1 : i32
    %dma_wait3A_4054 = arith.constant 0 : i32
    %dma_wait3A_4055 = tpu.memref_slice %arg11[%dma_wait3A_4053, %dma_wait3A_4054] : memref<12x128xi32, #tpu.memory_space<vmem>> -> memref<1x128xi32, #tpu.memory_space<vmem>>
    %dma_wait3A_4056 = tpu.memref_squeeze %dma_wait3A_4055 : memref<1x128xi32, #tpu.memory_space<vmem>> -> memref<128xi32, #tpu.memory_space<vmem>>
    %dma_wait3A_4057 = arith.constant 0 : i32
    %dma_wait3A_4058 = arith.constant 0 : i32
    %dma_wait3A_4059 = tpu.memref_slice %arg4[%dma_wait3A_4057, %dma_wait3A_4058] : memref<500000x128xf32, #tpu.memory_space<hbm>> -> memref<500000x128xf32, #tpu.memory_space<hbm>>
    tpu.wait_indirect_dma semaphore(%arg19 : memref<!tpu.dma_semaphore, #tpu.memory_space<semaphore_mem>>) src(%dma_wait3A_4059 : memref<500000x128xf32, #tpu.memory_space<hbm>>) dst(%arg13 : memref<128x128xf32, #tpu.memory_space<vmem>>)
    %dma_start3A_4060 = arith.constant 0 : i32
    %dma_start3A_4061 = tpu.memref_slice %arg9[%add3A_1942, %dma_start3A_4060] : memref<49152x128xf32, #tpu.memory_space<hbm>> -> memref<128x128xf32, #tpu.memory_space<hbm>>
    %dma_start3A_4062 = arith.constant 0 : i32
    %dma_start3A_4063 = tpu.memref_slice %arg9[%add3A_1942, %dma_start3A_4062] : memref<49152x128xf32, #tpu.memory_space<hbm>> -> memref<128x128xf32, #tpu.memory_space<hbm>>
    tpu.enqueue_dma source(%arg13 : memref<128x128xf32, #tpu.memory_space<vmem>>) target(%dma_start3A_4063 : memref<128x128xf32, #tpu.memory_space<hbm>>) target_semaphore(%arg25 : memref<!tpu.dma_semaphore, #tpu.memory_space<semaphore_mem>>)
    %dma_wait3A_4064 = arith.constant 0 : i32
    %dma_wait3A_4065 = tpu.memref_slice %arg9[%add3A_1942, %dma_wait3A_4064] : memref<49152x128xf32, #tpu.memory_space<hbm>> -> memref<128x128xf32, #tpu.memory_space<hbm>>
    %dma_wait3A_4066 = arith.constant 0 : i32
    %dma_wait3A_4067 = tpu.memref_slice %arg9[%add3A_1942, %dma_wait3A_4066] : memref<49152x128xf32, #tpu.memory_space<hbm>> -> memref<128x128xf32, #tpu.memory_space<hbm>>
    tpu.wait_dma2 semaphore(%arg25 : memref<!tpu.dma_semaphore, #tpu.memory_space<semaphore_mem>>) src(%arg13 : memref<128x128xf32, #tpu.memory_space<vmem>>) dst(%dma_wait3A_4067 : memref<128x128xf32, #tpu.memory_space<hbm>>)
    %mul3A_4068 = arith.constant 2 : i32
    %mul3A_4069 = arith.muli %add3A, %mul3A_4068 : i32
    %add3A_4070 = arith.constant 1 : i32
    %add3A_4071 = arith.addi %mul3A_4069, %add3A_4070 : i32
    %jit3A_4072 = arith.constant 16 : i64
    %convert_element_type3A_4073 = arith.trunci %jit3A_4072 : i64 to i32
    %div3A_4074 = arith.divsi %add3A_4071, %convert_element_type3A_4073 : i32
    %sign3A_4075 = arith.constant 0 : i32
    %sign3A_4076 = arith.cmpi sgt, %add3A_4071, %sign3A_4075 : i32
    %sign3A_4077 = arith.extui %sign3A_4076 : i1 to i32
    %sign3A_4078 = arith.constant 0 : i32
    %sign3A_4079 = arith.cmpi slt, %add3A_4071, %sign3A_4078 : i32
    %sign3A_4080 = arith.extui %sign3A_4079 : i1 to i32
    %sign3A_4081 = arith.subi %sign3A_4077, %sign3A_4080 : i32
    %sign3A_4082 = arith.constant 0 : i32
    %sign3A_4083 = arith.cmpi sgt, %convert_element_type3A_4073, %sign3A_4082 : i32
    %sign3A_4084 = arith.extui %sign3A_4083 : i1 to i32
    %sign3A_4085 = arith.constant 0 : i32
    %sign3A_4086 = arith.cmpi slt, %convert_element_type3A_4073, %sign3A_4085 : i32
    %sign3A_4087 = arith.extui %sign3A_4086 : i1 to i32
    %sign3A_4088 = arith.subi %sign3A_4084, %sign3A_4087 : i32
    %ne3A_4089 = arith.cmpi ne, %sign3A_4081, %sign3A_4088 : i32
    %rem3A_4090 = arith.remsi %add3A_4071, %convert_element_type3A_4073 : i32
    %ne3A_4091 = arith.constant 0 : i32
    %ne3A_4092 = arith.cmpi ne, %rem3A_4090, %ne3A_4091 : i32
    %and3A_4093 = arith.andi %ne3A_4089, %ne3A_4092 : i1
    %sub3A_4094 = arith.constant 1 : i32
    %sub3A_4095 = arith.subi %div3A_4074, %sub3A_4094 : i32
    %select_n3A_4096 = arith.select %and3A_4093, %sub3A_4095, %div3A_4074 : i32
    %mul3A_4097 = arith.constant 16 : i32
    %mul3A_4098 = arith.muli %select_n3A_4096, %mul3A_4097 : i32
    %sub3A_4099 = arith.subi %add3A_4071, %mul3A_4098 : i32
    %mul3A_4100 = arith.constant 128 : i32
    %mul3A_4101 = arith.muli %sub3A_4099, %mul3A_4100 : i32
    %add3A_4102 = arith.constant 4 : i32
    %add3A_4103 = arith.addi %add3A_4102, %select_n3A_4096 : i32
    %mul3A_4104 = arith.constant 2048 : i32
    %mul3A_4105 = arith.muli %add3A_4103, %mul3A_4104 : i32
    %add3A_4106 = arith.addi %mul3A_4105, %mul3A_4101 : i32
    %dma_start3A_4107 = arith.constant 7 : i32
    %dma_start3A_4108 = arith.constant 0 : i32
    %dma_start3A_4109 = tpu.memref_slice %arg11[%dma_start3A_4107, %dma_start3A_4108] : memref<12x128xi32, #tpu.memory_space<vmem>> -> memref<1x128xi32, #tpu.memory_space<vmem>>
    %dma_start3A_4110 = tpu.memref_squeeze %dma_start3A_4109 : memref<1x128xi32, #tpu.memory_space<vmem>> -> memref<128xi32, #tpu.memory_space<vmem>>
    %dma_start3A_4111 = arith.constant 0 : i32
    %dma_start3A_4112 = arith.constant 0 : i32
    %dma_start3A_4113 = tpu.memref_slice %arg4[%dma_start3A_4111, %dma_start3A_4112] : memref<500000x128xf32, #tpu.memory_space<hbm>> -> memref<500000x128xf32, #tpu.memory_space<hbm>>
    tpu.enqueue_indirect_dma source(%dma_start3A_4113 : memref<500000x128xf32, #tpu.memory_space<hbm>>) target(%arg13 : memref<128x128xf32, #tpu.memory_space<vmem>>) offsets(%dma_start3A_4110 : memref<128xi32, #tpu.memory_space<vmem>>) semaphore(%arg19 : memref<!tpu.dma_semaphore, #tpu.memory_space<semaphore_mem>>)
    %dma_wait3A_4114 = arith.constant 2 : i32
    %dma_wait3A_4115 = arith.constant 0 : i32
    %dma_wait3A_4116 = tpu.memref_slice %arg11[%dma_wait3A_4114, %dma_wait3A_4115] : memref<12x128xi32, #tpu.memory_space<vmem>> -> memref<1x128xi32, #tpu.memory_space<vmem>>
    %dma_wait3A_4117 = tpu.memref_squeeze %dma_wait3A_4116 : memref<1x128xi32, #tpu.memory_space<vmem>> -> memref<128xi32, #tpu.memory_space<vmem>>
    %dma_wait3A_4118 = arith.constant 0 : i32
    %dma_wait3A_4119 = arith.constant 0 : i32
    %dma_wait3A_4120 = tpu.memref_slice %arg5[%dma_wait3A_4118, %dma_wait3A_4119] : memref<500000x128xf32, #tpu.memory_space<hbm>> -> memref<500000x128xf32, #tpu.memory_space<hbm>>
    tpu.wait_indirect_dma semaphore(%arg20 : memref<!tpu.dma_semaphore, #tpu.memory_space<semaphore_mem>>) src(%dma_wait3A_4120 : memref<500000x128xf32, #tpu.memory_space<hbm>>) dst(%arg14 : memref<128x128xf32, #tpu.memory_space<vmem>>)
    %dma_start3A_4121 = arith.constant 0 : i32
    %dma_start3A_4122 = tpu.memref_slice %arg9[%add3A_1988, %dma_start3A_4121] : memref<49152x128xf32, #tpu.memory_space<hbm>> -> memref<128x128xf32, #tpu.memory_space<hbm>>
    %dma_start3A_4123 = arith.constant 0 : i32
    %dma_start3A_4124 = tpu.memref_slice %arg9[%add3A_1988, %dma_start3A_4123] : memref<49152x128xf32, #tpu.memory_space<hbm>> -> memref<128x128xf32, #tpu.memory_space<hbm>>
    tpu.enqueue_dma source(%arg14 : memref<128x128xf32, #tpu.memory_space<vmem>>) target(%dma_start3A_4124 : memref<128x128xf32, #tpu.memory_space<hbm>>) target_semaphore(%arg26 : memref<!tpu.dma_semaphore, #tpu.memory_space<semaphore_mem>>)
    %dma_wait3A_4125 = arith.constant 0 : i32
    %dma_wait3A_4126 = tpu.memref_slice %arg9[%add3A_1988, %dma_wait3A_4125] : memref<49152x128xf32, #tpu.memory_space<hbm>> -> memref<128x128xf32, #tpu.memory_space<hbm>>
    %dma_wait3A_4127 = arith.constant 0 : i32
    %dma_wait3A_4128 = tpu.memref_slice %arg9[%add3A_1988, %dma_wait3A_4127] : memref<49152x128xf32, #tpu.memory_space<hbm>> -> memref<128x128xf32, #tpu.memory_space<hbm>>
    tpu.wait_dma2 semaphore(%arg26 : memref<!tpu.dma_semaphore, #tpu.memory_space<semaphore_mem>>) src(%arg14 : memref<128x128xf32, #tpu.memory_space<vmem>>) dst(%dma_wait3A_4128 : memref<128x128xf32, #tpu.memory_space<hbm>>)
    %mul3A_4129 = arith.constant 2 : i32
    %mul3A_4130 = arith.muli %add3A, %mul3A_4129 : i32
    %add3A_4131 = arith.constant 1 : i32
    %add3A_4132 = arith.addi %mul3A_4130, %add3A_4131 : i32
    %jit3A_4133 = arith.constant 16 : i64
    %convert_element_type3A_4134 = arith.trunci %jit3A_4133 : i64 to i32
    %div3A_4135 = arith.divsi %add3A_4132, %convert_element_type3A_4134 : i32
    %sign3A_4136 = arith.constant 0 : i32
    %sign3A_4137 = arith.cmpi sgt, %add3A_4132, %sign3A_4136 : i32
    %sign3A_4138 = arith.extui %sign3A_4137 : i1 to i32
    %sign3A_4139 = arith.constant 0 : i32
    %sign3A_4140 = arith.cmpi slt, %add3A_4132, %sign3A_4139 : i32
    %sign3A_4141 = arith.extui %sign3A_4140 : i1 to i32
    %sign3A_4142 = arith.subi %sign3A_4138, %sign3A_4141 : i32
    %sign3A_4143 = arith.constant 0 : i32
    %sign3A_4144 = arith.cmpi sgt, %convert_element_type3A_4134, %sign3A_4143 : i32
    %sign3A_4145 = arith.extui %sign3A_4144 : i1 to i32
    %sign3A_4146 = arith.constant 0 : i32
    %sign3A_4147 = arith.cmpi slt, %convert_element_type3A_4134, %sign3A_4146 : i32
    %sign3A_4148 = arith.extui %sign3A_4147 : i1 to i32
    %sign3A_4149 = arith.subi %sign3A_4145, %sign3A_4148 : i32
    %ne3A_4150 = arith.cmpi ne, %sign3A_4142, %sign3A_4149 : i32
    %rem3A_4151 = arith.remsi %add3A_4132, %convert_element_type3A_4134 : i32
    %ne3A_4152 = arith.constant 0 : i32
    %ne3A_4153 = arith.cmpi ne, %rem3A_4151, %ne3A_4152 : i32
    %and3A_4154 = arith.andi %ne3A_4150, %ne3A_4153 : i1
    %sub3A_4155 = arith.constant 1 : i32
    %sub3A_4156 = arith.subi %div3A_4135, %sub3A_4155 : i32
    %select_n3A_4157 = arith.select %and3A_4154, %sub3A_4156, %div3A_4135 : i32
    %mul3A_4158 = arith.constant 16 : i32
    %mul3A_4159 = arith.muli %select_n3A_4157, %mul3A_4158 : i32
    %sub3A_4160 = arith.subi %add3A_4132, %mul3A_4159 : i32
    %mul3A_4161 = arith.constant 128 : i32
    %mul3A_4162 = arith.muli %sub3A_4160, %mul3A_4161 : i32
    %add3A_4163 = arith.constant 8 : i32
    %add3A_4164 = arith.addi %add3A_4163, %select_n3A_4157 : i32
    %mul3A_4165 = arith.constant 2048 : i32
    %mul3A_4166 = arith.muli %add3A_4164, %mul3A_4165 : i32
    %add3A_4167 = arith.addi %mul3A_4166, %mul3A_4162 : i32
    %dma_start3A_4168 = arith.constant 8 : i32
    %dma_start3A_4169 = arith.constant 0 : i32
    %dma_start3A_4170 = tpu.memref_slice %arg11[%dma_start3A_4168, %dma_start3A_4169] : memref<12x128xi32, #tpu.memory_space<vmem>> -> memref<1x128xi32, #tpu.memory_space<vmem>>
    %dma_start3A_4171 = tpu.memref_squeeze %dma_start3A_4170 : memref<1x128xi32, #tpu.memory_space<vmem>> -> memref<128xi32, #tpu.memory_space<vmem>>
    %dma_start3A_4172 = arith.constant 0 : i32
    %dma_start3A_4173 = arith.constant 0 : i32
    %dma_start3A_4174 = tpu.memref_slice %arg5[%dma_start3A_4172, %dma_start3A_4173] : memref<500000x128xf32, #tpu.memory_space<hbm>> -> memref<500000x128xf32, #tpu.memory_space<hbm>>
    tpu.enqueue_indirect_dma source(%dma_start3A_4174 : memref<500000x128xf32, #tpu.memory_space<hbm>>) target(%arg14 : memref<128x128xf32, #tpu.memory_space<vmem>>) offsets(%dma_start3A_4171 : memref<128xi32, #tpu.memory_space<vmem>>) semaphore(%arg20 : memref<!tpu.dma_semaphore, #tpu.memory_space<semaphore_mem>>)
    %dma_wait3A_4175 = arith.constant 3 : i32
    %dma_wait3A_4176 = arith.constant 0 : i32
    %dma_wait3A_4177 = tpu.memref_slice %arg11[%dma_wait3A_4175, %dma_wait3A_4176] : memref<12x128xi32, #tpu.memory_space<vmem>> -> memref<1x128xi32, #tpu.memory_space<vmem>>
    %dma_wait3A_4178 = tpu.memref_squeeze %dma_wait3A_4177 : memref<1x128xi32, #tpu.memory_space<vmem>> -> memref<128xi32, #tpu.memory_space<vmem>>
    %dma_wait3A_4179 = arith.constant 0 : i32
    %dma_wait3A_4180 = arith.constant 0 : i32
    %dma_wait3A_4181 = tpu.memref_slice %arg6[%dma_wait3A_4179, %dma_wait3A_4180] : memref<500000x128xf32, #tpu.memory_space<hbm>> -> memref<500000x128xf32, #tpu.memory_space<hbm>>
    tpu.wait_indirect_dma semaphore(%arg21 : memref<!tpu.dma_semaphore, #tpu.memory_space<semaphore_mem>>) src(%dma_wait3A_4181 : memref<500000x128xf32, #tpu.memory_space<hbm>>) dst(%arg15 : memref<128x128xf32, #tpu.memory_space<vmem>>)
    %dma_start3A_4182 = arith.constant 0 : i32
    %dma_start3A_4183 = tpu.memref_slice %arg9[%add3A_2034, %dma_start3A_4182] : memref<49152x128xf32, #tpu.memory_space<hbm>> -> memref<128x128xf32, #tpu.memory_space<hbm>>
    %dma_start3A_4184 = arith.constant 0 : i32
    %dma_start3A_4185 = tpu.memref_slice %arg9[%add3A_2034, %dma_start3A_4184] : memref<49152x128xf32, #tpu.memory_space<hbm>> -> memref<128x128xf32, #tpu.memory_space<hbm>>
    tpu.enqueue_dma source(%arg15 : memref<128x128xf32, #tpu.memory_space<vmem>>) target(%dma_start3A_4185 : memref<128x128xf32, #tpu.memory_space<hbm>>) target_semaphore(%arg27 : memref<!tpu.dma_semaphore, #tpu.memory_space<semaphore_mem>>)
    %dma_wait3A_4186 = arith.constant 0 : i32
    %dma_wait3A_4187 = tpu.memref_slice %arg9[%add3A_2034, %dma_wait3A_4186] : memref<49152x128xf32, #tpu.memory_space<hbm>> -> memref<128x128xf32, #tpu.memory_space<hbm>>
    %dma_wait3A_4188 = arith.constant 0 : i32
    %dma_wait3A_4189 = tpu.memref_slice %arg9[%add3A_2034, %dma_wait3A_4188] : memref<49152x128xf32, #tpu.memory_space<hbm>> -> memref<128x128xf32, #tpu.memory_space<hbm>>
    tpu.wait_dma2 semaphore(%arg27 : memref<!tpu.dma_semaphore, #tpu.memory_space<semaphore_mem>>) src(%arg15 : memref<128x128xf32, #tpu.memory_space<vmem>>) dst(%dma_wait3A_4189 : memref<128x128xf32, #tpu.memory_space<hbm>>)
    %mul3A_4190 = arith.constant 2 : i32
    %mul3A_4191 = arith.muli %add3A, %mul3A_4190 : i32
    %add3A_4192 = arith.constant 1 : i32
    %add3A_4193 = arith.addi %mul3A_4191, %add3A_4192 : i32
    %jit3A_4194 = arith.constant 16 : i64
    %convert_element_type3A_4195 = arith.trunci %jit3A_4194 : i64 to i32
    %div3A_4196 = arith.divsi %add3A_4193, %convert_element_type3A_4195 : i32
    %sign3A_4197 = arith.constant 0 : i32
    %sign3A_4198 = arith.cmpi sgt, %add3A_4193, %sign3A_4197 : i32
    %sign3A_4199 = arith.extui %sign3A_4198 : i1 to i32
    %sign3A_4200 = arith.constant 0 : i32
    %sign3A_4201 = arith.cmpi slt, %add3A_4193, %sign3A_4200 : i32
    %sign3A_4202 = arith.extui %sign3A_4201 : i1 to i32
    %sign3A_4203 = arith.subi %sign3A_4199, %sign3A_4202 : i32
    %sign3A_4204 = arith.constant 0 : i32
    %sign3A_4205 = arith.cmpi sgt, %convert_element_type3A_4195, %sign3A_4204 : i32
    %sign3A_4206 = arith.extui %sign3A_4205 : i1 to i32
    %sign3A_4207 = arith.constant 0 : i32
    %sign3A_4208 = arith.cmpi slt, %convert_element_type3A_4195, %sign3A_4207 : i32
    %sign3A_4209 = arith.extui %sign3A_4208 : i1 to i32
    %sign3A_4210 = arith.subi %sign3A_4206, %sign3A_4209 : i32
    %ne3A_4211 = arith.cmpi ne, %sign3A_4203, %sign3A_4210 : i32
    %rem3A_4212 = arith.remsi %add3A_4193, %convert_element_type3A_4195 : i32
    %ne3A_4213 = arith.constant 0 : i32
    %ne3A_4214 = arith.cmpi ne, %rem3A_4212, %ne3A_4213 : i32
    %and3A_4215 = arith.andi %ne3A_4211, %ne3A_4214 : i1
    %sub3A_4216 = arith.constant 1 : i32
    %sub3A_4217 = arith.subi %div3A_4196, %sub3A_4216 : i32
    %select_n3A_4218 = arith.select %and3A_4215, %sub3A_4217, %div3A_4196 : i32
    %mul3A_4219 = arith.constant 16 : i32
    %mul3A_4220 = arith.muli %select_n3A_4218, %mul3A_4219 : i32
    %sub3A_4221 = arith.subi %add3A_4193, %mul3A_4220 : i32
    %mul3A_4222 = arith.constant 128 : i32
    %mul3A_4223 = arith.muli %sub3A_4221, %mul3A_4222 : i32
    %add3A_4224 = arith.constant 12 : i32
    %add3A_4225 = arith.addi %add3A_4224, %select_n3A_4218 : i32
    %mul3A_4226 = arith.constant 2048 : i32
    %mul3A_4227 = arith.muli %add3A_4225, %mul3A_4226 : i32
    %add3A_4228 = arith.addi %mul3A_4227, %mul3A_4223 : i32
    %dma_start3A_4229 = arith.constant 9 : i32
    %dma_start3A_4230 = arith.constant 0 : i32
    %dma_start3A_4231 = tpu.memref_slice %arg11[%dma_start3A_4229, %dma_start3A_4230] : memref<12x128xi32, #tpu.memory_space<vmem>> -> memref<1x128xi32, #tpu.memory_space<vmem>>
    %dma_start3A_4232 = tpu.memref_squeeze %dma_start3A_4231 : memref<1x128xi32, #tpu.memory_space<vmem>> -> memref<128xi32, #tpu.memory_space<vmem>>
    %dma_start3A_4233 = arith.constant 0 : i32
    %dma_start3A_4234 = arith.constant 0 : i32
    %dma_start3A_4235 = tpu.memref_slice %arg6[%dma_start3A_4233, %dma_start3A_4234] : memref<500000x128xf32, #tpu.memory_space<hbm>> -> memref<500000x128xf32, #tpu.memory_space<hbm>>
    tpu.enqueue_indirect_dma source(%dma_start3A_4235 : memref<500000x128xf32, #tpu.memory_space<hbm>>) target(%arg15 : memref<128x128xf32, #tpu.memory_space<vmem>>) offsets(%dma_start3A_4232 : memref<128xi32, #tpu.memory_space<vmem>>) semaphore(%arg21 : memref<!tpu.dma_semaphore, #tpu.memory_space<semaphore_mem>>)
    %dma_wait3A_4236 = arith.constant 4 : i32
    %dma_wait3A_4237 = arith.constant 0 : i32
    %dma_wait3A_4238 = tpu.memref_slice %arg11[%dma_wait3A_4236, %dma_wait3A_4237] : memref<12x128xi32, #tpu.memory_space<vmem>> -> memref<1x128xi32, #tpu.memory_space<vmem>>
    %dma_wait3A_4239 = tpu.memref_squeeze %dma_wait3A_4238 : memref<1x128xi32, #tpu.memory_space<vmem>> -> memref<128xi32, #tpu.memory_space<vmem>>
    %dma_wait3A_4240 = arith.constant 0 : i32
    %dma_wait3A_4241 = arith.constant 0 : i32
    %dma_wait3A_4242 = tpu.memref_slice %arg7[%dma_wait3A_4240, %dma_wait3A_4241] : memref<500000x128xf32, #tpu.memory_space<hbm>> -> memref<500000x128xf32, #tpu.memory_space<hbm>>
    tpu.wait_indirect_dma semaphore(%arg22 : memref<!tpu.dma_semaphore, #tpu.memory_space<semaphore_mem>>) src(%dma_wait3A_4242 : memref<500000x128xf32, #tpu.memory_space<hbm>>) dst(%arg16 : memref<128x128xf32, #tpu.memory_space<vmem>>)
    %dma_start3A_4243 = arith.constant 0 : i32
    %dma_start3A_4244 = tpu.memref_slice %arg9[%add3A_2080, %dma_start3A_4243] : memref<49152x128xf32, #tpu.memory_space<hbm>> -> memref<128x128xf32, #tpu.memory_space<hbm>>
    %dma_start3A_4245 = arith.constant 0 : i32
    %dma_start3A_4246 = tpu.memref_slice %arg9[%add3A_2080, %dma_start3A_4245] : memref<49152x128xf32, #tpu.memory_space<hbm>> -> memref<128x128xf32, #tpu.memory_space<hbm>>
    tpu.enqueue_dma source(%arg16 : memref<128x128xf32, #tpu.memory_space<vmem>>) target(%dma_start3A_4246 : memref<128x128xf32, #tpu.memory_space<hbm>>) target_semaphore(%arg28 : memref<!tpu.dma_semaphore, #tpu.memory_space<semaphore_mem>>)
    %dma_wait3A_4247 = arith.constant 0 : i32
    %dma_wait3A_4248 = tpu.memref_slice %arg9[%add3A_2080, %dma_wait3A_4247] : memref<49152x128xf32, #tpu.memory_space<hbm>> -> memref<128x128xf32, #tpu.memory_space<hbm>>
    %dma_wait3A_4249 = arith.constant 0 : i32
    %dma_wait3A_4250 = tpu.memref_slice %arg9[%add3A_2080, %dma_wait3A_4249] : memref<49152x128xf32, #tpu.memory_space<hbm>> -> memref<128x128xf32, #tpu.memory_space<hbm>>
    tpu.wait_dma2 semaphore(%arg28 : memref<!tpu.dma_semaphore, #tpu.memory_space<semaphore_mem>>) src(%arg16 : memref<128x128xf32, #tpu.memory_space<vmem>>) dst(%dma_wait3A_4250 : memref<128x128xf32, #tpu.memory_space<hbm>>)
    %mul3A_4251 = arith.constant 2 : i32
    %mul3A_4252 = arith.muli %add3A, %mul3A_4251 : i32
    %add3A_4253 = arith.constant 1 : i32
    %add3A_4254 = arith.addi %mul3A_4252, %add3A_4253 : i32
    %jit3A_4255 = arith.constant 16 : i64
    %convert_element_type3A_4256 = arith.trunci %jit3A_4255 : i64 to i32
    %div3A_4257 = arith.divsi %add3A_4254, %convert_element_type3A_4256 : i32
    %sign3A_4258 = arith.constant 0 : i32
    %sign3A_4259 = arith.cmpi sgt, %add3A_4254, %sign3A_4258 : i32
    %sign3A_4260 = arith.extui %sign3A_4259 : i1 to i32
    %sign3A_4261 = arith.constant 0 : i32
    %sign3A_4262 = arith.cmpi slt, %add3A_4254, %sign3A_4261 : i32
    %sign3A_4263 = arith.extui %sign3A_4262 : i1 to i32
    %sign3A_4264 = arith.subi %sign3A_4260, %sign3A_4263 : i32
    %sign3A_4265 = arith.constant 0 : i32
    %sign3A_4266 = arith.cmpi sgt, %convert_element_type3A_4256, %sign3A_4265 : i32
    %sign3A_4267 = arith.extui %sign3A_4266 : i1 to i32
    %sign3A_4268 = arith.constant 0 : i32
    %sign3A_4269 = arith.cmpi slt, %convert_element_type3A_4256, %sign3A_4268 : i32
    %sign3A_4270 = arith.extui %sign3A_4269 : i1 to i32
    %sign3A_4271 = arith.subi %sign3A_4267, %sign3A_4270 : i32
    %ne3A_4272 = arith.cmpi ne, %sign3A_4264, %sign3A_4271 : i32
    %rem3A_4273 = arith.remsi %add3A_4254, %convert_element_type3A_4256 : i32
    %ne3A_4274 = arith.constant 0 : i32
    %ne3A_4275 = arith.cmpi ne, %rem3A_4273, %ne3A_4274 : i32
    %and3A_4276 = arith.andi %ne3A_4272, %ne3A_4275 : i1
    %sub3A_4277 = arith.constant 1 : i32
    %sub3A_4278 = arith.subi %div3A_4257, %sub3A_4277 : i32
    %select_n3A_4279 = arith.select %and3A_4276, %sub3A_4278, %div3A_4257 : i32
    %mul3A_4280 = arith.constant 16 : i32
    %mul3A_4281 = arith.muli %select_n3A_4279, %mul3A_4280 : i32
    %sub3A_4282 = arith.subi %add3A_4254, %mul3A_4281 : i32
    %mul3A_4283 = arith.constant 128 : i32
    %mul3A_4284 = arith.muli %sub3A_4282, %mul3A_4283 : i32
    %add3A_4285 = arith.constant 16 : i32
    %add3A_4286 = arith.addi %add3A_4285, %select_n3A_4279 : i32
    %mul3A_4287 = arith.constant 2048 : i32
    %mul3A_4288 = arith.muli %add3A_4286, %mul3A_4287 : i32
    %add3A_4289 = arith.addi %mul3A_4288, %mul3A_4284 : i32
    %dma_start3A_4290 = arith.constant 10 : i32
    %dma_start3A_4291 = arith.constant 0 : i32
    %dma_start3A_4292 = tpu.memref_slice %arg11[%dma_start3A_4290, %dma_start3A_4291] : memref<12x128xi32, #tpu.memory_space<vmem>> -> memref<1x128xi32, #tpu.memory_space<vmem>>
    %dma_start3A_4293 = tpu.memref_squeeze %dma_start3A_4292 : memref<1x128xi32, #tpu.memory_space<vmem>> -> memref<128xi32, #tpu.memory_space<vmem>>
    %dma_start3A_4294 = arith.constant 0 : i32
    %dma_start3A_4295 = arith.constant 0 : i32
    %dma_start3A_4296 = tpu.memref_slice %arg7[%dma_start3A_4294, %dma_start3A_4295] : memref<500000x128xf32, #tpu.memory_space<hbm>> -> memref<500000x128xf32, #tpu.memory_space<hbm>>
    tpu.enqueue_indirect_dma source(%dma_start3A_4296 : memref<500000x128xf32, #tpu.memory_space<hbm>>) target(%arg16 : memref<128x128xf32, #tpu.memory_space<vmem>>) offsets(%dma_start3A_4293 : memref<128xi32, #tpu.memory_space<vmem>>) semaphore(%arg22 : memref<!tpu.dma_semaphore, #tpu.memory_space<semaphore_mem>>)
    %dma_wait3A_4297 = arith.constant 5 : i32
    %dma_wait3A_4298 = arith.constant 0 : i32
    %dma_wait3A_4299 = tpu.memref_slice %arg11[%dma_wait3A_4297, %dma_wait3A_4298] : memref<12x128xi32, #tpu.memory_space<vmem>> -> memref<1x128xi32, #tpu.memory_space<vmem>>
    %dma_wait3A_4300 = tpu.memref_squeeze %dma_wait3A_4299 : memref<1x128xi32, #tpu.memory_space<vmem>> -> memref<128xi32, #tpu.memory_space<vmem>>
    %dma_wait3A_4301 = arith.constant 0 : i32
    %dma_wait3A_4302 = arith.constant 0 : i32
    %dma_wait3A_4303 = tpu.memref_slice %arg8[%dma_wait3A_4301, %dma_wait3A_4302] : memref<500000x128xf32, #tpu.memory_space<hbm>> -> memref<500000x128xf32, #tpu.memory_space<hbm>>
    tpu.wait_indirect_dma semaphore(%arg23 : memref<!tpu.dma_semaphore, #tpu.memory_space<semaphore_mem>>) src(%dma_wait3A_4303 : memref<500000x128xf32, #tpu.memory_space<hbm>>) dst(%arg17 : memref<128x128xf32, #tpu.memory_space<vmem>>)
    %dma_start3A_4304 = arith.constant 0 : i32
    %dma_start3A_4305 = tpu.memref_slice %arg9[%add3A_2126, %dma_start3A_4304] : memref<49152x128xf32, #tpu.memory_space<hbm>> -> memref<128x128xf32, #tpu.memory_space<hbm>>
    %dma_start3A_4306 = arith.constant 0 : i32
    %dma_start3A_4307 = tpu.memref_slice %arg9[%add3A_2126, %dma_start3A_4306] : memref<49152x128xf32, #tpu.memory_space<hbm>> -> memref<128x128xf32, #tpu.memory_space<hbm>>
    tpu.enqueue_dma source(%arg17 : memref<128x128xf32, #tpu.memory_space<vmem>>) target(%dma_start3A_4307 : memref<128x128xf32, #tpu.memory_space<hbm>>) target_semaphore(%arg29 : memref<!tpu.dma_semaphore, #tpu.memory_space<semaphore_mem>>)
    %dma_wait3A_4308 = arith.constant 0 : i32
    %dma_wait3A_4309 = tpu.memref_slice %arg9[%add3A_2126, %dma_wait3A_4308] : memref<49152x128xf32, #tpu.memory_space<hbm>> -> memref<128x128xf32, #tpu.memory_space<hbm>>
    %dma_wait3A_4310 = arith.constant 0 : i32
    %dma_wait3A_4311 = tpu.memref_slice %arg9[%add3A_2126, %dma_wait3A_4310] : memref<49152x128xf32, #tpu.memory_space<hbm>> -> memref<128x128xf32, #tpu.memory_space<hbm>>
    tpu.wait_dma2 semaphore(%arg29 : memref<!tpu.dma_semaphore, #tpu.memory_space<semaphore_mem>>) src(%arg17 : memref<128x128xf32, #tpu.memory_space<vmem>>) dst(%dma_wait3A_4311 : memref<128x128xf32, #tpu.memory_space<hbm>>)
    %mul3A_4312 = arith.constant 2 : i32
    %mul3A_4313 = arith.muli %add3A, %mul3A_4312 : i32
    %add3A_4314 = arith.constant 1 : i32
    %add3A_4315 = arith.addi %mul3A_4313, %add3A_4314 : i32
    %jit3A_4316 = arith.constant 16 : i64
    %convert_element_type3A_4317 = arith.trunci %jit3A_4316 : i64 to i32
    %div3A_4318 = arith.divsi %add3A_4315, %convert_element_type3A_4317 : i32
    %sign3A_4319 = arith.constant 0 : i32
    %sign3A_4320 = arith.cmpi sgt, %add3A_4315, %sign3A_4319 : i32
    %sign3A_4321 = arith.extui %sign3A_4320 : i1 to i32
    %sign3A_4322 = arith.constant 0 : i32
    %sign3A_4323 = arith.cmpi slt, %add3A_4315, %sign3A_4322 : i32
    %sign3A_4324 = arith.extui %sign3A_4323 : i1 to i32
    %sign3A_4325 = arith.subi %sign3A_4321, %sign3A_4324 : i32
    %sign3A_4326 = arith.constant 0 : i32
    %sign3A_4327 = arith.cmpi sgt, %convert_element_type3A_4317, %sign3A_4326 : i32
    %sign3A_4328 = arith.extui %sign3A_4327 : i1 to i32
    %sign3A_4329 = arith.constant 0 : i32
    %sign3A_4330 = arith.cmpi slt, %convert_element_type3A_4317, %sign3A_4329 : i32
    %sign3A_4331 = arith.extui %sign3A_4330 : i1 to i32
    %sign3A_4332 = arith.subi %sign3A_4328, %sign3A_4331 : i32
    %ne3A_4333 = arith.cmpi ne, %sign3A_4325, %sign3A_4332 : i32
    %rem3A_4334 = arith.remsi %add3A_4315, %convert_element_type3A_4317 : i32
    %ne3A_4335 = arith.constant 0 : i32
    %ne3A_4336 = arith.cmpi ne, %rem3A_4334, %ne3A_4335 : i32
    %and3A_4337 = arith.andi %ne3A_4333, %ne3A_4336 : i1
    %sub3A_4338 = arith.constant 1 : i32
    %sub3A_4339 = arith.subi %div3A_4318, %sub3A_4338 : i32
    %select_n3A_4340 = arith.select %and3A_4337, %sub3A_4339, %div3A_4318 : i32
    %mul3A_4341 = arith.constant 16 : i32
    %mul3A_4342 = arith.muli %select_n3A_4340, %mul3A_4341 : i32
    %sub3A_4343 = arith.subi %add3A_4315, %mul3A_4342 : i32
    %mul3A_4344 = arith.constant 128 : i32
    %mul3A_4345 = arith.muli %sub3A_4343, %mul3A_4344 : i32
    %add3A_4346 = arith.constant 20 : i32
    %add3A_4347 = arith.addi %add3A_4346, %select_n3A_4340 : i32
    %mul3A_4348 = arith.constant 2048 : i32
    %mul3A_4349 = arith.muli %add3A_4347, %mul3A_4348 : i32
    %add3A_4350 = arith.addi %mul3A_4349, %mul3A_4345 : i32
    %dma_start3A_4351 = arith.constant 11 : i32
    %dma_start3A_4352 = arith.constant 0 : i32
    %dma_start3A_4353 = tpu.memref_slice %arg11[%dma_start3A_4351, %dma_start3A_4352] : memref<12x128xi32, #tpu.memory_space<vmem>> -> memref<1x128xi32, #tpu.memory_space<vmem>>
    %dma_start3A_4354 = tpu.memref_squeeze %dma_start3A_4353 : memref<1x128xi32, #tpu.memory_space<vmem>> -> memref<128xi32, #tpu.memory_space<vmem>>
    %dma_start3A_4355 = arith.constant 0 : i32
    %dma_start3A_4356 = arith.constant 0 : i32
    %dma_start3A_4357 = tpu.memref_slice %arg8[%dma_start3A_4355, %dma_start3A_4356] : memref<500000x128xf32, #tpu.memory_space<hbm>> -> memref<500000x128xf32, #tpu.memory_space<hbm>>
    tpu.enqueue_indirect_dma source(%dma_start3A_4357 : memref<500000x128xf32, #tpu.memory_space<hbm>>) target(%arg17 : memref<128x128xf32, #tpu.memory_space<vmem>>) offsets(%dma_start3A_4354 : memref<128xi32, #tpu.memory_space<vmem>>) semaphore(%arg23 : memref<!tpu.dma_semaphore, #tpu.memory_space<semaphore_mem>>)
    %dma_wait3A_4358 = arith.constant 6 : i32
    %dma_wait3A_4359 = arith.constant 0 : i32
    %dma_wait3A_4360 = tpu.memref_slice %arg11[%dma_wait3A_4358, %dma_wait3A_4359] : memref<12x128xi32, #tpu.memory_space<vmem>> -> memref<1x128xi32, #tpu.memory_space<vmem>>
    %dma_wait3A_4361 = tpu.memref_squeeze %dma_wait3A_4360 : memref<1x128xi32, #tpu.memory_space<vmem>> -> memref<128xi32, #tpu.memory_space<vmem>>
    %dma_wait3A_4362 = arith.constant 0 : i32
    %dma_wait3A_4363 = arith.constant 0 : i32
    %dma_wait3A_4364 = tpu.memref_slice %arg3[%dma_wait3A_4362, %dma_wait3A_4363] : memref<500000x128xf32, #tpu.memory_space<hbm>> -> memref<500000x128xf32, #tpu.memory_space<hbm>>
    tpu.wait_indirect_dma semaphore(%arg18 : memref<!tpu.dma_semaphore, #tpu.memory_space<semaphore_mem>>) src(%dma_wait3A_4364 : memref<500000x128xf32, #tpu.memory_space<hbm>>) dst(%arg12 : memref<128x128xf32, #tpu.memory_space<vmem>>)
    %dma_start3A_4365 = arith.constant 0 : i32
    %dma_start3A_4366 = tpu.memref_slice %arg9[%add3A_4045, %dma_start3A_4365] : memref<49152x128xf32, #tpu.memory_space<hbm>> -> memref<128x128xf32, #tpu.memory_space<hbm>>
    %dma_start3A_4367 = arith.constant 0 : i32
    %dma_start3A_4368 = tpu.memref_slice %arg9[%add3A_4045, %dma_start3A_4367] : memref<49152x128xf32, #tpu.memory_space<hbm>> -> memref<128x128xf32, #tpu.memory_space<hbm>>
    tpu.enqueue_dma source(%arg12 : memref<128x128xf32, #tpu.memory_space<vmem>>) target(%dma_start3A_4368 : memref<128x128xf32, #tpu.memory_space<hbm>>) target_semaphore(%arg24 : memref<!tpu.dma_semaphore, #tpu.memory_space<semaphore_mem>>)
    %dma_wait3A_4369 = arith.constant 7 : i32
    %dma_wait3A_4370 = arith.constant 0 : i32
    %dma_wait3A_4371 = tpu.memref_slice %arg11[%dma_wait3A_4369, %dma_wait3A_4370] : memref<12x128xi32, #tpu.memory_space<vmem>> -> memref<1x128xi32, #tpu.memory_space<vmem>>
    %dma_wait3A_4372 = tpu.memref_squeeze %dma_wait3A_4371 : memref<1x128xi32, #tpu.memory_space<vmem>> -> memref<128xi32, #tpu.memory_space<vmem>>
    %dma_wait3A_4373 = arith.constant 0 : i32
    %dma_wait3A_4374 = arith.constant 0 : i32
    %dma_wait3A_4375 = tpu.memref_slice %arg4[%dma_wait3A_4373, %dma_wait3A_4374] : memref<500000x128xf32, #tpu.memory_space<hbm>> -> memref<500000x128xf32, #tpu.memory_space<hbm>>
    tpu.wait_indirect_dma semaphore(%arg19 : memref<!tpu.dma_semaphore, #tpu.memory_space<semaphore_mem>>) src(%dma_wait3A_4375 : memref<500000x128xf32, #tpu.memory_space<hbm>>) dst(%arg13 : memref<128x128xf32, #tpu.memory_space<vmem>>)
    %dma_start3A_4376 = arith.constant 0 : i32
    %dma_start3A_4377 = tpu.memref_slice %arg9[%add3A_4106, %dma_start3A_4376] : memref<49152x128xf32, #tpu.memory_space<hbm>> -> memref<128x128xf32, #tpu.memory_space<hbm>>
    %dma_start3A_4378 = arith.constant 0 : i32
    %dma_start3A_4379 = tpu.memref_slice %arg9[%add3A_4106, %dma_start3A_4378] : memref<49152x128xf32, #tpu.memory_space<hbm>> -> memref<128x128xf32, #tpu.memory_space<hbm>>
    tpu.enqueue_dma source(%arg13 : memref<128x128xf32, #tpu.memory_space<vmem>>) target(%dma_start3A_4379 : memref<128x128xf32, #tpu.memory_space<hbm>>) target_semaphore(%arg25 : memref<!tpu.dma_semaphore, #tpu.memory_space<semaphore_mem>>)
    %dma_wait3A_4380 = arith.constant 8 : i32
    %dma_wait3A_4381 = arith.constant 0 : i32
    %dma_wait3A_4382 = tpu.memref_slice %arg11[%dma_wait3A_4380, %dma_wait3A_4381] : memref<12x128xi32, #tpu.memory_space<vmem>> -> memref<1x128xi32, #tpu.memory_space<vmem>>
    %dma_wait3A_4383 = tpu.memref_squeeze %dma_wait3A_4382 : memref<1x128xi32, #tpu.memory_space<vmem>> -> memref<128xi32, #tpu.memory_space<vmem>>
    %dma_wait3A_4384 = arith.constant 0 : i32
    %dma_wait3A_4385 = arith.constant 0 : i32
    %dma_wait3A_4386 = tpu.memref_slice %arg5[%dma_wait3A_4384, %dma_wait3A_4385] : memref<500000x128xf32, #tpu.memory_space<hbm>> -> memref<500000x128xf32, #tpu.memory_space<hbm>>
    tpu.wait_indirect_dma semaphore(%arg20 : memref<!tpu.dma_semaphore, #tpu.memory_space<semaphore_mem>>) src(%dma_wait3A_4386 : memref<500000x128xf32, #tpu.memory_space<hbm>>) dst(%arg14 : memref<128x128xf32, #tpu.memory_space<vmem>>)
    %dma_start3A_4387 = arith.constant 0 : i32
    %dma_start3A_4388 = tpu.memref_slice %arg9[%add3A_4167, %dma_start3A_4387] : memref<49152x128xf32, #tpu.memory_space<hbm>> -> memref<128x128xf32, #tpu.memory_space<hbm>>
    %dma_start3A_4389 = arith.constant 0 : i32
    %dma_start3A_4390 = tpu.memref_slice %arg9[%add3A_4167, %dma_start3A_4389] : memref<49152x128xf32, #tpu.memory_space<hbm>> -> memref<128x128xf32, #tpu.memory_space<hbm>>
    tpu.enqueue_dma source(%arg14 : memref<128x128xf32, #tpu.memory_space<vmem>>) target(%dma_start3A_4390 : memref<128x128xf32, #tpu.memory_space<hbm>>) target_semaphore(%arg26 : memref<!tpu.dma_semaphore, #tpu.memory_space<semaphore_mem>>)
    %dma_wait3A_4391 = arith.constant 9 : i32
    %dma_wait3A_4392 = arith.constant 0 : i32
    %dma_wait3A_4393 = tpu.memref_slice %arg11[%dma_wait3A_4391, %dma_wait3A_4392] : memref<12x128xi32, #tpu.memory_space<vmem>> -> memref<1x128xi32, #tpu.memory_space<vmem>>
    %dma_wait3A_4394 = tpu.memref_squeeze %dma_wait3A_4393 : memref<1x128xi32, #tpu.memory_space<vmem>> -> memref<128xi32, #tpu.memory_space<vmem>>
    %dma_wait3A_4395 = arith.constant 0 : i32
    %dma_wait3A_4396 = arith.constant 0 : i32
    %dma_wait3A_4397 = tpu.memref_slice %arg6[%dma_wait3A_4395, %dma_wait3A_4396] : memref<500000x128xf32, #tpu.memory_space<hbm>> -> memref<500000x128xf32, #tpu.memory_space<hbm>>
    tpu.wait_indirect_dma semaphore(%arg21 : memref<!tpu.dma_semaphore, #tpu.memory_space<semaphore_mem>>) src(%dma_wait3A_4397 : memref<500000x128xf32, #tpu.memory_space<hbm>>) dst(%arg15 : memref<128x128xf32, #tpu.memory_space<vmem>>)
    %dma_start3A_4398 = arith.constant 0 : i32
    %dma_start3A_4399 = tpu.memref_slice %arg9[%add3A_4228, %dma_start3A_4398] : memref<49152x128xf32, #tpu.memory_space<hbm>> -> memref<128x128xf32, #tpu.memory_space<hbm>>
    %dma_start3A_4400 = arith.constant 0 : i32
    %dma_start3A_4401 = tpu.memref_slice %arg9[%add3A_4228, %dma_start3A_4400] : memref<49152x128xf32, #tpu.memory_space<hbm>> -> memref<128x128xf32, #tpu.memory_space<hbm>>
    tpu.enqueue_dma source(%arg15 : memref<128x128xf32, #tpu.memory_space<vmem>>) target(%dma_start3A_4401 : memref<128x128xf32, #tpu.memory_space<hbm>>) target_semaphore(%arg27 : memref<!tpu.dma_semaphore, #tpu.memory_space<semaphore_mem>>)
    %dma_wait3A_4402 = arith.constant 10 : i32
    %dma_wait3A_4403 = arith.constant 0 : i32
    %dma_wait3A_4404 = tpu.memref_slice %arg11[%dma_wait3A_4402, %dma_wait3A_4403] : memref<12x128xi32, #tpu.memory_space<vmem>> -> memref<1x128xi32, #tpu.memory_space<vmem>>
    %dma_wait3A_4405 = tpu.memref_squeeze %dma_wait3A_4404 : memref<1x128xi32, #tpu.memory_space<vmem>> -> memref<128xi32, #tpu.memory_space<vmem>>
    %dma_wait3A_4406 = arith.constant 0 : i32
    %dma_wait3A_4407 = arith.constant 0 : i32
    %dma_wait3A_4408 = tpu.memref_slice %arg7[%dma_wait3A_4406, %dma_wait3A_4407] : memref<500000x128xf32, #tpu.memory_space<hbm>> -> memref<500000x128xf32, #tpu.memory_space<hbm>>
    tpu.wait_indirect_dma semaphore(%arg22 : memref<!tpu.dma_semaphore, #tpu.memory_space<semaphore_mem>>) src(%dma_wait3A_4408 : memref<500000x128xf32, #tpu.memory_space<hbm>>) dst(%arg16 : memref<128x128xf32, #tpu.memory_space<vmem>>)
    %dma_start3A_4409 = arith.constant 0 : i32
    %dma_start3A_4410 = tpu.memref_slice %arg9[%add3A_4289, %dma_start3A_4409] : memref<49152x128xf32, #tpu.memory_space<hbm>> -> memref<128x128xf32, #tpu.memory_space<hbm>>
    %dma_start3A_4411 = arith.constant 0 : i32
    %dma_start3A_4412 = tpu.memref_slice %arg9[%add3A_4289, %dma_start3A_4411] : memref<49152x128xf32, #tpu.memory_space<hbm>> -> memref<128x128xf32, #tpu.memory_space<hbm>>
    tpu.enqueue_dma source(%arg16 : memref<128x128xf32, #tpu.memory_space<vmem>>) target(%dma_start3A_4412 : memref<128x128xf32, #tpu.memory_space<hbm>>) target_semaphore(%arg28 : memref<!tpu.dma_semaphore, #tpu.memory_space<semaphore_mem>>)
    %dma_wait3A_4413 = arith.constant 11 : i32
    %dma_wait3A_4414 = arith.constant 0 : i32
    %dma_wait3A_4415 = tpu.memref_slice %arg11[%dma_wait3A_4413, %dma_wait3A_4414] : memref<12x128xi32, #tpu.memory_space<vmem>> -> memref<1x128xi32, #tpu.memory_space<vmem>>
    %dma_wait3A_4416 = tpu.memref_squeeze %dma_wait3A_4415 : memref<1x128xi32, #tpu.memory_space<vmem>> -> memref<128xi32, #tpu.memory_space<vmem>>
    %dma_wait3A_4417 = arith.constant 0 : i32
    %dma_wait3A_4418 = arith.constant 0 : i32
    %dma_wait3A_4419 = tpu.memref_slice %arg8[%dma_wait3A_4417, %dma_wait3A_4418] : memref<500000x128xf32, #tpu.memory_space<hbm>> -> memref<500000x128xf32, #tpu.memory_space<hbm>>
    tpu.wait_indirect_dma semaphore(%arg23 : memref<!tpu.dma_semaphore, #tpu.memory_space<semaphore_mem>>) src(%dma_wait3A_4419 : memref<500000x128xf32, #tpu.memory_space<hbm>>) dst(%arg17 : memref<128x128xf32, #tpu.memory_space<vmem>>)
    %dma_start3A_4420 = arith.constant 0 : i32
    %dma_start3A_4421 = tpu.memref_slice %arg9[%add3A_4350, %dma_start3A_4420] : memref<49152x128xf32, #tpu.memory_space<hbm>> -> memref<128x128xf32, #tpu.memory_space<hbm>>
    %dma_start3A_4422 = arith.constant 0 : i32
    %dma_start3A_4423 = tpu.memref_slice %arg9[%add3A_4350, %dma_start3A_4422] : memref<49152x128xf32, #tpu.memory_space<hbm>> -> memref<128x128xf32, #tpu.memory_space<hbm>>
    tpu.enqueue_dma source(%arg17 : memref<128x128xf32, #tpu.memory_space<vmem>>) target(%dma_start3A_4423 : memref<128x128xf32, #tpu.memory_space<hbm>>) target_semaphore(%arg29 : memref<!tpu.dma_semaphore, #tpu.memory_space<semaphore_mem>>)
    %dma_wait3A_4424 = arith.constant 0 : i32
    %dma_wait3A_4425 = tpu.memref_slice %arg9[%add3A_4045, %dma_wait3A_4424] : memref<49152x128xf32, #tpu.memory_space<hbm>> -> memref<128x128xf32, #tpu.memory_space<hbm>>
    %dma_wait3A_4426 = arith.constant 0 : i32
    %dma_wait3A_4427 = tpu.memref_slice %arg9[%add3A_4045, %dma_wait3A_4426] : memref<49152x128xf32, #tpu.memory_space<hbm>> -> memref<128x128xf32, #tpu.memory_space<hbm>>
    tpu.wait_dma2 semaphore(%arg24 : memref<!tpu.dma_semaphore, #tpu.memory_space<semaphore_mem>>) src(%arg12 : memref<128x128xf32, #tpu.memory_space<vmem>>) dst(%dma_wait3A_4427 : memref<128x128xf32, #tpu.memory_space<hbm>>)
    %dma_wait3A_4428 = arith.constant 0 : i32
    %dma_wait3A_4429 = tpu.memref_slice %arg9[%add3A_4106, %dma_wait3A_4428] : memref<49152x128xf32, #tpu.memory_space<hbm>> -> memref<128x128xf32, #tpu.memory_space<hbm>>
    %dma_wait3A_4430 = arith.constant 0 : i32
    %dma_wait3A_4431 = tpu.memref_slice %arg9[%add3A_4106, %dma_wait3A_4430] : memref<49152x128xf32, #tpu.memory_space<hbm>> -> memref<128x128xf32, #tpu.memory_space<hbm>>
    tpu.wait_dma2 semaphore(%arg25 : memref<!tpu.dma_semaphore, #tpu.memory_space<semaphore_mem>>) src(%arg13 : memref<128x128xf32, #tpu.memory_space<vmem>>) dst(%dma_wait3A_4431 : memref<128x128xf32, #tpu.memory_space<hbm>>)
    %dma_wait3A_4432 = arith.constant 0 : i32
    %dma_wait3A_4433 = tpu.memref_slice %arg9[%add3A_4167, %dma_wait3A_4432] : memref<49152x128xf32, #tpu.memory_space<hbm>> -> memref<128x128xf32, #tpu.memory_space<hbm>>
    %dma_wait3A_4434 = arith.constant 0 : i32
    %dma_wait3A_4435 = tpu.memref_slice %arg9[%add3A_4167, %dma_wait3A_4434] : memref<49152x128xf32, #tpu.memory_space<hbm>> -> memref<128x128xf32, #tpu.memory_space<hbm>>
    tpu.wait_dma2 semaphore(%arg26 : memref<!tpu.dma_semaphore, #tpu.memory_space<semaphore_mem>>) src(%arg14 : memref<128x128xf32, #tpu.memory_space<vmem>>) dst(%dma_wait3A_4435 : memref<128x128xf32, #tpu.memory_space<hbm>>)
    %dma_wait3A_4436 = arith.constant 0 : i32
    %dma_wait3A_4437 = tpu.memref_slice %arg9[%add3A_4228, %dma_wait3A_4436] : memref<49152x128xf32, #tpu.memory_space<hbm>> -> memref<128x128xf32, #tpu.memory_space<hbm>>
    %dma_wait3A_4438 = arith.constant 0 : i32
    %dma_wait3A_4439 = tpu.memref_slice %arg9[%add3A_4228, %dma_wait3A_4438] : memref<49152x128xf32, #tpu.memory_space<hbm>> -> memref<128x128xf32, #tpu.memory_space<hbm>>
    tpu.wait_dma2 semaphore(%arg27 : memref<!tpu.dma_semaphore, #tpu.memory_space<semaphore_mem>>) src(%arg15 : memref<128x128xf32, #tpu.memory_space<vmem>>) dst(%dma_wait3A_4439 : memref<128x128xf32, #tpu.memory_space<hbm>>)
    %dma_wait3A_4440 = arith.constant 0 : i32
    %dma_wait3A_4441 = tpu.memref_slice %arg9[%add3A_4289, %dma_wait3A_4440] : memref<49152x128xf32, #tpu.memory_space<hbm>> -> memref<128x128xf32, #tpu.memory_space<hbm>>
    %dma_wait3A_4442 = arith.constant 0 : i32
    %dma_wait3A_4443 = tpu.memref_slice %arg9[%add3A_4289, %dma_wait3A_4442] : memref<49152x128xf32, #tpu.memory_space<hbm>> -> memref<128x128xf32, #tpu.memory_space<hbm>>
    tpu.wait_dma2 semaphore(%arg28 : memref<!tpu.dma_semaphore, #tpu.memory_space<semaphore_mem>>) src(%arg16 : memref<128x128xf32, #tpu.memory_space<vmem>>) dst(%dma_wait3A_4443 : memref<128x128xf32, #tpu.memory_space<hbm>>)
    %dma_wait3A_4444 = arith.constant 0 : i32
    %dma_wait3A_4445 = tpu.memref_slice %arg9[%add3A_4350, %dma_wait3A_4444] : memref<49152x128xf32, #tpu.memory_space<hbm>> -> memref<128x128xf32, #tpu.memory_space<hbm>>
    %dma_wait3A_4446 = arith.constant 0 : i32
    %dma_wait3A_4447 = tpu.memref_slice %arg9[%add3A_4350, %dma_wait3A_4446] : memref<49152x128xf32, #tpu.memory_space<hbm>> -> memref<128x128xf32, #tpu.memory_space<hbm>>
    tpu.wait_dma2 semaphore(%arg29 : memref<!tpu.dma_semaphore, #tpu.memory_space<semaphore_mem>>) src(%arg17 : memref<128x128xf32, #tpu.memory_space<vmem>>) dst(%dma_wait3A_4447 : memref<128x128xf32, #tpu.memory_space<hbm>>)
    return
  }
}

module attributes {stable_mosaic.version = 14 : i64} {
  func.func @_tc_body(%arg0: i32, %arg1: i32, %arg2: memref<6x1x2048x128xf32, #tpu.memory_space<vmem>>, %arg3: memref<1x1x2048xi32, #tpu.memory_space<vmem>>, %arg4: memref<256x128xf32, #tpu.memory_space<vmem>>, %arg5: memref<128x768xf32, #tpu.memory_space<vmem>>, %arg6: memref<1x128xf32, #tpu.memory_space<vmem>>, %arg7: memref<1x2048x128xf32, #tpu.memory_space<vmem>>) attributes {dimension_semantics = [#tpu.dimension_semantics<arbitrary>, #tpu.dimension_semantics<arbitrary>], iteration_bounds = array<i64: 4, 1>, scalar_prefetch = 0 : i64, scratch_operands = 0 : i64, tpu.core_type = #tpu.core_type<tc>, window_params = [{transform_indices = @transform_0, window_bounds = array<i64: 6, 1, 2048, 128>}, {transform_indices = @transform_1, window_bounds = array<i64: 1, 1, 2048>}, {pipeline_mode = #tpu.pipeline_mode<synchronous>, transform_indices = @transform_2, window_bounds = array<i64: 256, 128>}, {pipeline_mode = #tpu.pipeline_mode<synchronous>, transform_indices = @transform_3, window_bounds = array<i64: 128, 768>}, {pipeline_mode = #tpu.pipeline_mode<synchronous>, transform_indices = @transform_4, window_bounds = array<i64: 1, 128>}, {transform_indices = @transform_5, window_bounds = array<i64: 1, 2048, 128>}]} {
    %get3A = arith.constant 0 : index
    %get3A_0 = arith.constant 0 : index
    %get3A_1 = arith.constant 0 : index
    %get3A_2 = vector.load %arg3[%get3A, %get3A_0, %get3A_1] : memref<1x1x2048xi32, #tpu.memory_space<vmem>>, vector<1x1x2048xi32>
    %get3A_3 = vector.shape_cast %get3A_2 : vector<1x1x2048xi32> to vector<2048xi32>
    %reshape3A = vector.shape_cast %get3A_3 : vector<2048xi32> to vector<2048x1xi32>
    %iota3A = tpu.iota {dimensions = array<i32: 1>} : vector<2048x256xi32>
    %eq3A = vector.broadcast %reshape3A : vector<2048x1xi32> to vector<2048x256xi32>
    %eq3A_4 = arith.cmpi eq, %eq3A, %iota3A : vector<2048x256xi32>
    %convert_element_type3A = arith.extui %eq3A_4 : vector<2048x256xi1> to vector<2048x256xi32>
    %convert_element_type3A_5 = arith.sitofp %convert_element_type3A : vector<2048x256xi32> to vector<2048x256xf32>
    %get3A_6 = arith.constant 0 : index
    %get3A_7 = arith.constant 0 : index
    %get3A_8 = vector.load %arg4[%get3A_6, %get3A_7] : memref<256x128xf32, #tpu.memory_space<vmem>>, vector<256x128xf32>
    %dot_general3A = arith.constant dense<0.000000e+00> : vector<2048x128xf32>
    %dot_general3A_9 = tpu.matmul %convert_element_type3A_5, %get3A_8, %dot_general3A {dimension_numbers = #tpu.dot_dimension_numbers<[1], [0], [0], [1], [0, 0, 1, 1], [], []>, transpose_lhs_hint = false} : vector<2048x256xf32>, vector<256x128xf32>, vector<2048x128xf32> -> vector<2048x128xf32>
    %get3A_10 = arith.constant 0 : index
    %get3A_11 = arith.constant 0 : index
    %get3A_12 = vector.load %arg6[%get3A_10, %get3A_11] : memref<1x128xf32, #tpu.memory_space<vmem>>, vector<1x128xf32>
    %get3A_13 = vector.shape_cast %get3A_12 : vector<1x128xf32> to vector<128xf32>
    %broadcast_in_dim3A = vector.shape_cast %get3A_13 : vector<128xf32> to vector<1x128xf32>
    %add3A = vector.broadcast %broadcast_in_dim3A : vector<1x128xf32> to vector<2048x128xf32>
    %add3A_14 = arith.addf %dot_general3A_9, %add3A : vector<2048x128xf32>
    %iota3A_15 = tpu.iota {dimensions = array<i32: 0>} : vector<2048x128xi32>
    %mul3A = arith.constant 2048 : i32
    %mul3A_16 = arith.muli %arg1, %mul3A : i32
    %add3A_17 = vector.broadcast %mul3A_16 : i32 to vector<2048x128xi32>
    %add3A_18 = arith.addi %iota3A_15, %add3A_17 : vector<2048x128xi32>
    %get3A_19 = arith.constant 0 : index
    %get3A_20 = arith.constant 0 : index
    %get3A_21 = arith.constant 0 : index
    %get3A_22 = arith.constant 0 : index
    %get3A_23 = vector.load %arg2[%get3A_19, %get3A_20, %get3A_21, %get3A_22] : memref<6x1x2048x128xf32, #tpu.memory_space<vmem>>, vector<1x1x2048x128xf32>
    %get3A_24 = vector.shape_cast %get3A_23 : vector<1x1x2048x128xf32> to vector<2048x128xf32>
    %le3A = arith.constant 2045 : i32
    %le3A_25 = vector.broadcast %le3A : i32 to vector<2048x128xi32>
    %le3A_26 = arith.cmpi sle, %add3A_18, %le3A_25 : vector<2048x128xi32>
    %jit3A = arith.constant 0.000000e+00 : f64
    %convert_element_type3A_27 = arith.truncf %jit3A : f64 to f32
    %broadcast_in_dim3A_28 = vector.broadcast %convert_element_type3A_27 : f32 to vector<2048x128xf32>
    %select_n3A = arith.select %le3A_26, %get3A_24, %broadcast_in_dim3A_28 : vector<2048x128xi1>, vector<2048x128xf32>
    %get3A_29 = arith.constant 0 : index
    %get3A_30 = arith.constant 0 : index
    %get3A_31 = vector.load %arg5[%get3A_29, %get3A_30] : memref<128x768xf32, #tpu.memory_space<vmem>>, vector<128x128xf32>
    %dot_general3A_32 = arith.constant dense<0.000000e+00> : vector<2048x128xf32>
    %dot_general3A_33 = tpu.matmul %select_n3A, %get3A_31, %dot_general3A_32 {dimension_numbers = #tpu.dot_dimension_numbers<[1], [1], [0], [0], [0, 0, 1, 0], [], []>, transpose_lhs_hint = false} : vector<2048x128xf32>, vector<128x128xf32>, vector<2048x128xf32> -> vector<2048x128xf32>
    %add3A_34 = arith.addf %add3A_14, %dot_general3A_33 : vector<2048x128xf32>
    %get3A_35 = arith.constant 1 : index
    %get3A_36 = arith.constant 0 : index
    %get3A_37 = arith.constant 0 : index
    %get3A_38 = arith.constant 0 : index
    %get3A_39 = vector.load %arg2[%get3A_35, %get3A_36, %get3A_37, %get3A_38] : memref<6x1x2048x128xf32, #tpu.memory_space<vmem>>, vector<1x1x2048x128xf32>
    %get3A_40 = vector.shape_cast %get3A_39 : vector<1x1x2048x128xf32> to vector<2048x128xf32>
    %le3A_41 = arith.constant 2044 : i32
    %le3A_42 = vector.broadcast %le3A_41 : i32 to vector<2048x128xi32>
    %le3A_43 = arith.cmpi sle, %add3A_18, %le3A_42 : vector<2048x128xi32>
    %jit3A_44 = arith.constant 0.000000e+00 : f64
    %convert_element_type3A_45 = arith.truncf %jit3A_44 : f64 to f32
    %broadcast_in_dim3A_46 = vector.broadcast %convert_element_type3A_45 : f32 to vector<2048x128xf32>
    %select_n3A_47 = arith.select %le3A_43, %get3A_40, %broadcast_in_dim3A_46 : vector<2048x128xi1>, vector<2048x128xf32>
    %get3A_48 = arith.constant 0 : index
    %get3A_49 = arith.constant 128 : index
    %get3A_50 = vector.load %arg5[%get3A_48, %get3A_49] : memref<128x768xf32, #tpu.memory_space<vmem>>, vector<128x128xf32>
    %dot_general3A_51 = arith.constant dense<0.000000e+00> : vector<2048x128xf32>
    %dot_general3A_52 = tpu.matmul %select_n3A_47, %get3A_50, %dot_general3A_51 {dimension_numbers = #tpu.dot_dimension_numbers<[1], [1], [0], [0], [0, 0, 1, 0], [], []>, transpose_lhs_hint = false} : vector<2048x128xf32>, vector<128x128xf32>, vector<2048x128xf32> -> vector<2048x128xf32>
    %add3A_53 = arith.addf %add3A_34, %dot_general3A_52 : vector<2048x128xf32>
    %get3A_54 = arith.constant 2 : index
    %get3A_55 = arith.constant 0 : index
    %get3A_56 = arith.constant 0 : index
    %get3A_57 = arith.constant 0 : index
    %get3A_58 = vector.load %arg2[%get3A_54, %get3A_55, %get3A_56, %get3A_57] : memref<6x1x2048x128xf32, #tpu.memory_space<vmem>>, vector<1x1x2048x128xf32>
    %get3A_59 = vector.shape_cast %get3A_58 : vector<1x1x2048x128xf32> to vector<2048x128xf32>
    %le3A_60 = arith.constant 2043 : i32
    %le3A_61 = vector.broadcast %le3A_60 : i32 to vector<2048x128xi32>
    %le3A_62 = arith.cmpi sle, %add3A_18, %le3A_61 : vector<2048x128xi32>
    %jit3A_63 = arith.constant 0.000000e+00 : f64
    %convert_element_type3A_64 = arith.truncf %jit3A_63 : f64 to f32
    %broadcast_in_dim3A_65 = vector.broadcast %convert_element_type3A_64 : f32 to vector<2048x128xf32>
    %select_n3A_66 = arith.select %le3A_62, %get3A_59, %broadcast_in_dim3A_65 : vector<2048x128xi1>, vector<2048x128xf32>
    %get3A_67 = arith.constant 0 : index
    %get3A_68 = arith.constant 256 : index
    %get3A_69 = vector.load %arg5[%get3A_67, %get3A_68] : memref<128x768xf32, #tpu.memory_space<vmem>>, vector<128x128xf32>
    %dot_general3A_70 = arith.constant dense<0.000000e+00> : vector<2048x128xf32>
    %dot_general3A_71 = tpu.matmul %select_n3A_66, %get3A_69, %dot_general3A_70 {dimension_numbers = #tpu.dot_dimension_numbers<[1], [1], [0], [0], [0, 0, 1, 0], [], []>, transpose_lhs_hint = false} : vector<2048x128xf32>, vector<128x128xf32>, vector<2048x128xf32> -> vector<2048x128xf32>
    %add3A_72 = arith.addf %add3A_53, %dot_general3A_71 : vector<2048x128xf32>
    %get3A_73 = arith.constant 3 : index
    %get3A_74 = arith.constant 0 : index
    %get3A_75 = arith.constant 0 : index
    %get3A_76 = arith.constant 0 : index
    %get3A_77 = vector.load %arg2[%get3A_73, %get3A_74, %get3A_75, %get3A_76] : memref<6x1x2048x128xf32, #tpu.memory_space<vmem>>, vector<1x1x2048x128xf32>
    %get3A_78 = vector.shape_cast %get3A_77 : vector<1x1x2048x128xf32> to vector<2048x128xf32>
    %le3A_79 = arith.constant 2042 : i32
    %le3A_80 = vector.broadcast %le3A_79 : i32 to vector<2048x128xi32>
    %le3A_81 = arith.cmpi sle, %add3A_18, %le3A_80 : vector<2048x128xi32>
    %jit3A_82 = arith.constant 0.000000e+00 : f64
    %convert_element_type3A_83 = arith.truncf %jit3A_82 : f64 to f32
    %broadcast_in_dim3A_84 = vector.broadcast %convert_element_type3A_83 : f32 to vector<2048x128xf32>
    %select_n3A_85 = arith.select %le3A_81, %get3A_78, %broadcast_in_dim3A_84 : vector<2048x128xi1>, vector<2048x128xf32>
    %get3A_86 = arith.constant 0 : index
    %get3A_87 = arith.constant 384 : index
    %get3A_88 = vector.load %arg5[%get3A_86, %get3A_87] : memref<128x768xf32, #tpu.memory_space<vmem>>, vector<128x128xf32>
    %dot_general3A_89 = arith.constant dense<0.000000e+00> : vector<2048x128xf32>
    %dot_general3A_90 = tpu.matmul %select_n3A_85, %get3A_88, %dot_general3A_89 {dimension_numbers = #tpu.dot_dimension_numbers<[1], [1], [0], [0], [0, 0, 1, 0], [], []>, transpose_lhs_hint = false} : vector<2048x128xf32>, vector<128x128xf32>, vector<2048x128xf32> -> vector<2048x128xf32>
    %add3A_91 = arith.addf %add3A_72, %dot_general3A_90 : vector<2048x128xf32>
    %get3A_92 = arith.constant 4 : index
    %get3A_93 = arith.constant 0 : index
    %get3A_94 = arith.constant 0 : index
    %get3A_95 = arith.constant 0 : index
    %get3A_96 = vector.load %arg2[%get3A_92, %get3A_93, %get3A_94, %get3A_95] : memref<6x1x2048x128xf32, #tpu.memory_space<vmem>>, vector<1x1x2048x128xf32>
    %get3A_97 = vector.shape_cast %get3A_96 : vector<1x1x2048x128xf32> to vector<2048x128xf32>
    %le3A_98 = arith.constant 2041 : i32
    %le3A_99 = vector.broadcast %le3A_98 : i32 to vector<2048x128xi32>
    %le3A_100 = arith.cmpi sle, %add3A_18, %le3A_99 : vector<2048x128xi32>
    %jit3A_101 = arith.constant 0.000000e+00 : f64
    %convert_element_type3A_102 = arith.truncf %jit3A_101 : f64 to f32
    %broadcast_in_dim3A_103 = vector.broadcast %convert_element_type3A_102 : f32 to vector<2048x128xf32>
    %select_n3A_104 = arith.select %le3A_100, %get3A_97, %broadcast_in_dim3A_103 : vector<2048x128xi1>, vector<2048x128xf32>
    %get3A_105 = arith.constant 0 : index
    %get3A_106 = arith.constant 512 : index
    %get3A_107 = vector.load %arg5[%get3A_105, %get3A_106] : memref<128x768xf32, #tpu.memory_space<vmem>>, vector<128x128xf32>
    %dot_general3A_108 = arith.constant dense<0.000000e+00> : vector<2048x128xf32>
    %dot_general3A_109 = tpu.matmul %select_n3A_104, %get3A_107, %dot_general3A_108 {dimension_numbers = #tpu.dot_dimension_numbers<[1], [1], [0], [0], [0, 0, 1, 0], [], []>, transpose_lhs_hint = false} : vector<2048x128xf32>, vector<128x128xf32>, vector<2048x128xf32> -> vector<2048x128xf32>
    %add3A_110 = arith.addf %add3A_91, %dot_general3A_109 : vector<2048x128xf32>
    %get3A_111 = arith.constant 5 : index
    %get3A_112 = arith.constant 0 : index
    %get3A_113 = arith.constant 0 : index
    %get3A_114 = arith.constant 0 : index
    %get3A_115 = vector.load %arg2[%get3A_111, %get3A_112, %get3A_113, %get3A_114] : memref<6x1x2048x128xf32, #tpu.memory_space<vmem>>, vector<1x1x2048x128xf32>
    %get3A_116 = vector.shape_cast %get3A_115 : vector<1x1x2048x128xf32> to vector<2048x128xf32>
    %le3A_117 = arith.constant 2040 : i32
    %le3A_118 = vector.broadcast %le3A_117 : i32 to vector<2048x128xi32>
    %le3A_119 = arith.cmpi sle, %add3A_18, %le3A_118 : vector<2048x128xi32>
    %jit3A_120 = arith.constant 0.000000e+00 : f64
    %convert_element_type3A_121 = arith.truncf %jit3A_120 : f64 to f32
    %broadcast_in_dim3A_122 = vector.broadcast %convert_element_type3A_121 : f32 to vector<2048x128xf32>
    %select_n3A_123 = arith.select %le3A_119, %get3A_116, %broadcast_in_dim3A_122 : vector<2048x128xi1>, vector<2048x128xf32>
    %get3A_124 = arith.constant 0 : index
    %get3A_125 = arith.constant 640 : index
    %get3A_126 = vector.load %arg5[%get3A_124, %get3A_125] : memref<128x768xf32, #tpu.memory_space<vmem>>, vector<128x128xf32>
    %dot_general3A_127 = arith.constant dense<0.000000e+00> : vector<2048x128xf32>
    %dot_general3A_128 = tpu.matmul %select_n3A_123, %get3A_126, %dot_general3A_127 {dimension_numbers = #tpu.dot_dimension_numbers<[1], [1], [0], [0], [0, 0, 1, 0], [], []>, transpose_lhs_hint = false} : vector<2048x128xf32>, vector<128x128xf32>, vector<2048x128xf32> -> vector<2048x128xf32>
    %add3A_129 = arith.addf %add3A_110, %dot_general3A_128 : vector<2048x128xf32>
    %swap3A = arith.constant 0 : index
    %swap3A_130 = arith.constant 0 : index
    %swap3A_131 = arith.constant 0 : index
    %swap3A_132 = vector.load %arg7[%swap3A, %swap3A_130, %swap3A_131] : memref<1x2048x128xf32, #tpu.memory_space<vmem>>, vector<1x2048x128xf32>
    %swap3A_133 = vector.shape_cast %swap3A_132 : vector<1x2048x128xf32> to vector<2048x128xf32>
    %swap3A_134 = vector.shape_cast %add3A_129 : vector<2048x128xf32> to vector<1x2048x128xf32>
    tpu.vector_store %arg7[%swap3A, %swap3A_130, %swap3A_131], %swap3A_134 {strides = array<i32>} : memref<1x2048x128xf32, #tpu.memory_space<vmem>>, vector<1x2048x128xf32>,
    return
  }
  func.func @transform_0(%arg0: i32, %arg1: i32) -> (i32, i32, i32, i32) {
    %c0_i32 = arith.constant 0 : i32
    %c0_i32_0 = arith.constant 0 : i32
    %c0_i32_1 = arith.constant 0 : i32
    return %c0_i32, %arg0, %arg1, %c0_i32_0 : i32, i32, i32, i32
  }
  func.func @transform_1(%arg0: i32, %arg1: i32) -> (i32, i32, i32) {
    %c0_i32 = arith.constant 0 : i32
    %c0_i32_0 = arith.constant 0 : i32
    return %arg0, %c0_i32, %arg1 : i32, i32, i32
  }
  func.func @transform_2(%arg0: i32, %arg1: i32) -> (i32, i32) {
    %c0_i32 = arith.constant 0 : i32
    %c0_i32_0 = arith.constant 0 : i32
    %c0_i32_1 = arith.constant 0 : i32
    return %c0_i32, %c0_i32_0 : i32, i32
  }
  func.func @transform_3(%arg0: i32, %arg1: i32) -> (i32, i32) {
    %c0_i32 = arith.constant 0 : i32
    %c0_i32_0 = arith.constant 0 : i32
    %c0_i32_1 = arith.constant 0 : i32
    return %c0_i32, %c0_i32_0 : i32, i32
  }
  func.func @transform_4(%arg0: i32, %arg1: i32) -> (i32, i32) {
    %c0_i32 = arith.constant 0 : i32
    %c0_i32_0 = arith.constant 0 : i32
    %c0_i32_1 = arith.constant 0 : i32
    return %c0_i32, %c0_i32_0 : i32, i32
  }
  func.func @transform_5(%arg0: i32, %arg1: i32) -> (i32, i32, i32) {
    %c0_i32 = arith.constant 0 : i32
    %c0_i32_0 = arith.constant 0 : i32
    return %arg0, %arg1, %c0_i32 : i32, i32, i32
  }
}

</mosaic_0001>

<sc_bundles>
// kernel: kernel.4.cloned.1.call-start
scs
__scs_entry_jumppad:
0x0: {  	(pc) =	sbr.rel $0x88, $3  }
0x1: {  	(tag) =	ssettag $0x0;
	lr =	simm.s32 $0x1  }
0x2: {  	[smem:$0x3F97] =	sst lr;
	_ =	strace $0xD0000000  }
0x3: {  	_ = 	snop  }
0x4: {  	_ = 	snop  }
0x5: {  	_ = 	snop  }
0x6: {  	_ = 	snop  }
0x7: {  	_ = 	snop  }
__scs_overlays_trampoline_lowered:
0x8: {  	[smem:$0x3FA6] =	sst s0  }
0x9: {  	[smem:$0x3FA7] =	sst s1  }
0xa: {  	[smem:$0x3FA8] =	sst s2  }
0xb: {  	[smem:$0x3FA9] =	sst s3  }
0xc: {  	[smem:$0x3FAA] =	sst s4  }
0xd: {  	[smem:$0x3FAB] =	sst s5  }
0xe: {  	[smem:$0x3FAC] =	sst s6  }
0xf: {  	[smem:$0x3FAD] =	sst s7  }
0x10: {  	[smem:$0x3FAE] =	sst s8  }
0x11: {  	[smem:$0x3FAF] =	sst s9;
	s0 =	simm.s32 @!p0 $0x0  }
0x12: {  	s1 =	sld [smem:$0x3F95];
	s0 =	simm.s32 @p0 $0x1  }
0x13: {  	[smem:$0x3FB0] =	sst s0;
	s0 =	simm.s32 @!p1 $0x0  }
0x14: {  	s2 =	sld [smem:$0x3F94];
	s0 =	simm.s32 @p1 $0x1  }
0x15: {  	[smem:$0x3FB1] =	sst s0;
	s0 =	simm.s32 @!p2 $0x0  }
0x16: {  	s3 =	sld [smem:$0x3FDB];
	s0 =	simm.s32 @p2 $0x1  }
0x17: {  	s4 =	simm.s32 $0x1BF5;
	[smem:$0x3FB3] =	sst s0  }
0x18: {  	s0 =	sld [smem:$0x3F96];
	_ =	swait.ge [sflag:s4], $0x0  }
0x19: {  	s7 =	sld [smem:$0x3F97]  }
0x1a: {  	s8 =	sadd.s32 $0xFFFFE003, lr  }
0x1b: {  	s9 =	sadd.s32 $0xFFFFFEF7, lr;
	s5 =	simm.s32 $0xFFFFFFFF;
	p2 =	slt.u32 s8, $0xFFFFF086  }
0x1c: {  	p1 =	slt.u32 s9, $0xF7A;
	s5 =	simm.s32 @!p2 $0x0  }
0x1d: {  	s5 =	simm.s32 @p1 $0x1;
	p0 =	seq.s32 s7, s2  }
0x1e: {  	s7 =	smul.u32 @!p0 $0xF7A, s2;
	p2 =	seq.s32 @!p0 s5, $0x0  }
0x1f: {  	s9 =	smul.u32 $0xF7A, s1;
	s8 =	simm.s32 @!p0 $0x1BF5;
	p2 =	por !p2, p0  }
0x20: {  	[sflag:s8] =	ssyncset.s32 @!p0 $0xFFFFF086;
	s6 =	sadd.s32 @!p0 s3, s7;
	s7 =	simm.s32 @!p0 $0x108  }
0x21: {  	s3 =	sadd.s32 s3, s9;
	s6 =	sadd.s32 @!p0 $0x88, s6;
	s7 =	simm.s32 @p2 $0x1082  }
0x22: {  	[simem:s7], [sflag:s8] =	dma.local @!p0 [hbm:s6], $0xF7A  }
0x23: {  	s9 =	sor.u32 $0xD0000000, s2;
	s6 =	simm.s32 $0x108;
	_ =	swait.ge @!p0 [sflag:s8], $0x0  }
0x24: {  	s3 =	sadd.s32 $0x88, s3;
	s6 =	simm.s32 @!p1 $0x1082;
	[sflag:s4] =	ssyncset.s32 $0xFFFFF086  }
0x25: {  	[simem:s6], [sflag:s4] =	dma.local [hbm:s3], $0xF7A  }
0x26: {  	[smem:$0x3F97] =	sst s1;
	(tag) =	ssettag s2;
	_ =	strace s9  }
0x27: {  	s1 =	sld [smem:$0x3FA7]  }
0x28: {  	s2 =	sld [smem:$0x3FA8]  }
0x29: {  	s4 =	sld [smem:$0x3FAA]  }
0x2a: {  	p0 =	seq.s32 s5, $0x0;
	s5 =	sld [smem:$0x3FAB]  }
0x2b: {  	s6 =	sld [smem:$0x3FAC]  }
0x2c: {  	s7 =	sld [smem:$0x3FAD]  }
0x2d: {  	s3 =	simm.s32 $0x108;
	s8 =	sld [smem:$0x3FAE]  }
0x2e: {  	s3 =	simm.s32 @!p0 $0x1082;
	s9 =	sld [smem:$0x3FAF]  }
0x2f: {  	lr =	sadd.s32 s0, s3;
	s0 =	sld [smem:$0x3FA6]  }
0x30: {  	s3 =	sld [smem:$0x3FA9]  }
0x31: {  	[smem:$0x3FB2] =	sst s10  }
0x32: {  	s10 =	sld [smem:$0x3FB0];
	_ =	sdelay $0x3  }
0x33: {  	p0 =	seq.s32 s10, $0x1;
	s10 =	sld [smem:$0x3FB2];
	_ =	sdelay $0x3  }
0x34: {  	[smem:$0x3FB2] =	sst s10  }
0x35: {  	s10 =	sld [smem:$0x3FB1];
	_ =	sdelay $0x3  }
0x36: {  	p1 =	seq.s32 s10, $0x1;
	s10 =	sld [smem:$0x3FB2];
	_ =	sdelay $0x3  }
0x37: {  	[smem:$0x3FB2] =	sst s10  }
0x38: {  	s10 =	sld [smem:$0x3FB3]  }
0x39: {  	_ = 	snop;
	(pc) =	sbr.ind lr, $3  }
0x3a: {  	_ = 	snop  }
0x3b: {  	_ = 	snop  }
0x3c: {  	p2 =	seq.s32 s10, $0x1;
	s10 =	sld [smem:$0x3FB2]  }
0x3d: {  	_ =	shalt  }
0x3e: {  	_ =	shalt  }
0x3f: {  	_ =	shalt  }
0x40: {  	_ =	shalt  }
0x41: {  	_ =	shalt  }
0x42: {  	_ =	shalt  }
0x43: {  	_ =	shalt  }
0x44: {  	_ =	shalt  }
0x45: {  	_ =	shalt  }
0x46: {  	_ =	shalt  }
0x47: {  	_ =	shalt  }
0x48: {  	_ =	shalt  }
0x49: {  	_ =	shalt  }
0x4a: {  	_ =	shalt  }
0x4b: {  	_ =	shalt  }
0x4c: {  	_ =	shalt  }
0x4d: {  	_ =	shalt  }
0x4e: {  	_ =	shalt  }
0x4f: {  	_ =	shalt  }
0x50: {  	_ =	shalt  }
0x51: {  	_ =	shalt  }
0x52: {  	_ =	shalt  }
0x53: {  	_ =	shalt  }
0x54: {  	_ =	shalt  }
0x55: {  	_ =	shalt  }
0x56: {  	_ =	shalt  }
0x57: {  	_ =	shalt  }
0x58: {  	_ =	shalt  }
0x59: {  	_ =	shalt  }
0x5a: {  	_ =	shalt  }
0x5b: {  	_ =	shalt  }
0x5c: {  	_ =	shalt  }
0x5d: {  	_ =	shalt  }
0x5e: {  	_ =	shalt  }
0x5f: {  	_ =	shalt  }
0x60: {  	_ =	shalt  }
0x61: {  	_ =	shalt  }
0x62: {  	_ =	shalt  }
0x63: {  	_ =	shalt  }
0x64: {  	_ =	shalt  }
0x65: {  	_ =	shalt  }
0x66: {  	_ =	shalt  }
0x67: {  	_ =	shalt  }
0x68: {  	_ =	shalt  }
0x69: {  	_ =	shalt  }
0x6a: {  	_ =	shalt  }
0x6b: {  	_ =	shalt  }
0x6c: {  	_ =	shalt  }
0x6d: {  	_ =	shalt  }
0x6e: {  	_ =	shalt  }
0x6f: {  	_ =	shalt  }
0x70: {  	_ =	shalt  }
0x71: {  	_ =	shalt  }
0x72: {  	_ =	shalt  }
0x73: {  	_ =	shalt  }
0x74: {  	_ =	shalt  }
0x75: {  	_ =	shalt  }
0x76: {  	_ =	shalt  }
0x77: {  	_ =	shalt  }
0x78: {  	_ =	shalt  }
0x79: {  	_ =	shalt  }
0x7a: {  	_ =	shalt  }
0x7b: {  	_ =	shalt  }
0x7c: {  	_ =	shalt  }
0x7d: {  	_ =	shalt  }
0x7e: {  	_ =	shalt  }
0x7f: {  	_ =	shalt  }
0x80: {  	_ =	shalt  }
0x81: {  	_ =	shalt  }
0x82: {  	_ =	shalt  }
0x83: {  	_ =	shalt  }
0x84: {  	_ =	shalt  }
0x85: {  	_ =	shalt  }
0x86: {  	_ =	shalt  }
0x87: {  	_ =	shalt  }
.Lfunc_end0:
.L_simem_size_0:
called_computation_lowered:
.L_overlay_start_0:
0x88: {  	s2 =	sld [smem:$0x3FD9]  }
0x89: {  	s3 =	sld [smem:$0x3FFE];
	_ =	sdelay $0x1  }
0x8a: {  	s1 =	srdreg.scid  }
0x8b: {  	s0 =	sand.u32 $0x1, s1  }
0x8c: {  	s17 =	sshll.u32 s0, $0xA;
	s2 =	sadd.s32 s3, s2  }
0x8d: {  	s2 =	sadd.s32 s2, s17  }
0x8e: {  	[smem:$0x3FBE] =	sst s2  }
0x8f: {  	_ = 	snop  }
0x90: {  	s2 =	sld [smem:$0x3FC7]  }
0x91: {  	s18 =	sld [smem:$0x3FC6]  }
0x92: {  	s4 =	sld [smem:$0x3FC5]  }
0x93: {  	s5 =	sld [smem:$0x3FC4]  }
0x94: {  	s6 =	sld [smem:$0x3FC3]  }
0x95: {  	s7 =	sld [smem:$0x3FC2];
	(tm) =	ssettm $0x1  }
0x96: {  	s8 =	sld [smem:$0x3FFB];
	_ =	sdelay $0x3  }
0x97: {  	_ =	strace s8  }
0x98: {  	s8 =	sld [smem:$0x3FFC];
	_ =	sdelay $0x3  }
0x99: {  	_ =	strace s8  }
0x9a: {  	s8 =	sld [smem:$0x3FFD];
	_ =	sdelay $0x3  }
0x9b: {  	_ =	strace s8  }
0x9c: {  	_ =	strace $0x8FFFFFFF  }
0x9d: {  	s19 =	sld [smem:$0x3FDB];
	_ =	sdelay $0x1  }
0x9e: {  	s9 =	simm.s32 $_scs_section_size  }
0x9f: {  	s10 =	simm.s32 $_size__tile_overlayer_lowered;
	s11 =	simm.s32 $_tile_overlayer_lowered  }
0xa0: {  	s22 =	simm.s32 $0x1BFF;
	s21 =	sshll.u32 s11, $0x1;
	s8 =	sadd.s32 s9, s19  }
0xa1: {  	s12 =	simm.s32 $0x0;
	s20 =	sshll.u32 s10, $0x1;
	s10 =	sadd.s32 s21, s8  }
0xa2: {  	[timem:s12], [sflag:s22] =	dma.local [hbm:s10], s20  }
0xa3: {  	_ =	swait.ge [sflag:s22], s20  }
0xa4: {  	s9 =	ssub.s32 $0x0, s20;
	[sflag:s22] =	ssyncset.done $0x0  }
0xa5: {  	[sflag:s22] =	ssyncadd.s32 s9;
	_ =	sdelay $0x1  }
0xa6: {  	s23 =	simm.s32 $0x1B8B  }
0xa7: {  	_ =	swait.ge [sflag:s23], $0x1  }
0xa8: {  	[sflag:s23] =	ssyncset.done $0x0  }
0xa9: {  	s25 =	simm.s32 $0x1B8E;
	s24 =	sld [smem:$0x3FFE];
	[sflag:s23] =	ssyncadd.s32 $0xFFFFFFFF  }
0xaa: {  	s26 =	simm.s32 $execute0_lowered;
	[smem:$0x3FD2] =	sst s25  }
0xab: {  	s10 =	sshll.u32 s26, $0x1;
	_ =	strace $0x80000046;
	[dreg:$0x1] =	wrdreg $0xFFFFFFFF  }
0xac: {  	s28 =	simm.s32 $_size_execute0_lowered;
	s8 =	sadd.s32 s8, s10;
	[dreg:$0x0] =	wrdreg $0x0  }
0xad: {  	s10 =	sshll.u32 s28, $0x1;
	[dreg:$0x2] =	wrdreg s8  }
0xae: {  	[dreg:$0x3] =	wrdreg s10  }
0xaf: {  	[dreg:$0x4] =	wrdreg $0xC0  }
0xb0: {  	_ =	task [dreg:s12], $0x5FFFF  }
0xb1: {  	[dreg:$0x1] =	wrdreg $0xFFFFFFFF  }
0xb2: {  	[dreg:$0x0] =	wrdreg $0x60  }
0xb3: {  	[dreg:$0x2] =	wrdreg s24  }
0xb4: {  	[dreg:$0x3] =	wrdreg s2  }
0xb5: {  	[dreg:$0x4] =	wrdreg s18  }
0xb6: {  	[dreg:$0x5] =	wrdreg s4  }
0xb7: {  	[dreg:$0x6] =	wrdreg s5  }
0xb8: {  	[dreg:$0x7] =	wrdreg s6  }
0xb9: {  	[dreg:$0x8] =	wrdreg s7  }
0xba: {  	[dreg:$0x9] =	wrdreg $0x9  }
0xbb: {  	_ =	task.clear_ibuf [dreg:s12], $0xAFFFF;
	_ =	strace $0x90000046  }
0xbc: {  	s29 =	simm.s32 $0x9;
	_ =	strace $0x80000048  }
0xbd: {  	_ =	swait.ge [sflag:s29], $0x1  }
0xbe: {  	[sflag:s29] =	ssyncadd.s32 $0xFFFFFFFF  }
0xbf: {  	_ =	strace $0x90000048  }
0xc0: {  	_ =	sfence  }
0xc1: {  	s30 =	sld [smem:$0x0];
	_ =	sdelay $0x2  }
0xc2: {  	s31 =	sshll.u32 s1, $0xD;
	s1 =	sshrl.u32 s1, $0x2  }
0xc3: {  	s3 =	sand.u32 $0x4000, s31;
	s1 =	sadd.s32 s1, s30  }
0xc4: {  	s0 =	sor.u32 s3, s0;
	s1 =	sshll.u32 s1, $0x11  }
0xc5: {  	s0 =	sor.u32 s1, s0  }
0xc6: {  	s0 =	sadd.s32 $0x8F2B, s0  }
0xc7: {  	[sflag:s0] =	ssyncadd.remote.s32 $0x1  }
0xc8: {  	_ =	sfence.sel $0xFFFF  }
0xc9: {  	[dreg:$0x0] =	wrdreg $0xFFFFFFFF;
	(pc) =	sbr.abs _section_cstart, $3  }
0xca: {  	[dreg:$0x1] =	wrdreg $0xFFFFFFFF  }
0xcb: {  	_ =	task.clear_ibuf [dreg:s12], $0x2FFFF;
	_ =	strace $0x9FFFFFFF  }
0xcc: {  	(tm) =	ssettm $0x7FFFFFFF  }
0xcd: {  	_ =	shalt  }
tec
execute0_lowered:
.L_overlay_start_1:
0x0: {  	(tag) =	ssettag $0x1  }
0x1: {  	s0 =	rddreg [dreg:$0x0];
	s7 =	simm.s32 $0x0  }
0x2: {  	s9 =	srdreg.scid;
	s1 =	stileid.u32;
	s28 =	simm.s32 $0xA  }
0x3: {  	s29 =	simm.s32 $0x5;
	s30 =	simm.s32 $0xB;
	s31 =	simm.s32 $0x6  }
0x4: {  	[smem:$0x7FF] =	sst s7;
	s8 =	sadd.s32 $0xE00, s0;
	s9 =	sand.u32 $0x1, s9  }
0x5: {  	s0 =	sadd.s32 $0x1200, s0;
	s10 =	sshll.u32 s1, $0x9;
	_ =	strace $0x80000047  }
0x6: {  	[dreg:$0x8] =	wrdreg s8;
	s11 =	sshll.u32 s9, $0x8;
	s8 =	sand.u32 $0x1800, s10  }
0x7: {  	s12 =	ssub.s32 $0x2, s9;
	s9 =	sor.u32 s11, s10;
	s13 =	sor.u32 $0x2000, s8  }
0x8: {  	s14 =	sor.u32 $0x4000, s8;
	s17 =	sor.u32 $0x6000, s8;
	s19 =	sor.u32 $0x8000, s8  }
0x9: {  	s22 =	sor.u32 $0xA000, s8;
	s10 =	ssub.s32 s9, s8;
	s20 =	sshll.u32 s9, $0x4  }
0xa: {  	s15 =	sadd.s32 s10, s13;
	s16 =	sadd.s32 s10, s14;
	s18 =	sadd.s32 s10, s17  }
0xb: {  	s21 =	sadd.s32 s10, s19;
	s20 =	sadd.s32 s0, s20;
	s23 =	sadd.s32 s10, s22  }
0xc: {  	s10 =	sor.u32 $0x80, s9;
	[dreg:$0x9] =	wrdreg s20;
	s15 =	sshll.u32 s15, $0x4  }
0xd: {  	s16 =	sshll.u32 s16, $0x4;
	s11 =	ssub.s32 s10, s8;
	s18 =	sshll.u32 s18, $0x4  }
0xe: {  	s20 =	sshll.u32 s21, $0x4;
	s24 =	sshll.u32 s23, $0x4;
	s1 =	sshll.u32 s10, $0x4  }
0xf: {  	s8 =	sshrl.u32 s12, $0x1;
	s23 =	simm.s32 $0x2480;
	s15 =	sadd.s32 s0, s15  }
0x10: {  	s16 =	sadd.s32 s0, s16;
	s13 =	sadd.s32 s13, s11;
	[dreg:$0x1d] =	wrdreg s23  }
0x11: {  	s14 =	sadd.s32 s14, s11;
	s21 =	sadd.s32 s0, s20;
	[dreg:$0xa] =	wrdreg s15  }
0x12: {  	s17 =	sadd.s32 s17, s11;
	s25 =	sadd.s32 s0, s24;
	[dreg:$0xb] =	wrdreg s16  }
0x13: {  	s26 =	sadd.s32 s19, s11;
	s11 =	sadd.s32 s22, s11;
	[dreg:$0xd] =	wrdreg s21  }
0x14: {  	s19 =	simm.s32 $0x2280;
	s20 =	simm.s32 $0x2300;
	[dreg:$0xe] =	wrdreg s25  }
0x15: {  	s22 =	simm.s32 $0x2400;
	s24 =	simm.s32 $0x2500;
	[dreg:$0x19] =	wrdreg s19  }
0x16: {  	s23 =	simm.s32 $0x8;
	s15 =	sadd.s32 s0, s18;
	[dreg:$0x1a] =	wrdreg s20  }
0x17: {  	s13 =	sshll.u32 s13, $0x4;
	s14 =	sshll.u32 s14, $0x4;
	[dreg:$0x1c] =	wrdreg s22  }
0x18: {  	s3 =	sshll.u32 s17, $0x4;
	s5 =	sshll.u32 s26, $0x4;
	[dreg:$0x1e] =	wrdreg s24  }
0x19: {  	s11 =	sshll.u32 s11, $0x4;
	s16 =	simm.s32 $0x2100;
	[dreg:$0xc] =	wrdreg s15  }
0x1a: {  	s17 =	simm.s32 $0x2180;
	s18 =	simm.s32 $0x2200;
	[dreg:$0x16] =	wrdreg s16  }
0x1b: {  	s21 =	simm.s32 $0x2380;
	s19 =	simm.s32 $0x16880;
	[dreg:$0x17] =	wrdreg s17  }
0x1c: {  	s20 =	simm.s32 $0x1;
	s22 =	simm.s32 $0x2;
	[dreg:$0x18] =	wrdreg s18  }
0x1d: {  	s25 =	simm.s32 $0x2580;
	s26 =	simm.s32 $0x2600;
	[dreg:$0x1b] =	wrdreg s21  }
0x1e: {  	s24 =	simm.s32 $0x3;
	s15 =	sadd.s32 s0, s1;
	[dreg:$0x1f] =	wrdreg s25  }
0x1f: {  	s13 =	sadd.s32 s0, s13;
	s2 =	sadd.s32 s0, s14;
	[smem:$0x7FD] =	sst s26  }
0x20: {  	s4 =	sadd.s32 s0, s3;
	s6 =	sadd.s32 s0, s5;
	[dreg:$0xf] =	wrdreg s15  }
0x21: {  	s0 =	sadd.s32 s0, s11;
	s14 =	ssub.s32 s12, s8;
	[dreg:$0x10] =	wrdreg s13  }
0x22: {  	s12 =	simm.s32 $0xD;
	s16 =	simm.s32 $0xA880;
	[dreg:$0x11] =	wrdreg s2  }
0x23: {  	s17 =	simm.s32 $0xE880;
	s18 =	simm.s32 $0x12880;
	[dreg:$0x12] =	wrdreg s4  }
0x24: {  	s21 =	simm.s32 $0x7;
	s25 =	simm.s32 $0x9;
	[dreg:$0x13] =	wrdreg s6  }
0x25: {  	s26 =	simm.s32 $0x4;
	[dreg:$0x14] =	wrdreg s0;
	s11 =	smax.u32 s14, $0x1  }
0x26: {  	s15 =	simm.s32 $0x2080;
	s13 =	simm.s32 $0x80;
	s14 =	simm.s32 $0x2880  }
0x27: {  	v0 =	vimm.s32 $0x0;
	s0 =	simm.s32 $0xC;
	[dreg:$0x15] =	wrdreg s15;
	s15 =	simm.s32 $0x6880  }
.LBB2_1:
0x28: {  	s8 =	rddreg [dreg:$0x8]  }
0x29: {  	[tilespmem:s7], [sflag:$0xD] =	stream.linear.gather [hbm4b:s8+s7], $0x2000, $0x38;
	[tilespmem:$0x1A880] =	vst v63  }
0x2a: {  	_ =	swait.ge [sflag:s12], $0x2000  }
0x2b: {  	[sflag:s12] =	ssyncset.done $0x0  }
0x2c: {  	[sflag:s12] =	ssyncadd.s32 $0xFFFFE000  }
0x2d: {  	[tilespmem:$0x2000] =	vst v0;
	v1 =	vld [tilespmem:s9+$0x0]  }
0x2e: {  	v2 =	vld [tilespmem:s9+$0x1]  }
0x2f: {  	v3 =	vld [tilespmem:s9+$0x2];
	_ =	sdelay $0x3  }
0x30: {  	v2 =	vshll.u32 v2, $0x8  }
0x31: {  	v1 =	vadd.s32 v1, v2;
	v2 =	vshll.u32 v3, $0x10  }
0x32: {  	v1 =	vadd.s32 v2, v1  }
0x33: {  	vm0 =	vgt.s32 v1, $0x0  }
0x34: {  	v2 =	vnsel vm0, $0x0, v1  }
0x35: {  	v3 =	vcvt.s32.f32 v2;
	_ =	sdelay $0x1  }
0x36: {  	v3 =	vmul.f32 $1.999999990e-06, v3;
	_ =	sdelay $0x1  }
0x37: {  	v3 =	vtrunc.f32 v3  }
0x38: {  	v3 =	vcvt.f32.s32 v3;
	_ =	sdelay $0x1  }
0x39: {  	v3 =	vmul.u32 $0xFFF85EE0, v3;
	_ =	sdelay $0x1  }
0x3a: {  	v2 =	vadd.s32 v2, v3  }
0x3b: {  	vm13 =	vlt.s32 v2, $0x0;
	v3 =	vadd.s32 $0x7A120, v2  }
0x3c: {  	v2 =	vsel vm13, v3, v2  }
0x3d: {  	vm0 =	vgt.s32 v2, $0x7A11F;
	v3 =	vadd.s32 $0xFFF85EE0, v2  }
0x3e: {  	v2 =	vsel vm0, v3, v2  }
0x3f: {  	[tilespmem:$0x2080] =	vst v2  }
0x40: {  	v2 =	vld [tilespmem:s9+$0x3];
	_ =	sdelay $0x4  }
0x41: {  	v2 =	vmul.u32 $0x43AE0, v2;
	_ =	sdelay $0x1  }
0x42: {  	v1 =	vadd.s32 v1, v2  }
0x43: {  	vm14 =	vgt.s32 v1, $0x0  }
0x44: {  	v2 =	vnsel vm14, $0x0, v1  }
0x45: {  	v3 =	vcvt.s32.f32 v2;
	_ =	sdelay $0x1  }
0x46: {  	v3 =	vmul.f32 $1.999999990e-06, v3;
	_ =	sdelay $0x1  }
0x47: {  	v3 =	vtrunc.f32 v3  }
0x48: {  	v3 =	vcvt.f32.s32 v3;
	_ =	sdelay $0x1  }
0x49: {  	v3 =	vmul.u32 $0xFFF85EE0, v3;
	_ =	sdelay $0x1  }
0x4a: {  	v2 =	vadd.s32 v2, v3  }
0x4b: {  	vm15 =	vlt.s32 v2, $0x0;
	v3 =	vadd.s32 $0x7A120, v2  }
0x4c: {  	v2 =	vsel vm15, v3, v2  }
0x4d: {  	vm0 =	vgt.s32 v2, $0x7A11F;
	v3 =	vadd.s32 $0xFFF85EE0, v2  }
0x4e: {  	v2 =	vsel vm0, v3, v2  }
0x4f: {  	[tilespmem:$0x2100] =	vst v2  }
0x50: {  	v2 =	vld [tilespmem:s9+$0x4];
	_ =	sdelay $0x4  }
0x51: {  	v2 =	vmul.u32 $0x72160, v2;
	_ =	sdelay $0x1  }
0x52: {  	v1 =	vadd.s32 v1, v2  }
0x53: {  	vm4 =	vgt.s32 v1, $0x0  }
0x54: {  	v2 =	vnsel vm4, $0x0, v1  }
0x55: {  	v3 =	vcvt.s32.f32 v2;
	_ =	sdelay $0x1  }
0x56: {  	v3 =	vmul.f32 $1.999999990e-06, v3;
	_ =	sdelay $0x1  }
0x57: {  	v3 =	vtrunc.f32 v3  }
0x58: {  	v3 =	vcvt.f32.s32 v3;
	_ =	sdelay $0x1  }
0x59: {  	v3 =	vmul.u32 $0xFFF85EE0, v3;
	_ =	sdelay $0x1  }
0x5a: {  	v2 =	vadd.s32 v2, v3  }
0x5b: {  	vm5 =	vlt.s32 v2, $0x0;
	v3 =	vadd.s32 $0x7A120, v2  }
0x5c: {  	v2 =	vsel vm5, v3, v2  }
0x5d: {  	vm0 =	vgt.s32 v2, $0x7A11F;
	v3 =	vadd.s32 $0xFFF85EE0, v2  }
0x5e: {  	v2 =	vsel vm0, v3, v2  }
0x5f: {  	[tilespmem:$0x2180] =	vst v2  }
0x60: {  	v2 =	vld [tilespmem:s9+$0x5];
	_ =	sdelay $0x4  }
0x61: {  	v2 =	vmul.u32 $0x1F320, v2;
	_ =	sdelay $0x1  }
0x62: {  	v1 =	vadd.s32 v1, v2  }
0x63: {  	vm6 =	vgt.s32 v1, $0x0  }
0x64: {  	v2 =	vnsel vm6, $0x0, v1  }
0x65: {  	v3 =	vcvt.s32.f32 v2;
	_ =	sdelay $0x1  }
0x66: {  	v3 =	vmul.f32 $1.999999990e-06, v3;
	_ =	sdelay $0x1  }
0x67: {  	v3 =	vtrunc.f32 v3  }
0x68: {  	v3 =	vcvt.f32.s32 v3;
	_ =	sdelay $0x1  }
0x69: {  	v3 =	vmul.u32 $0xFFF85EE0, v3;
	_ =	sdelay $0x1  }
0x6a: {  	v2 =	vadd.s32 v2, v3  }
0x6b: {  	vm7 =	vlt.s32 v2, $0x0;
	v3 =	vadd.s32 $0x7A120, v2  }
0x6c: {  	v2 =	vsel vm7, v3, v2  }
0x6d: {  	vm0 =	vgt.s32 v2, $0x7A11F;
	v3 =	vadd.s32 $0xFFF85EE0, v2  }
0x6e: {  	v2 =	vsel vm0, v3, v2  }
0x6f: {  	[tilespmem:$0x2200] =	vst v2  }
0x70: {  	v2 =	vld [tilespmem:s9+$0x6];
	_ =	sdelay $0x4  }
0x71: {  	v2 =	vmul.u32 $0x336E0, v2;
	_ =	sdelay $0x1  }
0x72: {  	v1 =	vadd.s32 v1, v2  }
0x73: {  	vm8 =	vgt.s32 v1, $0x0  }
0x74: {  	v2 =	vnsel vm8, $0x0, v1  }
0x75: {  	v3 =	vcvt.s32.f32 v2;
	_ =	sdelay $0x1  }
0x76: {  	v3 =	vmul.f32 $1.999999990e-06, v3;
	_ =	sdelay $0x1  }
0x77: {  	v3 =	vtrunc.f32 v3  }
0x78: {  	v3 =	vcvt.f32.s32 v3;
	_ =	sdelay $0x1  }
0x79: {  	v3 =	vmul.u32 $0xFFF85EE0, v3;
	_ =	sdelay $0x1  }
0x7a: {  	v2 =	vadd.s32 v2, v3  }
0x7b: {  	vm9 =	vlt.s32 v2, $0x0;
	v3 =	vadd.s32 $0x7A120, v2  }
0x7c: {  	v2 =	vsel vm9, v3, v2  }
0x7d: {  	vm0 =	vgt.s32 v2, $0x7A11F;
	v3 =	vadd.s32 $0xFFF85EE0, v2  }
0x7e: {  	v2 =	vsel vm0, v3, v2  }
0x7f: {  	[tilespmem:$0x2280] =	vst v2  }
0x80: {  	v2 =	vld [tilespmem:s9+$0x7];
	_ =	sdelay $0x4  }
0x81: {  	v3 =	vmul.u32 $0x687A0, v2  }
0x82: {  	vm10 =	vgt.s32 v2, $0x7F  }
0x83: {  	v2 =	vsel vm10, $0x6D780, v0;
	v1 =	vadd.s32 v1, v3  }
0x84: {  	v1 =	vadd.s32 v2, v1  }
0x85: {  	vm11 =	vgt.s32 v1, $0x0  }
0x86: {  	v1 =	vnsel vm11, $0x0, v1  }
0x87: {  	v2 =	vcvt.s32.f32 v1;
	_ =	sdelay $0x1  }
0x88: {  	v2 =	vmul.f32 $1.999999990e-06, v2;
	_ =	sdelay $0x1  }
0x89: {  	v2 =	vtrunc.f32 v2  }
0x8a: {  	v2 =	vcvt.f32.s32 v2;
	_ =	sdelay $0x1  }
0x8b: {  	v2 =	vmul.u32 $0xFFF85EE0, v2;
	_ =	sdelay $0x1  }
0x8c: {  	v1 =	vadd.s32 v1, v2  }
0x8d: {  	vm12 =	vlt.s32 v1, $0x0;
	v2 =	vadd.s32 $0x7A120, v1  }
0x8e: {  	v1 =	vsel vm12, v2, v1  }
0x8f: {  	vm0 =	vgt.s32 v1, $0x7A11F;
	v2 =	vadd.s32 $0xFFF85EE0, v1  }
0x90: {  	v1 =	vsel vm0, v2, v1  }
0x91: {  	[tilespmem:$0x2300] =	vst v1  }
0x92: {  	v1 =	vld [tilespmem:s9+$0x10]  }
0x93: {  	v2 =	vld [tilespmem:s9+$0x11]  }
0x94: {  	v3 =	vld [tilespmem:s9+$0x12];
	_ =	sdelay $0x3  }
0x95: {  	v2 =	vshll.u32 v2, $0x8  }
0x96: {  	v1 =	vadd.s32 v1, v2;
	v2 =	vshll.u32 v3, $0x10  }
0x97: {  	v1 =	vadd.s32 v2, v1  }
0x98: {  	vm13 =	vgt.s32 v1, $0x0  }
0x99: {  	v2 =	vnsel vm13, $0x0, v1  }
0x9a: {  	v3 =	vcvt.s32.f32 v2;
	_ =	sdelay $0x1  }
0x9b: {  	v3 =	vmul.f32 $1.999999990e-06, v3;
	_ =	sdelay $0x1  }
0x9c: {  	v3 =	vtrunc.f32 v3  }
0x9d: {  	v3 =	vcvt.f32.s32 v3;
	_ =	sdelay $0x1  }
0x9e: {  	v3 =	vmul.u32 $0xFFF85EE0, v3;
	_ =	sdelay $0x1  }
0x9f: {  	v2 =	vadd.s32 v2, v3  }
0xa0: {  	vm14 =	vlt.s32 v2, $0x0;
	v3 =	vadd.s32 $0x7A120, v2  }
0xa1: {  	v2 =	vsel vm14, v3, v2  }
0xa2: {  	vm0 =	vgt.s32 v2, $0x7A11F;
	v3 =	vadd.s32 $0xFFF85EE0, v2  }
0xa3: {  	v2 =	vsel vm0, v3, v2  }
0xa4: {  	[tilespmem:$0x2090] =	vst v2  }
0xa5: {  	v2 =	vld [tilespmem:s9+$0x13];
	_ =	sdelay $0x4  }
0xa6: {  	v2 =	vmul.u32 $0x43AE0, v2;
	_ =	sdelay $0x1  }
0xa7: {  	v1 =	vadd.s32 v1, v2  }
0xa8: {  	vm15 =	vgt.s32 v1, $0x0  }
0xa9: {  	v2 =	vnsel vm15, $0x0, v1  }
0xaa: {  	v3 =	vcvt.s32.f32 v2;
	_ =	sdelay $0x1  }
0xab: {  	v3 =	vmul.f32 $1.999999990e-06, v3;
	_ =	sdelay $0x1  }
0xac: {  	v3 =	vtrunc.f32 v3  }
0xad: {  	v3 =	vcvt.f32.s32 v3;
	_ =	sdelay $0x1  }
0xae: {  	v3 =	vmul.u32 $0xFFF85EE0, v3;
	_ =	sdelay $0x1  }
0xaf: {  	v2 =	vadd.s32 v2, v3  }
0xb0: {  	vm4 =	vlt.s32 v2, $0x0;
	v3 =	vadd.s32 $0x7A120, v2  }
0xb1: {  	v2 =	vsel vm4, v3, v2  }
0xb2: {  	vm0 =	vgt.s32 v2, $0x7A11F;
	v3 =	vadd.s32 $0xFFF85EE0, v2  }
0xb3: {  	v2 =	vsel vm0, v3, v2  }
0xb4: {  	[tilespmem:$0x2110] =	vst v2  }
0xb5: {  	v2 =	vld [tilespmem:s9+$0x14];
	_ =	sdelay $0x4  }
0xb6: {  	v2 =	vmul.u32 $0x72160, v2;
	_ =	sdelay $0x1  }
0xb7: {  	v1 =	vadd.s32 v1, v2  }
0xb8: {  	vm5 =	vgt.s32 v1, $0x0  }
0xb9: {  	v2 =	vnsel vm5, $0x0, v1  }
0xba: {  	v3 =	vcvt.s32.f32 v2;
	_ =	sdelay $0x1  }
0xbb: {  	v3 =	vmul.f32 $1.999999990e-06, v3;
	_ =	sdelay $0x1  }
0xbc: {  	v3 =	vtrunc.f32 v3  }
0xbd: {  	v3 =	vcvt.f32.s32 v3;
	_ =	sdelay $0x1  }
0xbe: {  	v3 =	vmul.u32 $0xFFF85EE0, v3;
	_ =	sdelay $0x1  }
0xbf: {  	v2 =	vadd.s32 v2, v3  }
0xc0: {  	vm6 =	vlt.s32 v2, $0x0;
	v3 =	vadd.s32 $0x7A120, v2  }
0xc1: {  	v2 =	vsel vm6, v3, v2  }
0xc2: {  	vm0 =	vgt.s32 v2, $0x7A11F;
	v3 =	vadd.s32 $0xFFF85EE0, v2  }
0xc3: {  	v2 =	vsel vm0, v3, v2  }
0xc4: {  	[tilespmem:$0x2190] =	vst v2  }
0xc5: {  	v2 =	vld [tilespmem:s9+$0x15];
	_ =	sdelay $0x4  }
0xc6: {  	v2 =	vmul.u32 $0x1F320, v2;
	_ =	sdelay $0x1  }
0xc7: {  	v1 =	vadd.s32 v1, v2  }
0xc8: {  	vm7 =	vgt.s32 v1, $0x0  }
0xc9: {  	v2 =	vnsel vm7, $0x0, v1  }
0xca: {  	v3 =	vcvt.s32.f32 v2;
	_ =	sdelay $0x1  }
0xcb: {  	v3 =	vmul.f32 $1.999999990e-06, v3;
	_ =	sdelay $0x1  }
0xcc: {  	v3 =	vtrunc.f32 v3  }
0xcd: {  	v3 =	vcvt.f32.s32 v3;
	_ =	sdelay $0x1  }
0xce: {  	v3 =	vmul.u32 $0xFFF85EE0, v3;
	_ =	sdelay $0x1  }
0xcf: {  	v2 =	vadd.s32 v2, v3  }
0xd0: {  	vm8 =	vlt.s32 v2, $0x0;
	v3 =	vadd.s32 $0x7A120, v2  }
0xd1: {  	v2 =	vsel vm8, v3, v2  }
0xd2: {  	vm0 =	vgt.s32 v2, $0x7A11F;
	v3 =	vadd.s32 $0xFFF85EE0, v2  }
0xd3: {  	v2 =	vsel vm0, v3, v2  }
0xd4: {  	[tilespmem:$0x2210] =	vst v2  }
0xd5: {  	v2 =	vld [tilespmem:s9+$0x16];
	_ =	sdelay $0x4  }
0xd6: {  	v2 =	vmul.u32 $0x336E0, v2;
	_ =	sdelay $0x1  }
0xd7: {  	v1 =	vadd.s32 v1, v2  }
0xd8: {  	vm9 =	vgt.s32 v1, $0x0  }
0xd9: {  	v2 =	vnsel vm9, $0x0, v1  }
0xda: {  	v3 =	vcvt.s32.f32 v2;
	_ =	sdelay $0x1  }
0xdb: {  	v3 =	vmul.f32 $1.999999990e-06, v3;
	_ =	sdelay $0x1  }
0xdc: {  	v3 =	vtrunc.f32 v3  }
0xdd: {  	v3 =	vcvt.f32.s32 v3;
	_ =	sdelay $0x1  }
0xde: {  	v3 =	vmul.u32 $0xFFF85EE0, v3;
	_ =	sdelay $0x1  }
0xdf: {  	v2 =	vadd.s32 v2, v3  }
0xe0: {  	vm10 =	vlt.s32 v2, $0x0;
	v3 =	vadd.s32 $0x7A120, v2  }
0xe1: {  	v2 =	vsel vm10, v3, v2  }
0xe2: {  	vm0 =	vgt.s32 v2, $0x7A11F;
	v3 =	vadd.s32 $0xFFF85EE0, v2  }
0xe3: {  	v2 =	vsel vm0, v3, v2  }
0xe4: {  	[tilespmem:$0x2290] =	vst v2  }
0xe5: {  	v2 =	vld [tilespmem:s9+$0x17];
	_ =	sdelay $0x4  }
0xe6: {  	v3 =	vmul.u32 $0x687A0, v2  }
0xe7: {  	vm11 =	vgt.s32 v2, $0x7F  }
0xe8: {  	v2 =	vsel vm11, $0x6D780, v0;
	v1 =	vadd.s32 v1, v3  }
0xe9: {  	v1 =	vadd.s32 v2, v1  }
0xea: {  	vm12 =	vgt.s32 v1, $0x0  }
0xeb: {  	v1 =	vnsel vm12, $0x0, v1  }
0xec: {  	v2 =	vcvt.s32.f32 v1;
	_ =	sdelay $0x1  }
0xed: {  	v2 =	vmul.f32 $1.999999990e-06, v2;
	_ =	sdelay $0x1  }
0xee: {  	v2 =	vtrunc.f32 v2  }
0xef: {  	v2 =	vcvt.f32.s32 v2;
	_ =	sdelay $0x1  }
0xf0: {  	v2 =	vmul.u32 $0xFFF85EE0, v2;
	_ =	sdelay $0x1  }
0xf1: {  	v1 =	vadd.s32 v1, v2  }
0xf2: {  	vm13 =	vlt.s32 v1, $0x0;
	v2 =	vadd.s32 $0x7A120, v1  }
0xf3: {  	v1 =	vsel vm13, v2, v1  }
0xf4: {  	vm0 =	vgt.s32 v1, $0x7A11F;
	v2 =	vadd.s32 $0xFFF85EE0, v1  }
0xf5: {  	v1 =	vsel vm0, v2, v1  }
0xf6: {  	[tilespmem:$0x2310] =	vst v1  }
0xf7: {  	v1 =	vld [tilespmem:s9+$0x20]  }
0xf8: {  	v2 =	vld [tilespmem:s9+$0x21]  }
0xf9: {  	v3 =	vld [tilespmem:s9+$0x22];
	_ =	sdelay $0x3  }
0xfa: {  	v2 =	vshll.u32 v2, $0x8  }
0xfb: {  	v1 =	vadd.s32 v1, v2;
	v2 =	vshll.u32 v3, $0x10  }
0xfc: {  	v1 =	vadd.s32 v2, v1  }
0xfd: {  	vm14 =	vgt.s32 v1, $0x0  }
0xfe: {  	v2 =	vnsel vm14, $0x0, v1  }
0xff: {  	v3 =	vcvt.s32.f32 v2;
	_ =	sdelay $0x1  }
0x100: {  	v3 =	vmul.f32 $1.999999990e-06, v3;
	_ =	sdelay $0x1  }
0x101: {  	v3 =	vtrunc.f32 v3  }
0x102: {  	v3 =	vcvt.f32.s32 v3;
	_ =	sdelay $0x1  }
0x103: {  	v3 =	vmul.u32 $0xFFF85EE0, v3;
	_ =	sdelay $0x1  }
0x104: {  	v2 =	vadd.s32 v2, v3  }
0x105: {  	vm15 =	vlt.s32 v2, $0x0;
	v3 =	vadd.s32 $0x7A120, v2  }
0x106: {  	v2 =	vsel vm15, v3, v2  }
0x107: {  	vm0 =	vgt.s32 v2, $0x7A11F;
	v3 =	vadd.s32 $0xFFF85EE0, v2  }
0x108: {  	v2 =	vsel vm0, v3, v2  }
0x109: {  	[tilespmem:$0x20A0] =	vst v2  }
0x10a: {  	v2 =	vld [tilespmem:s9+$0x23];
	_ =	sdelay $0x4  }
0x10b: {  	v2 =	vmul.u32 $0x43AE0, v2;
	_ =	sdelay $0x1  }
0x10c: {  	v1 =	vadd.s32 v1, v2  }
0x10d: {  	vm4 =	vgt.s32 v1, $0x0  }
0x10e: {  	v2 =	vnsel vm4, $0x0, v1  }
0x10f: {  	v3 =	vcvt.s32.f32 v2;
	_ =	sdelay $0x1  }
0x110: {  	v3 =	vmul.f32 $1.999999990e-06, v3;
	_ =	sdelay $0x1  }
0x111: {  	v3 =	vtrunc.f32 v3  }
0x112: {  	v3 =	vcvt.f32.s32 v3;
	_ =	sdelay $0x1  }
0x113: {  	v3 =	vmul.u32 $0xFFF85EE0, v3;
	_ =	sdelay $0x1  }
0x114: {  	v2 =	vadd.s32 v2, v3  }
0x115: {  	vm5 =	vlt.s32 v2, $0x0;
	v3 =	vadd.s32 $0x7A120, v2  }
0x116: {  	v2 =	vsel vm5, v3, v2  }
0x117: {  	vm0 =	vgt.s32 v2, $0x7A11F;
	v3 =	vadd.s32 $0xFFF85EE0, v2  }
0x118: {  	v2 =	vsel vm0, v3, v2  }
0x119: {  	[tilespmem:$0x2120] =	vst v2  }
0x11a: {  	v2 =	vld [tilespmem:s9+$0x24];
	_ =	sdelay $0x4  }
0x11b: {  	v2 =	vmul.u32 $0x72160, v2;
	_ =	sdelay $0x1  }
0x11c: {  	v1 =	vadd.s32 v1, v2  }
0x11d: {  	vm6 =	vgt.s32 v1, $0x0  }
0x11e: {  	v2 =	vnsel vm6, $0x0, v1  }
0x11f: {  	v3 =	vcvt.s32.f32 v2;
	_ =	sdelay $0x1  }
0x120: {  	v3 =	vmul.f32 $1.999999990e-06, v3;
	_ =	sdelay $0x1  }
0x121: {  	v3 =	vtrunc.f32 v3  }
0x122: {  	v3 =	vcvt.f32.s32 v3;
	_ =	sdelay $0x1  }
0x123: {  	v3 =	vmul.u32 $0xFFF85EE0, v3;
	_ =	sdelay $0x1  }
0x124: {  	v2 =	vadd.s32 v2, v3  }
0x125: {  	vm7 =	vlt.s32 v2, $0x0;
	v3 =	vadd.s32 $0x7A120, v2  }
0x126: {  	v2 =	vsel vm7, v3, v2  }
0x127: {  	vm0 =	vgt.s32 v2, $0x7A11F;
	v3 =	vadd.s32 $0xFFF85EE0, v2  }
0x128: {  	v2 =	vsel vm0, v3, v2  }
0x129: {  	[tilespmem:$0x21A0] =	vst v2  }
0x12a: {  	v2 =	vld [tilespmem:s9+$0x25];
	_ =	sdelay $0x4  }
0x12b: {  	v2 =	vmul.u32 $0x1F320, v2;
	_ =	sdelay $0x1  }
0x12c: {  	v1 =	vadd.s32 v1, v2  }
0x12d: {  	vm8 =	vgt.s32 v1, $0x0  }
0x12e: {  	v2 =	vnsel vm8, $0x0, v1  }
0x12f: {  	v3 =	vcvt.s32.f32 v2;
	_ =	sdelay $0x1  }
0x130: {  	v3 =	vmul.f32 $1.999999990e-06, v3;
	_ =	sdelay $0x1  }
0x131: {  	v3 =	vtrunc.f32 v3  }
0x132: {  	v3 =	vcvt.f32.s32 v3;
	_ =	sdelay $0x1  }
0x133: {  	v3 =	vmul.u32 $0xFFF85EE0, v3;
	_ =	sdelay $0x1  }
0x134: {  	v2 =	vadd.s32 v2, v3  }
0x135: {  	vm9 =	vlt.s32 v2, $0x0;
	v3 =	vadd.s32 $0x7A120, v2  }
0x136: {  	v2 =	vsel vm9, v3, v2  }
0x137: {  	vm0 =	vgt.s32 v2, $0x7A11F;
	v3 =	vadd.s32 $0xFFF85EE0, v2  }
0x138: {  	v2 =	vsel vm0, v3, v2  }
0x139: {  	[tilespmem:$0x2220] =	vst v2  }
0x13a: {  	v2 =	vld [tilespmem:s9+$0x26];
	_ =	sdelay $0x4  }
0x13b: {  	v2 =	vmul.u32 $0x336E0, v2;
	_ =	sdelay $0x1  }
0x13c: {  	v1 =	vadd.s32 v1, v2  }
0x13d: {  	vm10 =	vgt.s32 v1, $0x0  }
0x13e: {  	v2 =	vnsel vm10, $0x0, v1  }
0x13f: {  	v3 =	vcvt.s32.f32 v2;
	_ =	sdelay $0x1  }
0x140: {  	v3 =	vmul.f32 $1.999999990e-06, v3;
	_ =	sdelay $0x1  }
0x141: {  	v3 =	vtrunc.f32 v3  }
0x142: {  	v3 =	vcvt.f32.s32 v3;
	_ =	sdelay $0x1  }
0x143: {  	v3 =	vmul.u32 $0xFFF85EE0, v3;
	_ =	sdelay $0x1  }
0x144: {  	v2 =	vadd.s32 v2, v3  }
0x145: {  	vm11 =	vlt.s32 v2, $0x0;
	v3 =	vadd.s32 $0x7A120, v2  }
0x146: {  	v2 =	vsel vm11, v3, v2  }
0x147: {  	vm0 =	vgt.s32 v2, $0x7A11F;
	v3 =	vadd.s32 $0xFFF85EE0, v2  }
0x148: {  	v2 =	vsel vm0, v3, v2  }
0x149: {  	[tilespmem:$0x22A0] =	vst v2  }
0x14a: {  	v2 =	vld [tilespmem:s9+$0x27];
	_ =	sdelay $0x4  }
0x14b: {  	v3 =	vmul.u32 $0x687A0, v2  }
0x14c: {  	vm12 =	vgt.s32 v2, $0x7F  }
0x14d: {  	v2 =	vsel vm12, $0x6D780, v0;
	v1 =	vadd.s32 v1, v3  }
0x14e: {  	v1 =	vadd.s32 v2, v1  }
0x14f: {  	vm13 =	vgt.s32 v1, $0x0  }
0x150: {  	v1 =	vnsel vm13, $0x0, v1  }
0x151: {  	v2 =	vcvt.s32.f32 v1;
	_ =	sdelay $0x1  }
0x152: {  	v2 =	vmul.f32 $1.999999990e-06, v2;
	_ =	sdelay $0x1  }
0x153: {  	v2 =	vtrunc.f32 v2  }
0x154: {  	v2 =	vcvt.f32.s32 v2;
	_ =	sdelay $0x1  }
0x155: {  	v2 =	vmul.u32 $0xFFF85EE0, v2;
	_ =	sdelay $0x1  }
0x156: {  	v1 =	vadd.s32 v1, v2  }
0x157: {  	vm14 =	vlt.s32 v1, $0x0;
	v2 =	vadd.s32 $0x7A120, v1  }
0x158: {  	v1 =	vsel vm14, v2, v1  }
0x159: {  	vm0 =	vgt.s32 v1, $0x7A11F;
	v2 =	vadd.s32 $0xFFF85EE0, v1  }
0x15a: {  	v1 =	vsel vm0, v2, v1  }
0x15b: {  	[tilespmem:$0x2320] =	vst v1  }
0x15c: {  	v1 =	vld [tilespmem:s9+$0x30]  }
0x15d: {  	v2 =	vld [tilespmem:s9+$0x31]  }
0x15e: {  	v3 =	vld [tilespmem:s9+$0x32];
	_ =	sdelay $0x3  }
0x15f: {  	v2 =	vshll.u32 v2, $0x8  }
0x160: {  	v1 =	vadd.s32 v1, v2;
	v2 =	vshll.u32 v3, $0x10  }
0x161: {  	v1 =	vadd.s32 v2, v1  }
0x162: {  	vm15 =	vgt.s32 v1, $0x0  }
0x163: {  	v2 =	vnsel vm15, $0x0, v1  }
0x164: {  	v3 =	vcvt.s32.f32 v2;
	_ =	sdelay $0x1  }
0x165: {  	v3 =	vmul.f32 $1.999999990e-06, v3;
	_ =	sdelay $0x1  }
0x166: {  	v3 =	vtrunc.f32 v3  }
0x167: {  	v3 =	vcvt.f32.s32 v3;
	_ =	sdelay $0x1  }
0x168: {  	v3 =	vmul.u32 $0xFFF85EE0, v3;
	_ =	sdelay $0x1  }
0x169: {  	v2 =	vadd.s32 v2, v3  }
0x16a: {  	vm4 =	vlt.s32 v2, $0x0;
	v3 =	vadd.s32 $0x7A120, v2  }
0x16b: {  	v2 =	vsel vm4, v3, v2  }
0x16c: {  	vm0 =	vgt.s32 v2, $0x7A11F;
	v3 =	vadd.s32 $0xFFF85EE0, v2  }
0x16d: {  	v2 =	vsel vm0, v3, v2  }
0x16e: {  	[tilespmem:$0x20B0] =	vst v2  }
0x16f: {  	v2 =	vld [tilespmem:s9+$0x33];
	_ =	sdelay $0x4  }
0x170: {  	v2 =	vmul.u32 $0x43AE0, v2;
	_ =	sdelay $0x1  }
0x171: {  	v1 =	vadd.s32 v1, v2  }
0x172: {  	vm5 =	vgt.s32 v1, $0x0  }
0x173: {  	v2 =	vnsel vm5, $0x0, v1  }
0x174: {  	v3 =	vcvt.s32.f32 v2;
	_ =	sdelay $0x1  }
0x175: {  	v3 =	vmul.f32 $1.999999990e-06, v3;
	_ =	sdelay $0x1  }
0x176: {  	v3 =	vtrunc.f32 v3  }
0x177: {  	v3 =	vcvt.f32.s32 v3;
	_ =	sdelay $0x1  }
0x178: {  	v3 =	vmul.u32 $0xFFF85EE0, v3;
	_ =	sdelay $0x1  }
0x179: {  	v2 =	vadd.s32 v2, v3  }
0x17a: {  	vm6 =	vlt.s32 v2, $0x0;
	v3 =	vadd.s32 $0x7A120, v2  }
0x17b: {  	v2 =	vsel vm6, v3, v2  }
0x17c: {  	vm0 =	vgt.s32 v2, $0x7A11F;
	v3 =	vadd.s32 $0xFFF85EE0, v2  }
0x17d: {  	v2 =	vsel vm0, v3, v2  }
0x17e: {  	[tilespmem:$0x2130] =	vst v2  }
0x17f: {  	v2 =	vld [tilespmem:s9+$0x34];
	_ =	sdelay $0x4  }
0x180: {  	v2 =	vmul.u32 $0x72160, v2;
	_ =	sdelay $0x1  }
0x181: {  	v1 =	vadd.s32 v1, v2  }
0x182: {  	vm7 =	vgt.s32 v1, $0x0  }
0x183: {  	v2 =	vnsel vm7, $0x0, v1  }
0x184: {  	v3 =	vcvt.s32.f32 v2;
	_ =	sdelay $0x1  }
0x185: {  	v3 =	vmul.f32 $1.999999990e-06, v3;
	_ =	sdelay $0x1  }
0x186: {  	v3 =	vtrunc.f32 v3  }
0x187: {  	v3 =	vcvt.f32.s32 v3;
	_ =	sdelay $0x1  }
0x188: {  	v3 =	vmul.u32 $0xFFF85EE0, v3;
	_ =	sdelay $0x1  }
0x189: {  	v2 =	vadd.s32 v2, v3  }
0x18a: {  	vm8 =	vlt.s32 v2, $0x0;
	v3 =	vadd.s32 $0x7A120, v2  }
0x18b: {  	v2 =	vsel vm8, v3, v2  }
0x18c: {  	vm0 =	vgt.s32 v2, $0x7A11F;
	v3 =	vadd.s32 $0xFFF85EE0, v2  }
0x18d: {  	v2 =	vsel vm0, v3, v2  }
0x18e: {  	[tilespmem:$0x21B0] =	vst v2  }
0x18f: {  	v2 =	vld [tilespmem:s9+$0x35];
	_ =	sdelay $0x4  }
0x190: {  	v2 =	vmul.u32 $0x1F320, v2;
	_ =	sdelay $0x1  }
0x191: {  	v1 =	vadd.s32 v1, v2  }
0x192: {  	vm9 =	vgt.s32 v1, $0x0  }
0x193: {  	v2 =	vnsel vm9, $0x0, v1  }
0x194: {  	v3 =	vcvt.s32.f32 v2;
	_ =	sdelay $0x1  }
0x195: {  	v3 =	vmul.f32 $1.999999990e-06, v3;
	_ =	sdelay $0x1  }
0x196: {  	v3 =	vtrunc.f32 v3  }
0x197: {  	v3 =	vcvt.f32.s32 v3;
	_ =	sdelay $0x1  }
0x198: {  	v3 =	vmul.u32 $0xFFF85EE0, v3;
	_ =	sdelay $0x1  }
0x199: {  	v2 =	vadd.s32 v2, v3  }
0x19a: {  	vm10 =	vlt.s32 v2, $0x0;
	v3 =	vadd.s32 $0x7A120, v2  }
0x19b: {  	v2 =	vsel vm10, v3, v2  }
0x19c: {  	vm0 =	vgt.s32 v2, $0x7A11F;
	v3 =	vadd.s32 $0xFFF85EE0, v2  }
0x19d: {  	v2 =	vsel vm0, v3, v2  }
0x19e: {  	[tilespmem:$0x2230] =	vst v2  }
0x19f: {  	v2 =	vld [tilespmem:s9+$0x36];
	_ =	sdelay $0x4  }
0x1a0: {  	v2 =	vmul.u32 $0x336E0, v2;
	_ =	sdelay $0x1  }
0x1a1: {  	v1 =	vadd.s32 v1, v2  }
0x1a2: {  	vm11 =	vgt.s32 v1, $0x0  }
0x1a3: {  	v2 =	vnsel vm11, $0x0, v1  }
0x1a4: {  	v3 =	vcvt.s32.f32 v2;
	_ =	sdelay $0x1  }
0x1a5: {  	v3 =	vmul.f32 $1.999999990e-06, v3;
	_ =	sdelay $0x1  }
0x1a6: {  	v3 =	vtrunc.f32 v3  }
0x1a7: {  	v3 =	vcvt.f32.s32 v3;
	_ =	sdelay $0x1  }
0x1a8: {  	v3 =	vmul.u32 $0xFFF85EE0, v3;
	_ =	sdelay $0x1  }
0x1a9: {  	v2 =	vadd.s32 v2, v3  }
0x1aa: {  	vm12 =	vlt.s32 v2, $0x0;
	v3 =	vadd.s32 $0x7A120, v2  }
0x1ab: {  	v2 =	vsel vm12, v3, v2  }
0x1ac: {  	vm0 =	vgt.s32 v2, $0x7A11F;
	v3 =	vadd.s32 $0xFFF85EE0, v2  }
0x1ad: {  	v2 =	vsel vm0, v3, v2  }
0x1ae: {  	[tilespmem:$0x22B0] =	vst v2  }
0x1af: {  	v2 =	vld [tilespmem:s9+$0x37];
	_ =	sdelay $0x4  }
0x1b0: {  	v3 =	vmul.u32 $0x687A0, v2  }
0x1b1: {  	vm13 =	vgt.s32 v2, $0x7F  }
0x1b2: {  	v2 =	vsel vm13, $0x6D780, v0;
	v1 =	vadd.s32 v1, v3  }
0x1b3: {  	v1 =	vadd.s32 v2, v1  }
0x1b4: {  	vm14 =	vgt.s32 v1, $0x0  }
0x1b5: {  	v1 =	vnsel vm14, $0x0, v1  }
0x1b6: {  	v2 =	vcvt.s32.f32 v1;
	_ =	sdelay $0x1  }
0x1b7: {  	v2 =	vmul.f32 $1.999999990e-06, v2;
	_ =	sdelay $0x1  }
0x1b8: {  	v2 =	vtrunc.f32 v2  }
0x1b9: {  	v2 =	vcvt.f32.s32 v2;
	_ =	sdelay $0x1  }
0x1ba: {  	v2 =	vmul.u32 $0xFFF85EE0, v2;
	_ =	sdelay $0x1  }
0x1bb: {  	v1 =	vadd.s32 v1, v2  }
0x1bc: {  	vm15 =	vlt.s32 v1, $0x0;
	v2 =	vadd.s32 $0x7A120, v1  }
0x1bd: {  	v1 =	vsel vm15, v2, v1  }
0x1be: {  	vm0 =	vgt.s32 v1, $0x7A11F;
	v2 =	vadd.s32 $0xFFF85EE0, v1  }
0x1bf: {  	v1 =	vsel vm0, v2, v1  }
0x1c0: {  	[tilespmem:$0x2330] =	vst v1  }
0x1c1: {  	v1 =	vld [tilespmem:s9+$0x40]  }
0x1c2: {  	v2 =	vld [tilespmem:s9+$0x41]  }
0x1c3: {  	v3 =	vld [tilespmem:s9+$0x42];
	_ =	sdelay $0x3  }
0x1c4: {  	v2 =	vshll.u32 v2, $0x8  }
0x1c5: {  	v1 =	vadd.s32 v1, v2;
	v2 =	vshll.u32 v3, $0x10  }
0x1c6: {  	v1 =	vadd.s32 v2, v1  }
0x1c7: {  	vm4 =	vgt.s32 v1, $0x0  }
0x1c8: {  	v2 =	vnsel vm4, $0x0, v1  }
0x1c9: {  	v3 =	vcvt.s32.f32 v2;
	_ =	sdelay $0x1  }
0x1ca: {  	v3 =	vmul.f32 $1.999999990e-06, v3;
	_ =	sdelay $0x1  }
0x1cb: {  	v3 =	vtrunc.f32 v3  }
0x1cc: {  	v3 =	vcvt.f32.s32 v3;
	_ =	sdelay $0x1  }
0x1cd: {  	v3 =	vmul.u32 $0xFFF85EE0, v3;
	_ =	sdelay $0x1  }
0x1ce: {  	v2 =	vadd.s32 v2, v3  }
0x1cf: {  	vm5 =	vlt.s32 v2, $0x0;
	v3 =	vadd.s32 $0x7A120, v2  }
0x1d0: {  	v2 =	vsel vm5, v3, v2  }
0x1d1: {  	vm0 =	vgt.s32 v2, $0x7A11F;
	v3 =	vadd.s32 $0xFFF85EE0, v2  }
0x1d2: {  	v2 =	vsel vm0, v3, v2  }
0x1d3: {  	[tilespmem:$0x20C0] =	vst v2  }
0x1d4: {  	v2 =	vld [tilespmem:s9+$0x43];
	_ =	sdelay $0x4  }
0x1d5: {  	v2 =	vmul.u32 $0x43AE0, v2;
	_ =	sdelay $0x1  }
0x1d6: {  	v1 =	vadd.s32 v1, v2  }
0x1d7: {  	vm6 =	vgt.s32 v1, $0x0  }
0x1d8: {  	v2 =	vnsel vm6, $0x0, v1  }
0x1d9: {  	v3 =	vcvt.s32.f32 v2;
	_ =	sdelay $0x1  }
0x1da: {  	v3 =	vmul.f32 $1.999999990e-06, v3;
	_ =	sdelay $0x1  }
0x1db: {  	v3 =	vtrunc.f32 v3  }
0x1dc: {  	v3 =	vcvt.f32.s32 v3;
	_ =	sdelay $0x1  }
0x1dd: {  	v3 =	vmul.u32 $0xFFF85EE0, v3;
	_ =	sdelay $0x1  }
0x1de: {  	v2 =	vadd.s32 v2, v3  }
0x1df: {  	vm7 =	vlt.s32 v2, $0x0;
	v3 =	vadd.s32 $0x7A120, v2  }
0x1e0: {  	v2 =	vsel vm7, v3, v2  }
0x1e1: {  	vm0 =	vgt.s32 v2, $0x7A11F;
	v3 =	vadd.s32 $0xFFF85EE0, v2  }
0x1e2: {  	v2 =	vsel vm0, v3, v2  }
0x1e3: {  	[tilespmem:$0x2140] =	vst v2  }
0x1e4: {  	v2 =	vld [tilespmem:s9+$0x44];
	_ =	sdelay $0x4  }
0x1e5: {  	v2 =	vmul.u32 $0x72160, v2;
	_ =	sdelay $0x1  }
0x1e6: {  	v1 =	vadd.s32 v1, v2  }
0x1e7: {  	vm8 =	vgt.s32 v1, $0x0  }
0x1e8: {  	v2 =	vnsel vm8, $0x0, v1  }
0x1e9: {  	v3 =	vcvt.s32.f32 v2;
	_ =	sdelay $0x1  }
0x1ea: {  	v3 =	vmul.f32 $1.999999990e-06, v3;
	_ =	sdelay $0x1  }
0x1eb: {  	v3 =	vtrunc.f32 v3  }
0x1ec: {  	v3 =	vcvt.f32.s32 v3;
	_ =	sdelay $0x1  }
0x1ed: {  	v3 =	vmul.u32 $0xFFF85EE0, v3;
	_ =	sdelay $0x1  }
0x1ee: {  	v2 =	vadd.s32 v2, v3  }
0x1ef: {  	vm9 =	vlt.s32 v2, $0x0;
	v3 =	vadd.s32 $0x7A120, v2  }
0x1f0: {  	v2 =	vsel vm9, v3, v2  }
0x1f1: {  	vm0 =	vgt.s32 v2, $0x7A11F;
	v3 =	vadd.s32 $0xFFF85EE0, v2  }
0x1f2: {  	v2 =	vsel vm0, v3, v2  }
0x1f3: {  	[tilespmem:$0x21C0] =	vst v2  }
0x1f4: {  	v2 =	vld [tilespmem:s9+$0x45];
	_ =	sdelay $0x4  }
0x1f5: {  	v2 =	vmul.u32 $0x1F320, v2;
	_ =	sdelay $0x1  }
0x1f6: {  	v1 =	vadd.s32 v1, v2  }
0x1f7: {  	vm10 =	vgt.s32 v1, $0x0  }
0x1f8: {  	v2 =	vnsel vm10, $0x0, v1  }
0x1f9: {  	v3 =	vcvt.s32.f32 v2;
	_ =	sdelay $0x1  }
0x1fa: {  	v3 =	vmul.f32 $1.999999990e-06, v3;
	_ =	sdelay $0x1  }
0x1fb: {  	v3 =	vtrunc.f32 v3  }
0x1fc: {  	v3 =	vcvt.f32.s32 v3;
	_ =	sdelay $0x1  }
0x1fd: {  	v3 =	vmul.u32 $0xFFF85EE0, v3;
	_ =	sdelay $0x1  }
0x1fe: {  	v2 =	vadd.s32 v2, v3  }
0x1ff: {  	vm11 =	vlt.s32 v2, $0x0;
	v3 =	vadd.s32 $0x7A120, v2  }
0x200: {  	v2 =	vsel vm11, v3, v2  }
0x201: {  	vm0 =	vgt.s32 v2, $0x7A11F;
	v3 =	vadd.s32 $0xFFF85EE0, v2  }
0x202: {  	v2 =	vsel vm0, v3, v2  }
0x203: {  	[tilespmem:$0x2240] =	vst v2  }
0x204: {  	v2 =	vld [tilespmem:s9+$0x46];
	_ =	sdelay $0x4  }
0x205: {  	v2 =	vmul.u32 $0x336E0, v2;
	_ =	sdelay $0x1  }
0x206: {  	v1 =	vadd.s32 v1, v2  }
0x207: {  	vm12 =	vgt.s32 v1, $0x0  }
0x208: {  	v2 =	vnsel vm12, $0x0, v1  }
0x209: {  	v3 =	vcvt.s32.f32 v2;
	_ =	sdelay $0x1  }
0x20a: {  	v3 =	vmul.f32 $1.999999990e-06, v3;
	_ =	sdelay $0x1  }
0x20b: {  	v3 =	vtrunc.f32 v3  }
0x20c: {  	v3 =	vcvt.f32.s32 v3;
	_ =	sdelay $0x1  }
0x20d: {  	v3 =	vmul.u32 $0xFFF85EE0, v3;
	_ =	sdelay $0x1  }
0x20e: {  	v2 =	vadd.s32 v2, v3  }
0x20f: {  	vm13 =	vlt.s32 v2, $0x0;
	v3 =	vadd.s32 $0x7A120, v2  }
0x210: {  	v2 =	vsel vm13, v3, v2  }
0x211: {  	vm0 =	vgt.s32 v2, $0x7A11F;
	v3 =	vadd.s32 $0xFFF85EE0, v2  }
0x212: {  	v2 =	vsel vm0, v3, v2  }
0x213: {  	[tilespmem:$0x22C0] =	vst v2  }
0x214: {  	v2 =	vld [tilespmem:s9+$0x47];
	_ =	sdelay $0x4  }
0x215: {  	v3 =	vmul.u32 $0x687A0, v2  }
0x216: {  	vm14 =	vgt.s32 v2, $0x7F  }
0x217: {  	v2 =	vsel vm14, $0x6D780, v0;
	v1 =	vadd.s32 v1, v3  }
0x218: {  	v1 =	vadd.s32 v2, v1  }
0x219: {  	vm15 =	vgt.s32 v1, $0x0  }
0x21a: {  	v1 =	vnsel vm15, $0x0, v1  }
0x21b: {  	v2 =	vcvt.s32.f32 v1;
	_ =	sdelay $0x1  }
0x21c: {  	v2 =	vmul.f32 $1.999999990e-06, v2;
	_ =	sdelay $0x1  }
0x21d: {  	v2 =	vtrunc.f32 v2  }
0x21e: {  	v2 =	vcvt.f32.s32 v2;
	_ =	sdelay $0x1  }
0x21f: {  	v2 =	vmul.u32 $0xFFF85EE0, v2;
	_ =	sdelay $0x1  }
0x220: {  	v1 =	vadd.s32 v1, v2  }
0x221: {  	vm4 =	vlt.s32 v1, $0x0;
	v2 =	vadd.s32 $0x7A120, v1  }
0x222: {  	v1 =	vsel vm4, v2, v1  }
0x223: {  	vm0 =	vgt.s32 v1, $0x7A11F;
	v2 =	vadd.s32 $0xFFF85EE0, v1  }
0x224: {  	v1 =	vsel vm0, v2, v1  }
0x225: {  	[tilespmem:$0x2340] =	vst v1  }
0x226: {  	v1 =	vld [tilespmem:s9+$0x50]  }
0x227: {  	v2 =	vld [tilespmem:s9+$0x51]  }
0x228: {  	v3 =	vld [tilespmem:s9+$0x52];
	_ =	sdelay $0x3  }
0x229: {  	v2 =	vshll.u32 v2, $0x8  }
0x22a: {  	v1 =	vadd.s32 v1, v2;
	v2 =	vshll.u32 v3, $0x10  }
0x22b: {  	v1 =	vadd.s32 v2, v1  }
0x22c: {  	vm5 =	vgt.s32 v1, $0x0  }
0x22d: {  	v2 =	vnsel vm5, $0x0, v1  }
0x22e: {  	v3 =	vcvt.s32.f32 v2;
	_ =	sdelay $0x1  }
0x22f: {  	v3 =	vmul.f32 $1.999999990e-06, v3;
	_ =	sdelay $0x1  }
0x230: {  	v3 =	vtrunc.f32 v3  }
0x231: {  	v3 =	vcvt.f32.s32 v3;
	_ =	sdelay $0x1  }
0x232: {  	v3 =	vmul.u32 $0xFFF85EE0, v3;
	_ =	sdelay $0x1  }
0x233: {  	v2 =	vadd.s32 v2, v3  }
0x234: {  	vm6 =	vlt.s32 v2, $0x0;
	v3 =	vadd.s32 $0x7A120, v2  }
0x235: {  	v2 =	vsel vm6, v3, v2  }
0x236: {  	vm0 =	vgt.s32 v2, $0x7A11F;
	v3 =	vadd.s32 $0xFFF85EE0, v2  }
0x237: {  	v2 =	vsel vm0, v3, v2  }
0x238: {  	[tilespmem:$0x20D0] =	vst v2  }
0x239: {  	v2 =	vld [tilespmem:s9+$0x53];
	_ =	sdelay $0x4  }
0x23a: {  	v2 =	vmul.u32 $0x43AE0, v2;
	_ =	sdelay $0x1  }
0x23b: {  	v1 =	vadd.s32 v1, v2  }
0x23c: {  	vm7 =	vgt.s32 v1, $0x0  }
0x23d: {  	v2 =	vnsel vm7, $0x0, v1  }
0x23e: {  	v3 =	vcvt.s32.f32 v2;
	_ =	sdelay $0x1  }
0x23f: {  	v3 =	vmul.f32 $1.999999990e-06, v3;
	_ =	sdelay $0x1  }
0x240: {  	v3 =	vtrunc.f32 v3  }
0x241: {  	v3 =	vcvt.f32.s32 v3;
	_ =	sdelay $0x1  }
0x242: {  	v3 =	vmul.u32 $0xFFF85EE0, v3;
	_ =	sdelay $0x1  }
0x243: {  	v2 =	vadd.s32 v2, v3  }
0x244: {  	vm8 =	vlt.s32 v2, $0x0;
	v3 =	vadd.s32 $0x7A120, v2  }
0x245: {  	v2 =	vsel vm8, v3, v2  }
0x246: {  	vm0 =	vgt.s32 v2, $0x7A11F;
	v3 =	vadd.s32 $0xFFF85EE0, v2  }
0x247: {  	v2 =	vsel vm0, v3, v2  }
0x248: {  	[tilespmem:$0x2150] =	vst v2  }
0x249: {  	v2 =	vld [tilespmem:s9+$0x54];
	_ =	sdelay $0x4  }
0x24a: {  	v2 =	vmul.u32 $0x72160, v2;
	_ =	sdelay $0x1  }
0x24b: {  	v1 =	vadd.s32 v1, v2  }
0x24c: {  	vm9 =	vgt.s32 v1, $0x0  }
0x24d: {  	v2 =	vnsel vm9, $0x0, v1  }
0x24e: {  	v3 =	vcvt.s32.f32 v2;
	_ =	sdelay $0x1  }
0x24f: {  	v3 =	vmul.f32 $1.999999990e-06, v3;
	_ =	sdelay $0x1  }
0x250: {  	v3 =	vtrunc.f32 v3  }
0x251: {  	v3 =	vcvt.f32.s32 v3;
	_ =	sdelay $0x1  }
0x252: {  	v3 =	vmul.u32 $0xFFF85EE0, v3;
	_ =	sdelay $0x1  }
0x253: {  	v2 =	vadd.s32 v2, v3  }
0x254: {  	vm10 =	vlt.s32 v2, $0x0;
	v3 =	vadd.s32 $0x7A120, v2  }
0x255: {  	v2 =	vsel vm10, v3, v2  }
0x256: {  	vm0 =	vgt.s32 v2, $0x7A11F;
	v3 =	vadd.s32 $0xFFF85EE0, v2  }
0x257: {  	v2 =	vsel vm0, v3, v2  }
0x258: {  	[tilespmem:$0x21D0] =	vst v2  }
0x259: {  	v2 =	vld [tilespmem:s9+$0x55];
	_ =	sdelay $0x4  }
0x25a: {  	v2 =	vmul.u32 $0x1F320, v2;
	_ =	sdelay $0x1  }
0x25b: {  	v1 =	vadd.s32 v1, v2  }
0x25c: {  	vm11 =	vgt.s32 v1, $0x0  }
0x25d: {  	v2 =	vnsel vm11, $0x0, v1  }
0x25e: {  	v3 =	vcvt.s32.f32 v2;
	_ =	sdelay $0x1  }
0x25f: {  	v3 =	vmul.f32 $1.999999990e-06, v3;
	_ =	sdelay $0x1  }
0x260: {  	v3 =	vtrunc.f32 v3  }
0x261: {  	v3 =	vcvt.f32.s32 v3;
	_ =	sdelay $0x1  }
0x262: {  	v3 =	vmul.u32 $0xFFF85EE0, v3;
	_ =	sdelay $0x1  }
0x263: {  	v2 =	vadd.s32 v2, v3  }
0x264: {  	vm12 =	vlt.s32 v2, $0x0;
	v3 =	vadd.s32 $0x7A120, v2  }
0x265: {  	v2 =	vsel vm12, v3, v2  }
0x266: {  	vm0 =	vgt.s32 v2, $0x7A11F;
	v3 =	vadd.s32 $0xFFF85EE0, v2  }
0x267: {  	v2 =	vsel vm0, v3, v2  }
0x268: {  	[tilespmem:$0x2250] =	vst v2  }
0x269: {  	v2 =	vld [tilespmem:s9+$0x56];
	_ =	sdelay $0x4  }
0x26a: {  	v2 =	vmul.u32 $0x336E0, v2;
	_ =	sdelay $0x1  }
0x26b: {  	v1 =	vadd.s32 v1, v2  }
0x26c: {  	vm13 =	vgt.s32 v1, $0x0  }
0x26d: {  	v2 =	vnsel vm13, $0x0, v1  }
0x26e: {  	v3 =	vcvt.s32.f32 v2;
	_ =	sdelay $0x1  }
0x26f: {  	v3 =	vmul.f32 $1.999999990e-06, v3;
	_ =	sdelay $0x1  }
0x270: {  	v3 =	vtrunc.f32 v3  }
0x271: {  	v3 =	vcvt.f32.s32 v3;
	_ =	sdelay $0x1  }
0x272: {  	v3 =	vmul.u32 $0xFFF85EE0, v3;
	_ =	sdelay $0x1  }
0x273: {  	v2 =	vadd.s32 v2, v3  }
0x274: {  	vm14 =	vlt.s32 v2, $0x0;
	v3 =	vadd.s32 $0x7A120, v2  }
0x275: {  	v2 =	vsel vm14, v3, v2  }
0x276: {  	vm0 =	vgt.s32 v2, $0x7A11F;
	v3 =	vadd.s32 $0xFFF85EE0, v2  }
0x277: {  	v2 =	vsel vm0, v3, v2  }
0x278: {  	[tilespmem:$0x22D0] =	vst v2  }
0x279: {  	v2 =	vld [tilespmem:s9+$0x57];
	_ =	sdelay $0x4  }
0x27a: {  	v3 =	vmul.u32 $0x687A0, v2  }
0x27b: {  	vm15 =	vgt.s32 v2, $0x7F  }
0x27c: {  	v2 =	vsel vm15, $0x6D780, v0;
	v1 =	vadd.s32 v1, v3  }
0x27d: {  	v1 =	vadd.s32 v2, v1  }
0x27e: {  	vm4 =	vgt.s32 v1, $0x0  }
0x27f: {  	v1 =	vnsel vm4, $0x0, v1  }
0x280: {  	v2 =	vcvt.s32.f32 v1;
	_ =	sdelay $0x1  }
0x281: {  	v2 =	vmul.f32 $1.999999990e-06, v2;
	_ =	sdelay $0x1  }
0x282: {  	v2 =	vtrunc.f32 v2  }
0x283: {  	v2 =	vcvt.f32.s32 v2;
	_ =	sdelay $0x1  }
0x284: {  	v2 =	vmul.u32 $0xFFF85EE0, v2;
	_ =	sdelay $0x1  }
0x285: {  	v1 =	vadd.s32 v1, v2  }
0x286: {  	vm5 =	vlt.s32 v1, $0x0;
	v2 =	vadd.s32 $0x7A120, v1  }
0x287: {  	v1 =	vsel vm5, v2, v1  }
0x288: {  	vm0 =	vgt.s32 v1, $0x7A11F;
	v2 =	vadd.s32 $0xFFF85EE0, v1  }
0x289: {  	v1 =	vsel vm0, v2, v1  }
0x28a: {  	[tilespmem:$0x2350] =	vst v1  }
0x28b: {  	v1 =	vld [tilespmem:s9+$0x60]  }
0x28c: {  	v2 =	vld [tilespmem:s9+$0x61]  }
0x28d: {  	v3 =	vld [tilespmem:s9+$0x62];
	_ =	sdelay $0x3  }
0x28e: {  	v2 =	vshll.u32 v2, $0x8  }
0x28f: {  	v1 =	vadd.s32 v1, v2;
	v2 =	vshll.u32 v3, $0x10  }
0x290: {  	v1 =	vadd.s32 v2, v1  }
0x291: {  	vm6 =	vgt.s32 v1, $0x0  }
0x292: {  	v2 =	vnsel vm6, $0x0, v1  }
0x293: {  	v3 =	vcvt.s32.f32 v2;
	_ =	sdelay $0x1  }
0x294: {  	v3 =	vmul.f32 $1.999999990e-06, v3;
	_ =	sdelay $0x1  }
0x295: {  	v3 =	vtrunc.f32 v3  }
0x296: {  	v3 =	vcvt.f32.s32 v3;
	_ =	sdelay $0x1  }
0x297: {  	v3 =	vmul.u32 $0xFFF85EE0, v3;
	_ =	sdelay $0x1  }
0x298: {  	v2 =	vadd.s32 v2, v3  }
0x299: {  	vm7 =	vlt.s32 v2, $0x0;
	v3 =	vadd.s32 $0x7A120, v2  }
0x29a: {  	v2 =	vsel vm7, v3, v2  }
0x29b: {  	vm0 =	vgt.s32 v2, $0x7A11F;
	v3 =	vadd.s32 $0xFFF85EE0, v2  }
0x29c: {  	v2 =	vsel vm0, v3, v2  }
0x29d: {  	[tilespmem:$0x20E0] =	vst v2  }
0x29e: {  	v2 =	vld [tilespmem:s9+$0x63];
	_ =	sdelay $0x4  }
0x29f: {  	v2 =	vmul.u32 $0x43AE0, v2;
	_ =	sdelay $0x1  }
0x2a0: {  	v1 =	vadd.s32 v1, v2  }
0x2a1: {  	vm8 =	vgt.s32 v1, $0x0  }
0x2a2: {  	v2 =	vnsel vm8, $0x0, v1  }
0x2a3: {  	v3 =	vcvt.s32.f32 v2;
	_ =	sdelay $0x1  }
0x2a4: {  	v3 =	vmul.f32 $1.999999990e-06, v3;
	_ =	sdelay $0x1  }
0x2a5: {  	v3 =	vtrunc.f32 v3  }
0x2a6: {  	v3 =	vcvt.f32.s32 v3;
	_ =	sdelay $0x1  }
0x2a7: {  	v3 =	vmul.u32 $0xFFF85EE0, v3;
	_ =	sdelay $0x1  }
0x2a8: {  	v2 =	vadd.s32 v2, v3  }
0x2a9: {  	vm9 =	vlt.s32 v2, $0x0;
	v3 =	vadd.s32 $0x7A120, v2  }
0x2aa: {  	v2 =	vsel vm9, v3, v2  }
0x2ab: {  	vm0 =	vgt.s32 v2, $0x7A11F;
	v3 =	vadd.s32 $0xFFF85EE0, v2  }
0x2ac: {  	v2 =	vsel vm0, v3, v2  }
0x2ad: {  	[tilespmem:$0x2160] =	vst v2  }
0x2ae: {  	v2 =	vld [tilespmem:s9+$0x64];
	_ =	sdelay $0x4  }
0x2af: {  	v2 =	vmul.u32 $0x72160, v2;
	_ =	sdelay $0x1  }
0x2b0: {  	v1 =	vadd.s32 v1, v2  }
0x2b1: {  	vm10 =	vgt.s32 v1, $0x0  }
0x2b2: {  	v2 =	vnsel vm10, $0x0, v1  }
0x2b3: {  	v3 =	vcvt.s32.f32 v2;
	_ =	sdelay $0x1  }
0x2b4: {  	v3 =	vmul.f32 $1.999999990e-06, v3;
	_ =	sdelay $0x1  }
0x2b5: {  	v3 =	vtrunc.f32 v3  }
0x2b6: {  	v3 =	vcvt.f32.s32 v3;
	_ =	sdelay $0x1  }
0x2b7: {  	v3 =	vmul.u32 $0xFFF85EE0, v3;
	_ =	sdelay $0x1  }
0x2b8: {  	v2 =	vadd.s32 v2, v3  }
0x2b9: {  	vm11 =	vlt.s32 v2, $0x0;
	v3 =	vadd.s32 $0x7A120, v2  }
0x2ba: {  	v2 =	vsel vm11, v3, v2  }
0x2bb: {  	vm0 =	vgt.s32 v2, $0x7A11F;
	v3 =	vadd.s32 $0xFFF85EE0, v2  }
0x2bc: {  	v2 =	vsel vm0, v3, v2  }
0x2bd: {  	[tilespmem:$0x21E0] =	vst v2  }
0x2be: {  	v2 =	vld [tilespmem:s9+$0x65];
	_ =	sdelay $0x4  }
0x2bf: {  	v2 =	vmul.u32 $0x1F320, v2;
	_ =	sdelay $0x1  }
0x2c0: {  	v1 =	vadd.s32 v1, v2  }
0x2c1: {  	vm12 =	vgt.s32 v1, $0x0  }
0x2c2: {  	v2 =	vnsel vm12, $0x0, v1  }
0x2c3: {  	v3 =	vcvt.s32.f32 v2;
	_ =	sdelay $0x1  }
0x2c4: {  	v3 =	vmul.f32 $1.999999990e-06, v3;
	_ =	sdelay $0x1  }
0x2c5: {  	v3 =	vtrunc.f32 v3  }
0x2c6: {  	v3 =	vcvt.f32.s32 v3;
	_ =	sdelay $0x1  }
0x2c7: {  	v3 =	vmul.u32 $0xFFF85EE0, v3;
	_ =	sdelay $0x1  }
0x2c8: {  	v2 =	vadd.s32 v2, v3  }
0x2c9: {  	vm13 =	vlt.s32 v2, $0x0;
	v3 =	vadd.s32 $0x7A120, v2  }
0x2ca: {  	v2 =	vsel vm13, v3, v2  }
0x2cb: {  	vm0 =	vgt.s32 v2, $0x7A11F;
	v3 =	vadd.s32 $0xFFF85EE0, v2  }
0x2cc: {  	v2 =	vsel vm0, v3, v2  }
0x2cd: {  	[tilespmem:$0x2260] =	vst v2  }
0x2ce: {  	v2 =	vld [tilespmem:s9+$0x66];
	_ =	sdelay $0x4  }
0x2cf: {  	v2 =	vmul.u32 $0x336E0, v2;
	_ =	sdelay $0x1  }
0x2d0: {  	v1 =	vadd.s32 v1, v2  }
0x2d1: {  	vm14 =	vgt.s32 v1, $0x0  }
0x2d2: {  	v2 =	vnsel vm14, $0x0, v1  }
0x2d3: {  	v3 =	vcvt.s32.f32 v2;
	_ =	sdelay $0x1  }
0x2d4: {  	v3 =	vmul.f32 $1.999999990e-06, v3;
	_ =	sdelay $0x1  }
0x2d5: {  	v3 =	vtrunc.f32 v3  }
0x2d6: {  	v3 =	vcvt.f32.s32 v3;
	_ =	sdelay $0x1  }
0x2d7: {  	v3 =	vmul.u32 $0xFFF85EE0, v3;
	_ =	sdelay $0x1  }
0x2d8: {  	v2 =	vadd.s32 v2, v3  }
0x2d9: {  	vm15 =	vlt.s32 v2, $0x0;
	v3 =	vadd.s32 $0x7A120, v2  }
0x2da: {  	v2 =	vsel vm15, v3, v2  }
0x2db: {  	vm0 =	vgt.s32 v2, $0x7A11F;
	v3 =	vadd.s32 $0xFFF85EE0, v2  }
0x2dc: {  	v2 =	vsel vm0, v3, v2  }
0x2dd: {  	[tilespmem:$0x22E0] =	vst v2  }
0x2de: {  	v2 =	vld [tilespmem:s9+$0x67];
	_ =	sdelay $0x4  }
0x2df: {  	v3 =	vmul.u32 $0x687A0, v2  }
0x2e0: {  	vm4 =	vgt.s32 v2, $0x7F  }
0x2e1: {  	v2 =	vsel vm4, $0x6D780, v0;
	v1 =	vadd.s32 v1, v3  }
0x2e2: {  	v1 =	vadd.s32 v2, v1  }
0x2e3: {  	vm5 =	vgt.s32 v1, $0x0  }
0x2e4: {  	v1 =	vnsel vm5, $0x0, v1  }
0x2e5: {  	v2 =	vcvt.s32.f32 v1;
	_ =	sdelay $0x1  }
0x2e6: {  	v2 =	vmul.f32 $1.999999990e-06, v2;
	_ =	sdelay $0x1  }
0x2e7: {  	v2 =	vtrunc.f32 v2  }
0x2e8: {  	v2 =	vcvt.f32.s32 v2;
	_ =	sdelay $0x1  }
0x2e9: {  	v2 =	vmul.u32 $0xFFF85EE0, v2;
	_ =	sdelay $0x1  }
0x2ea: {  	v1 =	vadd.s32 v1, v2  }
0x2eb: {  	vm6 =	vlt.s32 v1, $0x0;
	v2 =	vadd.s32 $0x7A120, v1  }
0x2ec: {  	v1 =	vsel vm6, v2, v1  }
0x2ed: {  	vm0 =	vgt.s32 v1, $0x7A11F;
	v2 =	vadd.s32 $0xFFF85EE0, v1  }
0x2ee: {  	v1 =	vsel vm0, v2, v1  }
0x2ef: {  	[tilespmem:$0x2360] =	vst v1  }
0x2f0: {  	v1 =	vld [tilespmem:s9+$0x70]  }
0x2f1: {  	v2 =	vld [tilespmem:s9+$0x71]  }
0x2f2: {  	v3 =	vld [tilespmem:s9+$0x72];
	_ =	sdelay $0x3  }
0x2f3: {  	v2 =	vshll.u32 v2, $0x8  }
0x2f4: {  	v1 =	vadd.s32 v1, v2;
	v2 =	vshll.u32 v3, $0x10  }
0x2f5: {  	v1 =	vadd.s32 v2, v1  }
0x2f6: {  	vm7 =	vgt.s32 v1, $0x0  }
0x2f7: {  	v2 =	vnsel vm7, $0x0, v1  }
0x2f8: {  	v3 =	vcvt.s32.f32 v2;
	_ =	sdelay $0x1  }
0x2f9: {  	v3 =	vmul.f32 $1.999999990e-06, v3;
	_ =	sdelay $0x1  }
0x2fa: {  	v3 =	vtrunc.f32 v3  }
0x2fb: {  	v3 =	vcvt.f32.s32 v3;
	_ =	sdelay $0x1  }
0x2fc: {  	v3 =	vmul.u32 $0xFFF85EE0, v3;
	_ =	sdelay $0x1  }
0x2fd: {  	v2 =	vadd.s32 v2, v3  }
0x2fe: {  	vm8 =	vlt.s32 v2, $0x0;
	v3 =	vadd.s32 $0x7A120, v2  }
0x2ff: {  	v2 =	vsel vm8, v3, v2  }
0x300: {  	vm0 =	vgt.s32 v2, $0x7A11F;
	v3 =	vadd.s32 $0xFFF85EE0, v2  }
0x301: {  	v2 =	vsel vm0, v3, v2  }
0x302: {  	[tilespmem:$0x20F0] =	vst v2  }
0x303: {  	v2 =	vld [tilespmem:s9+$0x73];
	_ =	sdelay $0x4  }
0x304: {  	v2 =	vmul.u32 $0x43AE0, v2;
	_ =	sdelay $0x1  }
0x305: {  	v1 =	vadd.s32 v1, v2  }
0x306: {  	vm9 =	vgt.s32 v1, $0x0  }
0x307: {  	v2 =	vnsel vm9, $0x0, v1  }
0x308: {  	v3 =	vcvt.s32.f32 v2;
	_ =	sdelay $0x1  }
0x309: {  	v3 =	vmul.f32 $1.999999990e-06, v3;
	_ =	sdelay $0x1  }
0x30a: {  	v3 =	vtrunc.f32 v3  }
0x30b: {  	v3 =	vcvt.f32.s32 v3;
	_ =	sdelay $0x1  }
0x30c: {  	v3 =	vmul.u32 $0xFFF85EE0, v3;
	_ =	sdelay $0x1  }
0x30d: {  	v2 =	vadd.s32 v2, v3  }
0x30e: {  	vm10 =	vlt.s32 v2, $0x0;
	v3 =	vadd.s32 $0x7A120, v2  }
0x30f: {  	v2 =	vsel vm10, v3, v2  }
0x310: {  	vm0 =	vgt.s32 v2, $0x7A11F;
	v3 =	vadd.s32 $0xFFF85EE0, v2  }
0x311: {  	v2 =	vsel vm0, v3, v2  }
0x312: {  	[tilespmem:$0x2170] =	vst v2  }
0x313: {  	v2 =	vld [tilespmem:s9+$0x74];
	_ =	sdelay $0x4  }
0x314: {  	v2 =	vmul.u32 $0x72160, v2;
	_ =	sdelay $0x1  }
0x315: {  	v1 =	vadd.s32 v1, v2  }
0x316: {  	vm11 =	vgt.s32 v1, $0x0  }
0x317: {  	v2 =	vnsel vm11, $0x0, v1  }
0x318: {  	v3 =	vcvt.s32.f32 v2;
	_ =	sdelay $0x1  }
0x319: {  	v3 =	vmul.f32 $1.999999990e-06, v3;
	_ =	sdelay $0x1  }
0x31a: {  	v3 =	vtrunc.f32 v3  }
0x31b: {  	v3 =	vcvt.f32.s32 v3;
	_ =	sdelay $0x1  }
0x31c: {  	v3 =	vmul.u32 $0xFFF85EE0, v3;
	_ =	sdelay $0x1  }
0x31d: {  	v2 =	vadd.s32 v2, v3  }
0x31e: {  	vm12 =	vlt.s32 v2, $0x0;
	v3 =	vadd.s32 $0x7A120, v2  }
0x31f: {  	v2 =	vsel vm12, v3, v2  }
0x320: {  	vm0 =	vgt.s32 v2, $0x7A11F;
	v3 =	vadd.s32 $0xFFF85EE0, v2  }
0x321: {  	v2 =	vsel vm0, v3, v2  }
0x322: {  	[tilespmem:$0x21F0] =	vst v2  }
0x323: {  	v2 =	vld [tilespmem:s9+$0x75];
	_ =	sdelay $0x4  }
0x324: {  	v2 =	vmul.u32 $0x1F320, v2;
	_ =	sdelay $0x1  }
0x325: {  	v1 =	vadd.s32 v1, v2  }
0x326: {  	vm13 =	vgt.s32 v1, $0x0  }
0x327: {  	v2 =	vnsel vm13, $0x0, v1  }
0x328: {  	v3 =	vcvt.s32.f32 v2;
	_ =	sdelay $0x1  }
0x329: {  	v3 =	vmul.f32 $1.999999990e-06, v3;
	_ =	sdelay $0x1  }
0x32a: {  	v3 =	vtrunc.f32 v3  }
0x32b: {  	v3 =	vcvt.f32.s32 v3;
	_ =	sdelay $0x1  }
0x32c: {  	v3 =	vmul.u32 $0xFFF85EE0, v3;
	_ =	sdelay $0x1  }
0x32d: {  	v2 =	vadd.s32 v2, v3  }
0x32e: {  	vm14 =	vlt.s32 v2, $0x0;
	v3 =	vadd.s32 $0x7A120, v2  }
0x32f: {  	v2 =	vsel vm14, v3, v2  }
0x330: {  	vm0 =	vgt.s32 v2, $0x7A11F;
	v3 =	vadd.s32 $0xFFF85EE0, v2  }
0x331: {  	v2 =	vsel vm0, v3, v2  }
0x332: {  	[tilespmem:$0x2270] =	vst v2  }
0x333: {  	v2 =	vld [tilespmem:s9+$0x76];
	_ =	sdelay $0x4  }
0x334: {  	v2 =	vmul.u32 $0x336E0, v2;
	_ =	sdelay $0x1  }
0x335: {  	v1 =	vadd.s32 v1, v2  }
0x336: {  	vm15 =	vgt.s32 v1, $0x0  }
0x337: {  	v2 =	vnsel vm15, $0x0, v1  }
0x338: {  	v3 =	vcvt.s32.f32 v2;
	_ =	sdelay $0x1  }
0x339: {  	v3 =	vmul.f32 $1.999999990e-06, v3;
	_ =	sdelay $0x1  }
0x33a: {  	v3 =	vtrunc.f32 v3  }
0x33b: {  	v3 =	vcvt.f32.s32 v3;
	_ =	sdelay $0x1  }
0x33c: {  	v3 =	vmul.u32 $0xFFF85EE0, v3;
	_ =	sdelay $0x1  }
0x33d: {  	v2 =	vadd.s32 v2, v3  }
0x33e: {  	vm4 =	vlt.s32 v2, $0x0;
	v3 =	vadd.s32 $0x7A120, v2  }
0x33f: {  	v2 =	vsel vm4, v3, v2  }
0x340: {  	vm0 =	vgt.s32 v2, $0x7A11F;
	v3 =	vadd.s32 $0xFFF85EE0, v2  }
0x341: {  	v2 =	vsel vm0, v3, v2  }
0x342: {  	[tilespmem:$0x22F0] =	vst v2  }
0x343: {  	v2 =	vld [tilespmem:s9+$0x77];
	_ =	sdelay $0x4  }
0x344: {  	v3 =	vmul.u32 $0x687A0, v2  }
0x345: {  	vm5 =	vgt.s32 v2, $0x7F  }
0x346: {  	v2 =	vsel vm5, $0x6D780, v0;
	v1 =	vadd.s32 v1, v3  }
0x347: {  	v1 =	vadd.s32 v2, v1  }
0x348: {  	vm6 =	vgt.s32 v1, $0x0  }
0x349: {  	v1 =	vnsel vm6, $0x0, v1  }
0x34a: {  	v2 =	vcvt.s32.f32 v1;
	_ =	sdelay $0x1  }
0x34b: {  	v2 =	vmul.f32 $1.999999990e-06, v2;
	_ =	sdelay $0x1  }
0x34c: {  	v2 =	vtrunc.f32 v2  }
0x34d: {  	v2 =	vcvt.f32.s32 v2;
	_ =	sdelay $0x1  }
0x34e: {  	v2 =	vmul.u32 $0xFFF85EE0, v2  }
0x34f: {  	s4 =	rddreg [dreg:$0x15]  }
0x350: {  	s1 =	rddreg [dreg:$0x16];
	v1 =	vadd.s32 v1, v2  }
0x351: {  	s5 =	rddreg [dreg:$0x17];
	vm7 =	vlt.s32 v1, $0x0;
	v2 =	vadd.s32 $0x7A120, v1  }
0x352: {  	s6 =	rddreg [dreg:$0x18];
	v1 =	vsel vm7, v2, v1  }
0x353: {  	s8 =	rddreg [dreg:$0x19];
	vm0 =	vgt.s32 v1, $0x7A11F;
	v2 =	vadd.s32 $0xFFF85EE0, v1  }
0x354: {  	s2 =	rddreg [dreg:$0x1];
	v1 =	vsel vm0, v2, v1  }
0x355: {  	s3 =	rddreg [dreg:$0x2];
	[tilespmem:$0x2370] =	vst v1  }
0x356: {  	[tilespmem:s14], [sflag:$0x1] =	stream.indirect.gather [hbm4b:s2+s13], $0x80, s4, s13, $0xb8;
	[tilespmem:$0x1A880] =	vst v63  }
0x357: {  	s4 =	rddreg [dreg:$0x3]  }
0x358: {  	[tilespmem:s15], [sflag:$0x2] =	stream.indirect.gather [hbm4b:s3+s13], $0x80, s1, s13, $0xb8;
	[tilespmem:$0x1A880] =	vst v63  }
0x359: {  	s1 =	rddreg [dreg:$0x1a]  }
0x35a: {  	[tilespmem:s16], [sflag:$0x3] =	stream.indirect.gather [hbm4b:s4+s13], $0x80, s5, s13, $0xb8;
	[tilespmem:$0x1A880] =	vst v63  }
0x35b: {  	s5 =	rddreg [dreg:$0x4]  }
0x35c: {  	[tilespmem:s17], [sflag:$0x4] =	stream.indirect.gather [hbm4b:s5+s13], $0x80, s6, s13, $0xb8;
	[tilespmem:$0x1A880] =	vst v63  }
0x35d: {  	s6 =	rddreg [dreg:$0x5]  }
0x35e: {  	[tilespmem:s18], [sflag:$0x5] =	stream.indirect.gather [hbm4b:s6+s13], $0x80, s8, s13, $0xb8;
	[tilespmem:$0x1A880] =	vst v63  }
0x35f: {  	s8 =	rddreg [dreg:$0x6]  }
0x360: {  	[tilespmem:s19], [sflag:$0x6] =	stream.indirect.gather [hbm4b:s8+s13], $0x80, s1, s13, $0xb8;
	[tilespmem:$0x1A880] =	vst v63  }
0x361: {  	_ =	swait.ge [sflag:s20], $0x4000  }
0x362: {  	[sflag:s20] =	ssyncset.done $0x0  }
0x363: {  	s1 =	rddreg [dreg:$0x9];
	[sflag:s20] =	ssyncadd.s32 $0xFFFFC000  }
0x364: {  	[hbm4b:s1+s7] =	stream.linear.scatter [tilespmem:s14], [sflag:$0x7], $0x4000, $0x38;
	[tilespmem:$0x1A880] =	vst v63  }
0x365: {  	_ =	swait.ge [sflag:s21], $0x4000  }
0x366: {  	[sflag:s21] =	ssyncset.done $0x0  }
0x367: {  	[sflag:s21] =	ssyncadd.s32 $0xFFFFC000  }
0x368: {  	v1 =	vld [tilespmem:s10+$0x0]  }
0x369: {  	v2 =	vld [tilespmem:s10+$0x1]  }
0x36a: {  	v3 =	vld [tilespmem:s10+$0x2];
	_ =	sdelay $0x3  }
0x36b: {  	v2 =	vshll.u32 v2, $0x8  }
0x36c: {  	v1 =	vadd.s32 v1, v2;
	v2 =	vshll.u32 v3, $0x10  }
0x36d: {  	v1 =	vadd.s32 v2, v1  }
0x36e: {  	vm8 =	vgt.s32 v1, $0x0  }
0x36f: {  	v2 =	vnsel vm8, $0x0, v1  }
0x370: {  	v3 =	vcvt.s32.f32 v2;
	_ =	sdelay $0x1  }
0x371: {  	v3 =	vmul.f32 $1.999999990e-06, v3;
	_ =	sdelay $0x1  }
0x372: {  	v3 =	vtrunc.f32 v3  }
0x373: {  	v3 =	vcvt.f32.s32 v3;
	_ =	sdelay $0x1  }
0x374: {  	v3 =	vmul.u32 $0xFFF85EE0, v3;
	_ =	sdelay $0x1  }
0x375: {  	v2 =	vadd.s32 v2, v3  }
0x376: {  	vm9 =	vlt.s32 v2, $0x0;
	v3 =	vadd.s32 $0x7A120, v2  }
0x377: {  	v2 =	vsel vm9, v3, v2  }
0x378: {  	vm0 =	vgt.s32 v2, $0x7A11F;
	v3 =	vadd.s32 $0xFFF85EE0, v2  }
0x379: {  	v2 =	vsel vm0, v3, v2  }
0x37a: {  	[tilespmem:$0x2380] =	vst v2  }
0x37b: {  	v2 =	vld [tilespmem:s10+$0x3];
	_ =	sdelay $0x4  }
0x37c: {  	v2 =	vmul.u32 $0x43AE0, v2;
	_ =	sdelay $0x1  }
0x37d: {  	v1 =	vadd.s32 v1, v2  }
0x37e: {  	vm10 =	vgt.s32 v1, $0x0  }
0x37f: {  	v2 =	vnsel vm10, $0x0, v1  }
0x380: {  	v3 =	vcvt.s32.f32 v2;
	_ =	sdelay $0x1  }
0x381: {  	v3 =	vmul.f32 $1.999999990e-06, v3;
	_ =	sdelay $0x1  }
0x382: {  	v3 =	vtrunc.f32 v3  }
0x383: {  	v3 =	vcvt.f32.s32 v3;
	_ =	sdelay $0x1  }
0x384: {  	v3 =	vmul.u32 $0xFFF85EE0, v3;
	_ =	sdelay $0x1  }
0x385: {  	v2 =	vadd.s32 v2, v3  }
0x386: {  	vm11 =	vlt.s32 v2, $0x0;
	v3 =	vadd.s32 $0x7A120, v2  }
0x387: {  	v2 =	vsel vm11, v3, v2  }
0x388: {  	vm0 =	vgt.s32 v2, $0x7A11F;
	v3 =	vadd.s32 $0xFFF85EE0, v2  }
0x389: {  	v2 =	vsel vm0, v3, v2  }
0x38a: {  	[tilespmem:$0x2400] =	vst v2  }
0x38b: {  	v2 =	vld [tilespmem:s10+$0x4];
	_ =	sdelay $0x4  }
0x38c: {  	v2 =	vmul.u32 $0x72160, v2;
	_ =	sdelay $0x1  }
0x38d: {  	v1 =	vadd.s32 v1, v2  }
0x38e: {  	vm12 =	vgt.s32 v1, $0x0  }
0x38f: {  	v2 =	vnsel vm12, $0x0, v1  }
0x390: {  	v3 =	vcvt.s32.f32 v2;
	_ =	sdelay $0x1  }
0x391: {  	v3 =	vmul.f32 $1.999999990e-06, v3;
	_ =	sdelay $0x1  }
0x392: {  	v3 =	vtrunc.f32 v3  }
0x393: {  	v3 =	vcvt.f32.s32 v3;
	_ =	sdelay $0x1  }
0x394: {  	v3 =	vmul.u32 $0xFFF85EE0, v3;
	_ =	sdelay $0x1  }
0x395: {  	v2 =	vadd.s32 v2, v3  }
0x396: {  	vm13 =	vlt.s32 v2, $0x0;
	v3 =	vadd.s32 $0x7A120, v2  }
0x397: {  	v2 =	vsel vm13, v3, v2  }
0x398: {  	vm0 =	vgt.s32 v2, $0x7A11F;
	v3 =	vadd.s32 $0xFFF85EE0, v2  }
0x399: {  	v2 =	vsel vm0, v3, v2  }
0x39a: {  	[tilespmem:$0x2480] =	vst v2  }
0x39b: {  	v2 =	vld [tilespmem:s10+$0x5];
	_ =	sdelay $0x4  }
0x39c: {  	v2 =	vmul.u32 $0x1F320, v2;
	_ =	sdelay $0x1  }
0x39d: {  	v1 =	vadd.s32 v1, v2  }
0x39e: {  	vm14 =	vgt.s32 v1, $0x0  }
0x39f: {  	v2 =	vnsel vm14, $0x0, v1  }
0x3a0: {  	v3 =	vcvt.s32.f32 v2;
	_ =	sdelay $0x1  }
0x3a1: {  	v3 =	vmul.f32 $1.999999990e-06, v3;
	_ =	sdelay $0x1  }
0x3a2: {  	v3 =	vtrunc.f32 v3  }
0x3a3: {  	v3 =	vcvt.f32.s32 v3;
	_ =	sdelay $0x1  }
0x3a4: {  	v3 =	vmul.u32 $0xFFF85EE0, v3;
	_ =	sdelay $0x1  }
0x3a5: {  	v2 =	vadd.s32 v2, v3  }
0x3a6: {  	vm15 =	vlt.s32 v2, $0x0;
	v3 =	vadd.s32 $0x7A120, v2  }
0x3a7: {  	v2 =	vsel vm15, v3, v2  }
0x3a8: {  	vm0 =	vgt.s32 v2, $0x7A11F;
	v3 =	vadd.s32 $0xFFF85EE0, v2  }
0x3a9: {  	v2 =	vsel vm0, v3, v2  }
0x3aa: {  	[tilespmem:$0x2500] =	vst v2  }
0x3ab: {  	v2 =	vld [tilespmem:s10+$0x6];
	_ =	sdelay $0x4  }
0x3ac: {  	v2 =	vmul.u32 $0x336E0, v2;
	_ =	sdelay $0x1  }
0x3ad: {  	v1 =	vadd.s32 v1, v2  }
0x3ae: {  	vm4 =	vgt.s32 v1, $0x0  }
0x3af: {  	v2 =	vnsel vm4, $0x0, v1  }
0x3b0: {  	v3 =	vcvt.s32.f32 v2;
	_ =	sdelay $0x1  }
0x3b1: {  	v3 =	vmul.f32 $1.999999990e-06, v3;
	_ =	sdelay $0x1  }
0x3b2: {  	v3 =	vtrunc.f32 v3  }
0x3b3: {  	v3 =	vcvt.f32.s32 v3;
	_ =	sdelay $0x1  }
0x3b4: {  	v3 =	vmul.u32 $0xFFF85EE0, v3;
	_ =	sdelay $0x1  }
0x3b5: {  	v2 =	vadd.s32 v2, v3  }
0x3b6: {  	vm5 =	vlt.s32 v2, $0x0;
	v3 =	vadd.s32 $0x7A120, v2  }
0x3b7: {  	v2 =	vsel vm5, v3, v2  }
0x3b8: {  	vm0 =	vgt.s32 v2, $0x7A11F;
	v3 =	vadd.s32 $0xFFF85EE0, v2  }
0x3b9: {  	v2 =	vsel vm0, v3, v2  }
0x3ba: {  	[tilespmem:$0x2580] =	vst v2  }
0x3bb: {  	v2 =	vld [tilespmem:s10+$0x7];
	_ =	sdelay $0x4  }
0x3bc: {  	v3 =	vmul.u32 $0x687A0, v2  }
0x3bd: {  	vm6 =	vgt.s32 v2, $0x7F  }
0x3be: {  	v2 =	vsel vm6, $0x6D780, v0;
	v1 =	vadd.s32 v1, v3  }
0x3bf: {  	v1 =	vadd.s32 v2, v1  }
0x3c0: {  	vm7 =	vgt.s32 v1, $0x0  }
0x3c1: {  	v1 =	vnsel vm7, $0x0, v1  }
0x3c2: {  	v2 =	vcvt.s32.f32 v1;
	_ =	sdelay $0x1  }
0x3c3: {  	v2 =	vmul.f32 $1.999999990e-06, v2;
	_ =	sdelay $0x1  }
0x3c4: {  	v2 =	vtrunc.f32 v2  }
0x3c5: {  	v2 =	vcvt.f32.s32 v2;
	_ =	sdelay $0x1  }
0x3c6: {  	v2 =	vmul.u32 $0xFFF85EE0, v2;
	_ =	sdelay $0x1  }
0x3c7: {  	v1 =	vadd.s32 v1, v2  }
0x3c8: {  	vm8 =	vlt.s32 v1, $0x0;
	v2 =	vadd.s32 $0x7A120, v1  }
0x3c9: {  	v1 =	vsel vm8, v2, v1  }
0x3ca: {  	vm0 =	vgt.s32 v1, $0x7A11F;
	v2 =	vadd.s32 $0xFFF85EE0, v1  }
0x3cb: {  	v1 =	vsel vm0, v2, v1  }
0x3cc: {  	[tilespmem:$0x2600] =	vst v1  }
0x3cd: {  	v1 =	vld [tilespmem:s10+$0x10]  }
0x3ce: {  	v2 =	vld [tilespmem:s10+$0x11]  }
0x3cf: {  	v3 =	vld [tilespmem:s10+$0x12];
	_ =	sdelay $0x3  }
0x3d0: {  	v2 =	vshll.u32 v2, $0x8  }
0x3d1: {  	v1 =	vadd.s32 v1, v2;
	v2 =	vshll.u32 v3, $0x10  }
0x3d2: {  	v1 =	vadd.s32 v2, v1  }
0x3d3: {  	vm9 =	vgt.s32 v1, $0x0  }
0x3d4: {  	v2 =	vnsel vm9, $0x0, v1  }
0x3d5: {  	v3 =	vcvt.s32.f32 v2;
	_ =	sdelay $0x1  }
0x3d6: {  	v3 =	vmul.f32 $1.999999990e-06, v3;
	_ =	sdelay $0x1  }
0x3d7: {  	v3 =	vtrunc.f32 v3  }
0x3d8: {  	v3 =	vcvt.f32.s32 v3;
	_ =	sdelay $0x1  }
0x3d9: {  	v3 =	vmul.u32 $0xFFF85EE0, v3;
	_ =	sdelay $0x1  }
0x3da: {  	v2 =	vadd.s32 v2, v3  }
0x3db: {  	vm10 =	vlt.s32 v2, $0x0;
	v3 =	vadd.s32 $0x7A120, v2  }
0x3dc: {  	v2 =	vsel vm10, v3, v2  }
0x3dd: {  	vm0 =	vgt.s32 v2, $0x7A11F;
	v3 =	vadd.s32 $0xFFF85EE0, v2  }
0x3de: {  	v2 =	vsel vm0, v3, v2  }
0x3df: {  	[tilespmem:$0x2390] =	vst v2  }
0x3e0: {  	v2 =	vld [tilespmem:s10+$0x13];
	_ =	sdelay $0x4  }
0x3e1: {  	v2 =	vmul.u32 $0x43AE0, v2;
	_ =	sdelay $0x1  }
0x3e2: {  	v1 =	vadd.s32 v1, v2  }
0x3e3: {  	vm11 =	vgt.s32 v1, $0x0  }
0x3e4: {  	v2 =	vnsel vm11, $0x0, v1  }
0x3e5: {  	v3 =	vcvt.s32.f32 v2;
	_ =	sdelay $0x1  }
0x3e6: {  	v3 =	vmul.f32 $1.999999990e-06, v3;
	_ =	sdelay $0x1  }
0x3e7: {  	v3 =	vtrunc.f32 v3  }
0x3e8: {  	v3 =	vcvt.f32.s32 v3;
	_ =	sdelay $0x1  }
0x3e9: {  	v3 =	vmul.u32 $0xFFF85EE0, v3;
	_ =	sdelay $0x1  }
0x3ea: {  	v2 =	vadd.s32 v2, v3  }
0x3eb: {  	vm12 =	vlt.s32 v2, $0x0;
	v3 =	vadd.s32 $0x7A120, v2  }
0x3ec: {  	v2 =	vsel vm12, v3, v2  }
0x3ed: {  	vm0 =	vgt.s32 v2, $0x7A11F;
	v3 =	vadd.s32 $0xFFF85EE0, v2  }
0x3ee: {  	v2 =	vsel vm0, v3, v2  }
0x3ef: {  	[tilespmem:$0x2410] =	vst v2  }
0x3f0: {  	v2 =	vld [tilespmem:s10+$0x14];
	_ =	sdelay $0x4  }
0x3f1: {  	v2 =	vmul.u32 $0x72160, v2;
	_ =	sdelay $0x1  }
0x3f2: {  	v1 =	vadd.s32 v1, v2  }
0x3f3: {  	vm13 =	vgt.s32 v1, $0x0  }
0x3f4: {  	v2 =	vnsel vm13, $0x0, v1  }
0x3f5: {  	v3 =	vcvt.s32.f32 v2;
	_ =	sdelay $0x1  }
0x3f6: {  	v3 =	vmul.f32 $1.999999990e-06, v3;
	_ =	sdelay $0x1  }
0x3f7: {  	v3 =	vtrunc.f32 v3  }
0x3f8: {  	v3 =	vcvt.f32.s32 v3;
	_ =	sdelay $0x1  }
0x3f9: {  	v3 =	vmul.u32 $0xFFF85EE0, v3;
	_ =	sdelay $0x1  }
0x3fa: {  	v2 =	vadd.s32 v2, v3  }
0x3fb: {  	vm14 =	vlt.s32 v2, $0x0;
	v3 =	vadd.s32 $0x7A120, v2  }
0x3fc: {  	v2 =	vsel vm14, v3, v2  }
0x3fd: {  	vm0 =	vgt.s32 v2, $0x7A11F;
	v3 =	vadd.s32 $0xFFF85EE0, v2  }
0x3fe: {  	v2 =	vsel vm0, v3, v2  }
0x3ff: {  	[tilespmem:$0x2490] =	vst v2  }
0x400: {  	v2 =	vld [tilespmem:s10+$0x15];
	_ =	sdelay $0x4  }
0x401: {  	v2 =	vmul.u32 $0x1F320, v2;
	_ =	sdelay $0x1  }
0x402: {  	v1 =	vadd.s32 v1, v2  }
0x403: {  	vm15 =	vgt.s32 v1, $0x0  }
0x404: {  	v2 =	vnsel vm15, $0x0, v1  }
0x405: {  	v3 =	vcvt.s32.f32 v2;
	_ =	sdelay $0x1  }
0x406: {  	v3 =	vmul.f32 $1.999999990e-06, v3;
	_ =	sdelay $0x1  }
0x407: {  	v3 =	vtrunc.f32 v3  }
0x408: {  	v3 =	vcvt.f32.s32 v3;
	_ =	sdelay $0x1  }
0x409: {  	v3 =	vmul.u32 $0xFFF85EE0, v3;
	_ =	sdelay $0x1  }
0x40a: {  	v2 =	vadd.s32 v2, v3  }
0x40b: {  	vm4 =	vlt.s32 v2, $0x0;
	v3 =	vadd.s32 $0x7A120, v2  }
0x40c: {  	v2 =	vsel vm4, v3, v2  }
0x40d: {  	vm0 =	vgt.s32 v2, $0x7A11F;
	v3 =	vadd.s32 $0xFFF85EE0, v2  }
0x40e: {  	v2 =	vsel vm0, v3, v2  }
0x40f: {  	[tilespmem:$0x2510] =	vst v2  }
0x410: {  	v2 =	vld [tilespmem:s10+$0x16];
	_ =	sdelay $0x4  }
0x411: {  	v2 =	vmul.u32 $0x336E0, v2;
	_ =	sdelay $0x1  }
0x412: {  	v1 =	vadd.s32 v1, v2  }
0x413: {  	vm5 =	vgt.s32 v1, $0x0  }
0x414: {  	v2 =	vnsel vm5, $0x0, v1  }
0x415: {  	v3 =	vcvt.s32.f32 v2;
	_ =	sdelay $0x1  }
0x416: {  	v3 =	vmul.f32 $1.999999990e-06, v3;
	_ =	sdelay $0x1  }
0x417: {  	v3 =	vtrunc.f32 v3  }
0x418: {  	v3 =	vcvt.f32.s32 v3;
	_ =	sdelay $0x1  }
0x419: {  	v3 =	vmul.u32 $0xFFF85EE0, v3;
	_ =	sdelay $0x1  }
0x41a: {  	v2 =	vadd.s32 v2, v3  }
0x41b: {  	vm6 =	vlt.s32 v2, $0x0;
	v3 =	vadd.s32 $0x7A120, v2  }
0x41c: {  	v2 =	vsel vm6, v3, v2  }
0x41d: {  	vm0 =	vgt.s32 v2, $0x7A11F;
	v3 =	vadd.s32 $0xFFF85EE0, v2  }
0x41e: {  	v2 =	vsel vm0, v3, v2  }
0x41f: {  	[tilespmem:$0x2590] =	vst v2  }
0x420: {  	v2 =	vld [tilespmem:s10+$0x17];
	_ =	sdelay $0x4  }
0x421: {  	v3 =	vmul.u32 $0x687A0, v2  }
0x422: {  	vm7 =	vgt.s32 v2, $0x7F  }
0x423: {  	v2 =	vsel vm7, $0x6D780, v0;
	v1 =	vadd.s32 v1, v3  }
0x424: {  	v1 =	vadd.s32 v2, v1  }
0x425: {  	vm8 =	vgt.s32 v1, $0x0  }
0x426: {  	v1 =	vnsel vm8, $0x0, v1  }
0x427: {  	v2 =	vcvt.s32.f32 v1;
	_ =	sdelay $0x1  }
0x428: {  	v2 =	vmul.f32 $1.999999990e-06, v2;
	_ =	sdelay $0x1  }
0x429: {  	v2 =	vtrunc.f32 v2  }
0x42a: {  	v2 =	vcvt.f32.s32 v2;
	_ =	sdelay $0x1  }
0x42b: {  	v2 =	vmul.u32 $0xFFF85EE0, v2;
	_ =	sdelay $0x1  }
0x42c: {  	v1 =	vadd.s32 v1, v2  }
0x42d: {  	vm9 =	vlt.s32 v1, $0x0;
	v2 =	vadd.s32 $0x7A120, v1  }
0x42e: {  	v1 =	vsel vm9, v2, v1  }
0x42f: {  	vm0 =	vgt.s32 v1, $0x7A11F;
	v2 =	vadd.s32 $0xFFF85EE0, v1  }
0x430: {  	v1 =	vsel vm0, v2, v1  }
0x431: {  	[tilespmem:$0x2610] =	vst v1  }
0x432: {  	v1 =	vld [tilespmem:s10+$0x20]  }
0x433: {  	v2 =	vld [tilespmem:s10+$0x21]  }
0x434: {  	v3 =	vld [tilespmem:s10+$0x22];
	_ =	sdelay $0x3  }
0x435: {  	v2 =	vshll.u32 v2, $0x8  }
0x436: {  	v1 =	vadd.s32 v1, v2;
	v2 =	vshll.u32 v3, $0x10  }
0x437: {  	v1 =	vadd.s32 v2, v1  }
0x438: {  	vm10 =	vgt.s32 v1, $0x0  }
0x439: {  	v2 =	vnsel vm10, $0x0, v1  }
0x43a: {  	v3 =	vcvt.s32.f32 v2;
	_ =	sdelay $0x1  }
0x43b: {  	v3 =	vmul.f32 $1.999999990e-06, v3;
	_ =	sdelay $0x1  }
0x43c: {  	v3 =	vtrunc.f32 v3  }
0x43d: {  	v3 =	vcvt.f32.s32 v3;
	_ =	sdelay $0x1  }
0x43e: {  	v3 =	vmul.u32 $0xFFF85EE0, v3;
	_ =	sdelay $0x1  }
0x43f: {  	v2 =	vadd.s32 v2, v3  }
0x440: {  	vm11 =	vlt.s32 v2, $0x0;
	v3 =	vadd.s32 $0x7A120, v2  }
0x441: {  	v2 =	vsel vm11, v3, v2  }
0x442: {  	vm0 =	vgt.s32 v2, $0x7A11F;
	v3 =	vadd.s32 $0xFFF85EE0, v2  }
0x443: {  	v2 =	vsel vm0, v3, v2  }
0x444: {  	[tilespmem:$0x23A0] =	vst v2  }
0x445: {  	v2 =	vld [tilespmem:s10+$0x23];
	_ =	sdelay $0x4  }
0x446: {  	v2 =	vmul.u32 $0x43AE0, v2;
	_ =	sdelay $0x1  }
0x447: {  	v1 =	vadd.s32 v1, v2  }
0x448: {  	vm12 =	vgt.s32 v1, $0x0  }
0x449: {  	v2 =	vnsel vm12, $0x0, v1  }
0x44a: {  	v3 =	vcvt.s32.f32 v2;
	_ =	sdelay $0x1  }
0x44b: {  	v3 =	vmul.f32 $1.999999990e-06, v3;
	_ =	sdelay $0x1  }
0x44c: {  	v3 =	vtrunc.f32 v3  }
0x44d: {  	v3 =	vcvt.f32.s32 v3;
	_ =	sdelay $0x1  }
0x44e: {  	v3 =	vmul.u32 $0xFFF85EE0, v3;
	_ =	sdelay $0x1  }
0x44f: {  	v2 =	vadd.s32 v2, v3  }
0x450: {  	vm13 =	vlt.s32 v2, $0x0;
	v3 =	vadd.s32 $0x7A120, v2  }
0x451: {  	v2 =	vsel vm13, v3, v2  }
0x452: {  	vm0 =	vgt.s32 v2, $0x7A11F;
	v3 =	vadd.s32 $0xFFF85EE0, v2  }
0x453: {  	v2 =	vsel vm0, v3, v2  }
0x454: {  	[tilespmem:$0x2420] =	vst v2  }
0x455: {  	v2 =	vld [tilespmem:s10+$0x24];
	_ =	sdelay $0x4  }
0x456: {  	v2 =	vmul.u32 $0x72160, v2;
	_ =	sdelay $0x1  }
0x457: {  	v1 =	vadd.s32 v1, v2  }
0x458: {  	vm14 =	vgt.s32 v1, $0x0  }
0x459: {  	v2 =	vnsel vm14, $0x0, v1  }
0x45a: {  	v3 =	vcvt.s32.f32 v2;
	_ =	sdelay $0x1  }
0x45b: {  	v3 =	vmul.f32 $1.999999990e-06, v3;
	_ =	sdelay $0x1  }
0x45c: {  	v3 =	vtrunc.f32 v3  }
0x45d: {  	v3 =	vcvt.f32.s32 v3;
	_ =	sdelay $0x1  }
0x45e: {  	v3 =	vmul.u32 $0xFFF85EE0, v3;
	_ =	sdelay $0x1  }
0x45f: {  	v2 =	vadd.s32 v2, v3  }
0x460: {  	vm15 =	vlt.s32 v2, $0x0;
	v3 =	vadd.s32 $0x7A120, v2  }
0x461: {  	v2 =	vsel vm15, v3, v2  }
0x462: {  	vm0 =	vgt.s32 v2, $0x7A11F;
	v3 =	vadd.s32 $0xFFF85EE0, v2  }
0x463: {  	v2 =	vsel vm0, v3, v2  }
0x464: {  	[tilespmem:$0x24A0] =	vst v2  }
0x465: {  	v2 =	vld [tilespmem:s10+$0x25];
	_ =	sdelay $0x4  }
0x466: {  	v2 =	vmul.u32 $0x1F320, v2;
	_ =	sdelay $0x1  }
0x467: {  	v1 =	vadd.s32 v1, v2  }
0x468: {  	vm4 =	vgt.s32 v1, $0x0  }
0x469: {  	v2 =	vnsel vm4, $0x0, v1  }
0x46a: {  	v3 =	vcvt.s32.f32 v2;
	_ =	sdelay $0x1  }
0x46b: {  	v3 =	vmul.f32 $1.999999990e-06, v3;
	_ =	sdelay $0x1  }
0x46c: {  	v3 =	vtrunc.f32 v3  }
0x46d: {  	v3 =	vcvt.f32.s32 v3;
	_ =	sdelay $0x1  }
0x46e: {  	v3 =	vmul.u32 $0xFFF85EE0, v3;
	_ =	sdelay $0x1  }
0x46f: {  	v2 =	vadd.s32 v2, v3  }
0x470: {  	vm5 =	vlt.s32 v2, $0x0;
	v3 =	vadd.s32 $0x7A120, v2  }
0x471: {  	v2 =	vsel vm5, v3, v2  }
0x472: {  	vm0 =	vgt.s32 v2, $0x7A11F;
	v3 =	vadd.s32 $0xFFF85EE0, v2  }
0x473: {  	v2 =	vsel vm0, v3, v2  }
0x474: {  	[tilespmem:$0x2520] =	vst v2  }
0x475: {  	v2 =	vld [tilespmem:s10+$0x26];
	_ =	sdelay $0x4  }
0x476: {  	v2 =	vmul.u32 $0x336E0, v2;
	_ =	sdelay $0x1  }
0x477: {  	v1 =	vadd.s32 v1, v2  }
0x478: {  	vm6 =	vgt.s32 v1, $0x0  }
0x479: {  	v2 =	vnsel vm6, $0x0, v1  }
0x47a: {  	v3 =	vcvt.s32.f32 v2;
	_ =	sdelay $0x1  }
0x47b: {  	v3 =	vmul.f32 $1.999999990e-06, v3;
	_ =	sdelay $0x1  }
0x47c: {  	v3 =	vtrunc.f32 v3  }
0x47d: {  	v3 =	vcvt.f32.s32 v3;
	_ =	sdelay $0x1  }
0x47e: {  	v3 =	vmul.u32 $0xFFF85EE0, v3;
	_ =	sdelay $0x1  }
0x47f: {  	v2 =	vadd.s32 v2, v3  }
0x480: {  	vm7 =	vlt.s32 v2, $0x0;
	v3 =	vadd.s32 $0x7A120, v2  }
0x481: {  	v2 =	vsel vm7, v3, v2  }
0x482: {  	vm0 =	vgt.s32 v2, $0x7A11F;
	v3 =	vadd.s32 $0xFFF85EE0, v2  }
0x483: {  	v2 =	vsel vm0, v3, v2  }
0x484: {  	[tilespmem:$0x25A0] =	vst v2  }
0x485: {  	v2 =	vld [tilespmem:s10+$0x27];
	_ =	sdelay $0x4  }
0x486: {  	v3 =	vmul.u32 $0x687A0, v2  }
0x487: {  	vm8 =	vgt.s32 v2, $0x7F  }
0x488: {  	v2 =	vsel vm8, $0x6D780, v0;
	v1 =	vadd.s32 v1, v3  }
0x489: {  	v1 =	vadd.s32 v2, v1  }
0x48a: {  	vm9 =	vgt.s32 v1, $0x0  }
0x48b: {  	v1 =	vnsel vm9, $0x0, v1  }
0x48c: {  	v2 =	vcvt.s32.f32 v1;
	_ =	sdelay $0x1  }
0x48d: {  	v2 =	vmul.f32 $1.999999990e-06, v2;
	_ =	sdelay $0x1  }
0x48e: {  	v2 =	vtrunc.f32 v2  }
0x48f: {  	v2 =	vcvt.f32.s32 v2;
	_ =	sdelay $0x1  }
0x490: {  	v2 =	vmul.u32 $0xFFF85EE0, v2;
	_ =	sdelay $0x1  }
0x491: {  	v1 =	vadd.s32 v1, v2  }
0x492: {  	vm10 =	vlt.s32 v1, $0x0;
	v2 =	vadd.s32 $0x7A120, v1  }
0x493: {  	v1 =	vsel vm10, v2, v1  }
0x494: {  	vm0 =	vgt.s32 v1, $0x7A11F;
	v2 =	vadd.s32 $0xFFF85EE0, v1  }
0x495: {  	v1 =	vsel vm0, v2, v1  }
0x496: {  	[tilespmem:$0x2620] =	vst v1  }
0x497: {  	v1 =	vld [tilespmem:s10+$0x30]  }
0x498: {  	v2 =	vld [tilespmem:s10+$0x31]  }
0x499: {  	v3 =	vld [tilespmem:s10+$0x32];
	_ =	sdelay $0x3  }
0x49a: {  	v2 =	vshll.u32 v2, $0x8  }
0x49b: {  	v1 =	vadd.s32 v1, v2;
	v2 =	vshll.u32 v3, $0x10  }
0x49c: {  	v1 =	vadd.s32 v2, v1  }
0x49d: {  	vm11 =	vgt.s32 v1, $0x0  }
0x49e: {  	v2 =	vnsel vm11, $0x0, v1  }
0x49f: {  	v3 =	vcvt.s32.f32 v2;
	_ =	sdelay $0x1  }
0x4a0: {  	v3 =	vmul.f32 $1.999999990e-06, v3;
	_ =	sdelay $0x1  }
0x4a1: {  	v3 =	vtrunc.f32 v3  }
0x4a2: {  	v3 =	vcvt.f32.s32 v3;
	_ =	sdelay $0x1  }
0x4a3: {  	v3 =	vmul.u32 $0xFFF85EE0, v3;
	_ =	sdelay $0x1  }
0x4a4: {  	v2 =	vadd.s32 v2, v3  }
0x4a5: {  	vm12 =	vlt.s32 v2, $0x0;
	v3 =	vadd.s32 $0x7A120, v2  }
0x4a6: {  	v2 =	vsel vm12, v3, v2  }
0x4a7: {  	vm0 =	vgt.s32 v2, $0x7A11F;
	v3 =	vadd.s32 $0xFFF85EE0, v2  }
0x4a8: {  	v2 =	vsel vm0, v3, v2  }
0x4a9: {  	[tilespmem:$0x23B0] =	vst v2  }
0x4aa: {  	v2 =	vld [tilespmem:s10+$0x33];
	_ =	sdelay $0x4  }
0x4ab: {  	v2 =	vmul.u32 $0x43AE0, v2;
	_ =	sdelay $0x1  }
0x4ac: {  	v1 =	vadd.s32 v1, v2  }
0x4ad: {  	vm13 =	vgt.s32 v1, $0x0  }
0x4ae: {  	v2 =	vnsel vm13, $0x0, v1  }
0x4af: {  	v3 =	vcvt.s32.f32 v2;
	_ =	sdelay $0x1  }
0x4b0: {  	v3 =	vmul.f32 $1.999999990e-06, v3;
	_ =	sdelay $0x1  }
0x4b1: {  	v3 =	vtrunc.f32 v3  }
0x4b2: {  	v3 =	vcvt.f32.s32 v3;
	_ =	sdelay $0x1  }
0x4b3: {  	v3 =	vmul.u32 $0xFFF85EE0, v3;
	_ =	sdelay $0x1  }
0x4b4: {  	v2 =	vadd.s32 v2, v3  }
0x4b5: {  	vm14 =	vlt.s32 v2, $0x0;
	v3 =	vadd.s32 $0x7A120, v2  }
0x4b6: {  	v2 =	vsel vm14, v3, v2  }
0x4b7: {  	vm0 =	vgt.s32 v2, $0x7A11F;
	v3 =	vadd.s32 $0xFFF85EE0, v2  }
0x4b8: {  	v2 =	vsel vm0, v3, v2  }
0x4b9: {  	[tilespmem:$0x2430] =	vst v2  }
0x4ba: {  	v2 =	vld [tilespmem:s10+$0x34];
	_ =	sdelay $0x4  }
0x4bb: {  	v2 =	vmul.u32 $0x72160, v2;
	_ =	sdelay $0x1  }
0x4bc: {  	v1 =	vadd.s32 v1, v2  }
0x4bd: {  	vm15 =	vgt.s32 v1, $0x0  }
0x4be: {  	v2 =	vnsel vm15, $0x0, v1  }
0x4bf: {  	v3 =	vcvt.s32.f32 v2;
	_ =	sdelay $0x1  }
0x4c0: {  	v3 =	vmul.f32 $1.999999990e-06, v3;
	_ =	sdelay $0x1  }
0x4c1: {  	v3 =	vtrunc.f32 v3  }
0x4c2: {  	v3 =	vcvt.f32.s32 v3;
	_ =	sdelay $0x1  }
0x4c3: {  	v3 =	vmul.u32 $0xFFF85EE0, v3;
	_ =	sdelay $0x1  }
0x4c4: {  	v2 =	vadd.s32 v2, v3  }
0x4c5: {  	vm4 =	vlt.s32 v2, $0x0;
	v3 =	vadd.s32 $0x7A120, v2  }
0x4c6: {  	v2 =	vsel vm4, v3, v2  }
0x4c7: {  	vm0 =	vgt.s32 v2, $0x7A11F;
	v3 =	vadd.s32 $0xFFF85EE0, v2  }
0x4c8: {  	v2 =	vsel vm0, v3, v2  }
0x4c9: {  	[tilespmem:$0x24B0] =	vst v2  }
0x4ca: {  	v2 =	vld [tilespmem:s10+$0x35];
	_ =	sdelay $0x4  }
0x4cb: {  	v2 =	vmul.u32 $0x1F320, v2;
	_ =	sdelay $0x1  }
0x4cc: {  	v1 =	vadd.s32 v1, v2  }
0x4cd: {  	vm5 =	vgt.s32 v1, $0x0  }
0x4ce: {  	v2 =	vnsel vm5, $0x0, v1  }
0x4cf: {  	v3 =	vcvt.s32.f32 v2;
	_ =	sdelay $0x1  }
0x4d0: {  	v3 =	vmul.f32 $1.999999990e-06, v3;
	_ =	sdelay $0x1  }
0x4d1: {  	v3 =	vtrunc.f32 v3  }
0x4d2: {  	v3 =	vcvt.f32.s32 v3;
	_ =	sdelay $0x1  }
0x4d3: {  	v3 =	vmul.u32 $0xFFF85EE0, v3;
	_ =	sdelay $0x1  }
0x4d4: {  	v2 =	vadd.s32 v2, v3  }
0x4d5: {  	vm6 =	vlt.s32 v2, $0x0;
	v3 =	vadd.s32 $0x7A120, v2  }
0x4d6: {  	v2 =	vsel vm6, v3, v2  }
0x4d7: {  	vm0 =	vgt.s32 v2, $0x7A11F;
	v3 =	vadd.s32 $0xFFF85EE0, v2  }
0x4d8: {  	v2 =	vsel vm0, v3, v2  }
0x4d9: {  	[tilespmem:$0x2530] =	vst v2  }
0x4da: {  	v2 =	vld [tilespmem:s10+$0x36];
	_ =	sdelay $0x4  }
0x4db: {  	v2 =	vmul.u32 $0x336E0, v2;
	_ =	sdelay $0x1  }
0x4dc: {  	v1 =	vadd.s32 v1, v2  }
0x4dd: {  	vm7 =	vgt.s32 v1, $0x0  }
0x4de: {  	v2 =	vnsel vm7, $0x0, v1  }
0x4df: {  	v3 =	vcvt.s32.f32 v2;
	_ =	sdelay $0x1  }
0x4e0: {  	v3 =	vmul.f32 $1.999999990e-06, v3;
	_ =	sdelay $0x1  }
0x4e1: {  	v3 =	vtrunc.f32 v3  }
0x4e2: {  	v3 =	vcvt.f32.s32 v3;
	_ =	sdelay $0x1  }
0x4e3: {  	v3 =	vmul.u32 $0xFFF85EE0, v3;
	_ =	sdelay $0x1  }
0x4e4: {  	v2 =	vadd.s32 v2, v3  }
0x4e5: {  	vm8 =	vlt.s32 v2, $0x0;
	v3 =	vadd.s32 $0x7A120, v2  }
0x4e6: {  	v2 =	vsel vm8, v3, v2  }
0x4e7: {  	vm0 =	vgt.s32 v2, $0x7A11F;
	v3 =	vadd.s32 $0xFFF85EE0, v2  }
0x4e8: {  	v2 =	vsel vm0, v3, v2  }
0x4e9: {  	[tilespmem:$0x25B0] =	vst v2  }
0x4ea: {  	v2 =	vld [tilespmem:s10+$0x37];
	_ =	sdelay $0x4  }
0x4eb: {  	v3 =	vmul.u32 $0x687A0, v2  }
0x4ec: {  	vm9 =	vgt.s32 v2, $0x7F  }
0x4ed: {  	v2 =	vsel vm9, $0x6D780, v0;
	v1 =	vadd.s32 v1, v3  }
0x4ee: {  	v1 =	vadd.s32 v2, v1  }
0x4ef: {  	vm10 =	vgt.s32 v1, $0x0  }
0x4f0: {  	v1 =	vnsel vm10, $0x0, v1  }
0x4f1: {  	v2 =	vcvt.s32.f32 v1;
	_ =	sdelay $0x1  }
0x4f2: {  	v2 =	vmul.f32 $1.999999990e-06, v2;
	_ =	sdelay $0x1  }
0x4f3: {  	v2 =	vtrunc.f32 v2  }
0x4f4: {  	v2 =	vcvt.f32.s32 v2;
	_ =	sdelay $0x1  }
0x4f5: {  	v2 =	vmul.u32 $0xFFF85EE0, v2;
	_ =	sdelay $0x1  }
0x4f6: {  	v1 =	vadd.s32 v1, v2  }
0x4f7: {  	vm11 =	vlt.s32 v1, $0x0;
	v2 =	vadd.s32 $0x7A120, v1  }
0x4f8: {  	v1 =	vsel vm11, v2, v1  }
0x4f9: {  	vm0 =	vgt.s32 v1, $0x7A11F;
	v2 =	vadd.s32 $0xFFF85EE0, v1  }
0x4fa: {  	v1 =	vsel vm0, v2, v1  }
0x4fb: {  	[tilespmem:$0x2630] =	vst v1  }
0x4fc: {  	v1 =	vld [tilespmem:s10+$0x40]  }
0x4fd: {  	v2 =	vld [tilespmem:s10+$0x41]  }
0x4fe: {  	v3 =	vld [tilespmem:s10+$0x42];
	_ =	sdelay $0x3  }
0x4ff: {  	v2 =	vshll.u32 v2, $0x8  }
0x500: {  	v1 =	vadd.s32 v1, v2;
	v2 =	vshll.u32 v3, $0x10  }
0x501: {  	v1 =	vadd.s32 v2, v1  }
0x502: {  	vm12 =	vgt.s32 v1, $0x0  }
0x503: {  	v2 =	vnsel vm12, $0x0, v1  }
0x504: {  	v3 =	vcvt.s32.f32 v2;
	_ =	sdelay $0x1  }
0x505: {  	v3 =	vmul.f32 $1.999999990e-06, v3;
	_ =	sdelay $0x1  }
0x506: {  	v3 =	vtrunc.f32 v3  }
0x507: {  	v3 =	vcvt.f32.s32 v3;
	_ =	sdelay $0x1  }
0x508: {  	v3 =	vmul.u32 $0xFFF85EE0, v3;
	_ =	sdelay $0x1  }
0x509: {  	v2 =	vadd.s32 v2, v3  }
0x50a: {  	vm13 =	vlt.s32 v2, $0x0;
	v3 =	vadd.s32 $0x7A120, v2  }
0x50b: {  	v2 =	vsel vm13, v3, v2  }
0x50c: {  	vm0 =	vgt.s32 v2, $0x7A11F;
	v3 =	vadd.s32 $0xFFF85EE0, v2  }
0x50d: {  	v2 =	vsel vm0, v3, v2  }
0x50e: {  	[tilespmem:$0x23C0] =	vst v2  }
0x50f: {  	v2 =	vld [tilespmem:s10+$0x43];
	_ =	sdelay $0x4  }
0x510: {  	v2 =	vmul.u32 $0x43AE0, v2;
	_ =	sdelay $0x1  }
0x511: {  	v1 =	vadd.s32 v1, v2  }
0x512: {  	vm14 =	vgt.s32 v1, $0x0  }
0x513: {  	v2 =	vnsel vm14, $0x0, v1  }
0x514: {  	v3 =	vcvt.s32.f32 v2;
	_ =	sdelay $0x1  }
0x515: {  	v3 =	vmul.f32 $1.999999990e-06, v3;
	_ =	sdelay $0x1  }
0x516: {  	v3 =	vtrunc.f32 v3  }
0x517: {  	v3 =	vcvt.f32.s32 v3;
	_ =	sdelay $0x1  }
0x518: {  	v3 =	vmul.u32 $0xFFF85EE0, v3;
	_ =	sdelay $0x1  }
0x519: {  	v2 =	vadd.s32 v2, v3  }
0x51a: {  	vm15 =	vlt.s32 v2, $0x0;
	v3 =	vadd.s32 $0x7A120, v2  }
0x51b: {  	v2 =	vsel vm15, v3, v2  }
0x51c: {  	vm0 =	vgt.s32 v2, $0x7A11F;
	v3 =	vadd.s32 $0xFFF85EE0, v2  }
0x51d: {  	v2 =	vsel vm0, v3, v2  }
0x51e: {  	[tilespmem:$0x2440] =	vst v2  }
0x51f: {  	v2 =	vld [tilespmem:s10+$0x44];
	_ =	sdelay $0x4  }
0x520: {  	v2 =	vmul.u32 $0x72160, v2;
	_ =	sdelay $0x1  }
0x521: {  	v1 =	vadd.s32 v1, v2  }
0x522: {  	vm4 =	vgt.s32 v1, $0x0  }
0x523: {  	v2 =	vnsel vm4, $0x0, v1  }
0x524: {  	v3 =	vcvt.s32.f32 v2;
	_ =	sdelay $0x1  }
0x525: {  	v3 =	vmul.f32 $1.999999990e-06, v3;
	_ =	sdelay $0x1  }
0x526: {  	v3 =	vtrunc.f32 v3  }
0x527: {  	v3 =	vcvt.f32.s32 v3;
	_ =	sdelay $0x1  }
0x528: {  	v3 =	vmul.u32 $0xFFF85EE0, v3;
	_ =	sdelay $0x1  }
0x529: {  	v2 =	vadd.s32 v2, v3  }
0x52a: {  	vm5 =	vlt.s32 v2, $0x0;
	v3 =	vadd.s32 $0x7A120, v2  }
0x52b: {  	v2 =	vsel vm5, v3, v2  }
0x52c: {  	vm0 =	vgt.s32 v2, $0x7A11F;
	v3 =	vadd.s32 $0xFFF85EE0, v2  }
0x52d: {  	v2 =	vsel vm0, v3, v2  }
0x52e: {  	[tilespmem:$0x24C0] =	vst v2  }
0x52f: {  	v2 =	vld [tilespmem:s10+$0x45];
	_ =	sdelay $0x4  }
0x530: {  	v2 =	vmul.u32 $0x1F320, v2;
	_ =	sdelay $0x1  }
0x531: {  	v1 =	vadd.s32 v1, v2  }
0x532: {  	vm6 =	vgt.s32 v1, $0x0  }
0x533: {  	v2 =	vnsel vm6, $0x0, v1  }
0x534: {  	v3 =	vcvt.s32.f32 v2;
	_ =	sdelay $0x1  }
0x535: {  	v3 =	vmul.f32 $1.999999990e-06, v3;
	_ =	sdelay $0x1  }
0x536: {  	v3 =	vtrunc.f32 v3  }
0x537: {  	v3 =	vcvt.f32.s32 v3;
	_ =	sdelay $0x1  }
0x538: {  	v3 =	vmul.u32 $0xFFF85EE0, v3;
	_ =	sdelay $0x1  }
0x539: {  	v2 =	vadd.s32 v2, v3  }
0x53a: {  	vm7 =	vlt.s32 v2, $0x0;
	v3 =	vadd.s32 $0x7A120, v2  }
0x53b: {  	v2 =	vsel vm7, v3, v2  }
0x53c: {  	vm0 =	vgt.s32 v2, $0x7A11F;
	v3 =	vadd.s32 $0xFFF85EE0, v2  }
0x53d: {  	v2 =	vsel vm0, v3, v2  }
0x53e: {  	[tilespmem:$0x2540] =	vst v2  }
0x53f: {  	v2 =	vld [tilespmem:s10+$0x46];
	_ =	sdelay $0x4  }
0x540: {  	v2 =	vmul.u32 $0x336E0, v2;
	_ =	sdelay $0x1  }
0x541: {  	v1 =	vadd.s32 v1, v2  }
0x542: {  	vm8 =	vgt.s32 v1, $0x0  }
0x543: {  	v2 =	vnsel vm8, $0x0, v1  }
0x544: {  	v3 =	vcvt.s32.f32 v2;
	_ =	sdelay $0x1  }
0x545: {  	v3 =	vmul.f32 $1.999999990e-06, v3;
	_ =	sdelay $0x1  }
0x546: {  	v3 =	vtrunc.f32 v3  }
0x547: {  	v3 =	vcvt.f32.s32 v3;
	_ =	sdelay $0x1  }
0x548: {  	v3 =	vmul.u32 $0xFFF85EE0, v3;
	_ =	sdelay $0x1  }
0x549: {  	v2 =	vadd.s32 v2, v3  }
0x54a: {  	vm9 =	vlt.s32 v2, $0x0;
	v3 =	vadd.s32 $0x7A120, v2  }
0x54b: {  	v2 =	vsel vm9, v3, v2  }
0x54c: {  	vm0 =	vgt.s32 v2, $0x7A11F;
	v3 =	vadd.s32 $0xFFF85EE0, v2  }
0x54d: {  	v2 =	vsel vm0, v3, v2  }
0x54e: {  	[tilespmem:$0x25C0] =	vst v2  }
0x54f: {  	v2 =	vld [tilespmem:s10+$0x47];
	_ =	sdelay $0x4  }
0x550: {  	v3 =	vmul.u32 $0x687A0, v2  }
0x551: {  	vm10 =	vgt.s32 v2, $0x7F  }
0x552: {  	v2 =	vsel vm10, $0x6D780, v0;
	v1 =	vadd.s32 v1, v3  }
0x553: {  	v1 =	vadd.s32 v2, v1  }
0x554: {  	vm11 =	vgt.s32 v1, $0x0  }
0x555: {  	v1 =	vnsel vm11, $0x0, v1  }
0x556: {  	v2 =	vcvt.s32.f32 v1;
	_ =	sdelay $0x1  }
0x557: {  	v2 =	vmul.f32 $1.999999990e-06, v2;
	_ =	sdelay $0x1  }
0x558: {  	v2 =	vtrunc.f32 v2  }
0x559: {  	v2 =	vcvt.f32.s32 v2;
	_ =	sdelay $0x1  }
0x55a: {  	v2 =	vmul.u32 $0xFFF85EE0, v2;
	_ =	sdelay $0x1  }
0x55b: {  	v1 =	vadd.s32 v1, v2  }
0x55c: {  	vm12 =	vlt.s32 v1, $0x0;
	v2 =	vadd.s32 $0x7A120, v1  }
0x55d: {  	v1 =	vsel vm12, v2, v1  }
0x55e: {  	vm0 =	vgt.s32 v1, $0x7A11F;
	v2 =	vadd.s32 $0xFFF85EE0, v1  }
0x55f: {  	v1 =	vsel vm0, v2, v1  }
0x560: {  	[tilespmem:$0x2640] =	vst v1  }
0x561: {  	v1 =	vld [tilespmem:s10+$0x50]  }
0x562: {  	v2 =	vld [tilespmem:s10+$0x51]  }
0x563: {  	v3 =	vld [tilespmem:s10+$0x52];
	_ =	sdelay $0x3  }
0x564: {  	v2 =	vshll.u32 v2, $0x8  }
0x565: {  	v1 =	vadd.s32 v1, v2;
	v2 =	vshll.u32 v3, $0x10  }
0x566: {  	v1 =	vadd.s32 v2, v1  }
0x567: {  	vm13 =	vgt.s32 v1, $0x0  }
0x568: {  	v2 =	vnsel vm13, $0x0, v1  }
0x569: {  	v3 =	vcvt.s32.f32 v2;
	_ =	sdelay $0x1  }
0x56a: {  	v3 =	vmul.f32 $1.999999990e-06, v3;
	_ =	sdelay $0x1  }
0x56b: {  	v3 =	vtrunc.f32 v3  }
0x56c: {  	v3 =	vcvt.f32.s32 v3;
	_ =	sdelay $0x1  }
0x56d: {  	v3 =	vmul.u32 $0xFFF85EE0, v3;
	_ =	sdelay $0x1  }
0x56e: {  	v2 =	vadd.s32 v2, v3  }
0x56f: {  	vm14 =	vlt.s32 v2, $0x0;
	v3 =	vadd.s32 $0x7A120, v2  }
0x570: {  	v2 =	vsel vm14, v3, v2  }
0x571: {  	vm0 =	vgt.s32 v2, $0x7A11F;
	v3 =	vadd.s32 $0xFFF85EE0, v2  }
0x572: {  	v2 =	vsel vm0, v3, v2  }
0x573: {  	[tilespmem:$0x23D0] =	vst v2  }
0x574: {  	v2 =	vld [tilespmem:s10+$0x53];
	_ =	sdelay $0x4  }
0x575: {  	v2 =	vmul.u32 $0x43AE0, v2;
	_ =	sdelay $0x1  }
0x576: {  	v1 =	vadd.s32 v1, v2  }
0x577: {  	vm15 =	vgt.s32 v1, $0x0  }
0x578: {  	v2 =	vnsel vm15, $0x0, v1  }
0x579: {  	v3 =	vcvt.s32.f32 v2;
	_ =	sdelay $0x1  }
0x57a: {  	v3 =	vmul.f32 $1.999999990e-06, v3;
	_ =	sdelay $0x1  }
0x57b: {  	v3 =	vtrunc.f32 v3  }
0x57c: {  	v3 =	vcvt.f32.s32 v3;
	_ =	sdelay $0x1  }
0x57d: {  	v3 =	vmul.u32 $0xFFF85EE0, v3;
	_ =	sdelay $0x1  }
0x57e: {  	v2 =	vadd.s32 v2, v3  }
0x57f: {  	vm4 =	vlt.s32 v2, $0x0;
	v3 =	vadd.s32 $0x7A120, v2  }
0x580: {  	v2 =	vsel vm4, v3, v2  }
0x581: {  	vm0 =	vgt.s32 v2, $0x7A11F;
	v3 =	vadd.s32 $0xFFF85EE0, v2  }
0x582: {  	v2 =	vsel vm0, v3, v2  }
0x583: {  	[tilespmem:$0x2450] =	vst v2  }
0x584: {  	v2 =	vld [tilespmem:s10+$0x54];
	_ =	sdelay $0x4  }
0x585: {  	v2 =	vmul.u32 $0x72160, v2;
	_ =	sdelay $0x1  }
0x586: {  	v1 =	vadd.s32 v1, v2  }
0x587: {  	vm5 =	vgt.s32 v1, $0x0  }
0x588: {  	v2 =	vnsel vm5, $0x0, v1  }
0x589: {  	v3 =	vcvt.s32.f32 v2;
	_ =	sdelay $0x1  }
0x58a: {  	v3 =	vmul.f32 $1.999999990e-06, v3;
	_ =	sdelay $0x1  }
0x58b: {  	v3 =	vtrunc.f32 v3  }
0x58c: {  	v3 =	vcvt.f32.s32 v3;
	_ =	sdelay $0x1  }
0x58d: {  	v3 =	vmul.u32 $0xFFF85EE0, v3;
	_ =	sdelay $0x1  }
0x58e: {  	v2 =	vadd.s32 v2, v3  }
0x58f: {  	vm6 =	vlt.s32 v2, $0x0;
	v3 =	vadd.s32 $0x7A120, v2  }
0x590: {  	v2 =	vsel vm6, v3, v2  }
0x591: {  	vm0 =	vgt.s32 v2, $0x7A11F;
	v3 =	vadd.s32 $0xFFF85EE0, v2  }
0x592: {  	v2 =	vsel vm0, v3, v2  }
0x593: {  	[tilespmem:$0x24D0] =	vst v2  }
0x594: {  	v2 =	vld [tilespmem:s10+$0x55];
	_ =	sdelay $0x4  }
0x595: {  	v2 =	vmul.u32 $0x1F320, v2;
	_ =	sdelay $0x1  }
0x596: {  	v1 =	vadd.s32 v1, v2  }
0x597: {  	vm7 =	vgt.s32 v1, $0x0  }
0x598: {  	v2 =	vnsel vm7, $0x0, v1  }
0x599: {  	v3 =	vcvt.s32.f32 v2;
	_ =	sdelay $0x1  }
0x59a: {  	v3 =	vmul.f32 $1.999999990e-06, v3;
	_ =	sdelay $0x1  }
0x59b: {  	v3 =	vtrunc.f32 v3  }
0x59c: {  	v3 =	vcvt.f32.s32 v3;
	_ =	sdelay $0x1  }
0x59d: {  	v3 =	vmul.u32 $0xFFF85EE0, v3;
	_ =	sdelay $0x1  }
0x59e: {  	v2 =	vadd.s32 v2, v3  }
0x59f: {  	vm8 =	vlt.s32 v2, $0x0;
	v3 =	vadd.s32 $0x7A120, v2  }
0x5a0: {  	v2 =	vsel vm8, v3, v2  }
0x5a1: {  	vm0 =	vgt.s32 v2, $0x7A11F;
	v3 =	vadd.s32 $0xFFF85EE0, v2  }
0x5a2: {  	v2 =	vsel vm0, v3, v2  }
0x5a3: {  	[tilespmem:$0x2550] =	vst v2  }
0x5a4: {  	v2 =	vld [tilespmem:s10+$0x56];
	_ =	sdelay $0x4  }
0x5a5: {  	v2 =	vmul.u32 $0x336E0, v2;
	_ =	sdelay $0x1  }
0x5a6: {  	v1 =	vadd.s32 v1, v2  }
0x5a7: {  	vm9 =	vgt.s32 v1, $0x0  }
0x5a8: {  	v2 =	vnsel vm9, $0x0, v1  }
0x5a9: {  	v3 =	vcvt.s32.f32 v2;
	_ =	sdelay $0x1  }
0x5aa: {  	v3 =	vmul.f32 $1.999999990e-06, v3;
	_ =	sdelay $0x1  }
0x5ab: {  	v3 =	vtrunc.f32 v3  }
0x5ac: {  	v3 =	vcvt.f32.s32 v3;
	_ =	sdelay $0x1  }
0x5ad: {  	v3 =	vmul.u32 $0xFFF85EE0, v3;
	_ =	sdelay $0x1  }
0x5ae: {  	v2 =	vadd.s32 v2, v3  }
0x5af: {  	vm10 =	vlt.s32 v2, $0x0;
	v3 =	vadd.s32 $0x7A120, v2  }
0x5b0: {  	v2 =	vsel vm10, v3, v2  }
0x5b1: {  	vm0 =	vgt.s32 v2, $0x7A11F;
	v3 =	vadd.s32 $0xFFF85EE0, v2  }
0x5b2: {  	v2 =	vsel vm0, v3, v2  }
0x5b3: {  	[tilespmem:$0x25D0] =	vst v2  }
0x5b4: {  	v2 =	vld [tilespmem:s10+$0x57];
	_ =	sdelay $0x4  }
0x5b5: {  	v3 =	vmul.u32 $0x687A0, v2  }
0x5b6: {  	vm11 =	vgt.s32 v2, $0x7F  }
0x5b7: {  	v2 =	vsel vm11, $0x6D780, v0;
	v1 =	vadd.s32 v1, v3  }
0x5b8: {  	v1 =	vadd.s32 v2, v1  }
0x5b9: {  	vm12 =	vgt.s32 v1, $0x0  }
0x5ba: {  	v1 =	vnsel vm12, $0x0, v1  }
0x5bb: {  	v2 =	vcvt.s32.f32 v1;
	_ =	sdelay $0x1  }
0x5bc: {  	v2 =	vmul.f32 $1.999999990e-06, v2;
	_ =	sdelay $0x1  }
0x5bd: {  	v2 =	vtrunc.f32 v2  }
0x5be: {  	v2 =	vcvt.f32.s32 v2;
	_ =	sdelay $0x1  }
0x5bf: {  	v2 =	vmul.u32 $0xFFF85EE0, v2;
	_ =	sdelay $0x1  }
0x5c0: {  	v1 =	vadd.s32 v1, v2  }
0x5c1: {  	vm13 =	vlt.s32 v1, $0x0;
	v2 =	vadd.s32 $0x7A120, v1  }
0x5c2: {  	v1 =	vsel vm13, v2, v1  }
0x5c3: {  	vm0 =	vgt.s32 v1, $0x7A11F;
	v2 =	vadd.s32 $0xFFF85EE0, v1  }
0x5c4: {  	v1 =	vsel vm0, v2, v1  }
0x5c5: {  	[tilespmem:$0x2650] =	vst v1  }
0x5c6: {  	v1 =	vld [tilespmem:s10+$0x60]  }
0x5c7: {  	v2 =	vld [tilespmem:s10+$0x61]  }
0x5c8: {  	v3 =	vld [tilespmem:s10+$0x62];
	_ =	sdelay $0x3  }
0x5c9: {  	v2 =	vshll.u32 v2, $0x8  }
0x5ca: {  	v1 =	vadd.s32 v1, v2;
	v2 =	vshll.u32 v3, $0x10  }
0x5cb: {  	v1 =	vadd.s32 v2, v1  }
0x5cc: {  	vm14 =	vgt.s32 v1, $0x0  }
0x5cd: {  	v2 =	vnsel vm14, $0x0, v1  }
0x5ce: {  	v3 =	vcvt.s32.f32 v2;
	_ =	sdelay $0x1  }
0x5cf: {  	v3 =	vmul.f32 $1.999999990e-06, v3;
	_ =	sdelay $0x1  }
0x5d0: {  	v3 =	vtrunc.f32 v3  }
0x5d1: {  	v3 =	vcvt.f32.s32 v3;
	_ =	sdelay $0x1  }
0x5d2: {  	v3 =	vmul.u32 $0xFFF85EE0, v3;
	_ =	sdelay $0x1  }
0x5d3: {  	v2 =	vadd.s32 v2, v3  }
0x5d4: {  	vm15 =	vlt.s32 v2, $0x0;
	v3 =	vadd.s32 $0x7A120, v2  }
0x5d5: {  	v2 =	vsel vm15, v3, v2  }
0x5d6: {  	vm0 =	vgt.s32 v2, $0x7A11F;
	v3 =	vadd.s32 $0xFFF85EE0, v2  }
0x5d7: {  	v2 =	vsel vm0, v3, v2  }
0x5d8: {  	[tilespmem:$0x23E0] =	vst v2  }
0x5d9: {  	v2 =	vld [tilespmem:s10+$0x63];
	_ =	sdelay $0x4  }
0x5da: {  	v2 =	vmul.u32 $0x43AE0, v2;
	_ =	sdelay $0x1  }
0x5db: {  	v1 =	vadd.s32 v1, v2  }
0x5dc: {  	vm4 =	vgt.s32 v1, $0x0  }
0x5dd: {  	v2 =	vnsel vm4, $0x0, v1  }
0x5de: {  	v3 =	vcvt.s32.f32 v2;
	_ =	sdelay $0x1  }
0x5df: {  	v3 =	vmul.f32 $1.999999990e-06, v3;
	_ =	sdelay $0x1  }
0x5e0: {  	v3 =	vtrunc.f32 v3  }
0x5e1: {  	v3 =	vcvt.f32.s32 v3;
	_ =	sdelay $0x1  }
0x5e2: {  	v3 =	vmul.u32 $0xFFF85EE0, v3;
	_ =	sdelay $0x1  }
0x5e3: {  	v2 =	vadd.s32 v2, v3  }
0x5e4: {  	vm5 =	vlt.s32 v2, $0x0;
	v3 =	vadd.s32 $0x7A120, v2  }
0x5e5: {  	v2 =	vsel vm5, v3, v2  }
0x5e6: {  	vm0 =	vgt.s32 v2, $0x7A11F;
	v3 =	vadd.s32 $0xFFF85EE0, v2  }
0x5e7: {  	v2 =	vsel vm0, v3, v2  }
0x5e8: {  	[tilespmem:$0x2460] =	vst v2  }
0x5e9: {  	v2 =	vld [tilespmem:s10+$0x64];
	_ =	sdelay $0x4  }
0x5ea: {  	v2 =	vmul.u32 $0x72160, v2;
	_ =	sdelay $0x1  }
0x5eb: {  	v1 =	vadd.s32 v1, v2  }
0x5ec: {  	vm6 =	vgt.s32 v1, $0x0  }
0x5ed: {  	v2 =	vnsel vm6, $0x0, v1  }
0x5ee: {  	v3 =	vcvt.s32.f32 v2;
	_ =	sdelay $0x1  }
0x5ef: {  	v3 =	vmul.f32 $1.999999990e-06, v3;
	_ =	sdelay $0x1  }
0x5f0: {  	v3 =	vtrunc.f32 v3  }
0x5f1: {  	v3 =	vcvt.f32.s32 v3;
	_ =	sdelay $0x1  }
0x5f2: {  	v3 =	vmul.u32 $0xFFF85EE0, v3;
	_ =	sdelay $0x1  }
0x5f3: {  	v2 =	vadd.s32 v2, v3  }
0x5f4: {  	vm7 =	vlt.s32 v2, $0x0;
	v3 =	vadd.s32 $0x7A120, v2  }
0x5f5: {  	v2 =	vsel vm7, v3, v2  }
0x5f6: {  	vm0 =	vgt.s32 v2, $0x7A11F;
	v3 =	vadd.s32 $0xFFF85EE0, v2  }
0x5f7: {  	v2 =	vsel vm0, v3, v2  }
0x5f8: {  	[tilespmem:$0x24E0] =	vst v2  }
0x5f9: {  	v2 =	vld [tilespmem:s10+$0x65];
	_ =	sdelay $0x4  }
0x5fa: {  	v2 =	vmul.u32 $0x1F320, v2;
	_ =	sdelay $0x1  }
0x5fb: {  	v1 =	vadd.s32 v1, v2  }
0x5fc: {  	vm8 =	vgt.s32 v1, $0x0  }
0x5fd: {  	v2 =	vnsel vm8, $0x0, v1  }
0x5fe: {  	v3 =	vcvt.s32.f32 v2;
	_ =	sdelay $0x1  }
0x5ff: {  	v3 =	vmul.f32 $1.999999990e-06, v3;
	_ =	sdelay $0x1  }
0x600: {  	v3 =	vtrunc.f32 v3  }
0x601: {  	v3 =	vcvt.f32.s32 v3;
	_ =	sdelay $0x1  }
0x602: {  	v3 =	vmul.u32 $0xFFF85EE0, v3;
	_ =	sdelay $0x1  }
0x603: {  	v2 =	vadd.s32 v2, v3  }
0x604: {  	vm9 =	vlt.s32 v2, $0x0;
	v3 =	vadd.s32 $0x7A120, v2  }
0x605: {  	v2 =	vsel vm9, v3, v2  }
0x606: {  	vm0 =	vgt.s32 v2, $0x7A11F;
	v3 =	vadd.s32 $0xFFF85EE0, v2  }
0x607: {  	v2 =	vsel vm0, v3, v2  }
0x608: {  	[tilespmem:$0x2560] =	vst v2  }
0x609: {  	v2 =	vld [tilespmem:s10+$0x66];
	_ =	sdelay $0x4  }
0x60a: {  	v2 =	vmul.u32 $0x336E0, v2;
	_ =	sdelay $0x1  }
0x60b: {  	v1 =	vadd.s32 v1, v2  }
0x60c: {  	vm10 =	vgt.s32 v1, $0x0  }
0x60d: {  	v2 =	vnsel vm10, $0x0, v1  }
0x60e: {  	v3 =	vcvt.s32.f32 v2;
	_ =	sdelay $0x1  }
0x60f: {  	v3 =	vmul.f32 $1.999999990e-06, v3;
	_ =	sdelay $0x1  }
0x610: {  	v3 =	vtrunc.f32 v3  }
0x611: {  	v3 =	vcvt.f32.s32 v3;
	_ =	sdelay $0x1  }
0x612: {  	v3 =	vmul.u32 $0xFFF85EE0, v3;
	_ =	sdelay $0x1  }
0x613: {  	v2 =	vadd.s32 v2, v3  }
0x614: {  	vm11 =	vlt.s32 v2, $0x0;
	v3 =	vadd.s32 $0x7A120, v2  }
0x615: {  	v2 =	vsel vm11, v3, v2  }
0x616: {  	vm0 =	vgt.s32 v2, $0x7A11F;
	v3 =	vadd.s32 $0xFFF85EE0, v2  }
0x617: {  	v2 =	vsel vm0, v3, v2  }
0x618: {  	[tilespmem:$0x25E0] =	vst v2  }
0x619: {  	v2 =	vld [tilespmem:s10+$0x67];
	_ =	sdelay $0x4  }
0x61a: {  	v3 =	vmul.u32 $0x687A0, v2  }
0x61b: {  	vm12 =	vgt.s32 v2, $0x7F  }
0x61c: {  	v2 =	vsel vm12, $0x6D780, v0;
	v1 =	vadd.s32 v1, v3  }
0x61d: {  	v1 =	vadd.s32 v2, v1  }
0x61e: {  	vm13 =	vgt.s32 v1, $0x0  }
0x61f: {  	v1 =	vnsel vm13, $0x0, v1  }
0x620: {  	v2 =	vcvt.s32.f32 v1;
	_ =	sdelay $0x1  }
0x621: {  	v2 =	vmul.f32 $1.999999990e-06, v2;
	_ =	sdelay $0x1  }
0x622: {  	v2 =	vtrunc.f32 v2  }
0x623: {  	v2 =	vcvt.f32.s32 v2;
	_ =	sdelay $0x1  }
0x624: {  	v2 =	vmul.u32 $0xFFF85EE0, v2;
	_ =	sdelay $0x1  }
0x625: {  	v1 =	vadd.s32 v1, v2  }
0x626: {  	vm14 =	vlt.s32 v1, $0x0;
	v2 =	vadd.s32 $0x7A120, v1  }
0x627: {  	v1 =	vsel vm14, v2, v1  }
0x628: {  	vm0 =	vgt.s32 v1, $0x7A11F;
	v2 =	vadd.s32 $0xFFF85EE0, v1  }
0x629: {  	v1 =	vsel vm0, v2, v1  }
0x62a: {  	[tilespmem:$0x2660] =	vst v1  }
0x62b: {  	v1 =	vld [tilespmem:s10+$0x70]  }
0x62c: {  	v2 =	vld [tilespmem:s10+$0x71]  }
0x62d: {  	v3 =	vld [tilespmem:s10+$0x72];
	_ =	sdelay $0x3  }
0x62e: {  	v2 =	vshll.u32 v2, $0x8  }
0x62f: {  	v1 =	vadd.s32 v1, v2;
	v2 =	vshll.u32 v3, $0x10  }
0x630: {  	v1 =	vadd.s32 v2, v1  }
0x631: {  	vm15 =	vgt.s32 v1, $0x0  }
0x632: {  	v2 =	vnsel vm15, $0x0, v1  }
0x633: {  	v3 =	vcvt.s32.f32 v2;
	_ =	sdelay $0x1  }
0x634: {  	v3 =	vmul.f32 $1.999999990e-06, v3;
	_ =	sdelay $0x1  }
0x635: {  	v3 =	vtrunc.f32 v3  }
0x636: {  	v3 =	vcvt.f32.s32 v3;
	_ =	sdelay $0x1  }
0x637: {  	v3 =	vmul.u32 $0xFFF85EE0, v3;
	_ =	sdelay $0x1  }
0x638: {  	v2 =	vadd.s32 v2, v3  }
0x639: {  	vm4 =	vlt.s32 v2, $0x0;
	v3 =	vadd.s32 $0x7A120, v2  }
0x63a: {  	v2 =	vsel vm4, v3, v2  }
0x63b: {  	vm0 =	vgt.s32 v2, $0x7A11F;
	v3 =	vadd.s32 $0xFFF85EE0, v2  }
0x63c: {  	v2 =	vsel vm0, v3, v2  }
0x63d: {  	[tilespmem:$0x23F0] =	vst v2  }
0x63e: {  	v2 =	vld [tilespmem:s10+$0x73];
	_ =	sdelay $0x4  }
0x63f: {  	v2 =	vmul.u32 $0x43AE0, v2;
	_ =	sdelay $0x1  }
0x640: {  	v1 =	vadd.s32 v1, v2  }
0x641: {  	vm5 =	vgt.s32 v1, $0x0  }
0x642: {  	v2 =	vnsel vm5, $0x0, v1  }
0x643: {  	v3 =	vcvt.s32.f32 v2;
	_ =	sdelay $0x1  }
0x644: {  	v3 =	vmul.f32 $1.999999990e-06, v3;
	_ =	sdelay $0x1  }
0x645: {  	v3 =	vtrunc.f32 v3  }
0x646: {  	v3 =	vcvt.f32.s32 v3;
	_ =	sdelay $0x1  }
0x647: {  	v3 =	vmul.u32 $0xFFF85EE0, v3;
	_ =	sdelay $0x1  }
0x648: {  	v2 =	vadd.s32 v2, v3  }
0x649: {  	vm6 =	vlt.s32 v2, $0x0;
	v3 =	vadd.s32 $0x7A120, v2  }
0x64a: {  	v2 =	vsel vm6, v3, v2  }
0x64b: {  	vm0 =	vgt.s32 v2, $0x7A11F;
	v3 =	vadd.s32 $0xFFF85EE0, v2  }
0x64c: {  	v2 =	vsel vm0, v3, v2  }
0x64d: {  	[tilespmem:$0x2470] =	vst v2  }
0x64e: {  	v2 =	vld [tilespmem:s10+$0x74];
	_ =	sdelay $0x4  }
0x64f: {  	v2 =	vmul.u32 $0x72160, v2;
	_ =	sdelay $0x1  }
0x650: {  	v1 =	vadd.s32 v1, v2  }
0x651: {  	vm7 =	vgt.s32 v1, $0x0  }
0x652: {  	v2 =	vnsel vm7, $0x0, v1  }
0x653: {  	v3 =	vcvt.s32.f32 v2;
	_ =	sdelay $0x1  }
0x654: {  	v3 =	vmul.f32 $1.999999990e-06, v3;
	_ =	sdelay $0x1  }
0x655: {  	v3 =	vtrunc.f32 v3  }
0x656: {  	v3 =	vcvt.f32.s32 v3;
	_ =	sdelay $0x1  }
0x657: {  	v3 =	vmul.u32 $0xFFF85EE0, v3;
	_ =	sdelay $0x1  }
0x658: {  	v2 =	vadd.s32 v2, v3  }
0x659: {  	vm8 =	vlt.s32 v2, $0x0;
	v3 =	vadd.s32 $0x7A120, v2  }
0x65a: {  	v2 =	vsel vm8, v3, v2  }
0x65b: {  	vm0 =	vgt.s32 v2, $0x7A11F;
	v3 =	vadd.s32 $0xFFF85EE0, v2  }
0x65c: {  	v2 =	vsel vm0, v3, v2  }
0x65d: {  	[tilespmem:$0x24F0] =	vst v2  }
0x65e: {  	v2 =	vld [tilespmem:s10+$0x75];
	_ =	sdelay $0x4  }
0x65f: {  	v2 =	vmul.u32 $0x1F320, v2;
	_ =	sdelay $0x1  }
0x660: {  	v1 =	vadd.s32 v1, v2  }
0x661: {  	vm9 =	vgt.s32 v1, $0x0  }
0x662: {  	v2 =	vnsel vm9, $0x0, v1  }
0x663: {  	v3 =	vcvt.s32.f32 v2;
	_ =	sdelay $0x1  }
0x664: {  	v3 =	vmul.f32 $1.999999990e-06, v3;
	_ =	sdelay $0x1  }
0x665: {  	v3 =	vtrunc.f32 v3  }
0x666: {  	v3 =	vcvt.f32.s32 v3;
	_ =	sdelay $0x1  }
0x667: {  	v3 =	vmul.u32 $0xFFF85EE0, v3;
	_ =	sdelay $0x1  }
0x668: {  	v2 =	vadd.s32 v2, v3  }
0x669: {  	vm10 =	vlt.s32 v2, $0x0;
	v3 =	vadd.s32 $0x7A120, v2  }
0x66a: {  	v2 =	vsel vm10, v3, v2  }
0x66b: {  	vm0 =	vgt.s32 v2, $0x7A11F;
	v3 =	vadd.s32 $0xFFF85EE0, v2  }
0x66c: {  	v2 =	vsel vm0, v3, v2  }
0x66d: {  	[tilespmem:$0x2570] =	vst v2  }
0x66e: {  	v2 =	vld [tilespmem:s10+$0x76];
	_ =	sdelay $0x4  }
0x66f: {  	v2 =	vmul.u32 $0x336E0, v2;
	_ =	sdelay $0x1  }
0x670: {  	v1 =	vadd.s32 v1, v2  }
0x671: {  	vm11 =	vgt.s32 v1, $0x0  }
0x672: {  	v2 =	vnsel vm11, $0x0, v1  }
0x673: {  	v3 =	vcvt.s32.f32 v2;
	_ =	sdelay $0x1  }
0x674: {  	v3 =	vmul.f32 $1.999999990e-06, v3;
	_ =	sdelay $0x1  }
0x675: {  	v3 =	vtrunc.f32 v3  }
0x676: {  	v3 =	vcvt.f32.s32 v3;
	_ =	sdelay $0x1  }
0x677: {  	v3 =	vmul.u32 $0xFFF85EE0, v3;
	_ =	sdelay $0x1  }
0x678: {  	v2 =	vadd.s32 v2, v3  }
0x679: {  	vm12 =	vlt.s32 v2, $0x0;
	v3 =	vadd.s32 $0x7A120, v2  }
0x67a: {  	v2 =	vsel vm12, v3, v2  }
0x67b: {  	vm0 =	vgt.s32 v2, $0x7A11F;
	v3 =	vadd.s32 $0xFFF85EE0, v2  }
0x67c: {  	v2 =	vsel vm0, v3, v2  }
0x67d: {  	[tilespmem:$0x25F0] =	vst v2  }
0x67e: {  	v2 =	vld [tilespmem:s10+$0x77];
	_ =	sdelay $0x4  }
0x67f: {  	v3 =	vmul.u32 $0x687A0, v2  }
0x680: {  	vm13 =	vgt.s32 v2, $0x7F  }
0x681: {  	v2 =	vsel vm13, $0x6D780, v0;
	v1 =	vadd.s32 v1, v3  }
0x682: {  	v1 =	vadd.s32 v2, v1  }
0x683: {  	vm14 =	vgt.s32 v1, $0x0  }
0x684: {  	v1 =	vnsel vm14, $0x0, v1  }
0x685: {  	v2 =	vcvt.s32.f32 v1;
	_ =	sdelay $0x1  }
0x686: {  	v2 =	vmul.f32 $1.999999990e-06, v2;
	_ =	sdelay $0x1  }
0x687: {  	v2 =	vtrunc.f32 v2  }
0x688: {  	v2 =	vcvt.f32.s32 v2;
	_ =	sdelay $0x1  }
0x689: {  	v2 =	vmul.u32 $0xFFF85EE0, v2;
	_ =	sdelay $0x1  }
0x68a: {  	v1 =	vadd.s32 v1, v2  }
0x68b: {  	vm15 =	vlt.s32 v1, $0x0;
	v2 =	vadd.s32 $0x7A120, v1  }
0x68c: {  	v1 =	vsel vm15, v2, v1  }
0x68d: {  	vm0 =	vgt.s32 v1, $0x7A11F;
	v2 =	vadd.s32 $0xFFF85EE0, v1  }
0x68e: {  	v1 =	vsel vm0, v2, v1  }
0x68f: {  	s1 =	rddreg [dreg:$0x1b];
	[tilespmem:$0x2670] =	vst v1  }
0x690: {  	[tilespmem:s14], [sflag:$0x1] =	stream.indirect.gather [hbm4b:s2+s13], $0x80, s1, s13, $0xb8;
	[tilespmem:$0x1A880] =	vst v63  }
0x691: {  	_ =	swait.ge [sflag:s22], $0x4000  }
0x692: {  	[sflag:s22] =	ssyncset.done $0x0  }
0x693: {  	s2 =	rddreg [dreg:$0xa];
	[sflag:s22] =	ssyncadd.s32 $0xFFFFC000  }
0x694: {  	[hbm4b:s2+s7] =	stream.linear.scatter [tilespmem:s15], [sflag:$0x8], $0x4000, $0x38;
	[tilespmem:$0x1A880] =	vst v63  }
0x695: {  	_ =	swait.ge [sflag:s23], $0x4000  }
0x696: {  	[sflag:s23] =	ssyncset.done $0x0  }
0x697: {  	s2 =	rddreg [dreg:$0x1c];
	[sflag:s23] =	ssyncadd.s32 $0xFFFFC000  }
0x698: {  	[tilespmem:s15], [sflag:$0x2] =	stream.indirect.gather [hbm4b:s3+s13], $0x80, s2, s13, $0xb8;
	[tilespmem:$0x1A880] =	vst v63  }
0x699: {  	_ =	swait.ge [sflag:s24], $0x4000  }
0x69a: {  	[sflag:s24] =	ssyncset.done $0x0  }
0x69b: {  	s2 =	rddreg [dreg:$0xb];
	[sflag:s24] =	ssyncadd.s32 $0xFFFFC000  }
0x69c: {  	[hbm4b:s2+s7] =	stream.linear.scatter [tilespmem:s16], [sflag:$0x9], $0x4000, $0x38;
	[tilespmem:$0x1A880] =	vst v63  }
0x69d: {  	_ =	swait.ge [sflag:s25], $0x4000  }
0x69e: {  	[sflag:s25] =	ssyncset.done $0x0  }
0x69f: {  	s3 =	rddreg [dreg:$0x1d];
	[sflag:s25] =	ssyncadd.s32 $0xFFFFC000  }
0x6a0: {  	[tilespmem:s16], [sflag:$0x3] =	stream.indirect.gather [hbm4b:s4+s13], $0x80, s3, s13, $0xb8;
	[tilespmem:$0x1A880] =	vst v63  }
0x6a1: {  	_ =	swait.ge [sflag:s26], $0x4000  }
0x6a2: {  	[sflag:s26] =	ssyncset.done $0x0  }
0x6a3: {  	s4 =	rddreg [dreg:$0xc];
	[sflag:s26] =	ssyncadd.s32 $0xFFFFC000  }
0x6a4: {  	[hbm4b:s4+s7] =	stream.linear.scatter [tilespmem:s17], [sflag:$0xA], $0x4000, $0x38;
	[tilespmem:$0x1A880] =	vst v63  }
0x6a5: {  	_ =	swait.ge [sflag:s28], $0x4000  }
0x6a6: {  	[sflag:s28] =	ssyncset.done $0x0  }
0x6a7: {  	s2 =	rddreg [dreg:$0x1e];
	[sflag:s28] =	ssyncadd.s32 $0xFFFFC000  }
0x6a8: {  	[tilespmem:s17], [sflag:$0x4] =	stream.indirect.gather [hbm4b:s5+s13], $0x80, s2, s13, $0xb8;
	[tilespmem:$0x1A880] =	vst v63  }
0x6a9: {  	_ =	swait.ge [sflag:s29], $0x4000  }
0x6aa: {  	[sflag:s29] =	ssyncset.done $0x0  }
0x6ab: {  	s3 =	rddreg [dreg:$0xd];
	[sflag:s29] =	ssyncadd.s32 $0xFFFFC000  }
0x6ac: {  	[hbm4b:s3+s7] =	stream.linear.scatter [tilespmem:s18], [sflag:$0xB], $0x4000, $0x38;
	[tilespmem:$0x1A880] =	vst v63  }
0x6ad: {  	_ =	swait.ge [sflag:s30], $0x4000  }
0x6ae: {  	[sflag:s30] =	ssyncset.done $0x0  }
0x6af: {  	s4 =	rddreg [dreg:$0x1f];
	[sflag:s30] =	ssyncadd.s32 $0xFFFFC000  }
0x6b0: {  	[tilespmem:s18], [sflag:$0x5] =	stream.indirect.gather [hbm4b:s6+s13], $0x80, s4, s13, $0xb8;
	[tilespmem:$0x1A880] =	vst v63  }
0x6b1: {  	_ =	swait.ge [sflag:s31], $0x4000  }
0x6b2: {  	[sflag:s31] =	ssyncset.done $0x0  }
0x6b3: {  	s5 =	rddreg [dreg:$0xe];
	[sflag:s31] =	ssyncadd.s32 $0xFFFFC000  }
0x6b4: {  	[hbm4b:s5+s7] =	stream.linear.scatter [tilespmem:s19], [sflag:$0xC], $0x4000, $0x38;
	[tilespmem:$0x1A880] =	vst v63  }
0x6b5: {  	_ =	swait.ge [sflag:s0], $0x4000  }
0x6b6: {  	s6 =	sld [smem:$0x7FD]  }
0x6b7: {  	[sflag:s0] =	ssyncset.done $0x0  }
0x6b8: {  	[sflag:s0] =	ssyncadd.s32 $0xFFFFC000  }
0x6b9: {  	[tilespmem:s19], [sflag:$0x6] =	stream.indirect.gather [hbm4b:s8+s13], $0x80, s6, s13, $0xb8;
	[tilespmem:$0x1A880] =	vst v63  }
0x6ba: {  	_ =	swait.ge [sflag:s20], $0x4000  }
0x6bb: {  	[sflag:s20] =	ssyncset.done $0x0  }
0x6bc: {  	s2 =	rddreg [dreg:$0xf];
	[sflag:s20] =	ssyncadd.s32 $0xFFFFC000  }
0x6bd: {  	[hbm4b:s2+s7] =	stream.linear.scatter [tilespmem:s14], [sflag:$0x7], $0x4000, $0x38;
	[tilespmem:$0x1A880] =	vst v63  }
0x6be: {  	_ =	swait.ge [sflag:s22], $0x4000  }
0x6bf: {  	[sflag:s22] =	ssyncset.done $0x0  }
0x6c0: {  	s3 =	rddreg [dreg:$0x10];
	[sflag:s22] =	ssyncadd.s32 $0xFFFFC000  }
0x6c1: {  	[hbm4b:s3+s7] =	stream.linear.scatter [tilespmem:s15], [sflag:$0x8], $0x4000, $0x38;
	[tilespmem:$0x1A880] =	vst v63  }
0x6c2: {  	_ =	swait.ge [sflag:s24], $0x4000  }
0x6c3: {  	[sflag:s24] =	ssyncset.done $0x0  }
0x6c4: {  	s4 =	rddreg [dreg:$0x11];
	[sflag:s24] =	ssyncadd.s32 $0xFFFFC000  }
0x6c5: {  	[hbm4b:s4+s7] =	stream.linear.scatter [tilespmem:s16], [sflag:$0x9], $0x4000, $0x38;
	[tilespmem:$0x1A880] =	vst v63  }
0x6c6: {  	_ =	swait.ge [sflag:s26], $0x4000  }
0x6c7: {  	[sflag:s26] =	ssyncset.done $0x0  }
0x6c8: {  	s5 =	rddreg [dreg:$0x12];
	[sflag:s26] =	ssyncadd.s32 $0xFFFFC000  }
0x6c9: {  	[hbm4b:s5+s7] =	stream.linear.scatter [tilespmem:s17], [sflag:$0xA], $0x4000, $0x38;
	[tilespmem:$0x1A880] =	vst v63  }
0x6ca: {  	_ =	swait.ge [sflag:s29], $0x4000  }
0x6cb: {  	[sflag:s29] =	ssyncset.done $0x0  }
0x6cc: {  	s6 =	rddreg [dreg:$0x13];
	[sflag:s29] =	ssyncadd.s32 $0xFFFFC000  }
0x6cd: {  	[hbm4b:s6+s7] =	stream.linear.scatter [tilespmem:s18], [sflag:$0xB], $0x4000, $0x38;
	[tilespmem:$0x1A880] =	vst v63  }
0x6ce: {  	_ =	swait.ge [sflag:s31], $0x4000  }
0x6cf: {  	[sflag:s31] =	ssyncset.done $0x0  }
0x6d0: {  	s8 =	rddreg [dreg:$0x14];
	[sflag:s31] =	ssyncadd.s32 $0xFFFFC000  }
0x6d1: {  	[hbm4b:s8+s7] =	stream.linear.scatter [tilespmem:s19], [sflag:$0xC], $0x4000, $0x38;
	[tilespmem:$0x1A880] =	vst v63  }
0x6d2: {  	_ =	swait.ge [sflag:s21], $0x4000  }
0x6d3: {  	[sflag:s21] =	ssyncset.done $0x0  }
0x6d4: {  	[sflag:s21] =	ssyncadd.s32 $0xFFFFC000  }
0x6d5: {  	_ =	swait.ge [sflag:s23], $0x4000  }
0x6d6: {  	[sflag:s23] =	ssyncset.done $0x0  }
0x6d7: {  	[sflag:s23] =	ssyncadd.s32 $0xFFFFC000  }
0x6d8: {  	_ =	swait.ge [sflag:s25], $0x4000  }
0x6d9: {  	[sflag:s25] =	ssyncset.done $0x0  }
0x6da: {  	[sflag:s25] =	ssyncadd.s32 $0xFFFFC000  }
0x6db: {  	_ =	swait.ge [sflag:s28], $0x4000  }
0x6dc: {  	[sflag:s28] =	ssyncset.done $0x0  }
0x6dd: {  	[sflag:s28] =	ssyncadd.s32 $0xFFFFC000  }
0x6de: {  	p0 =	sne.s32 s11, $0x1;
	_ =	swait.ge [sflag:s30], $0x4000  }
.Ltmp0:
0x6df: {  	[sflag:s30] =	ssyncset.done $0x0;
	(pc) =	sbr.rel @p0 .LBB2_1-.Ltmp0, $4  }
0x6e0: {  	[sflag:s30] =	ssyncadd.s32 $0xFFFFC000  }
0x6e1: {  	_ =	swait.ge [sflag:s0], $0x4000  }
0x6e2: {  	[sflag:s0] =	ssyncset.done $0x0  }
0x6e3: {  	s11 =	sadd.s32 $0xFFFFFFFF, s11;
	[sflag:s0] =	ssyncadd.s32 $0xFFFFC000  }
0x6e4: {  	_ =	sfence.sel $0x180000  }
0x6e5: {  	[bflag:$0x0] =	sbarrier.arrive $0xFFFF  }
0x6e6: {  	_ =	strace $0x90000047  }
0x6e7: {  	s0 =	stileid.u32;
	[bflag:$0x2] =	sbarrier.arrive $0xFFFF  }
0x6e8: {  	p0 =	sne.s32 s0, $0x0;
	s0 =	rddreg [dreg:$0x7]  }
0x6e9: {  	s0 =	sadd.s32 @!p0 $0x100000, s0  }
0x6ea: {  	[sflag:s0] =	ssyncadd.tile.s32 @!p0 $0x1;
	_ =	shalt  }
.Lfunc_end2:
_tile_overlayer_lowered:
.L_overlay_start_2:
0x6eb: {  	(tag) =	ssettag $0x2  }
0x6ec: {  	s0 =	rddreg [dreg:$0x0];
	s2 =	stileid.u32  }
0x6ed: {  	s1 =	rddreg [dreg:$0x1];
	p0 =	sne.s32 s2, $0x0  }
0x6ee: {  	s3 =	rddreg [dreg:$0x2];
	[bflag:$0x3] =	sbarrier.arrive $0xFFFF;
	s2 =	simm.s32 @!p0 $0x1C0D  }
0x6ef: {  	[timem:s3], [sflag:s2] =	dma.local @!p0 [hbm:s0], s1  }
0x6f0: {  	s0 =	simm.s32 @!p0 $0xD  }
0x6f1: {  	_ =	swait.ge @!p0 [sflag:s0], s1  }
0x6f2: {  	s1 =	ssub.s32 @!p0 $0x0, s1;
	[sflag:s0] =	ssyncset.done @!p0 $0x0  }
0x6f3: {  	[sflag:s0] =	ssyncadd.s32 @!p0 s1  }
0x6f4: {  	[bflag:$0x3] =	sbarrier.arrive $0xFFFF  }
0x6f5: {  	_ =	shalt  }

</sc_bundles>
